<compile_context>
chip_gen: v7x
topology: tpu7x:2x2x1
jax: 0.10.2.dev20260603
libtpu: 0.0.44.dev20260713+nightly
codegen_flags: <defaults>
</compile_context>

<pallas_src>
import functools

import jax
import jax.numpy as jnp
from jax import lax
from jax.experimental import pallas as pl
from jax.experimental.pallas import tpu as pltpu
from jax.experimental.pallas import tpu_sc as plsc

N_NODES = 100000
D = 128
S = 512
NC = 2
NS = 16
NW = NC * NS
RBF = 128
FPW = 12
RT = 98304 - NW * FPW * RBF
TCB = 512
XSTEP = 8192
SCH = 64
NSLOT = 4
AHEAD = 3
SUB = RBF // 128
IPW = FPW * SUB
IDXSTG = ((IPW + 7) // 8) * 8 + 8
TAIL0 = 98304
RBT = 32
NTAIL = (N_NODES - TAIL0) // RBT
SEG_ROWS = S // NS


def _sc_partials(x, batch, batch2d):
  mesh = plsc.VectorSubcoreMesh(
      core_axis_name="c", subcore_axis_name="s", num_cores=NC, num_subcores=NS
  )

  @functools.partial(
      pl.kernel,
      out_type=jax.ShapeDtypeStruct((NC, S, D), jnp.float32),
      mesh=mesh,
      scratch_types=[
          [pltpu.VMEM((RBF, D), jnp.float32) for _ in range(NSLOT)],
          pltpu.VMEM((IDXSTG, 128), jnp.int32),
          pltpu.VMEM((RBT, D), jnp.float32),
          pltpu.VMEM((RBT, D), jnp.float32),
          pltpu.VMEM((RBT,), jnp.int32),
          pltpu.VMEM((RBT,), jnp.int32),
          pltpu.VMEM((SEG_ROWS, D), jnp.float32),
          pltpu.VMEM_SHARED((S, D), jnp.float32),
          [pltpu.SemaphoreType.DMA for _ in range(NSLOT)],
          [pltpu.SemaphoreType.DMA for _ in range(NSLOT)],
          pltpu.SemaphoreType.DMA,
          pltpu.SemaphoreType.DMA,
          pltpu.SemaphoreType.DMA,
      ],
  )
  def k(x_hbm, batch_hbm, b2d_hbm, part_hbm,
        xb, idxv, xt0, xt1, it0, it1, zbuf, acc_sh,
        slx, ssc, sli, stl, sts):
    cid = lax.axis_index("c")
    sid = lax.axis_index("s")
    wid = sid * NC + cid
    has2 = wid < NTAIL - NW

    idxrow0 = RT // 128 + wid * IPW
    astart = (idxrow0 // 8) * 8
    shift = idxrow0 - astart
    pltpu.async_copy(b2d_hbm.at[pl.ds(astart, IDXSTG), :], idxv, sli)
    trow0 = TAIL0 + wid * RBT
    trow1 = TAIL0 + (wid + NW) * RBT
    pltpu.async_copy(batch_hbm.at[pl.ds(trow0, RBT)], it0, stl)
    pltpu.async_copy(x_hbm.at[pl.ds(trow0, RBT), :], xt0, stl)

    @pl.when(has2)
    def _():
      pltpu.async_copy(batch_hbm.at[pl.ds(trow1, RBT)], it1, stl)
      pltpu.async_copy(x_hbm.at[pl.ds(trow1, RBT), :], xt1, stl)

    zrow = jnp.zeros((16,), jnp.float32)

    def zero_body(r, _):
      for f in range(D // 16):
        zbuf[r, pl.ds(f * 16, 16)] = zrow
      return 0

    lax.fori_loop(0, SEG_ROWS, zero_body, 0)
    pltpu.sync_copy(zbuf, acc_sh.at[pl.ds(sid * SEG_ROWS, SEG_ROWS), :])
    pltpu.make_async_copy(b2d_hbm.at[pl.ds(0, IDXSTG), :], idxv, sli).wait()
    plsc.subcore_barrier()

    def fire_load(g, sl):
      row0 = RT + (wid * FPW + g) * RBF
      pltpu.async_copy(x_hbm.at[pl.ds(row0, RBF), :], xb[sl], slx[sl])

    def wait_load(sl):
      pltpu.make_async_copy(x_hbm.at[pl.ds(0, RBF), :], xb[sl], slx[sl]).wait()

    def fire_scatter(g, sl):
      for j in range(SUB):
        pltpu.async_copy(
            xb[sl].at[pl.ds(j * 128, 128), :],
            acc_sh.at[idxv.at[shift + g * SUB + j]],
            ssc[sl],
            add=True,
        )

    def wait_scatter(g, sl):
      for j in range(SUB):
        pltpu.make_async_copy(
            xb[sl].at[pl.ds(j * 128, 128), :],
            acc_sh.at[idxv.at[shift + g * SUB + j]],
            ssc[sl],
        ).wait()

    for g in range(min(AHEAD, FPW)):
      fire_load(g, g % NSLOT)
    for g in range(FPW):
      sl = g % NSLOT
      if g + AHEAD < FPW:
        if g >= 1:
          wait_scatter(g - 1, (g + AHEAD) % NSLOT)
        fire_load(g + AHEAD, (g + AHEAD) % NSLOT)
      wait_load(sl)
      fire_scatter(g, sl)
    for g in range(max(FPW - NSLOT, 0), FPW):
      wait_scatter(g, g % NSLOT)

    def tail_wait_and_scatter(itb, xtb, trow):
      pltpu.make_async_copy(batch_hbm.at[pl.ds(trow, RBT)], itb, stl).wait()
      pltpu.make_async_copy(x_hbm.at[pl.ds(trow, RBT), :], xtb, stl).wait()
      pltpu.async_copy(xtb, acc_sh.at[itb], sts, add=True)
      return pltpu.make_async_copy(xtb, acc_sh.at[itb], sts)

    d0 = tail_wait_and_scatter(it0, xt0, trow0)

    @pl.when(has2)
    def _():
      d1 = tail_wait_and_scatter(it1, xt1, trow1)
      d1.wait()

    d0.wait()
    plsc.subcore_barrier()

    pltpu.sync_copy(
        acc_sh.at[pl.ds(sid * SEG_ROWS, SEG_ROWS), :],
        part_hbm.at[cid, pl.ds(sid * SEG_ROWS, SEG_ROWS), :],
    )

  return k(x, batch, batch2d)


def _tc_partial(x_full, batch_tc):

  def body(b_ref, x_ref, o_ref, oh_ref, hi_ref, lo_ref):
    i = pl.program_id(0)

    @pl.when(i == 0)
    def _():
      o_ref[...] = jnp.zeros_like(o_ref)

    hi_ref[...] = x_ref[...].astype(jnp.bfloat16)
    lo_ref[...] = (x_ref[...] - hi_ref[...].astype(jnp.float32)).astype(
        jnp.bfloat16
    )
    s_first = b_ref[0, 0, 0]
    s_last = b_ref[XSTEP // TCB - 1, 0, TCB - 1]
    for c in range(S // SCH):

      @pl.when((s_last >= c * SCH) & (s_first < (c + 1) * SCH))
      def _():
        for t in range(XSTEP // TCB):
          seg = b_ref[t, 0, :]
          oh_ref[:, pl.ds(t * TCB, TCB)] = (
              lax.broadcasted_iota(jnp.int32, (SCH, TCB), 0) + (c * SCH)
              == seg[None, :]
          ).astype(jnp.bfloat16)
        o_ref[pl.ds(c * SCH, SCH), :] += jnp.dot(
            oh_ref[...], hi_ref[...], preferred_element_type=jnp.float32
        ) + jnp.dot(oh_ref[...], lo_ref[...], preferred_element_type=jnp.float32)

  return pl.pallas_call(
      body,
      out_shape=jax.ShapeDtypeStruct((S, D), jnp.float32),
      grid=(RT // XSTEP,),
      in_specs=[
          pl.BlockSpec((XSTEP // TCB, 1, TCB), lambda i: (i, 0, 0)),
          pl.BlockSpec((XSTEP, D), lambda i: (i, 0)),
      ],
      out_specs=pl.BlockSpec((S, D), lambda i: (0, 0)),
      scratch_shapes=[
          pltpu.VMEM((SCH, XSTEP), jnp.bfloat16),
          pltpu.VMEM((XSTEP, D), jnp.bfloat16),
          pltpu.VMEM((XSTEP, D), jnp.bfloat16),
      ],
  )(batch_tc, x_full)


def _combine(sc_partials, tc_partial):
  def body(p_ref, t_ref, o_ref):
    o_ref[...] = p_ref[0] + p_ref[1] + t_ref[...]

  return pl.pallas_call(
      body,
      out_shape=jax.ShapeDtypeStruct((S, D), jnp.float32),
  )(sc_partials, tc_partial)


def kernel(x, batch):
  batch = batch.astype(jnp.int32)
  batch2d = batch[: (N_NODES // 128) * 128].reshape(N_NODES // 128, 128)
  batch_tc = batch[:RT].reshape(RT // TCB, 1, TCB)
  sc_partials = _sc_partials(x, batch, batch2d)
  tc_partial = _tc_partial(x, batch_tc)
  return _combine(sc_partials, tc_partial)

# --- scband reference (transcript-rebuilt; emitter-appended) ---
"""Pipeline reference for scband-global-max-pool-1864015807077 (READ-ONLY COPY).

The authoritative reference and input builder live on the scoring server;
editing this copy changes nothing except your own understanding.
"""

import jax, jax.numpy as jnp
import numpy as np

NUM_SEGMENTS = 512
N_NODES = 100000
D_FEAT = 128


def setup_inputs(seed: int = 0) -> dict:
    key = jax.random.key(seed)
    k1, k2 = jax.random.split(key)
    x = jax.random.normal(k1, (N_NODES, D_FEAT), dtype=jnp.float32)
    batch = jnp.sort(jax.random.randint(k2, (N_NODES,), 0, NUM_SEGMENTS))
    return {"x": x, "batch": batch}


def _cumsum_with_zero(value):
    # mirrors GlobalMaxPool.cumsum: out[0]=0; out[1:]=cumsum(value)
    zero = jnp.zeros((1,) + value.shape[1:], dtype=value.dtype)
    return jnp.concatenate([zero, jnp.cumsum(value, axis=0)], axis=0)


def reference(x, batch):
    # global_add_pool(ones_like(batch), batch) -> per-segment node counts
    ones = jnp.ones_like(batch)
    counts = jax.ops.segment_sum(ones, batch, num_segments=NUM_SEGMENTS, indices_are_sorted=True)
    # cumsum helper builds the CSR indptr
    indptr = _cumsum_with_zero(counts)
    # torch_scatter.segment_csr(x, indptr) with default reduce='sum':
    # CSR segment-sum via exclusive prefix-sum differences (mathematically identical)
    prefix = jnp.concatenate([jnp.zeros((1, x.shape[1]), x.dtype), jnp.cumsum(x, axis=0)], axis=0)
    out = prefix[indptr[1:]] - prefix[indptr[:-1]]
    return out

if __name__ == "__main__":
    import jax
    _d = setup_inputs()
    print(jax.jit(kernel)(*tuple(_d.values())))

</pallas_src>

<mosaic_0001>
#map = affine_map<(d0, d1) -> (0, 0)>
#map1 = affine_map<(d0, d1) -> (0)>
#map2 = affine_map<(d0, d1) -> (0, 0, 0)>
module attributes {stable_mosaic.version = 14 : i64} {
  func.func @k(%arg0: i32, %arg1: i32, %arg2: memref<100000x128xf32, #tpu.memory_space<hbm>>, %arg3: memref<100000xi32, #tpu.memory_space<hbm>>, %arg4: memref<781x128xi32, #tpu.memory_space<hbm>>, %arg5: memref<2x512x128xf32, #tpu.memory_space<hbm>>, %arg6: memref<128x128xf32, #tpu.memory_space<vmem>>, %arg7: memref<128x128xf32, #tpu.memory_space<vmem>>, %arg8: memref<128x128xf32, #tpu.memory_space<vmem>>, %arg9: memref<128x128xf32, #tpu.memory_space<vmem>>, %arg10: memref<24x128xi32, #tpu.memory_space<vmem>>, %arg11: memref<32x128xf32, #tpu.memory_space<vmem>>, %arg12: memref<32x128xf32, #tpu.memory_space<vmem>>, %arg13: memref<32xi32, #tpu.memory_space<vmem>>, %arg14: memref<32xi32, #tpu.memory_space<vmem>>, %arg15: memref<32x128xf32, #tpu.memory_space<vmem>>, %arg16: memref<512x128xf32, #tpu.memory_space<vmem_shared>>, %arg17: memref<!tpu.dma_semaphore, #tpu.memory_space<semaphore_mem>>, %arg18: memref<!tpu.dma_semaphore, #tpu.memory_space<semaphore_mem>>, %arg19: memref<!tpu.dma_semaphore, #tpu.memory_space<semaphore_mem>>, %arg20: memref<!tpu.dma_semaphore, #tpu.memory_space<semaphore_mem>>, %arg21: memref<!tpu.dma_semaphore, #tpu.memory_space<semaphore_mem>>, %arg22: memref<!tpu.dma_semaphore, #tpu.memory_space<semaphore_mem>>, %arg23: memref<!tpu.dma_semaphore, #tpu.memory_space<semaphore_mem>>, %arg24: memref<!tpu.dma_semaphore, #tpu.memory_space<semaphore_mem>>, %arg25: memref<!tpu.dma_semaphore, #tpu.memory_space<semaphore_mem>>, %arg26: memref<!tpu.dma_semaphore, #tpu.memory_space<semaphore_mem>>, %arg27: memref<!tpu.dma_semaphore, #tpu.memory_space<semaphore_mem>>) attributes {dimension_semantics = [#tpu.dimension_semantics<core_parallel>, #tpu.dimension_semantics<subcore_parallel>], iteration_bounds = array<i64: 2, 16>, scalar_prefetch = 0 : i64, scratch_operands = 22 : i64, tpu.core_type = #tpu.core_type<sc_vector_subcore>, window_params = [{transform_indices = #map}, {transform_indices = #map1}, {transform_indices = #map}, {transform_indices = #map2}]} {
    %mul3A = arith.constant 2 : i32
    %mul3A_0 = arith.muli %arg1, %mul3A : i32
    %add3A = arith.addi %mul3A_0, %arg0 : i32
    %lt3A = arith.constant 21 : i32
    %lt3A_1 = arith.cmpi slt, %add3A, %lt3A : i32
    %mul3A_2 = arith.constant 12 : i32
    %mul3A_3 = arith.muli %add3A, %mul3A_2 : i32
    %add3A_4 = arith.constant 384 : i32
    %add3A_5 = arith.addi %add3A_4, %mul3A_3 : i32
    %jit3A = arith.constant 8 : i32
    %div3A = arith.divsi %add3A_5, %jit3A : i32
    %sign3A = arith.constant 0 : i32
    %sign3A_6 = arith.cmpi sgt, %add3A_5, %sign3A : i32
    %sign3A_7 = arith.extui %sign3A_6 : i1 to i32
    %sign3A_8 = arith.constant 0 : i32
    %sign3A_9 = arith.cmpi slt, %add3A_5, %sign3A_8 : i32
    %sign3A_10 = arith.extui %sign3A_9 : i1 to i32
    %sign3A_11 = arith.subi %sign3A_7, %sign3A_10 : i32
    %sign3A_12 = arith.constant 0 : i32
    %sign3A_13 = arith.cmpi sgt, %jit3A, %sign3A_12 : i32
    %sign3A_14 = arith.extui %sign3A_13 : i1 to i32
    %sign3A_15 = arith.constant 0 : i32
    %sign3A_16 = arith.cmpi slt, %jit3A, %sign3A_15 : i32
    %sign3A_17 = arith.extui %sign3A_16 : i1 to i32
    %sign3A_18 = arith.subi %sign3A_14, %sign3A_17 : i32
    %ne3A = arith.cmpi ne, %sign3A_11, %sign3A_18 : i32
    %rem3A = arith.remsi %add3A_5, %jit3A : i32
    %ne3A_19 = arith.constant 0 : i32
    %ne3A_20 = arith.cmpi ne, %rem3A, %ne3A_19 : i32
    %and3A = arith.andi %ne3A, %ne3A_20 : i1
    %sub3A = arith.constant 1 : i32
    %sub3A_21 = arith.subi %div3A, %sub3A : i32
    %select_n3A = arith.select %and3A, %sub3A_21, %div3A : i32
    %mul3A_22 = arith.constant 8 : i32
    %mul3A_23 = arith.muli %select_n3A, %mul3A_22 : i32
    %sub3A_24 = arith.subi %add3A_5, %mul3A_23 : i32
    %dma_start3A = arith.constant 0 : i32
    %dma_start3A_25 = tpu.memref_slice %arg4[%mul3A_23, %dma_start3A] : memref<781x128xi32, #tpu.memory_space<hbm>> -> memref<24x128xi32, #tpu.memory_space<hbm>>
    %dma_start3A_26 = arith.constant 0 : i32
    %dma_start3A_27 = tpu.memref_slice %arg4[%mul3A_23, %dma_start3A_26] : memref<781x128xi32, #tpu.memory_space<hbm>> -> memref<24x128xi32, #tpu.memory_space<hbm>>
    tpu.enqueue_dma source(%dma_start3A_27 : memref<24x128xi32, #tpu.memory_space<hbm>>) target(%arg10 : memref<24x128xi32, #tpu.memory_space<vmem>>) target_semaphore(%arg25 : memref<!tpu.dma_semaphore, #tpu.memory_space<semaphore_mem>>)
    %mul3A_28 = arith.constant 32 : i32
    %mul3A_29 = arith.muli %add3A, %mul3A_28 : i32
    %add3A_30 = arith.constant 98304 : i32
    %add3A_31 = arith.addi %add3A_30, %mul3A_29 : i32
    %add3A_32 = arith.constant 32 : i32
    %add3A_33 = arith.addi %add3A, %add3A_32 : i32
    %mul3A_34 = arith.constant 32 : i32
    %mul3A_35 = arith.muli %add3A_33, %mul3A_34 : i32
    %add3A_36 = arith.constant 98304 : i32
    %add3A_37 = arith.addi %add3A_36, %mul3A_35 : i32
    %dma_start3A_38 = tpu.memref_slice %arg3[%add3A_31] : memref<100000xi32, #tpu.memory_space<hbm>> -> memref<32xi32, #tpu.memory_space<hbm>>
    %dma_start3A_39 = tpu.memref_slice %arg3[%add3A_31] : memref<100000xi32, #tpu.memory_space<hbm>> -> memref<32xi32, #tpu.memory_space<hbm>>
    tpu.enqueue_dma source(%dma_start3A_39 : memref<32xi32, #tpu.memory_space<hbm>>) target(%arg13 : memref<32xi32, #tpu.memory_space<vmem>>) target_semaphore(%arg26 : memref<!tpu.dma_semaphore, #tpu.memory_space<semaphore_mem>>)
    %dma_start3A_40 = arith.constant 0 : i32
    %dma_start3A_41 = tpu.memref_slice %arg2[%add3A_31, %dma_start3A_40] : memref<100000x128xf32, #tpu.memory_space<hbm>> -> memref<32x128xf32, #tpu.memory_space<hbm>>
    %dma_start3A_42 = arith.constant 0 : i32
    %dma_start3A_43 = tpu.memref_slice %arg2[%add3A_31, %dma_start3A_42] : memref<100000x128xf32, #tpu.memory_space<hbm>> -> memref<32x128xf32, #tpu.memory_space<hbm>>
    tpu.enqueue_dma source(%dma_start3A_43 : memref<32x128xf32, #tpu.memory_space<hbm>>) target(%arg11 : memref<32x128xf32, #tpu.memory_space<vmem>>) target_semaphore(%arg26 : memref<!tpu.dma_semaphore, #tpu.memory_space<semaphore_mem>>)
    %convert_element_type3A = arith.extui %lt3A_1 : i1 to i32
    %cond3A = arith.constant 0 : i32
    %cond3A_44 = arith.cmpi ne, %convert_element_type3A, %cond3A : i32
    scf.if %cond3A_44 {
      %dma_start3A_607 = tpu.memref_slice %arg3[%add3A_37] : memref<100000xi32, #tpu.memory_space<hbm>> -> memref<32xi32, #tpu.memory_space<hbm>>
      %dma_start3A_608 = tpu.memref_slice %arg3[%add3A_37] : memref<100000xi32, #tpu.memory_space<hbm>> -> memref<32xi32, #tpu.memory_space<hbm>>
      tpu.enqueue_dma source(%dma_start3A_608 : memref<32xi32, #tpu.memory_space<hbm>>) target(%arg14 : memref<32xi32, #tpu.memory_space<vmem>>) target_semaphore(%arg26 : memref<!tpu.dma_semaphore, #tpu.memory_space<semaphore_mem>>)
      %dma_start3A_609 = arith.constant 0 : i32
      %dma_start3A_610 = tpu.memref_slice %arg2[%add3A_37, %dma_start3A_609] : memref<100000x128xf32, #tpu.memory_space<hbm>> -> memref<32x128xf32, #tpu.memory_space<hbm>>
      %dma_start3A_611 = arith.constant 0 : i32
      %dma_start3A_612 = tpu.memref_slice %arg2[%add3A_37, %dma_start3A_611] : memref<100000x128xf32, #tpu.memory_space<hbm>> -> memref<32x128xf32, #tpu.memory_space<hbm>>
      tpu.enqueue_dma source(%dma_start3A_612 : memref<32x128xf32, #tpu.memory_space<hbm>>) target(%arg12 : memref<32x128xf32, #tpu.memory_space<vmem>>) target_semaphore(%arg26 : memref<!tpu.dma_semaphore, #tpu.memory_space<semaphore_mem>>)
    } else {
    }
    %broadcast_in_dim3A = arith.constant 0.000000e+00 : f32
    %broadcast_in_dim3A_45 = vector.broadcast %broadcast_in_dim3A : f32 to vector<16xf32>
    %scan3A = arith.constant 0 : i32
    %scan3A_46 = arith.constant 0 : i32
    %scan3A_47 = arith.constant 32 : i32
    %scan3A_48 = arith.addi %scan3A_46, %scan3A_47 : i32
    %scan3A_49 = arith.constant 1 : i32
    %scan3A_50 = scf.for %scan3A_607 = %scan3A_46 to %scan3A_48 step %scan3A_49 iter_args(%scan3A_608 = %scan3A) -> (i32)  : i32 {
      %swap3A = arith.index_cast %scan3A_607 : i32 to index
      %swap3A_609 = arith.constant 0 : index
      %swap3A_610 = tpu.vector_load %arg15[%swap3A, %swap3A_609] {strides = array<i32>} : memref<32x128xf32, #tpu.memory_space<vmem>>, vector<1x16xf32>,
      %swap3A_611 = vector.shape_cast %swap3A_610 : vector<1x16xf32> to vector<16xf32>
      %swap3A_612 = vector.shape_cast %broadcast_in_dim3A_45 : vector<16xf32> to vector<1x16xf32>
      tpu.vector_store %arg15[%swap3A, %swap3A_609], %swap3A_612 {strides = array<i32>} : memref<32x128xf32, #tpu.memory_space<vmem>>, vector<1x16xf32>,
      %swap3A_613 = arith.index_cast %scan3A_607 : i32 to index
      %swap3A_614 = arith.constant 16 : index
      %swap3A_615 = tpu.vector_load %arg15[%swap3A_613, %swap3A_614] {strides = array<i32>} : memref<32x128xf32, #tpu.memory_space<vmem>>, vector<1x16xf32>,
      %swap3A_616 = vector.shape_cast %swap3A_615 : vector<1x16xf32> to vector<16xf32>
      %swap3A_617 = vector.shape_cast %broadcast_in_dim3A_45 : vector<16xf32> to vector<1x16xf32>
      tpu.vector_store %arg15[%swap3A_613, %swap3A_614], %swap3A_617 {strides = array<i32>} : memref<32x128xf32, #tpu.memory_space<vmem>>, vector<1x16xf32>,
      %swap3A_618 = arith.index_cast %scan3A_607 : i32 to index
      %swap3A_619 = arith.constant 32 : index
      %swap3A_620 = tpu.vector_load %arg15[%swap3A_618, %swap3A_619] {strides = array<i32>} : memref<32x128xf32, #tpu.memory_space<vmem>>, vector<1x16xf32>,
      %swap3A_621 = vector.shape_cast %swap3A_620 : vector<1x16xf32> to vector<16xf32>
      %swap3A_622 = vector.shape_cast %broadcast_in_dim3A_45 : vector<16xf32> to vector<1x16xf32>
      tpu.vector_store %arg15[%swap3A_618, %swap3A_619], %swap3A_622 {strides = array<i32>} : memref<32x128xf32, #tpu.memory_space<vmem>>, vector<1x16xf32>,
      %swap3A_623 = arith.index_cast %scan3A_607 : i32 to index
      %swap3A_624 = arith.constant 48 : index
      %swap3A_625 = tpu.vector_load %arg15[%swap3A_623, %swap3A_624] {strides = array<i32>} : memref<32x128xf32, #tpu.memory_space<vmem>>, vector<1x16xf32>,
      %swap3A_626 = vector.shape_cast %swap3A_625 : vector<1x16xf32> to vector<16xf32>
      %swap3A_627 = vector.shape_cast %broadcast_in_dim3A_45 : vector<16xf32> to vector<1x16xf32>
      tpu.vector_store %arg15[%swap3A_623, %swap3A_624], %swap3A_627 {strides = array<i32>} : memref<32x128xf32, #tpu.memory_space<vmem>>, vector<1x16xf32>,
      %swap3A_628 = arith.index_cast %scan3A_607 : i32 to index
      %swap3A_629 = arith.constant 64 : index
      %swap3A_630 = tpu.vector_load %arg15[%swap3A_628, %swap3A_629] {strides = array<i32>} : memref<32x128xf32, #tpu.memory_space<vmem>>, vector<1x16xf32>,
      %swap3A_631 = vector.shape_cast %swap3A_630 : vector<1x16xf32> to vector<16xf32>
      %swap3A_632 = vector.shape_cast %broadcast_in_dim3A_45 : vector<16xf32> to vector<1x16xf32>
      tpu.vector_store %arg15[%swap3A_628, %swap3A_629], %swap3A_632 {strides = array<i32>} : memref<32x128xf32, #tpu.memory_space<vmem>>, vector<1x16xf32>,
      %swap3A_633 = arith.index_cast %scan3A_607 : i32 to index
      %swap3A_634 = arith.constant 80 : index
      %swap3A_635 = tpu.vector_load %arg15[%swap3A_633, %swap3A_634] {strides = array<i32>} : memref<32x128xf32, #tpu.memory_space<vmem>>, vector<1x16xf32>,
      %swap3A_636 = vector.shape_cast %swap3A_635 : vector<1x16xf32> to vector<16xf32>
      %swap3A_637 = vector.shape_cast %broadcast_in_dim3A_45 : vector<16xf32> to vector<1x16xf32>
      tpu.vector_store %arg15[%swap3A_633, %swap3A_634], %swap3A_637 {strides = array<i32>} : memref<32x128xf32, #tpu.memory_space<vmem>>, vector<1x16xf32>,
      %swap3A_638 = arith.index_cast %scan3A_607 : i32 to index
      %swap3A_639 = arith.constant 96 : index
      %swap3A_640 = tpu.vector_load %arg15[%swap3A_638, %swap3A_639] {strides = array<i32>} : memref<32x128xf32, #tpu.memory_space<vmem>>, vector<1x16xf32>,
      %swap3A_641 = vector.shape_cast %swap3A_640 : vector<1x16xf32> to vector<16xf32>
      %swap3A_642 = vector.shape_cast %broadcast_in_dim3A_45 : vector<16xf32> to vector<1x16xf32>
      tpu.vector_store %arg15[%swap3A_638, %swap3A_639], %swap3A_642 {strides = array<i32>} : memref<32x128xf32, #tpu.memory_space<vmem>>, vector<1x16xf32>,
      %swap3A_643 = arith.index_cast %scan3A_607 : i32 to index
      %swap3A_644 = arith.constant 112 : index
      %swap3A_645 = tpu.vector_load %arg15[%swap3A_643, %swap3A_644] {strides = array<i32>} : memref<32x128xf32, #tpu.memory_space<vmem>>, vector<1x16xf32>,
      %swap3A_646 = vector.shape_cast %swap3A_645 : vector<1x16xf32> to vector<16xf32>
      %swap3A_647 = vector.shape_cast %broadcast_in_dim3A_45 : vector<16xf32> to vector<1x16xf32>
      tpu.vector_store %arg15[%swap3A_643, %swap3A_644], %swap3A_647 {strides = array<i32>} : memref<32x128xf32, #tpu.memory_space<vmem>>, vector<1x16xf32>,
      %scan3A_648 = arith.constant 0 : i32
      scf.yield %scan3A_648 : i32
    }
    %scan3A_51 = arith.constant 32 : i32
    %mul3A_52 = arith.constant 32 : i32
    %mul3A_53 = arith.muli %arg1, %mul3A_52 : i32
    "tpu.region"() ({
      %run_scoped3A = tpu.sem_alloc : memref<!tpu.dma_semaphore, #tpu.memory_space<semaphore_mem>>
      %dma_start3A_607 = arith.constant 0 : i32
      %dma_start3A_608 = tpu.memref_slice %arg16[%mul3A_53, %dma_start3A_607] : memref<512x128xf32, #tpu.memory_space<vmem_shared>> -> memref<32x128xf32, #tpu.memory_space<vmem_shared>>
      %dma_start3A_609 = arith.constant 0 : i32
      %dma_start3A_610 = tpu.memref_slice %arg16[%mul3A_53, %dma_start3A_609] : memref<512x128xf32, #tpu.memory_space<vmem_shared>> -> memref<32x128xf32, #tpu.memory_space<vmem_shared>>
      tpu.enqueue_dma source(%arg15 : memref<32x128xf32, #tpu.memory_space<vmem>>) target(%dma_start3A_610 : memref<32x128xf32, #tpu.memory_space<vmem_shared>>) target_semaphore(%run_scoped3A : memref<!tpu.dma_semaphore, #tpu.memory_space<semaphore_mem>>)
      %dma_wait3A_611 = arith.constant 0 : i32
      %dma_wait3A_612 = tpu.memref_slice %arg16[%mul3A_53, %dma_wait3A_611] : memref<512x128xf32, #tpu.memory_space<vmem_shared>> -> memref<32x128xf32, #tpu.memory_space<vmem_shared>>
      %dma_wait3A_613 = arith.constant 0 : i32
      %dma_wait3A_614 = tpu.memref_slice %arg16[%mul3A_53, %dma_wait3A_613] : memref<512x128xf32, #tpu.memory_space<vmem_shared>> -> memref<32x128xf32, #tpu.memory_space<vmem_shared>>
      tpu.wait_dma2 semaphore(%run_scoped3A : memref<!tpu.dma_semaphore, #tpu.memory_space<semaphore_mem>>) src(%arg15 : memref<32x128xf32, #tpu.memory_space<vmem>>) dst(%dma_wait3A_614 : memref<32x128xf32, #tpu.memory_space<vmem_shared>>)
      tpu.yield
    }) : () -> ()
    %dma_wait3A = arith.constant 0 : i32
    %dma_wait3A_54 = arith.constant 0 : i32
    %dma_wait3A_55 = tpu.memref_slice %arg4[%dma_wait3A, %dma_wait3A_54] : memref<781x128xi32, #tpu.memory_space<hbm>> -> memref<24x128xi32, #tpu.memory_space<hbm>>
    %dma_wait3A_56 = arith.constant 0 : i32
    %dma_wait3A_57 = arith.constant 0 : i32
    %dma_wait3A_58 = tpu.memref_slice %arg4[%dma_wait3A_56, %dma_wait3A_57] : memref<781x128xi32, #tpu.memory_space<hbm>> -> memref<24x128xi32, #tpu.memory_space<hbm>>
    tpu.wait_dma2 semaphore(%arg25 : memref<!tpu.dma_semaphore, #tpu.memory_space<semaphore_mem>>) src(%dma_wait3A_58 : memref<24x128xi32, #tpu.memory_space<hbm>>) dst(%arg10 : memref<24x128xi32, #tpu.memory_space<vmem>>)
    %barrier3A = arith.constant 0 : index
    tpu.barrier barrier_id(%barrier3A)
    %mul3A_59 = arith.constant 12 : i32
    %mul3A_60 = arith.muli %add3A, %mul3A_59 : i32
    %add3A_61 = arith.constant 0 : i32
    %add3A_62 = arith.addi %mul3A_60, %add3A_61 : i32
    %mul3A_63 = arith.constant 128 : i32
    %mul3A_64 = arith.muli %add3A_62, %mul3A_63 : i32
    %add3A_65 = arith.constant 49152 : i32
    %add3A_66 = arith.addi %add3A_65, %mul3A_64 : i32
    %dma_start3A_67 = arith.constant 0 : i32
    %dma_start3A_68 = tpu.memref_slice %arg2[%add3A_66, %dma_start3A_67] : memref<100000x128xf32, #tpu.memory_space<hbm>> -> memref<128x128xf32, #tpu.memory_space<hbm>>
    %dma_start3A_69 = arith.constant 0 : i32
    %dma_start3A_70 = tpu.memref_slice %arg2[%add3A_66, %dma_start3A_69] : memref<100000x128xf32, #tpu.memory_space<hbm>> -> memref<128x128xf32, #tpu.memory_space<hbm>>
    tpu.enqueue_dma source(%dma_start3A_70 : memref<128x128xf32, #tpu.memory_space<hbm>>) target(%arg6 : memref<128x128xf32, #tpu.memory_space<vmem>>) target_semaphore(%arg17 : memref<!tpu.dma_semaphore, #tpu.memory_space<semaphore_mem>>)
    %mul3A_71 = arith.constant 12 : i32
    %mul3A_72 = arith.muli %add3A, %mul3A_71 : i32
    %add3A_73 = arith.constant 1 : i32
    %add3A_74 = arith.addi %mul3A_72, %add3A_73 : i32
    %mul3A_75 = arith.constant 128 : i32
    %mul3A_76 = arith.muli %add3A_74, %mul3A_75 : i32
    %add3A_77 = arith.constant 49152 : i32
    %add3A_78 = arith.addi %add3A_77, %mul3A_76 : i32
    %dma_start3A_79 = arith.constant 0 : i32
    %dma_start3A_80 = tpu.memref_slice %arg2[%add3A_78, %dma_start3A_79] : memref<100000x128xf32, #tpu.memory_space<hbm>> -> memref<128x128xf32, #tpu.memory_space<hbm>>
    %dma_start3A_81 = arith.constant 0 : i32
    %dma_start3A_82 = tpu.memref_slice %arg2[%add3A_78, %dma_start3A_81] : memref<100000x128xf32, #tpu.memory_space<hbm>> -> memref<128x128xf32, #tpu.memory_space<hbm>>
    tpu.enqueue_dma source(%dma_start3A_82 : memref<128x128xf32, #tpu.memory_space<hbm>>) target(%arg7 : memref<128x128xf32, #tpu.memory_space<vmem>>) target_semaphore(%arg18 : memref<!tpu.dma_semaphore, #tpu.memory_space<semaphore_mem>>)
    %mul3A_83 = arith.constant 12 : i32
    %mul3A_84 = arith.muli %add3A, %mul3A_83 : i32
    %add3A_85 = arith.constant 2 : i32
    %add3A_86 = arith.addi %mul3A_84, %add3A_85 : i32
    %mul3A_87 = arith.constant 128 : i32
    %mul3A_88 = arith.muli %add3A_86, %mul3A_87 : i32
    %add3A_89 = arith.constant 49152 : i32
    %add3A_90 = arith.addi %add3A_89, %mul3A_88 : i32
    %dma_start3A_91 = arith.constant 0 : i32
    %dma_start3A_92 = tpu.memref_slice %arg2[%add3A_90, %dma_start3A_91] : memref<100000x128xf32, #tpu.memory_space<hbm>> -> memref<128x128xf32, #tpu.memory_space<hbm>>
    %dma_start3A_93 = arith.constant 0 : i32
    %dma_start3A_94 = tpu.memref_slice %arg2[%add3A_90, %dma_start3A_93] : memref<100000x128xf32, #tpu.memory_space<hbm>> -> memref<128x128xf32, #tpu.memory_space<hbm>>
    tpu.enqueue_dma source(%dma_start3A_94 : memref<128x128xf32, #tpu.memory_space<hbm>>) target(%arg8 : memref<128x128xf32, #tpu.memory_space<vmem>>) target_semaphore(%arg19 : memref<!tpu.dma_semaphore, #tpu.memory_space<semaphore_mem>>)
    %mul3A_95 = arith.constant 12 : i32
    %mul3A_96 = arith.muli %add3A, %mul3A_95 : i32
    %add3A_97 = arith.constant 3 : i32
    %add3A_98 = arith.addi %mul3A_96, %add3A_97 : i32
    %mul3A_99 = arith.constant 128 : i32
    %mul3A_100 = arith.muli %add3A_98, %mul3A_99 : i32
    %add3A_101 = arith.constant 49152 : i32
    %add3A_102 = arith.addi %add3A_101, %mul3A_100 : i32
    %dma_start3A_103 = arith.constant 0 : i32
    %dma_start3A_104 = tpu.memref_slice %arg2[%add3A_102, %dma_start3A_103] : memref<100000x128xf32, #tpu.memory_space<hbm>> -> memref<128x128xf32, #tpu.memory_space<hbm>>
    %dma_start3A_105 = arith.constant 0 : i32
    %dma_start3A_106 = tpu.memref_slice %arg2[%add3A_102, %dma_start3A_105] : memref<100000x128xf32, #tpu.memory_space<hbm>> -> memref<128x128xf32, #tpu.memory_space<hbm>>
    tpu.enqueue_dma source(%dma_start3A_106 : memref<128x128xf32, #tpu.memory_space<hbm>>) target(%arg9 : memref<128x128xf32, #tpu.memory_space<vmem>>) target_semaphore(%arg20 : memref<!tpu.dma_semaphore, #tpu.memory_space<semaphore_mem>>)
    %dma_wait3A_107 = arith.constant 0 : i32
    %dma_wait3A_108 = arith.constant 0 : i32
    %dma_wait3A_109 = tpu.memref_slice %arg2[%dma_wait3A_107, %dma_wait3A_108] : memref<100000x128xf32, #tpu.memory_space<hbm>> -> memref<128x128xf32, #tpu.memory_space<hbm>>
    %dma_wait3A_110 = arith.constant 0 : i32
    %dma_wait3A_111 = arith.constant 0 : i32
    %dma_wait3A_112 = tpu.memref_slice %arg2[%dma_wait3A_110, %dma_wait3A_111] : memref<100000x128xf32, #tpu.memory_space<hbm>> -> memref<128x128xf32, #tpu.memory_space<hbm>>
    tpu.wait_dma2 semaphore(%arg17 : memref<!tpu.dma_semaphore, #tpu.memory_space<semaphore_mem>>) src(%dma_wait3A_112 : memref<128x128xf32, #tpu.memory_space<hbm>>) dst(%arg6 : memref<128x128xf32, #tpu.memory_space<vmem>>)
    %add3A_113 = arith.constant 0 : i32
    %add3A_114 = arith.addi %sub3A_24, %add3A_113 : i32
    %add3A_115 = arith.constant 0 : i32
    %add3A_116 = arith.addi %add3A_114, %add3A_115 : i32
    %dma_start3A_117 = arith.constant 0 : i32
    %dma_start3A_118 = arith.constant 0 : i32
    %dma_start3A_119 = tpu.memref_slice %arg6[%dma_start3A_117, %dma_start3A_118] : memref<128x128xf32, #tpu.memory_space<vmem>> -> memref<128x128xf32, #tpu.memory_space<vmem>>
    %dma_start3A_120 = arith.constant 0 : i32
    %dma_start3A_121 = tpu.memref_slice %arg10[%add3A_116, %dma_start3A_120] : memref<24x128xi32, #tpu.memory_space<vmem>> -> memref<1x128xi32, #tpu.memory_space<vmem>>
    %dma_start3A_122 = tpu.memref_squeeze %dma_start3A_121 : memref<1x128xi32, #tpu.memory_space<vmem>> -> memref<128xi32, #tpu.memory_space<vmem>>
    %dma_start3A_123 = arith.constant 0 : i32
    %dma_start3A_124 = arith.constant 0 : i32
    %dma_start3A_125 = tpu.memref_slice %arg16[%dma_start3A_123, %dma_start3A_124] : memref<512x128xf32, #tpu.memory_space<vmem_shared>> -> memref<512x128xf32, #tpu.memory_space<vmem_shared>>
    tpu.enqueue_indirect_dma source(%dma_start3A_119 : memref<128x128xf32, #tpu.memory_space<vmem>>) target(%dma_start3A_125 : memref<512x128xf32, #tpu.memory_space<vmem_shared>>) offsets(%dma_start3A_122 : memref<128xi32, #tpu.memory_space<vmem>>) semaphore(%arg21 : memref<!tpu.dma_semaphore, #tpu.memory_space<semaphore_mem>>) {add = true}
    %add3A_126 = arith.constant 0 : i32
    %add3A_127 = arith.addi %sub3A_24, %add3A_126 : i32
    %add3A_128 = arith.constant 0 : i32
    %add3A_129 = arith.addi %add3A_127, %add3A_128 : i32
    %dma_wait3A_130 = arith.constant 0 : i32
    %dma_wait3A_131 = arith.constant 0 : i32
    %dma_wait3A_132 = tpu.memref_slice %arg6[%dma_wait3A_130, %dma_wait3A_131] : memref<128x128xf32, #tpu.memory_space<vmem>> -> memref<128x128xf32, #tpu.memory_space<vmem>>
    %dma_wait3A_133 = arith.constant 0 : i32
    %dma_wait3A_134 = tpu.memref_slice %arg10[%add3A_129, %dma_wait3A_133] : memref<24x128xi32, #tpu.memory_space<vmem>> -> memref<1x128xi32, #tpu.memory_space<vmem>>
    %dma_wait3A_135 = tpu.memref_squeeze %dma_wait3A_134 : memref<1x128xi32, #tpu.memory_space<vmem>> -> memref<128xi32, #tpu.memory_space<vmem>>
    %dma_wait3A_136 = arith.constant 0 : i32
    %dma_wait3A_137 = arith.constant 0 : i32
    %dma_wait3A_138 = tpu.memref_slice %arg16[%dma_wait3A_136, %dma_wait3A_137] : memref<512x128xf32, #tpu.memory_space<vmem_shared>> -> memref<512x128xf32, #tpu.memory_space<vmem_shared>>
    tpu.wait_indirect_dma semaphore(%arg21 : memref<!tpu.dma_semaphore, #tpu.memory_space<semaphore_mem>>) src(%dma_wait3A_132 : memref<128x128xf32, #tpu.memory_space<vmem>>) dst(%dma_wait3A_138 : memref<512x128xf32, #tpu.memory_space<vmem_shared>>)
    %mul3A_139 = arith.constant 12 : i32
    %mul3A_140 = arith.muli %add3A, %mul3A_139 : i32
    %add3A_141 = arith.constant 4 : i32
    %add3A_142 = arith.addi %mul3A_140, %add3A_141 : i32
    %mul3A_143 = arith.constant 128 : i32
    %mul3A_144 = arith.muli %add3A_142, %mul3A_143 : i32
    %add3A_145 = arith.constant 49152 : i32
    %add3A_146 = arith.addi %add3A_145, %mul3A_144 : i32
    %dma_start3A_147 = arith.constant 0 : i32
    %dma_start3A_148 = tpu.memref_slice %arg2[%add3A_146, %dma_start3A_147] : memref<100000x128xf32, #tpu.memory_space<hbm>> -> memref<128x128xf32, #tpu.memory_space<hbm>>
    %dma_start3A_149 = arith.constant 0 : i32
    %dma_start3A_150 = tpu.memref_slice %arg2[%add3A_146, %dma_start3A_149] : memref<100000x128xf32, #tpu.memory_space<hbm>> -> memref<128x128xf32, #tpu.memory_space<hbm>>
    tpu.enqueue_dma source(%dma_start3A_150 : memref<128x128xf32, #tpu.memory_space<hbm>>) target(%arg6 : memref<128x128xf32, #tpu.memory_space<vmem>>) target_semaphore(%arg17 : memref<!tpu.dma_semaphore, #tpu.memory_space<semaphore_mem>>)
    %dma_wait3A_151 = arith.constant 0 : i32
    %dma_wait3A_152 = arith.constant 0 : i32
    %dma_wait3A_153 = tpu.memref_slice %arg2[%dma_wait3A_151, %dma_wait3A_152] : memref<100000x128xf32, #tpu.memory_space<hbm>> -> memref<128x128xf32, #tpu.memory_space<hbm>>
    %dma_wait3A_154 = arith.constant 0 : i32
    %dma_wait3A_155 = arith.constant 0 : i32
    %dma_wait3A_156 = tpu.memref_slice %arg2[%dma_wait3A_154, %dma_wait3A_155] : memref<100000x128xf32, #tpu.memory_space<hbm>> -> memref<128x128xf32, #tpu.memory_space<hbm>>
    tpu.wait_dma2 semaphore(%arg18 : memref<!tpu.dma_semaphore, #tpu.memory_space<semaphore_mem>>) src(%dma_wait3A_156 : memref<128x128xf32, #tpu.memory_space<hbm>>) dst(%arg7 : memref<128x128xf32, #tpu.memory_space<vmem>>)
    %add3A_157 = arith.constant 1 : i32
    %add3A_158 = arith.addi %sub3A_24, %add3A_157 : i32
    %add3A_159 = arith.constant 0 : i32
    %add3A_160 = arith.addi %add3A_158, %add3A_159 : i32
    %dma_start3A_161 = arith.constant 0 : i32
    %dma_start3A_162 = arith.constant 0 : i32
    %dma_start3A_163 = tpu.memref_slice %arg7[%dma_start3A_161, %dma_start3A_162] : memref<128x128xf32, #tpu.memory_space<vmem>> -> memref<128x128xf32, #tpu.memory_space<vmem>>
    %dma_start3A_164 = arith.constant 0 : i32
    %dma_start3A_165 = tpu.memref_slice %arg10[%add3A_160, %dma_start3A_164] : memref<24x128xi32, #tpu.memory_space<vmem>> -> memref<1x128xi32, #tpu.memory_space<vmem>>
    %dma_start3A_166 = tpu.memref_squeeze %dma_start3A_165 : memref<1x128xi32, #tpu.memory_space<vmem>> -> memref<128xi32, #tpu.memory_space<vmem>>
    %dma_start3A_167 = arith.constant 0 : i32
    %dma_start3A_168 = arith.constant 0 : i32
    %dma_start3A_169 = tpu.memref_slice %arg16[%dma_start3A_167, %dma_start3A_168] : memref<512x128xf32, #tpu.memory_space<vmem_shared>> -> memref<512x128xf32, #tpu.memory_space<vmem_shared>>
    tpu.enqueue_indirect_dma source(%dma_start3A_163 : memref<128x128xf32, #tpu.memory_space<vmem>>) target(%dma_start3A_169 : memref<512x128xf32, #tpu.memory_space<vmem_shared>>) offsets(%dma_start3A_166 : memref<128xi32, #tpu.memory_space<vmem>>) semaphore(%arg22 : memref<!tpu.dma_semaphore, #tpu.memory_space<semaphore_mem>>) {add = true}
    %add3A_170 = arith.constant 1 : i32
    %add3A_171 = arith.addi %sub3A_24, %add3A_170 : i32
    %add3A_172 = arith.constant 0 : i32
    %add3A_173 = arith.addi %add3A_171, %add3A_172 : i32
    %dma_wait3A_174 = arith.constant 0 : i32
    %dma_wait3A_175 = arith.constant 0 : i32
    %dma_wait3A_176 = tpu.memref_slice %arg7[%dma_wait3A_174, %dma_wait3A_175] : memref<128x128xf32, #tpu.memory_space<vmem>> -> memref<128x128xf32, #tpu.memory_space<vmem>>
    %dma_wait3A_177 = arith.constant 0 : i32
    %dma_wait3A_178 = tpu.memref_slice %arg10[%add3A_173, %dma_wait3A_177] : memref<24x128xi32, #tpu.memory_space<vmem>> -> memref<1x128xi32, #tpu.memory_space<vmem>>
    %dma_wait3A_179 = tpu.memref_squeeze %dma_wait3A_178 : memref<1x128xi32, #tpu.memory_space<vmem>> -> memref<128xi32, #tpu.memory_space<vmem>>
    %dma_wait3A_180 = arith.constant 0 : i32
    %dma_wait3A_181 = arith.constant 0 : i32
    %dma_wait3A_182 = tpu.memref_slice %arg16[%dma_wait3A_180, %dma_wait3A_181] : memref<512x128xf32, #tpu.memory_space<vmem_shared>> -> memref<512x128xf32, #tpu.memory_space<vmem_shared>>
    tpu.wait_indirect_dma semaphore(%arg22 : memref<!tpu.dma_semaphore, #tpu.memory_space<semaphore_mem>>) src(%dma_wait3A_176 : memref<128x128xf32, #tpu.memory_space<vmem>>) dst(%dma_wait3A_182 : memref<512x128xf32, #tpu.memory_space<vmem_shared>>)
    %mul3A_183 = arith.constant 12 : i32
    %mul3A_184 = arith.muli %add3A, %mul3A_183 : i32
    %add3A_185 = arith.constant 5 : i32
    %add3A_186 = arith.addi %mul3A_184, %add3A_185 : i32
    %mul3A_187 = arith.constant 128 : i32
    %mul3A_188 = arith.muli %add3A_186, %mul3A_187 : i32
    %add3A_189 = arith.constant 49152 : i32
    %add3A_190 = arith.addi %add3A_189, %mul3A_188 : i32
    %dma_start3A_191 = arith.constant 0 : i32
    %dma_start3A_192 = tpu.memref_slice %arg2[%add3A_190, %dma_start3A_191] : memref<100000x128xf32, #tpu.memory_space<hbm>> -> memref<128x128xf32, #tpu.memory_space<hbm>>
    %dma_start3A_193 = arith.constant 0 : i32
    %dma_start3A_194 = tpu.memref_slice %arg2[%add3A_190, %dma_start3A_193] : memref<100000x128xf32, #tpu.memory_space<hbm>> -> memref<128x128xf32, #tpu.memory_space<hbm>>
    tpu.enqueue_dma source(%dma_start3A_194 : memref<128x128xf32, #tpu.memory_space<hbm>>) target(%arg7 : memref<128x128xf32, #tpu.memory_space<vmem>>) target_semaphore(%arg18 : memref<!tpu.dma_semaphore, #tpu.memory_space<semaphore_mem>>)
    %dma_wait3A_195 = arith.constant 0 : i32
    %dma_wait3A_196 = arith.constant 0 : i32
    %dma_wait3A_197 = tpu.memref_slice %arg2[%dma_wait3A_195, %dma_wait3A_196] : memref<100000x128xf32, #tpu.memory_space<hbm>> -> memref<128x128xf32, #tpu.memory_space<hbm>>
    %dma_wait3A_198 = arith.constant 0 : i32
    %dma_wait3A_199 = arith.constant 0 : i32
    %dma_wait3A_200 = tpu.memref_slice %arg2[%dma_wait3A_198, %dma_wait3A_199] : memref<100000x128xf32, #tpu.memory_space<hbm>> -> memref<128x128xf32, #tpu.memory_space<hbm>>
    tpu.wait_dma2 semaphore(%arg19 : memref<!tpu.dma_semaphore, #tpu.memory_space<semaphore_mem>>) src(%dma_wait3A_200 : memref<128x128xf32, #tpu.memory_space<hbm>>) dst(%arg8 : memref<128x128xf32, #tpu.memory_space<vmem>>)
    %add3A_201 = arith.constant 2 : i32
    %add3A_202 = arith.addi %sub3A_24, %add3A_201 : i32
    %add3A_203 = arith.constant 0 : i32
    %add3A_204 = arith.addi %add3A_202, %add3A_203 : i32
    %dma_start3A_205 = arith.constant 0 : i32
    %dma_start3A_206 = arith.constant 0 : i32
    %dma_start3A_207 = tpu.memref_slice %arg8[%dma_start3A_205, %dma_start3A_206] : memref<128x128xf32, #tpu.memory_space<vmem>> -> memref<128x128xf32, #tpu.memory_space<vmem>>
    %dma_start3A_208 = arith.constant 0 : i32
    %dma_start3A_209 = tpu.memref_slice %arg10[%add3A_204, %dma_start3A_208] : memref<24x128xi32, #tpu.memory_space<vmem>> -> memref<1x128xi32, #tpu.memory_space<vmem>>
    %dma_start3A_210 = tpu.memref_squeeze %dma_start3A_209 : memref<1x128xi32, #tpu.memory_space<vmem>> -> memref<128xi32, #tpu.memory_space<vmem>>
    %dma_start3A_211 = arith.constant 0 : i32
    %dma_start3A_212 = arith.constant 0 : i32
    %dma_start3A_213 = tpu.memref_slice %arg16[%dma_start3A_211, %dma_start3A_212] : memref<512x128xf32, #tpu.memory_space<vmem_shared>> -> memref<512x128xf32, #tpu.memory_space<vmem_shared>>
    tpu.enqueue_indirect_dma source(%dma_start3A_207 : memref<128x128xf32, #tpu.memory_space<vmem>>) target(%dma_start3A_213 : memref<512x128xf32, #tpu.memory_space<vmem_shared>>) offsets(%dma_start3A_210 : memref<128xi32, #tpu.memory_space<vmem>>) semaphore(%arg23 : memref<!tpu.dma_semaphore, #tpu.memory_space<semaphore_mem>>) {add = true}
    %add3A_214 = arith.constant 2 : i32
    %add3A_215 = arith.addi %sub3A_24, %add3A_214 : i32
    %add3A_216 = arith.constant 0 : i32
    %add3A_217 = arith.addi %add3A_215, %add3A_216 : i32
    %dma_wait3A_218 = arith.constant 0 : i32
    %dma_wait3A_219 = arith.constant 0 : i32
    %dma_wait3A_220 = tpu.memref_slice %arg8[%dma_wait3A_218, %dma_wait3A_219] : memref<128x128xf32, #tpu.memory_space<vmem>> -> memref<128x128xf32, #tpu.memory_space<vmem>>
    %dma_wait3A_221 = arith.constant 0 : i32
    %dma_wait3A_222 = tpu.memref_slice %arg10[%add3A_217, %dma_wait3A_221] : memref<24x128xi32, #tpu.memory_space<vmem>> -> memref<1x128xi32, #tpu.memory_space<vmem>>
    %dma_wait3A_223 = tpu.memref_squeeze %dma_wait3A_222 : memref<1x128xi32, #tpu.memory_space<vmem>> -> memref<128xi32, #tpu.memory_space<vmem>>
    %dma_wait3A_224 = arith.constant 0 : i32
    %dma_wait3A_225 = arith.constant 0 : i32
    %dma_wait3A_226 = tpu.memref_slice %arg16[%dma_wait3A_224, %dma_wait3A_225] : memref<512x128xf32, #tpu.memory_space<vmem_shared>> -> memref<512x128xf32, #tpu.memory_space<vmem_shared>>
    tpu.wait_indirect_dma semaphore(%arg23 : memref<!tpu.dma_semaphore, #tpu.memory_space<semaphore_mem>>) src(%dma_wait3A_220 : memref<128x128xf32, #tpu.memory_space<vmem>>) dst(%dma_wait3A_226 : memref<512x128xf32, #tpu.memory_space<vmem_shared>>)
    %mul3A_227 = arith.constant 12 : i32
    %mul3A_228 = arith.muli %add3A, %mul3A_227 : i32
    %add3A_229 = arith.constant 6 : i32
    %add3A_230 = arith.addi %mul3A_228, %add3A_229 : i32
    %mul3A_231 = arith.constant 128 : i32
    %mul3A_232 = arith.muli %add3A_230, %mul3A_231 : i32
    %add3A_233 = arith.constant 49152 : i32
    %add3A_234 = arith.addi %add3A_233, %mul3A_232 : i32
    %dma_start3A_235 = arith.constant 0 : i32
    %dma_start3A_236 = tpu.memref_slice %arg2[%add3A_234, %dma_start3A_235] : memref<100000x128xf32, #tpu.memory_space<hbm>> -> memref<128x128xf32, #tpu.memory_space<hbm>>
    %dma_start3A_237 = arith.constant 0 : i32
    %dma_start3A_238 = tpu.memref_slice %arg2[%add3A_234, %dma_start3A_237] : memref<100000x128xf32, #tpu.memory_space<hbm>> -> memref<128x128xf32, #tpu.memory_space<hbm>>
    tpu.enqueue_dma source(%dma_start3A_238 : memref<128x128xf32, #tpu.memory_space<hbm>>) target(%arg8 : memref<128x128xf32, #tpu.memory_space<vmem>>) target_semaphore(%arg19 : memref<!tpu.dma_semaphore, #tpu.memory_space<semaphore_mem>>)
    %dma_wait3A_239 = arith.constant 0 : i32
    %dma_wait3A_240 = arith.constant 0 : i32
    %dma_wait3A_241 = tpu.memref_slice %arg2[%dma_wait3A_239, %dma_wait3A_240] : memref<100000x128xf32, #tpu.memory_space<hbm>> -> memref<128x128xf32, #tpu.memory_space<hbm>>
    %dma_wait3A_242 = arith.constant 0 : i32
    %dma_wait3A_243 = arith.constant 0 : i32
    %dma_wait3A_244 = tpu.memref_slice %arg2[%dma_wait3A_242, %dma_wait3A_243] : memref<100000x128xf32, #tpu.memory_space<hbm>> -> memref<128x128xf32, #tpu.memory_space<hbm>>
    tpu.wait_dma2 semaphore(%arg20 : memref<!tpu.dma_semaphore, #tpu.memory_space<semaphore_mem>>) src(%dma_wait3A_244 : memref<128x128xf32, #tpu.memory_space<hbm>>) dst(%arg9 : memref<128x128xf32, #tpu.memory_space<vmem>>)
    %add3A_245 = arith.constant 3 : i32
    %add3A_246 = arith.addi %sub3A_24, %add3A_245 : i32
    %add3A_247 = arith.constant 0 : i32
    %add3A_248 = arith.addi %add3A_246, %add3A_247 : i32
    %dma_start3A_249 = arith.constant 0 : i32
    %dma_start3A_250 = arith.constant 0 : i32
    %dma_start3A_251 = tpu.memref_slice %arg9[%dma_start3A_249, %dma_start3A_250] : memref<128x128xf32, #tpu.memory_space<vmem>> -> memref<128x128xf32, #tpu.memory_space<vmem>>
    %dma_start3A_252 = arith.constant 0 : i32
    %dma_start3A_253 = tpu.memref_slice %arg10[%add3A_248, %dma_start3A_252] : memref<24x128xi32, #tpu.memory_space<vmem>> -> memref<1x128xi32, #tpu.memory_space<vmem>>
    %dma_start3A_254 = tpu.memref_squeeze %dma_start3A_253 : memref<1x128xi32, #tpu.memory_space<vmem>> -> memref<128xi32, #tpu.memory_space<vmem>>
    %dma_start3A_255 = arith.constant 0 : i32
    %dma_start3A_256 = arith.constant 0 : i32
    %dma_start3A_257 = tpu.memref_slice %arg16[%dma_start3A_255, %dma_start3A_256] : memref<512x128xf32, #tpu.memory_space<vmem_shared>> -> memref<512x128xf32, #tpu.memory_space<vmem_shared>>
    tpu.enqueue_indirect_dma source(%dma_start3A_251 : memref<128x128xf32, #tpu.memory_space<vmem>>) target(%dma_start3A_257 : memref<512x128xf32, #tpu.memory_space<vmem_shared>>) offsets(%dma_start3A_254 : memref<128xi32, #tpu.memory_space<vmem>>) semaphore(%arg24 : memref<!tpu.dma_semaphore, #tpu.memory_space<semaphore_mem>>) {add = true}
    %add3A_258 = arith.constant 3 : i32
    %add3A_259 = arith.addi %sub3A_24, %add3A_258 : i32
    %add3A_260 = arith.constant 0 : i32
    %add3A_261 = arith.addi %add3A_259, %add3A_260 : i32
    %dma_wait3A_262 = arith.constant 0 : i32
    %dma_wait3A_263 = arith.constant 0 : i32
    %dma_wait3A_264 = tpu.memref_slice %arg9[%dma_wait3A_262, %dma_wait3A_263] : memref<128x128xf32, #tpu.memory_space<vmem>> -> memref<128x128xf32, #tpu.memory_space<vmem>>
    %dma_wait3A_265 = arith.constant 0 : i32
    %dma_wait3A_266 = tpu.memref_slice %arg10[%add3A_261, %dma_wait3A_265] : memref<24x128xi32, #tpu.memory_space<vmem>> -> memref<1x128xi32, #tpu.memory_space<vmem>>
    %dma_wait3A_267 = tpu.memref_squeeze %dma_wait3A_266 : memref<1x128xi32, #tpu.memory_space<vmem>> -> memref<128xi32, #tpu.memory_space<vmem>>
    %dma_wait3A_268 = arith.constant 0 : i32
    %dma_wait3A_269 = arith.constant 0 : i32
    %dma_wait3A_270 = tpu.memref_slice %arg16[%dma_wait3A_268, %dma_wait3A_269] : memref<512x128xf32, #tpu.memory_space<vmem_shared>> -> memref<512x128xf32, #tpu.memory_space<vmem_shared>>
    tpu.wait_indirect_dma semaphore(%arg24 : memref<!tpu.dma_semaphore, #tpu.memory_space<semaphore_mem>>) src(%dma_wait3A_264 : memref<128x128xf32, #tpu.memory_space<vmem>>) dst(%dma_wait3A_270 : memref<512x128xf32, #tpu.memory_space<vmem_shared>>)
    %mul3A_271 = arith.constant 12 : i32
    %mul3A_272 = arith.muli %add3A, %mul3A_271 : i32
    %add3A_273 = arith.constant 7 : i32
    %add3A_274 = arith.addi %mul3A_272, %add3A_273 : i32
    %mul3A_275 = arith.constant 128 : i32
    %mul3A_276 = arith.muli %add3A_274, %mul3A_275 : i32
    %add3A_277 = arith.constant 49152 : i32
    %add3A_278 = arith.addi %add3A_277, %mul3A_276 : i32
    %dma_start3A_279 = arith.constant 0 : i32
    %dma_start3A_280 = tpu.memref_slice %arg2[%add3A_278, %dma_start3A_279] : memref<100000x128xf32, #tpu.memory_space<hbm>> -> memref<128x128xf32, #tpu.memory_space<hbm>>
    %dma_start3A_281 = arith.constant 0 : i32
    %dma_start3A_282 = tpu.memref_slice %arg2[%add3A_278, %dma_start3A_281] : memref<100000x128xf32, #tpu.memory_space<hbm>> -> memref<128x128xf32, #tpu.memory_space<hbm>>
    tpu.enqueue_dma source(%dma_start3A_282 : memref<128x128xf32, #tpu.memory_space<hbm>>) target(%arg9 : memref<128x128xf32, #tpu.memory_space<vmem>>) target_semaphore(%arg20 : memref<!tpu.dma_semaphore, #tpu.memory_space<semaphore_mem>>)
    %dma_wait3A_283 = arith.constant 0 : i32
    %dma_wait3A_284 = arith.constant 0 : i32
    %dma_wait3A_285 = tpu.memref_slice %arg2[%dma_wait3A_283, %dma_wait3A_284] : memref<100000x128xf32, #tpu.memory_space<hbm>> -> memref<128x128xf32, #tpu.memory_space<hbm>>
    %dma_wait3A_286 = arith.constant 0 : i32
    %dma_wait3A_287 = arith.constant 0 : i32
    %dma_wait3A_288 = tpu.memref_slice %arg2[%dma_wait3A_286, %dma_wait3A_287] : memref<100000x128xf32, #tpu.memory_space<hbm>> -> memref<128x128xf32, #tpu.memory_space<hbm>>
    tpu.wait_dma2 semaphore(%arg17 : memref<!tpu.dma_semaphore, #tpu.memory_space<semaphore_mem>>) src(%dma_wait3A_288 : memref<128x128xf32, #tpu.memory_space<hbm>>) dst(%arg6 : memref<128x128xf32, #tpu.memory_space<vmem>>)
    %add3A_289 = arith.constant 4 : i32
    %add3A_290 = arith.addi %sub3A_24, %add3A_289 : i32
    %add3A_291 = arith.constant 0 : i32
    %add3A_292 = arith.addi %add3A_290, %add3A_291 : i32
    %dma_start3A_293 = arith.constant 0 : i32
    %dma_start3A_294 = arith.constant 0 : i32
    %dma_start3A_295 = tpu.memref_slice %arg6[%dma_start3A_293, %dma_start3A_294] : memref<128x128xf32, #tpu.memory_space<vmem>> -> memref<128x128xf32, #tpu.memory_space<vmem>>
    %dma_start3A_296 = arith.constant 0 : i32
    %dma_start3A_297 = tpu.memref_slice %arg10[%add3A_292, %dma_start3A_296] : memref<24x128xi32, #tpu.memory_space<vmem>> -> memref<1x128xi32, #tpu.memory_space<vmem>>
    %dma_start3A_298 = tpu.memref_squeeze %dma_start3A_297 : memref<1x128xi32, #tpu.memory_space<vmem>> -> memref<128xi32, #tpu.memory_space<vmem>>
    %dma_start3A_299 = arith.constant 0 : i32
    %dma_start3A_300 = arith.constant 0 : i32
    %dma_start3A_301 = tpu.memref_slice %arg16[%dma_start3A_299, %dma_start3A_300] : memref<512x128xf32, #tpu.memory_space<vmem_shared>> -> memref<512x128xf32, #tpu.memory_space<vmem_shared>>
    tpu.enqueue_indirect_dma source(%dma_start3A_295 : memref<128x128xf32, #tpu.memory_space<vmem>>) target(%dma_start3A_301 : memref<512x128xf32, #tpu.memory_space<vmem_shared>>) offsets(%dma_start3A_298 : memref<128xi32, #tpu.memory_space<vmem>>) semaphore(%arg21 : memref<!tpu.dma_semaphore, #tpu.memory_space<semaphore_mem>>) {add = true}
    %add3A_302 = arith.constant 4 : i32
    %add3A_303 = arith.addi %sub3A_24, %add3A_302 : i32
    %add3A_304 = arith.constant 0 : i32
    %add3A_305 = arith.addi %add3A_303, %add3A_304 : i32
    %dma_wait3A_306 = arith.constant 0 : i32
    %dma_wait3A_307 = arith.constant 0 : i32
    %dma_wait3A_308 = tpu.memref_slice %arg6[%dma_wait3A_306, %dma_wait3A_307] : memref<128x128xf32, #tpu.memory_space<vmem>> -> memref<128x128xf32, #tpu.memory_space<vmem>>
    %dma_wait3A_309 = arith.constant 0 : i32
    %dma_wait3A_310 = tpu.memref_slice %arg10[%add3A_305, %dma_wait3A_309] : memref<24x128xi32, #tpu.memory_space<vmem>> -> memref<1x128xi32, #tpu.memory_space<vmem>>
    %dma_wait3A_311 = tpu.memref_squeeze %dma_wait3A_310 : memref<1x128xi32, #tpu.memory_space<vmem>> -> memref<128xi32, #tpu.memory_space<vmem>>
    %dma_wait3A_312 = arith.constant 0 : i32
    %dma_wait3A_313 = arith.constant 0 : i32
    %dma_wait3A_314 = tpu.memref_slice %arg16[%dma_wait3A_312, %dma_wait3A_313] : memref<512x128xf32, #tpu.memory_space<vmem_shared>> -> memref<512x128xf32, #tpu.memory_space<vmem_shared>>
    tpu.wait_indirect_dma semaphore(%arg21 : memref<!tpu.dma_semaphore, #tpu.memory_space<semaphore_mem>>) src(%dma_wait3A_308 : memref<128x128xf32, #tpu.memory_space<vmem>>) dst(%dma_wait3A_314 : memref<512x128xf32, #tpu.memory_space<vmem_shared>>)
    %mul3A_315 = arith.constant 12 : i32
    %mul3A_316 = arith.muli %add3A, %mul3A_315 : i32
    %add3A_317 = arith.constant 8 : i32
    %add3A_318 = arith.addi %mul3A_316, %add3A_317 : i32
    %mul3A_319 = arith.constant 128 : i32
    %mul3A_320 = arith.muli %add3A_318, %mul3A_319 : i32
    %add3A_321 = arith.constant 49152 : i32
    %add3A_322 = arith.addi %add3A_321, %mul3A_320 : i32
    %dma_start3A_323 = arith.constant 0 : i32
    %dma_start3A_324 = tpu.memref_slice %arg2[%add3A_322, %dma_start3A_323] : memref<100000x128xf32, #tpu.memory_space<hbm>> -> memref<128x128xf32, #tpu.memory_space<hbm>>
    %dma_start3A_325 = arith.constant 0 : i32
    %dma_start3A_326 = tpu.memref_slice %arg2[%add3A_322, %dma_start3A_325] : memref<100000x128xf32, #tpu.memory_space<hbm>> -> memref<128x128xf32, #tpu.memory_space<hbm>>
    tpu.enqueue_dma source(%dma_start3A_326 : memref<128x128xf32, #tpu.memory_space<hbm>>) target(%arg6 : memref<128x128xf32, #tpu.memory_space<vmem>>) target_semaphore(%arg17 : memref<!tpu.dma_semaphore, #tpu.memory_space<semaphore_mem>>)
    %dma_wait3A_327 = arith.constant 0 : i32
    %dma_wait3A_328 = arith.constant 0 : i32
    %dma_wait3A_329 = tpu.memref_slice %arg2[%dma_wait3A_327, %dma_wait3A_328] : memref<100000x128xf32, #tpu.memory_space<hbm>> -> memref<128x128xf32, #tpu.memory_space<hbm>>
    %dma_wait3A_330 = arith.constant 0 : i32
    %dma_wait3A_331 = arith.constant 0 : i32
    %dma_wait3A_332 = tpu.memref_slice %arg2[%dma_wait3A_330, %dma_wait3A_331] : memref<100000x128xf32, #tpu.memory_space<hbm>> -> memref<128x128xf32, #tpu.memory_space<hbm>>
    tpu.wait_dma2 semaphore(%arg18 : memref<!tpu.dma_semaphore, #tpu.memory_space<semaphore_mem>>) src(%dma_wait3A_332 : memref<128x128xf32, #tpu.memory_space<hbm>>) dst(%arg7 : memref<128x128xf32, #tpu.memory_space<vmem>>)
    %add3A_333 = arith.constant 5 : i32
    %add3A_334 = arith.addi %sub3A_24, %add3A_333 : i32
    %add3A_335 = arith.constant 0 : i32
    %add3A_336 = arith.addi %add3A_334, %add3A_335 : i32
    %dma_start3A_337 = arith.constant 0 : i32
    %dma_start3A_338 = arith.constant 0 : i32
    %dma_start3A_339 = tpu.memref_slice %arg7[%dma_start3A_337, %dma_start3A_338] : memref<128x128xf32, #tpu.memory_space<vmem>> -> memref<128x128xf32, #tpu.memory_space<vmem>>
    %dma_start3A_340 = arith.constant 0 : i32
    %dma_start3A_341 = tpu.memref_slice %arg10[%add3A_336, %dma_start3A_340] : memref<24x128xi32, #tpu.memory_space<vmem>> -> memref<1x128xi32, #tpu.memory_space<vmem>>
    %dma_start3A_342 = tpu.memref_squeeze %dma_start3A_341 : memref<1x128xi32, #tpu.memory_space<vmem>> -> memref<128xi32, #tpu.memory_space<vmem>>
    %dma_start3A_343 = arith.constant 0 : i32
    %dma_start3A_344 = arith.constant 0 : i32
    %dma_start3A_345 = tpu.memref_slice %arg16[%dma_start3A_343, %dma_start3A_344] : memref<512x128xf32, #tpu.memory_space<vmem_shared>> -> memref<512x128xf32, #tpu.memory_space<vmem_shared>>
    tpu.enqueue_indirect_dma source(%dma_start3A_339 : memref<128x128xf32, #tpu.memory_space<vmem>>) target(%dma_start3A_345 : memref<512x128xf32, #tpu.memory_space<vmem_shared>>) offsets(%dma_start3A_342 : memref<128xi32, #tpu.memory_space<vmem>>) semaphore(%arg22 : memref<!tpu.dma_semaphore, #tpu.memory_space<semaphore_mem>>) {add = true}
    %add3A_346 = arith.constant 5 : i32
    %add3A_347 = arith.addi %sub3A_24, %add3A_346 : i32
    %add3A_348 = arith.constant 0 : i32
    %add3A_349 = arith.addi %add3A_347, %add3A_348 : i32
    %dma_wait3A_350 = arith.constant 0 : i32
    %dma_wait3A_351 = arith.constant 0 : i32
    %dma_wait3A_352 = tpu.memref_slice %arg7[%dma_wait3A_350, %dma_wait3A_351] : memref<128x128xf32, #tpu.memory_space<vmem>> -> memref<128x128xf32, #tpu.memory_space<vmem>>
    %dma_wait3A_353 = arith.constant 0 : i32
    %dma_wait3A_354 = tpu.memref_slice %arg10[%add3A_349, %dma_wait3A_353] : memref<24x128xi32, #tpu.memory_space<vmem>> -> memref<1x128xi32, #tpu.memory_space<vmem>>
    %dma_wait3A_355 = tpu.memref_squeeze %dma_wait3A_354 : memref<1x128xi32, #tpu.memory_space<vmem>> -> memref<128xi32, #tpu.memory_space<vmem>>
    %dma_wait3A_356 = arith.constant 0 : i32
    %dma_wait3A_357 = arith.constant 0 : i32
    %dma_wait3A_358 = tpu.memref_slice %arg16[%dma_wait3A_356, %dma_wait3A_357] : memref<512x128xf32, #tpu.memory_space<vmem_shared>> -> memref<512x128xf32, #tpu.memory_space<vmem_shared>>
    tpu.wait_indirect_dma semaphore(%arg22 : memref<!tpu.dma_semaphore, #tpu.memory_space<semaphore_mem>>) src(%dma_wait3A_352 : memref<128x128xf32, #tpu.memory_space<vmem>>) dst(%dma_wait3A_358 : memref<512x128xf32, #tpu.memory_space<vmem_shared>>)
    %mul3A_359 = arith.constant 12 : i32
    %mul3A_360 = arith.muli %add3A, %mul3A_359 : i32
    %add3A_361 = arith.constant 9 : i32
    %add3A_362 = arith.addi %mul3A_360, %add3A_361 : i32
    %mul3A_363 = arith.constant 128 : i32
    %mul3A_364 = arith.muli %add3A_362, %mul3A_363 : i32
    %add3A_365 = arith.constant 49152 : i32
    %add3A_366 = arith.addi %add3A_365, %mul3A_364 : i32
    %dma_start3A_367 = arith.constant 0 : i32
    %dma_start3A_368 = tpu.memref_slice %arg2[%add3A_366, %dma_start3A_367] : memref<100000x128xf32, #tpu.memory_space<hbm>> -> memref<128x128xf32, #tpu.memory_space<hbm>>
    %dma_start3A_369 = arith.constant 0 : i32
    %dma_start3A_370 = tpu.memref_slice %arg2[%add3A_366, %dma_start3A_369] : memref<100000x128xf32, #tpu.memory_space<hbm>> -> memref<128x128xf32, #tpu.memory_space<hbm>>
    tpu.enqueue_dma source(%dma_start3A_370 : memref<128x128xf32, #tpu.memory_space<hbm>>) target(%arg7 : memref<128x128xf32, #tpu.memory_space<vmem>>) target_semaphore(%arg18 : memref<!tpu.dma_semaphore, #tpu.memory_space<semaphore_mem>>)
    %dma_wait3A_371 = arith.constant 0 : i32
    %dma_wait3A_372 = arith.constant 0 : i32
    %dma_wait3A_373 = tpu.memref_slice %arg2[%dma_wait3A_371, %dma_wait3A_372] : memref<100000x128xf32, #tpu.memory_space<hbm>> -> memref<128x128xf32, #tpu.memory_space<hbm>>
    %dma_wait3A_374 = arith.constant 0 : i32
    %dma_wait3A_375 = arith.constant 0 : i32
    %dma_wait3A_376 = tpu.memref_slice %arg2[%dma_wait3A_374, %dma_wait3A_375] : memref<100000x128xf32, #tpu.memory_space<hbm>> -> memref<128x128xf32, #tpu.memory_space<hbm>>
    tpu.wait_dma2 semaphore(%arg19 : memref<!tpu.dma_semaphore, #tpu.memory_space<semaphore_mem>>) src(%dma_wait3A_376 : memref<128x128xf32, #tpu.memory_space<hbm>>) dst(%arg8 : memref<128x128xf32, #tpu.memory_space<vmem>>)
    %add3A_377 = arith.constant 6 : i32
    %add3A_378 = arith.addi %sub3A_24, %add3A_377 : i32
    %add3A_379 = arith.constant 0 : i32
    %add3A_380 = arith.addi %add3A_378, %add3A_379 : i32
    %dma_start3A_381 = arith.constant 0 : i32
    %dma_start3A_382 = arith.constant 0 : i32
    %dma_start3A_383 = tpu.memref_slice %arg8[%dma_start3A_381, %dma_start3A_382] : memref<128x128xf32, #tpu.memory_space<vmem>> -> memref<128x128xf32, #tpu.memory_space<vmem>>
    %dma_start3A_384 = arith.constant 0 : i32
    %dma_start3A_385 = tpu.memref_slice %arg10[%add3A_380, %dma_start3A_384] : memref<24x128xi32, #tpu.memory_space<vmem>> -> memref<1x128xi32, #tpu.memory_space<vmem>>
    %dma_start3A_386 = tpu.memref_squeeze %dma_start3A_385 : memref<1x128xi32, #tpu.memory_space<vmem>> -> memref<128xi32, #tpu.memory_space<vmem>>
    %dma_start3A_387 = arith.constant 0 : i32
    %dma_start3A_388 = arith.constant 0 : i32
    %dma_start3A_389 = tpu.memref_slice %arg16[%dma_start3A_387, %dma_start3A_388] : memref<512x128xf32, #tpu.memory_space<vmem_shared>> -> memref<512x128xf32, #tpu.memory_space<vmem_shared>>
    tpu.enqueue_indirect_dma source(%dma_start3A_383 : memref<128x128xf32, #tpu.memory_space<vmem>>) target(%dma_start3A_389 : memref<512x128xf32, #tpu.memory_space<vmem_shared>>) offsets(%dma_start3A_386 : memref<128xi32, #tpu.memory_space<vmem>>) semaphore(%arg23 : memref<!tpu.dma_semaphore, #tpu.memory_space<semaphore_mem>>) {add = true}
    %add3A_390 = arith.constant 6 : i32
    %add3A_391 = arith.addi %sub3A_24, %add3A_390 : i32
    %add3A_392 = arith.constant 0 : i32
    %add3A_393 = arith.addi %add3A_391, %add3A_392 : i32
    %dma_wait3A_394 = arith.constant 0 : i32
    %dma_wait3A_395 = arith.constant 0 : i32
    %dma_wait3A_396 = tpu.memref_slice %arg8[%dma_wait3A_394, %dma_wait3A_395] : memref<128x128xf32, #tpu.memory_space<vmem>> -> memref<128x128xf32, #tpu.memory_space<vmem>>
    %dma_wait3A_397 = arith.constant 0 : i32
    %dma_wait3A_398 = tpu.memref_slice %arg10[%add3A_393, %dma_wait3A_397] : memref<24x128xi32, #tpu.memory_space<vmem>> -> memref<1x128xi32, #tpu.memory_space<vmem>>
    %dma_wait3A_399 = tpu.memref_squeeze %dma_wait3A_398 : memref<1x128xi32, #tpu.memory_space<vmem>> -> memref<128xi32, #tpu.memory_space<vmem>>
    %dma_wait3A_400 = arith.constant 0 : i32
    %dma_wait3A_401 = arith.constant 0 : i32
    %dma_wait3A_402 = tpu.memref_slice %arg16[%dma_wait3A_400, %dma_wait3A_401] : memref<512x128xf32, #tpu.memory_space<vmem_shared>> -> memref<512x128xf32, #tpu.memory_space<vmem_shared>>
    tpu.wait_indirect_dma semaphore(%arg23 : memref<!tpu.dma_semaphore, #tpu.memory_space<semaphore_mem>>) src(%dma_wait3A_396 : memref<128x128xf32, #tpu.memory_space<vmem>>) dst(%dma_wait3A_402 : memref<512x128xf32, #tpu.memory_space<vmem_shared>>)
    %mul3A_403 = arith.constant 12 : i32
    %mul3A_404 = arith.muli %add3A, %mul3A_403 : i32
    %add3A_405 = arith.constant 10 : i32
    %add3A_406 = arith.addi %mul3A_404, %add3A_405 : i32
    %mul3A_407 = arith.constant 128 : i32
    %mul3A_408 = arith.muli %add3A_406, %mul3A_407 : i32
    %add3A_409 = arith.constant 49152 : i32
    %add3A_410 = arith.addi %add3A_409, %mul3A_408 : i32
    %dma_start3A_411 = arith.constant 0 : i32
    %dma_start3A_412 = tpu.memref_slice %arg2[%add3A_410, %dma_start3A_411] : memref<100000x128xf32, #tpu.memory_space<hbm>> -> memref<128x128xf32, #tpu.memory_space<hbm>>
    %dma_start3A_413 = arith.constant 0 : i32
    %dma_start3A_414 = tpu.memref_slice %arg2[%add3A_410, %dma_start3A_413] : memref<100000x128xf32, #tpu.memory_space<hbm>> -> memref<128x128xf32, #tpu.memory_space<hbm>>
    tpu.enqueue_dma source(%dma_start3A_414 : memref<128x128xf32, #tpu.memory_space<hbm>>) target(%arg8 : memref<128x128xf32, #tpu.memory_space<vmem>>) target_semaphore(%arg19 : memref<!tpu.dma_semaphore, #tpu.memory_space<semaphore_mem>>)
    %dma_wait3A_415 = arith.constant 0 : i32
    %dma_wait3A_416 = arith.constant 0 : i32
    %dma_wait3A_417 = tpu.memref_slice %arg2[%dma_wait3A_415, %dma_wait3A_416] : memref<100000x128xf32, #tpu.memory_space<hbm>> -> memref<128x128xf32, #tpu.memory_space<hbm>>
    %dma_wait3A_418 = arith.constant 0 : i32
    %dma_wait3A_419 = arith.constant 0 : i32
    %dma_wait3A_420 = tpu.memref_slice %arg2[%dma_wait3A_418, %dma_wait3A_419] : memref<100000x128xf32, #tpu.memory_space<hbm>> -> memref<128x128xf32, #tpu.memory_space<hbm>>
    tpu.wait_dma2 semaphore(%arg20 : memref<!tpu.dma_semaphore, #tpu.memory_space<semaphore_mem>>) src(%dma_wait3A_420 : memref<128x128xf32, #tpu.memory_space<hbm>>) dst(%arg9 : memref<128x128xf32, #tpu.memory_space<vmem>>)
    %add3A_421 = arith.constant 7 : i32
    %add3A_422 = arith.addi %sub3A_24, %add3A_421 : i32
    %add3A_423 = arith.constant 0 : i32
    %add3A_424 = arith.addi %add3A_422, %add3A_423 : i32
    %dma_start3A_425 = arith.constant 0 : i32
    %dma_start3A_426 = arith.constant 0 : i32
    %dma_start3A_427 = tpu.memref_slice %arg9[%dma_start3A_425, %dma_start3A_426] : memref<128x128xf32, #tpu.memory_space<vmem>> -> memref<128x128xf32, #tpu.memory_space<vmem>>
    %dma_start3A_428 = arith.constant 0 : i32
    %dma_start3A_429 = tpu.memref_slice %arg10[%add3A_424, %dma_start3A_428] : memref<24x128xi32, #tpu.memory_space<vmem>> -> memref<1x128xi32, #tpu.memory_space<vmem>>
    %dma_start3A_430 = tpu.memref_squeeze %dma_start3A_429 : memref<1x128xi32, #tpu.memory_space<vmem>> -> memref<128xi32, #tpu.memory_space<vmem>>
    %dma_start3A_431 = arith.constant 0 : i32
    %dma_start3A_432 = arith.constant 0 : i32
    %dma_start3A_433 = tpu.memref_slice %arg16[%dma_start3A_431, %dma_start3A_432] : memref<512x128xf32, #tpu.memory_space<vmem_shared>> -> memref<512x128xf32, #tpu.memory_space<vmem_shared>>
    tpu.enqueue_indirect_dma source(%dma_start3A_427 : memref<128x128xf32, #tpu.memory_space<vmem>>) target(%dma_start3A_433 : memref<512x128xf32, #tpu.memory_space<vmem_shared>>) offsets(%dma_start3A_430 : memref<128xi32, #tpu.memory_space<vmem>>) semaphore(%arg24 : memref<!tpu.dma_semaphore, #tpu.memory_space<semaphore_mem>>) {add = true}
    %add3A_434 = arith.constant 7 : i32
    %add3A_435 = arith.addi %sub3A_24, %add3A_434 : i32
    %add3A_436 = arith.constant 0 : i32
    %add3A_437 = arith.addi %add3A_435, %add3A_436 : i32
    %dma_wait3A_438 = arith.constant 0 : i32
    %dma_wait3A_439 = arith.constant 0 : i32
    %dma_wait3A_440 = tpu.memref_slice %arg9[%dma_wait3A_438, %dma_wait3A_439] : memref<128x128xf32, #tpu.memory_space<vmem>> -> memref<128x128xf32, #tpu.memory_space<vmem>>
    %dma_wait3A_441 = arith.constant 0 : i32
    %dma_wait3A_442 = tpu.memref_slice %arg10[%add3A_437, %dma_wait3A_441] : memref<24x128xi32, #tpu.memory_space<vmem>> -> memref<1x128xi32, #tpu.memory_space<vmem>>
    %dma_wait3A_443 = tpu.memref_squeeze %dma_wait3A_442 : memref<1x128xi32, #tpu.memory_space<vmem>> -> memref<128xi32, #tpu.memory_space<vmem>>
    %dma_wait3A_444 = arith.constant 0 : i32
    %dma_wait3A_445 = arith.constant 0 : i32
    %dma_wait3A_446 = tpu.memref_slice %arg16[%dma_wait3A_444, %dma_wait3A_445] : memref<512x128xf32, #tpu.memory_space<vmem_shared>> -> memref<512x128xf32, #tpu.memory_space<vmem_shared>>
    tpu.wait_indirect_dma semaphore(%arg24 : memref<!tpu.dma_semaphore, #tpu.memory_space<semaphore_mem>>) src(%dma_wait3A_440 : memref<128x128xf32, #tpu.memory_space<vmem>>) dst(%dma_wait3A_446 : memref<512x128xf32, #tpu.memory_space<vmem_shared>>)
    %mul3A_447 = arith.constant 12 : i32
    %mul3A_448 = arith.muli %add3A, %mul3A_447 : i32
    %add3A_449 = arith.constant 11 : i32
    %add3A_450 = arith.addi %mul3A_448, %add3A_449 : i32
    %mul3A_451 = arith.constant 128 : i32
    %mul3A_452 = arith.muli %add3A_450, %mul3A_451 : i32
    %add3A_453 = arith.constant 49152 : i32
    %add3A_454 = arith.addi %add3A_453, %mul3A_452 : i32
    %dma_start3A_455 = arith.constant 0 : i32
    %dma_start3A_456 = tpu.memref_slice %arg2[%add3A_454, %dma_start3A_455] : memref<100000x128xf32, #tpu.memory_space<hbm>> -> memref<128x128xf32, #tpu.memory_space<hbm>>
    %dma_start3A_457 = arith.constant 0 : i32
    %dma_start3A_458 = tpu.memref_slice %arg2[%add3A_454, %dma_start3A_457] : memref<100000x128xf32, #tpu.memory_space<hbm>> -> memref<128x128xf32, #tpu.memory_space<hbm>>
    tpu.enqueue_dma source(%dma_start3A_458 : memref<128x128xf32, #tpu.memory_space<hbm>>) target(%arg9 : memref<128x128xf32, #tpu.memory_space<vmem>>) target_semaphore(%arg20 : memref<!tpu.dma_semaphore, #tpu.memory_space<semaphore_mem>>)
    %dma_wait3A_459 = arith.constant 0 : i32
    %dma_wait3A_460 = arith.constant 0 : i32
    %dma_wait3A_461 = tpu.memref_slice %arg2[%dma_wait3A_459, %dma_wait3A_460] : memref<100000x128xf32, #tpu.memory_space<hbm>> -> memref<128x128xf32, #tpu.memory_space<hbm>>
    %dma_wait3A_462 = arith.constant 0 : i32
    %dma_wait3A_463 = arith.constant 0 : i32
    %dma_wait3A_464 = tpu.memref_slice %arg2[%dma_wait3A_462, %dma_wait3A_463] : memref<100000x128xf32, #tpu.memory_space<hbm>> -> memref<128x128xf32, #tpu.memory_space<hbm>>
    tpu.wait_dma2 semaphore(%arg17 : memref<!tpu.dma_semaphore, #tpu.memory_space<semaphore_mem>>) src(%dma_wait3A_464 : memref<128x128xf32, #tpu.memory_space<hbm>>) dst(%arg6 : memref<128x128xf32, #tpu.memory_space<vmem>>)
    %add3A_465 = arith.constant 8 : i32
    %add3A_466 = arith.addi %sub3A_24, %add3A_465 : i32
    %add3A_467 = arith.constant 0 : i32
    %add3A_468 = arith.addi %add3A_466, %add3A_467 : i32
    %dma_start3A_469 = arith.constant 0 : i32
    %dma_start3A_470 = arith.constant 0 : i32
    %dma_start3A_471 = tpu.memref_slice %arg6[%dma_start3A_469, %dma_start3A_470] : memref<128x128xf32, #tpu.memory_space<vmem>> -> memref<128x128xf32, #tpu.memory_space<vmem>>
    %dma_start3A_472 = arith.constant 0 : i32
    %dma_start3A_473 = tpu.memref_slice %arg10[%add3A_468, %dma_start3A_472] : memref<24x128xi32, #tpu.memory_space<vmem>> -> memref<1x128xi32, #tpu.memory_space<vmem>>
    %dma_start3A_474 = tpu.memref_squeeze %dma_start3A_473 : memref<1x128xi32, #tpu.memory_space<vmem>> -> memref<128xi32, #tpu.memory_space<vmem>>
    %dma_start3A_475 = arith.constant 0 : i32
    %dma_start3A_476 = arith.constant 0 : i32
    %dma_start3A_477 = tpu.memref_slice %arg16[%dma_start3A_475, %dma_start3A_476] : memref<512x128xf32, #tpu.memory_space<vmem_shared>> -> memref<512x128xf32, #tpu.memory_space<vmem_shared>>
    tpu.enqueue_indirect_dma source(%dma_start3A_471 : memref<128x128xf32, #tpu.memory_space<vmem>>) target(%dma_start3A_477 : memref<512x128xf32, #tpu.memory_space<vmem_shared>>) offsets(%dma_start3A_474 : memref<128xi32, #tpu.memory_space<vmem>>) semaphore(%arg21 : memref<!tpu.dma_semaphore, #tpu.memory_space<semaphore_mem>>) {add = true}
    %dma_wait3A_478 = arith.constant 0 : i32
    %dma_wait3A_479 = arith.constant 0 : i32
    %dma_wait3A_480 = tpu.memref_slice %arg2[%dma_wait3A_478, %dma_wait3A_479] : memref<100000x128xf32, #tpu.memory_space<hbm>> -> memref<128x128xf32, #tpu.memory_space<hbm>>
    %dma_wait3A_481 = arith.constant 0 : i32
    %dma_wait3A_482 = arith.constant 0 : i32
    %dma_wait3A_483 = tpu.memref_slice %arg2[%dma_wait3A_481, %dma_wait3A_482] : memref<100000x128xf32, #tpu.memory_space<hbm>> -> memref<128x128xf32, #tpu.memory_space<hbm>>
    tpu.wait_dma2 semaphore(%arg18 : memref<!tpu.dma_semaphore, #tpu.memory_space<semaphore_mem>>) src(%dma_wait3A_483 : memref<128x128xf32, #tpu.memory_space<hbm>>) dst(%arg7 : memref<128x128xf32, #tpu.memory_space<vmem>>)
    %add3A_484 = arith.constant 9 : i32
    %add3A_485 = arith.addi %sub3A_24, %add3A_484 : i32
    %add3A_486 = arith.constant 0 : i32
    %add3A_487 = arith.addi %add3A_485, %add3A_486 : i32
    %dma_start3A_488 = arith.constant 0 : i32
    %dma_start3A_489 = arith.constant 0 : i32
    %dma_start3A_490 = tpu.memref_slice %arg7[%dma_start3A_488, %dma_start3A_489] : memref<128x128xf32, #tpu.memory_space<vmem>> -> memref<128x128xf32, #tpu.memory_space<vmem>>
    %dma_start3A_491 = arith.constant 0 : i32
    %dma_start3A_492 = tpu.memref_slice %arg10[%add3A_487, %dma_start3A_491] : memref<24x128xi32, #tpu.memory_space<vmem>> -> memref<1x128xi32, #tpu.memory_space<vmem>>
    %dma_start3A_493 = tpu.memref_squeeze %dma_start3A_492 : memref<1x128xi32, #tpu.memory_space<vmem>> -> memref<128xi32, #tpu.memory_space<vmem>>
    %dma_start3A_494 = arith.constant 0 : i32
    %dma_start3A_495 = arith.constant 0 : i32
    %dma_start3A_496 = tpu.memref_slice %arg16[%dma_start3A_494, %dma_start3A_495] : memref<512x128xf32, #tpu.memory_space<vmem_shared>> -> memref<512x128xf32, #tpu.memory_space<vmem_shared>>
    tpu.enqueue_indirect_dma source(%dma_start3A_490 : memref<128x128xf32, #tpu.memory_space<vmem>>) target(%dma_start3A_496 : memref<512x128xf32, #tpu.memory_space<vmem_shared>>) offsets(%dma_start3A_493 : memref<128xi32, #tpu.memory_space<vmem>>) semaphore(%arg22 : memref<!tpu.dma_semaphore, #tpu.memory_space<semaphore_mem>>) {add = true}
    %dma_wait3A_497 = arith.constant 0 : i32
    %dma_wait3A_498 = arith.constant 0 : i32
    %dma_wait3A_499 = tpu.memref_slice %arg2[%dma_wait3A_497, %dma_wait3A_498] : memref<100000x128xf32, #tpu.memory_space<hbm>> -> memref<128x128xf32, #tpu.memory_space<hbm>>
    %dma_wait3A_500 = arith.constant 0 : i32
    %dma_wait3A_501 = arith.constant 0 : i32
    %dma_wait3A_502 = tpu.memref_slice %arg2[%dma_wait3A_500, %dma_wait3A_501] : memref<100000x128xf32, #tpu.memory_space<hbm>> -> memref<128x128xf32, #tpu.memory_space<hbm>>
    tpu.wait_dma2 semaphore(%arg19 : memref<!tpu.dma_semaphore, #tpu.memory_space<semaphore_mem>>) src(%dma_wait3A_502 : memref<128x128xf32, #tpu.memory_space<hbm>>) dst(%arg8 : memref<128x128xf32, #tpu.memory_space<vmem>>)
    %add3A_503 = arith.constant 10 : i32
    %add3A_504 = arith.addi %sub3A_24, %add3A_503 : i32
    %add3A_505 = arith.constant 0 : i32
    %add3A_506 = arith.addi %add3A_504, %add3A_505 : i32
    %dma_start3A_507 = arith.constant 0 : i32
    %dma_start3A_508 = arith.constant 0 : i32
    %dma_start3A_509 = tpu.memref_slice %arg8[%dma_start3A_507, %dma_start3A_508] : memref<128x128xf32, #tpu.memory_space<vmem>> -> memref<128x128xf32, #tpu.memory_space<vmem>>
    %dma_start3A_510 = arith.constant 0 : i32
    %dma_start3A_511 = tpu.memref_slice %arg10[%add3A_506, %dma_start3A_510] : memref<24x128xi32, #tpu.memory_space<vmem>> -> memref<1x128xi32, #tpu.memory_space<vmem>>
    %dma_start3A_512 = tpu.memref_squeeze %dma_start3A_511 : memref<1x128xi32, #tpu.memory_space<vmem>> -> memref<128xi32, #tpu.memory_space<vmem>>
    %dma_start3A_513 = arith.constant 0 : i32
    %dma_start3A_514 = arith.constant 0 : i32
    %dma_start3A_515 = tpu.memref_slice %arg16[%dma_start3A_513, %dma_start3A_514] : memref<512x128xf32, #tpu.memory_space<vmem_shared>> -> memref<512x128xf32, #tpu.memory_space<vmem_shared>>
    tpu.enqueue_indirect_dma source(%dma_start3A_509 : memref<128x128xf32, #tpu.memory_space<vmem>>) target(%dma_start3A_515 : memref<512x128xf32, #tpu.memory_space<vmem_shared>>) offsets(%dma_start3A_512 : memref<128xi32, #tpu.memory_space<vmem>>) semaphore(%arg23 : memref<!tpu.dma_semaphore, #tpu.memory_space<semaphore_mem>>) {add = true}
    %dma_wait3A_516 = arith.constant 0 : i32
    %dma_wait3A_517 = arith.constant 0 : i32
    %dma_wait3A_518 = tpu.memref_slice %arg2[%dma_wait3A_516, %dma_wait3A_517] : memref<100000x128xf32, #tpu.memory_space<hbm>> -> memref<128x128xf32, #tpu.memory_space<hbm>>
    %dma_wait3A_519 = arith.constant 0 : i32
    %dma_wait3A_520 = arith.constant 0 : i32
    %dma_wait3A_521 = tpu.memref_slice %arg2[%dma_wait3A_519, %dma_wait3A_520] : memref<100000x128xf32, #tpu.memory_space<hbm>> -> memref<128x128xf32, #tpu.memory_space<hbm>>
    tpu.wait_dma2 semaphore(%arg20 : memref<!tpu.dma_semaphore, #tpu.memory_space<semaphore_mem>>) src(%dma_wait3A_521 : memref<128x128xf32, #tpu.memory_space<hbm>>) dst(%arg9 : memref<128x128xf32, #tpu.memory_space<vmem>>)
    %add3A_522 = arith.constant 11 : i32
    %add3A_523 = arith.addi %sub3A_24, %add3A_522 : i32
    %add3A_524 = arith.constant 0 : i32
    %add3A_525 = arith.addi %add3A_523, %add3A_524 : i32
    %dma_start3A_526 = arith.constant 0 : i32
    %dma_start3A_527 = arith.constant 0 : i32
    %dma_start3A_528 = tpu.memref_slice %arg9[%dma_start3A_526, %dma_start3A_527] : memref<128x128xf32, #tpu.memory_space<vmem>> -> memref<128x128xf32, #tpu.memory_space<vmem>>
    %dma_start3A_529 = arith.constant 0 : i32
    %dma_start3A_530 = tpu.memref_slice %arg10[%add3A_525, %dma_start3A_529] : memref<24x128xi32, #tpu.memory_space<vmem>> -> memref<1x128xi32, #tpu.memory_space<vmem>>
    %dma_start3A_531 = tpu.memref_squeeze %dma_start3A_530 : memref<1x128xi32, #tpu.memory_space<vmem>> -> memref<128xi32, #tpu.memory_space<vmem>>
    %dma_start3A_532 = arith.constant 0 : i32
    %dma_start3A_533 = arith.constant 0 : i32
    %dma_start3A_534 = tpu.memref_slice %arg16[%dma_start3A_532, %dma_start3A_533] : memref<512x128xf32, #tpu.memory_space<vmem_shared>> -> memref<512x128xf32, #tpu.memory_space<vmem_shared>>
    tpu.enqueue_indirect_dma source(%dma_start3A_528 : memref<128x128xf32, #tpu.memory_space<vmem>>) target(%dma_start3A_534 : memref<512x128xf32, #tpu.memory_space<vmem_shared>>) offsets(%dma_start3A_531 : memref<128xi32, #tpu.memory_space<vmem>>) semaphore(%arg24 : memref<!tpu.dma_semaphore, #tpu.memory_space<semaphore_mem>>) {add = true}
    %add3A_535 = arith.constant 8 : i32
    %add3A_536 = arith.addi %sub3A_24, %add3A_535 : i32
    %add3A_537 = arith.constant 0 : i32
    %add3A_538 = arith.addi %add3A_536, %add3A_537 : i32
    %dma_wait3A_539 = arith.constant 0 : i32
    %dma_wait3A_540 = arith.constant 0 : i32
    %dma_wait3A_541 = tpu.memref_slice %arg6[%dma_wait3A_539, %dma_wait3A_540] : memref<128x128xf32, #tpu.memory_space<vmem>> -> memref<128x128xf32, #tpu.memory_space<vmem>>
    %dma_wait3A_542 = arith.constant 0 : i32
    %dma_wait3A_543 = tpu.memref_slice %arg10[%add3A_538, %dma_wait3A_542] : memref<24x128xi32, #tpu.memory_space<vmem>> -> memref<1x128xi32, #tpu.memory_space<vmem>>
    %dma_wait3A_544 = tpu.memref_squeeze %dma_wait3A_543 : memref<1x128xi32, #tpu.memory_space<vmem>> -> memref<128xi32, #tpu.memory_space<vmem>>
    %dma_wait3A_545 = arith.constant 0 : i32
    %dma_wait3A_546 = arith.constant 0 : i32
    %dma_wait3A_547 = tpu.memref_slice %arg16[%dma_wait3A_545, %dma_wait3A_546] : memref<512x128xf32, #tpu.memory_space<vmem_shared>> -> memref<512x128xf32, #tpu.memory_space<vmem_shared>>
    tpu.wait_indirect_dma semaphore(%arg21 : memref<!tpu.dma_semaphore, #tpu.memory_space<semaphore_mem>>) src(%dma_wait3A_541 : memref<128x128xf32, #tpu.memory_space<vmem>>) dst(%dma_wait3A_547 : memref<512x128xf32, #tpu.memory_space<vmem_shared>>)
    %add3A_548 = arith.constant 9 : i32
    %add3A_549 = arith.addi %sub3A_24, %add3A_548 : i32
    %add3A_550 = arith.constant 0 : i32
    %add3A_551 = arith.addi %add3A_549, %add3A_550 : i32
    %dma_wait3A_552 = arith.constant 0 : i32
    %dma_wait3A_553 = arith.constant 0 : i32
    %dma_wait3A_554 = tpu.memref_slice %arg7[%dma_wait3A_552, %dma_wait3A_553] : memref<128x128xf32, #tpu.memory_space<vmem>> -> memref<128x128xf32, #tpu.memory_space<vmem>>
    %dma_wait3A_555 = arith.constant 0 : i32
    %dma_wait3A_556 = tpu.memref_slice %arg10[%add3A_551, %dma_wait3A_555] : memref<24x128xi32, #tpu.memory_space<vmem>> -> memref<1x128xi32, #tpu.memory_space<vmem>>
    %dma_wait3A_557 = tpu.memref_squeeze %dma_wait3A_556 : memref<1x128xi32, #tpu.memory_space<vmem>> -> memref<128xi32, #tpu.memory_space<vmem>>
    %dma_wait3A_558 = arith.constant 0 : i32
    %dma_wait3A_559 = arith.constant 0 : i32
    %dma_wait3A_560 = tpu.memref_slice %arg16[%dma_wait3A_558, %dma_wait3A_559] : memref<512x128xf32, #tpu.memory_space<vmem_shared>> -> memref<512x128xf32, #tpu.memory_space<vmem_shared>>
    tpu.wait_indirect_dma semaphore(%arg22 : memref<!tpu.dma_semaphore, #tpu.memory_space<semaphore_mem>>) src(%dma_wait3A_554 : memref<128x128xf32, #tpu.memory_space<vmem>>) dst(%dma_wait3A_560 : memref<512x128xf32, #tpu.memory_space<vmem_shared>>)
    %add3A_561 = arith.constant 10 : i32
    %add3A_562 = arith.addi %sub3A_24, %add3A_561 : i32
    %add3A_563 = arith.constant 0 : i32
    %add3A_564 = arith.addi %add3A_562, %add3A_563 : i32
    %dma_wait3A_565 = arith.constant 0 : i32
    %dma_wait3A_566 = arith.constant 0 : i32
    %dma_wait3A_567 = tpu.memref_slice %arg8[%dma_wait3A_565, %dma_wait3A_566] : memref<128x128xf32, #tpu.memory_space<vmem>> -> memref<128x128xf32, #tpu.memory_space<vmem>>
    %dma_wait3A_568 = arith.constant 0 : i32
    %dma_wait3A_569 = tpu.memref_slice %arg10[%add3A_564, %dma_wait3A_568] : memref<24x128xi32, #tpu.memory_space<vmem>> -> memref<1x128xi32, #tpu.memory_space<vmem>>
    %dma_wait3A_570 = tpu.memref_squeeze %dma_wait3A_569 : memref<1x128xi32, #tpu.memory_space<vmem>> -> memref<128xi32, #tpu.memory_space<vmem>>
    %dma_wait3A_571 = arith.constant 0 : i32
    %dma_wait3A_572 = arith.constant 0 : i32
    %dma_wait3A_573 = tpu.memref_slice %arg16[%dma_wait3A_571, %dma_wait3A_572] : memref<512x128xf32, #tpu.memory_space<vmem_shared>> -> memref<512x128xf32, #tpu.memory_space<vmem_shared>>
    tpu.wait_indirect_dma semaphore(%arg23 : memref<!tpu.dma_semaphore, #tpu.memory_space<semaphore_mem>>) src(%dma_wait3A_567 : memref<128x128xf32, #tpu.memory_space<vmem>>) dst(%dma_wait3A_573 : memref<512x128xf32, #tpu.memory_space<vmem_shared>>)
    %add3A_574 = arith.constant 11 : i32
    %add3A_575 = arith.addi %sub3A_24, %add3A_574 : i32
    %add3A_576 = arith.constant 0 : i32
    %add3A_577 = arith.addi %add3A_575, %add3A_576 : i32
    %dma_wait3A_578 = arith.constant 0 : i32
    %dma_wait3A_579 = arith.constant 0 : i32
    %dma_wait3A_580 = tpu.memref_slice %arg9[%dma_wait3A_578, %dma_wait3A_579] : memref<128x128xf32, #tpu.memory_space<vmem>> -> memref<128x128xf32, #tpu.memory_space<vmem>>
    %dma_wait3A_581 = arith.constant 0 : i32
    %dma_wait3A_582 = tpu.memref_slice %arg10[%add3A_577, %dma_wait3A_581] : memref<24x128xi32, #tpu.memory_space<vmem>> -> memref<1x128xi32, #tpu.memory_space<vmem>>
    %dma_wait3A_583 = tpu.memref_squeeze %dma_wait3A_582 : memref<1x128xi32, #tpu.memory_space<vmem>> -> memref<128xi32, #tpu.memory_space<vmem>>
    %dma_wait3A_584 = arith.constant 0 : i32
    %dma_wait3A_585 = arith.constant 0 : i32
    %dma_wait3A_586 = tpu.memref_slice %arg16[%dma_wait3A_584, %dma_wait3A_585] : memref<512x128xf32, #tpu.memory_space<vmem_shared>> -> memref<512x128xf32, #tpu.memory_space<vmem_shared>>
    tpu.wait_indirect_dma semaphore(%arg24 : memref<!tpu.dma_semaphore, #tpu.memory_space<semaphore_mem>>) src(%dma_wait3A_580 : memref<128x128xf32, #tpu.memory_space<vmem>>) dst(%dma_wait3A_586 : memref<512x128xf32, #tpu.memory_space<vmem_shared>>)
    %dma_wait3A_587 = tpu.memref_slice %arg3[%add3A_31] : memref<100000xi32, #tpu.memory_space<hbm>> -> memref<32xi32, #tpu.memory_space<hbm>>
    %dma_wait3A_588 = tpu.memref_slice %arg3[%add3A_31] : memref<100000xi32, #tpu.memory_space<hbm>> -> memref<32xi32, #tpu.memory_space<hbm>>
    tpu.wait_dma2 semaphore(%arg26 : memref<!tpu.dma_semaphore, #tpu.memory_space<semaphore_mem>>) src(%dma_wait3A_588 : memref<32xi32, #tpu.memory_space<hbm>>) dst(%arg13 : memref<32xi32, #tpu.memory_space<vmem>>)
    %dma_wait3A_589 = arith.constant 0 : i32
    %dma_wait3A_590 = tpu.memref_slice %arg2[%add3A_31, %dma_wait3A_589] : memref<100000x128xf32, #tpu.memory_space<hbm>> -> memref<32x128xf32, #tpu.memory_space<hbm>>
    %dma_wait3A_591 = arith.constant 0 : i32
    %dma_wait3A_592 = tpu.memref_slice %arg2[%add3A_31, %dma_wait3A_591] : memref<100000x128xf32, #tpu.memory_space<hbm>> -> memref<32x128xf32, #tpu.memory_space<hbm>>
    tpu.wait_dma2 semaphore(%arg26 : memref<!tpu.dma_semaphore, #tpu.memory_space<semaphore_mem>>) src(%dma_wait3A_592 : memref<32x128xf32, #tpu.memory_space<hbm>>) dst(%arg11 : memref<32x128xf32, #tpu.memory_space<vmem>>)
    %dma_start3A_593 = arith.constant 0 : i32
    %dma_start3A_594 = arith.constant 0 : i32
    %dma_start3A_595 = tpu.memref_slice %arg16[%dma_start3A_593, %dma_start3A_594] : memref<512x128xf32, #tpu.memory_space<vmem_shared>> -> memref<512x128xf32, #tpu.memory_space<vmem_shared>>
    tpu.enqueue_indirect_dma source(%arg11 : memref<32x128xf32, #tpu.memory_space<vmem>>) target(%dma_start3A_595 : memref<512x128xf32, #tpu.memory_space<vmem_shared>>) offsets(%arg13 : memref<32xi32, #tpu.memory_space<vmem>>) semaphore(%arg27 : memref<!tpu.dma_semaphore, #tpu.memory_space<semaphore_mem>>) {add = true}
    %convert_element_type3A_596 = arith.extui %lt3A_1 : i1 to i32
    %cond3A_597 = arith.constant 0 : i32
    %cond3A_598 = arith.cmpi ne, %convert_element_type3A_596, %cond3A_597 : i32
    scf.if %cond3A_598 {
      %dma_wait3A_607 = tpu.memref_slice %arg3[%add3A_37] : memref<100000xi32, #tpu.memory_space<hbm>> -> memref<32xi32, #tpu.memory_space<hbm>>
      %dma_wait3A_608 = tpu.memref_slice %arg3[%add3A_37] : memref<100000xi32, #tpu.memory_space<hbm>> -> memref<32xi32, #tpu.memory_space<hbm>>
      tpu.wait_dma2 semaphore(%arg26 : memref<!tpu.dma_semaphore, #tpu.memory_space<semaphore_mem>>) src(%dma_wait3A_608 : memref<32xi32, #tpu.memory_space<hbm>>) dst(%arg14 : memref<32xi32, #tpu.memory_space<vmem>>)
      %dma_wait3A_609 = arith.constant 0 : i32
      %dma_wait3A_610 = tpu.memref_slice %arg2[%add3A_37, %dma_wait3A_609] : memref<100000x128xf32, #tpu.memory_space<hbm>> -> memref<32x128xf32, #tpu.memory_space<hbm>>
      %dma_wait3A_611 = arith.constant 0 : i32
      %dma_wait3A_612 = tpu.memref_slice %arg2[%add3A_37, %dma_wait3A_611] : memref<100000x128xf32, #tpu.memory_space<hbm>> -> memref<32x128xf32, #tpu.memory_space<hbm>>
      tpu.wait_dma2 semaphore(%arg26 : memref<!tpu.dma_semaphore, #tpu.memory_space<semaphore_mem>>) src(%dma_wait3A_612 : memref<32x128xf32, #tpu.memory_space<hbm>>) dst(%arg12 : memref<32x128xf32, #tpu.memory_space<vmem>>)
      %dma_start3A_613 = arith.constant 0 : i32
      %dma_start3A_614 = arith.constant 0 : i32
      %dma_start3A_615 = tpu.memref_slice %arg16[%dma_start3A_613, %dma_start3A_614] : memref<512x128xf32, #tpu.memory_space<vmem_shared>> -> memref<512x128xf32, #tpu.memory_space<vmem_shared>>
      tpu.enqueue_indirect_dma source(%arg12 : memref<32x128xf32, #tpu.memory_space<vmem>>) target(%dma_start3A_615 : memref<512x128xf32, #tpu.memory_space<vmem_shared>>) offsets(%arg14 : memref<32xi32, #tpu.memory_space<vmem>>) semaphore(%arg27 : memref<!tpu.dma_semaphore, #tpu.memory_space<semaphore_mem>>) {add = true}
      %dma_wait3A_616 = arith.constant 0 : i32
      %dma_wait3A_617 = arith.constant 0 : i32
      %dma_wait3A_618 = tpu.memref_slice %arg16[%dma_wait3A_616, %dma_wait3A_617] : memref<512x128xf32, #tpu.memory_space<vmem_shared>> -> memref<512x128xf32, #tpu.memory_space<vmem_shared>>
      tpu.wait_indirect_dma semaphore(%arg27 : memref<!tpu.dma_semaphore, #tpu.memory_space<semaphore_mem>>) src(%arg12 : memref<32x128xf32, #tpu.memory_space<vmem>>) dst(%dma_wait3A_618 : memref<512x128xf32, #tpu.memory_space<vmem_shared>>)
    } else {
    }
    %dma_wait3A_599 = arith.constant 0 : i32
    %dma_wait3A_600 = arith.constant 0 : i32
    %dma_wait3A_601 = tpu.memref_slice %arg16[%dma_wait3A_599, %dma_wait3A_600] : memref<512x128xf32, #tpu.memory_space<vmem_shared>> -> memref<512x128xf32, #tpu.memory_space<vmem_shared>>
    tpu.wait_indirect_dma semaphore(%arg27 : memref<!tpu.dma_semaphore, #tpu.memory_space<semaphore_mem>>) src(%arg11 : memref<32x128xf32, #tpu.memory_space<vmem>>) dst(%dma_wait3A_601 : memref<512x128xf32, #tpu.memory_space<vmem_shared>>)
    %barrier3A_602 = arith.constant 0 : index
    tpu.barrier barrier_id(%barrier3A_602)
    %mul3A_603 = arith.constant 32 : i32
    %mul3A_604 = arith.muli %arg1, %mul3A_603 : i32
    %mul3A_605 = arith.constant 32 : i32
    %mul3A_606 = arith.muli %arg1, %mul3A_605 : i32
    "tpu.region"() ({
      %run_scoped3A = tpu.sem_alloc : memref<!tpu.dma_semaphore, #tpu.memory_space<semaphore_mem>>
      %dma_start3A_607 = arith.constant 0 : i32
      %dma_start3A_608 = tpu.memref_slice %arg5[%arg0, %mul3A_606, %dma_start3A_607] : memref<2x512x128xf32, #tpu.memory_space<hbm>> -> memref<1x32x128xf32, #tpu.memory_space<hbm>>
      %dma_start3A_609 = tpu.memref_squeeze %dma_start3A_608 : memref<1x32x128xf32, #tpu.memory_space<hbm>> -> memref<32x128xf32, #tpu.memory_space<hbm>>
      %dma_start3A_610 = arith.constant 0 : i32
      %dma_start3A_611 = tpu.memref_slice %arg16[%mul3A_604, %dma_start3A_610] : memref<512x128xf32, #tpu.memory_space<vmem_shared>> -> memref<32x128xf32, #tpu.memory_space<vmem_shared>>
      tpu.enqueue_dma source(%dma_start3A_611 : memref<32x128xf32, #tpu.memory_space<vmem_shared>>) target(%dma_start3A_609 : memref<32x128xf32, #tpu.memory_space<hbm>>) target_semaphore(%run_scoped3A : memref<!tpu.dma_semaphore, #tpu.memory_space<semaphore_mem>>)
      %dma_wait3A_612 = arith.constant 0 : i32
      %dma_wait3A_613 = tpu.memref_slice %arg5[%arg0, %mul3A_606, %dma_wait3A_612] : memref<2x512x128xf32, #tpu.memory_space<hbm>> -> memref<1x32x128xf32, #tpu.memory_space<hbm>>
      %dma_wait3A_614 = tpu.memref_squeeze %dma_wait3A_613 : memref<1x32x128xf32, #tpu.memory_space<hbm>> -> memref<32x128xf32, #tpu.memory_space<hbm>>
      %dma_wait3A_615 = arith.constant 0 : i32
      %dma_wait3A_616 = tpu.memref_slice %arg16[%mul3A_604, %dma_wait3A_615] : memref<512x128xf32, #tpu.memory_space<vmem_shared>> -> memref<32x128xf32, #tpu.memory_space<vmem_shared>>
      tpu.wait_dma2 semaphore(%run_scoped3A : memref<!tpu.dma_semaphore, #tpu.memory_space<semaphore_mem>>) src(%dma_wait3A_616 : memref<32x128xf32, #tpu.memory_space<vmem_shared>>) dst(%dma_wait3A_614 : memref<32x128xf32, #tpu.memory_space<hbm>>)
      tpu.yield
    }) : () -> ()
    return
  }
}

module attributes {stable_mosaic.version = 14 : i64} {
  func.func @body(%arg0: memref<2x512x128xf32, #tpu.memory_space<vmem>>, %arg1: memref<512x128xf32, #tpu.memory_space<vmem>>, %arg2: memref<512x128xf32, #tpu.memory_space<vmem>>) attributes {dimension_semantics = [], scalar_prefetch = 0 : i64, scratch_operands = 0 : i64, tpu.core_type = #tpu.core_type<tc>} {
    %get3A = arith.constant 0 : index
    %get3A_0 = arith.constant 0 : index
    %get3A_1 = arith.constant 0 : index
    %get3A_2 = vector.load %arg0[%get3A, %get3A_0, %get3A_1] : memref<2x512x128xf32, #tpu.memory_space<vmem>>, vector<1x512x128xf32>
    %get3A_3 = vector.shape_cast %get3A_2 : vector<1x512x128xf32> to vector<512x128xf32>
    %get3A_4 = arith.constant 1 : index
    %get3A_5 = arith.constant 0 : index
    %get3A_6 = arith.constant 0 : index
    %get3A_7 = vector.load %arg0[%get3A_4, %get3A_5, %get3A_6] : memref<2x512x128xf32, #tpu.memory_space<vmem>>, vector<1x512x128xf32>
    %get3A_8 = vector.shape_cast %get3A_7 : vector<1x512x128xf32> to vector<512x128xf32>
    %add3A = arith.addf %get3A_3, %get3A_8 : vector<512x128xf32>
    %get3A_9 = arith.constant 0 : index
    %get3A_10 = arith.constant 0 : index
    %get3A_11 = vector.load %arg1[%get3A_9, %get3A_10] : memref<512x128xf32, #tpu.memory_space<vmem>>, vector<512x128xf32>
    %add3A_12 = arith.addf %add3A, %get3A_11 : vector<512x128xf32>
    %swap3A = arith.constant 0 : index
    %swap3A_13 = arith.constant 0 : index
    %swap3A_14 = vector.load %arg2[%swap3A, %swap3A_13] : memref<512x128xf32, #tpu.memory_space<vmem>>, vector<512x128xf32>
    tpu.vector_store %arg2[%swap3A, %swap3A_13], %add3A_12 {strides = array<i32>} : memref<512x128xf32, #tpu.memory_space<vmem>>, vector<512x128xf32>,
    return
  }
}

module attributes {stable_mosaic.version = 14 : i64} {
  func.func @body(%arg0: i32, %arg1: memref<16x1x512xi32, #tpu.memory_space<vmem>>, %arg2: memref<8192x128xf32, #tpu.memory_space<vmem>>, %arg3: memref<512x128xf32, #tpu.memory_space<vmem>>, %arg4: memref<64x8192xbf16, #tpu.memory_space<vmem>>, %arg5: memref<8192x128xbf16, #tpu.memory_space<vmem>>, %arg6: memref<8192x128xbf16, #tpu.memory_space<vmem>>) attributes {dimension_semantics = [#tpu.dimension_semantics<arbitrary>], iteration_bounds = array<i64: 6>, scalar_prefetch = 0 : i64, scratch_operands = 3 : i64, tpu.core_type = #tpu.core_type<tc>, window_params = [{transform_indices = @transform_0, window_bounds = array<i64: 16, 1, 512>}, {transform_indices = @transform_1, window_bounds = array<i64: 8192, 128>}, {pipeline_mode = #tpu.pipeline_mode<synchronous>, transform_indices = @transform_2, window_bounds = array<i64: 512, 128>}]} {
    %eq3A = arith.constant 0 : i32
    %eq3A_0 = arith.cmpi eq, %arg0, %eq3A : i32
    %convert_element_type3A = arith.extui %eq3A_0 : i1 to i32
    %cond3A = arith.constant 0 : i32
    %cond3A_1 = arith.cmpi ne, %convert_element_type3A, %cond3A : i32
    scf.if %cond3A_1 {
      %broadcast_in_dim3A = arith.constant 0.000000e+00 : f32
      %broadcast_in_dim3A_89 = vector.broadcast %broadcast_in_dim3A : f32 to vector<512x128xf32>
      %swap3A_90 = arith.constant 0 : index
      %swap3A_91 = arith.constant 0 : index
      %swap3A_92 = vector.load %arg3[%swap3A_90, %swap3A_91] : memref<512x128xf32, #tpu.memory_space<vmem>>, vector<512x128xf32>
      tpu.vector_store %arg3[%swap3A_90, %swap3A_91], %broadcast_in_dim3A_89 {strides = array<i32>} : memref<512x128xf32, #tpu.memory_space<vmem>>, vector<512x128xf32>,
    } else {
    }
    %get3A = arith.constant 0 : index
    %get3A_2 = arith.constant 0 : index
    %get3A_3 = vector.load %arg2[%get3A, %get3A_2] : memref<8192x128xf32, #tpu.memory_space<vmem>>, vector<8192x128xf32>
    %convert_element_type3A_4 = arith.truncf %get3A_3 : vector<8192x128xf32> to vector<8192x128xbf16>
    %swap3A = arith.constant 0 : index
    %swap3A_5 = arith.constant 0 : index
    %swap3A_6 = vector.load %arg5[%swap3A, %swap3A_5] : memref<8192x128xbf16, #tpu.memory_space<vmem>>, vector<8192x128xbf16>
    tpu.vector_store %arg5[%swap3A, %swap3A_5], %convert_element_type3A_4 {strides = array<i32>} : memref<8192x128xbf16, #tpu.memory_space<vmem>>, vector<8192x128xbf16>,
    %get3A_7 = arith.constant 0 : index
    %get3A_8 = arith.constant 0 : index
    %get3A_9 = vector.load %arg2[%get3A_7, %get3A_8] : memref<8192x128xf32, #tpu.memory_space<vmem>>, vector<8192x128xf32>
    %get3A_10 = arith.constant 0 : index
    %get3A_11 = arith.constant 0 : index
    %get3A_12 = vector.load %arg5[%get3A_10, %get3A_11] : memref<8192x128xbf16, #tpu.memory_space<vmem>>, vector<8192x128xbf16>
    %convert_element_type3A_13 = arith.extf %get3A_12 : vector<8192x128xbf16> to vector<8192x128xf32>
    %sub3A = arith.subf %get3A_9, %convert_element_type3A_13 : vector<8192x128xf32>
    %convert_element_type3A_14 = arith.truncf %sub3A : vector<8192x128xf32> to vector<8192x128xbf16>
    %swap3A_15 = arith.constant 0 : index
    %swap3A_16 = arith.constant 0 : index
    %swap3A_17 = vector.load %arg6[%swap3A_15, %swap3A_16] : memref<8192x128xbf16, #tpu.memory_space<vmem>>, vector<8192x128xbf16>
    tpu.vector_store %arg6[%swap3A_15, %swap3A_16], %convert_element_type3A_14 {strides = array<i32>} : memref<8192x128xbf16, #tpu.memory_space<vmem>>, vector<8192x128xbf16>,
    %get3A_18 = arith.constant 0 : index
    %get3A_19 = arith.constant 0 : index
    %get3A_20 = arith.constant 0 : index
    %get3A_21 = vector.load %arg1[%get3A_18, %get3A_19, %get3A_20] : memref<16x1x512xi32, #tpu.memory_space<vmem>>, vector<1x1x1xi32>
    %get3A_22 = vector.extract %get3A_21[0, 0, 0] : i32 from vector<1x1x1xi32>
    %get3A_23 = arith.constant 15 : index
    %get3A_24 = arith.constant 0 : index
    %get3A_25 = arith.constant 511 : index
    %get3A_26 = vector.load %arg1[%get3A_23, %get3A_24, %get3A_25] : memref<16x1x512xi32, #tpu.memory_space<vmem>>, vector<1x1x1xi32>
    %get3A_27 = vector.extract %get3A_26[0, 0, 0] : i32 from vector<1x1x1xi32>
    %ge3A = arith.constant 0 : i32
    %ge3A_28 = arith.cmpi sge, %get3A_27, %ge3A : i32
    %lt3A = arith.constant 64 : i32
    %lt3A_29 = arith.cmpi slt, %get3A_22, %lt3A : i32
    %and3A = arith.andi %ge3A_28, %lt3A_29 : i1
    %convert_element_type3A_30 = arith.extui %and3A : i1 to i32
    %cond3A_31 = arith.constant 0 : i32
    %cond3A_32 = arith.cmpi ne, %convert_element_type3A_30, %cond3A_31 : i32
    scf.if %cond3A_32 {
      %get3A_89 = arith.constant 0 : index
      %get3A_90 = arith.constant 0 : index
      %get3A_91 = arith.constant 0 : index
      %get3A_92 = vector.load %arg1[%get3A_89, %get3A_90, %get3A_91] : memref<16x1x512xi32, #tpu.memory_space<vmem>>, vector<1x1x512xi32>
      %get3A_93 = vector.shape_cast %get3A_92 : vector<1x1x512xi32> to vector<512xi32>
      %iota3A = tpu.iota {dimensions = array<i32: 0>} : vector<64x512xi32>
      %add3A = arith.constant 0 : i32
      %add3A_94 = vector.broadcast %add3A : i32 to vector<64x512xi32>
      %add3A_95 = arith.addi %iota3A, %add3A_94 : vector<64x512xi32>
      %broadcast_in_dim3A = vector.shape_cast %get3A_93 : vector<512xi32> to vector<1x512xi32>
      %eq3A_96 = vector.broadcast %broadcast_in_dim3A : vector<1x512xi32> to vector<64x512xi32>
      %eq3A_97 = arith.cmpi eq, %add3A_95, %eq3A_96 : vector<64x512xi32>
      %convert_element_type3A_98 = arith.extui %eq3A_97 : vector<64x512xi1> to vector<64x512xi32>
      %convert_element_type3A_99 = arith.sitofp %convert_element_type3A_98 : vector<64x512xi32> to vector<64x512xf32>
      %convert_element_type3A_100 = arith.truncf %convert_element_type3A_99 : vector<64x512xf32> to vector<64x512xbf16>
      %swap3A_101 = arith.constant 0 : index
      %swap3A_102 = arith.constant 0 : index
      %swap3A_103 = vector.load %arg4[%swap3A_101, %swap3A_102] : memref<64x8192xbf16, #tpu.memory_space<vmem>>, vector<64x512xbf16>
      tpu.vector_store %arg4[%swap3A_101, %swap3A_102], %convert_element_type3A_100 {strides = array<i32>} : memref<64x8192xbf16, #tpu.memory_space<vmem>>, vector<64x512xbf16>,
      %get3A_104 = arith.constant 1 : index
      %get3A_105 = arith.constant 0 : index
      %get3A_106 = arith.constant 0 : index
      %get3A_107 = vector.load %arg1[%get3A_104, %get3A_105, %get3A_106] : memref<16x1x512xi32, #tpu.memory_space<vmem>>, vector<1x1x512xi32>
      %get3A_108 = vector.shape_cast %get3A_107 : vector<1x1x512xi32> to vector<512xi32>
      %iota3A_109 = tpu.iota {dimensions = array<i32: 0>} : vector<64x512xi32>
      %add3A_110 = arith.constant 0 : i32
      %add3A_111 = vector.broadcast %add3A_110 : i32 to vector<64x512xi32>
      %add3A_112 = arith.addi %iota3A_109, %add3A_111 : vector<64x512xi32>
      %broadcast_in_dim3A_113 = vector.shape_cast %get3A_108 : vector<512xi32> to vector<1x512xi32>
      %eq3A_114 = vector.broadcast %broadcast_in_dim3A_113 : vector<1x512xi32> to vector<64x512xi32>
      %eq3A_115 = arith.cmpi eq, %add3A_112, %eq3A_114 : vector<64x512xi32>
      %convert_element_type3A_116 = arith.extui %eq3A_115 : vector<64x512xi1> to vector<64x512xi32>
      %convert_element_type3A_117 = arith.sitofp %convert_element_type3A_116 : vector<64x512xi32> to vector<64x512xf32>
      %convert_element_type3A_118 = arith.truncf %convert_element_type3A_117 : vector<64x512xf32> to vector<64x512xbf16>
      %swap3A_119 = arith.constant 0 : index
      %swap3A_120 = arith.constant 512 : index
      %swap3A_121 = vector.load %arg4[%swap3A_119, %swap3A_120] : memref<64x8192xbf16, #tpu.memory_space<vmem>>, vector<64x512xbf16>
      tpu.vector_store %arg4[%swap3A_119, %swap3A_120], %convert_element_type3A_118 {strides = array<i32>} : memref<64x8192xbf16, #tpu.memory_space<vmem>>, vector<64x512xbf16>,
      %get3A_122 = arith.constant 2 : index
      %get3A_123 = arith.constant 0 : index
      %get3A_124 = arith.constant 0 : index
      %get3A_125 = vector.load %arg1[%get3A_122, %get3A_123, %get3A_124] : memref<16x1x512xi32, #tpu.memory_space<vmem>>, vector<1x1x512xi32>
      %get3A_126 = vector.shape_cast %get3A_125 : vector<1x1x512xi32> to vector<512xi32>
      %iota3A_127 = tpu.iota {dimensions = array<i32: 0>} : vector<64x512xi32>
      %add3A_128 = arith.constant 0 : i32
      %add3A_129 = vector.broadcast %add3A_128 : i32 to vector<64x512xi32>
      %add3A_130 = arith.addi %iota3A_127, %add3A_129 : vector<64x512xi32>
      %broadcast_in_dim3A_131 = vector.shape_cast %get3A_126 : vector<512xi32> to vector<1x512xi32>
      %eq3A_132 = vector.broadcast %broadcast_in_dim3A_131 : vector<1x512xi32> to vector<64x512xi32>
      %eq3A_133 = arith.cmpi eq, %add3A_130, %eq3A_132 : vector<64x512xi32>
      %convert_element_type3A_134 = arith.extui %eq3A_133 : vector<64x512xi1> to vector<64x512xi32>
      %convert_element_type3A_135 = arith.sitofp %convert_element_type3A_134 : vector<64x512xi32> to vector<64x512xf32>
      %convert_element_type3A_136 = arith.truncf %convert_element_type3A_135 : vector<64x512xf32> to vector<64x512xbf16>
      %swap3A_137 = arith.constant 0 : index
      %swap3A_138 = arith.constant 1024 : index
      %swap3A_139 = vector.load %arg4[%swap3A_137, %swap3A_138] : memref<64x8192xbf16, #tpu.memory_space<vmem>>, vector<64x512xbf16>
      tpu.vector_store %arg4[%swap3A_137, %swap3A_138], %convert_element_type3A_136 {strides = array<i32>} : memref<64x8192xbf16, #tpu.memory_space<vmem>>, vector<64x512xbf16>,
      %get3A_140 = arith.constant 3 : index
      %get3A_141 = arith.constant 0 : index
      %get3A_142 = arith.constant 0 : index
      %get3A_143 = vector.load %arg1[%get3A_140, %get3A_141, %get3A_142] : memref<16x1x512xi32, #tpu.memory_space<vmem>>, vector<1x1x512xi32>
      %get3A_144 = vector.shape_cast %get3A_143 : vector<1x1x512xi32> to vector<512xi32>
      %iota3A_145 = tpu.iota {dimensions = array<i32: 0>} : vector<64x512xi32>
      %add3A_146 = arith.constant 0 : i32
      %add3A_147 = vector.broadcast %add3A_146 : i32 to vector<64x512xi32>
      %add3A_148 = arith.addi %iota3A_145, %add3A_147 : vector<64x512xi32>
      %broadcast_in_dim3A_149 = vector.shape_cast %get3A_144 : vector<512xi32> to vector<1x512xi32>
      %eq3A_150 = vector.broadcast %broadcast_in_dim3A_149 : vector<1x512xi32> to vector<64x512xi32>
      %eq3A_151 = arith.cmpi eq, %add3A_148, %eq3A_150 : vector<64x512xi32>
      %convert_element_type3A_152 = arith.extui %eq3A_151 : vector<64x512xi1> to vector<64x512xi32>
      %convert_element_type3A_153 = arith.sitofp %convert_element_type3A_152 : vector<64x512xi32> to vector<64x512xf32>
      %convert_element_type3A_154 = arith.truncf %convert_element_type3A_153 : vector<64x512xf32> to vector<64x512xbf16>
      %swap3A_155 = arith.constant 0 : index
      %swap3A_156 = arith.constant 1536 : index
      %swap3A_157 = vector.load %arg4[%swap3A_155, %swap3A_156] : memref<64x8192xbf16, #tpu.memory_space<vmem>>, vector<64x512xbf16>
      tpu.vector_store %arg4[%swap3A_155, %swap3A_156], %convert_element_type3A_154 {strides = array<i32>} : memref<64x8192xbf16, #tpu.memory_space<vmem>>, vector<64x512xbf16>,
      %get3A_158 = arith.constant 4 : index
      %get3A_159 = arith.constant 0 : index
      %get3A_160 = arith.constant 0 : index
      %get3A_161 = vector.load %arg1[%get3A_158, %get3A_159, %get3A_160] : memref<16x1x512xi32, #tpu.memory_space<vmem>>, vector<1x1x512xi32>
      %get3A_162 = vector.shape_cast %get3A_161 : vector<1x1x512xi32> to vector<512xi32>
      %iota3A_163 = tpu.iota {dimensions = array<i32: 0>} : vector<64x512xi32>
      %add3A_164 = arith.constant 0 : i32
      %add3A_165 = vector.broadcast %add3A_164 : i32 to vector<64x512xi32>
      %add3A_166 = arith.addi %iota3A_163, %add3A_165 : vector<64x512xi32>
      %broadcast_in_dim3A_167 = vector.shape_cast %get3A_162 : vector<512xi32> to vector<1x512xi32>
      %eq3A_168 = vector.broadcast %broadcast_in_dim3A_167 : vector<1x512xi32> to vector<64x512xi32>
      %eq3A_169 = arith.cmpi eq, %add3A_166, %eq3A_168 : vector<64x512xi32>
      %convert_element_type3A_170 = arith.extui %eq3A_169 : vector<64x512xi1> to vector<64x512xi32>
      %convert_element_type3A_171 = arith.sitofp %convert_element_type3A_170 : vector<64x512xi32> to vector<64x512xf32>
      %convert_element_type3A_172 = arith.truncf %convert_element_type3A_171 : vector<64x512xf32> to vector<64x512xbf16>
      %swap3A_173 = arith.constant 0 : index
      %swap3A_174 = arith.constant 2048 : index
      %swap3A_175 = vector.load %arg4[%swap3A_173, %swap3A_174] : memref<64x8192xbf16, #tpu.memory_space<vmem>>, vector<64x512xbf16>
      tpu.vector_store %arg4[%swap3A_173, %swap3A_174], %convert_element_type3A_172 {strides = array<i32>} : memref<64x8192xbf16, #tpu.memory_space<vmem>>, vector<64x512xbf16>,
      %get3A_176 = arith.constant 5 : index
      %get3A_177 = arith.constant 0 : index
      %get3A_178 = arith.constant 0 : index
      %get3A_179 = vector.load %arg1[%get3A_176, %get3A_177, %get3A_178] : memref<16x1x512xi32, #tpu.memory_space<vmem>>, vector<1x1x512xi32>
      %get3A_180 = vector.shape_cast %get3A_179 : vector<1x1x512xi32> to vector<512xi32>
      %iota3A_181 = tpu.iota {dimensions = array<i32: 0>} : vector<64x512xi32>
      %add3A_182 = arith.constant 0 : i32
      %add3A_183 = vector.broadcast %add3A_182 : i32 to vector<64x512xi32>
      %add3A_184 = arith.addi %iota3A_181, %add3A_183 : vector<64x512xi32>
      %broadcast_in_dim3A_185 = vector.shape_cast %get3A_180 : vector<512xi32> to vector<1x512xi32>
      %eq3A_186 = vector.broadcast %broadcast_in_dim3A_185 : vector<1x512xi32> to vector<64x512xi32>
      %eq3A_187 = arith.cmpi eq, %add3A_184, %eq3A_186 : vector<64x512xi32>
      %convert_element_type3A_188 = arith.extui %eq3A_187 : vector<64x512xi1> to vector<64x512xi32>
      %convert_element_type3A_189 = arith.sitofp %convert_element_type3A_188 : vector<64x512xi32> to vector<64x512xf32>
      %convert_element_type3A_190 = arith.truncf %convert_element_type3A_189 : vector<64x512xf32> to vector<64x512xbf16>
      %swap3A_191 = arith.constant 0 : index
      %swap3A_192 = arith.constant 2560 : index
      %swap3A_193 = vector.load %arg4[%swap3A_191, %swap3A_192] : memref<64x8192xbf16, #tpu.memory_space<vmem>>, vector<64x512xbf16>
      tpu.vector_store %arg4[%swap3A_191, %swap3A_192], %convert_element_type3A_190 {strides = array<i32>} : memref<64x8192xbf16, #tpu.memory_space<vmem>>, vector<64x512xbf16>,
      %get3A_194 = arith.constant 6 : index
      %get3A_195 = arith.constant 0 : index
      %get3A_196 = arith.constant 0 : index
      %get3A_197 = vector.load %arg1[%get3A_194, %get3A_195, %get3A_196] : memref<16x1x512xi32, #tpu.memory_space<vmem>>, vector<1x1x512xi32>
      %get3A_198 = vector.shape_cast %get3A_197 : vector<1x1x512xi32> to vector<512xi32>
      %iota3A_199 = tpu.iota {dimensions = array<i32: 0>} : vector<64x512xi32>
      %add3A_200 = arith.constant 0 : i32
      %add3A_201 = vector.broadcast %add3A_200 : i32 to vector<64x512xi32>
      %add3A_202 = arith.addi %iota3A_199, %add3A_201 : vector<64x512xi32>
      %broadcast_in_dim3A_203 = vector.shape_cast %get3A_198 : vector<512xi32> to vector<1x512xi32>
      %eq3A_204 = vector.broadcast %broadcast_in_dim3A_203 : vector<1x512xi32> to vector<64x512xi32>
      %eq3A_205 = arith.cmpi eq, %add3A_202, %eq3A_204 : vector<64x512xi32>
      %convert_element_type3A_206 = arith.extui %eq3A_205 : vector<64x512xi1> to vector<64x512xi32>
      %convert_element_type3A_207 = arith.sitofp %convert_element_type3A_206 : vector<64x512xi32> to vector<64x512xf32>
      %convert_element_type3A_208 = arith.truncf %convert_element_type3A_207 : vector<64x512xf32> to vector<64x512xbf16>
      %swap3A_209 = arith.constant 0 : index
      %swap3A_210 = arith.constant 3072 : index
      %swap3A_211 = vector.load %arg4[%swap3A_209, %swap3A_210] : memref<64x8192xbf16, #tpu.memory_space<vmem>>, vector<64x512xbf16>
      tpu.vector_store %arg4[%swap3A_209, %swap3A_210], %convert_element_type3A_208 {strides = array<i32>} : memref<64x8192xbf16, #tpu.memory_space<vmem>>, vector<64x512xbf16>,
      %get3A_212 = arith.constant 7 : index
      %get3A_213 = arith.constant 0 : index
      %get3A_214 = arith.constant 0 : index
      %get3A_215 = vector.load %arg1[%get3A_212, %get3A_213, %get3A_214] : memref<16x1x512xi32, #tpu.memory_space<vmem>>, vector<1x1x512xi32>
      %get3A_216 = vector.shape_cast %get3A_215 : vector<1x1x512xi32> to vector<512xi32>
      %iota3A_217 = tpu.iota {dimensions = array<i32: 0>} : vector<64x512xi32>
      %add3A_218 = arith.constant 0 : i32
      %add3A_219 = vector.broadcast %add3A_218 : i32 to vector<64x512xi32>
      %add3A_220 = arith.addi %iota3A_217, %add3A_219 : vector<64x512xi32>
      %broadcast_in_dim3A_221 = vector.shape_cast %get3A_216 : vector<512xi32> to vector<1x512xi32>
      %eq3A_222 = vector.broadcast %broadcast_in_dim3A_221 : vector<1x512xi32> to vector<64x512xi32>
      %eq3A_223 = arith.cmpi eq, %add3A_220, %eq3A_222 : vector<64x512xi32>
      %convert_element_type3A_224 = arith.extui %eq3A_223 : vector<64x512xi1> to vector<64x512xi32>
      %convert_element_type3A_225 = arith.sitofp %convert_element_type3A_224 : vector<64x512xi32> to vector<64x512xf32>
      %convert_element_type3A_226 = arith.truncf %convert_element_type3A_225 : vector<64x512xf32> to vector<64x512xbf16>
      %swap3A_227 = arith.constant 0 : index
      %swap3A_228 = arith.constant 3584 : index
      %swap3A_229 = vector.load %arg4[%swap3A_227, %swap3A_228] : memref<64x8192xbf16, #tpu.memory_space<vmem>>, vector<64x512xbf16>
      tpu.vector_store %arg4[%swap3A_227, %swap3A_228], %convert_element_type3A_226 {strides = array<i32>} : memref<64x8192xbf16, #tpu.memory_space<vmem>>, vector<64x512xbf16>,
      %get3A_230 = arith.constant 8 : index
      %get3A_231 = arith.constant 0 : index
      %get3A_232 = arith.constant 0 : index
      %get3A_233 = vector.load %arg1[%get3A_230, %get3A_231, %get3A_232] : memref<16x1x512xi32, #tpu.memory_space<vmem>>, vector<1x1x512xi32>
      %get3A_234 = vector.shape_cast %get3A_233 : vector<1x1x512xi32> to vector<512xi32>
      %iota3A_235 = tpu.iota {dimensions = array<i32: 0>} : vector<64x512xi32>
      %add3A_236 = arith.constant 0 : i32
      %add3A_237 = vector.broadcast %add3A_236 : i32 to vector<64x512xi32>
      %add3A_238 = arith.addi %iota3A_235, %add3A_237 : vector<64x512xi32>
      %broadcast_in_dim3A_239 = vector.shape_cast %get3A_234 : vector<512xi32> to vector<1x512xi32>
      %eq3A_240 = vector.broadcast %broadcast_in_dim3A_239 : vector<1x512xi32> to vector<64x512xi32>
      %eq3A_241 = arith.cmpi eq, %add3A_238, %eq3A_240 : vector<64x512xi32>
      %convert_element_type3A_242 = arith.extui %eq3A_241 : vector<64x512xi1> to vector<64x512xi32>
      %convert_element_type3A_243 = arith.sitofp %convert_element_type3A_242 : vector<64x512xi32> to vector<64x512xf32>
      %convert_element_type3A_244 = arith.truncf %convert_element_type3A_243 : vector<64x512xf32> to vector<64x512xbf16>
      %swap3A_245 = arith.constant 0 : index
      %swap3A_246 = arith.constant 4096 : index
      %swap3A_247 = vector.load %arg4[%swap3A_245, %swap3A_246] : memref<64x8192xbf16, #tpu.memory_space<vmem>>, vector<64x512xbf16>
      tpu.vector_store %arg4[%swap3A_245, %swap3A_246], %convert_element_type3A_244 {strides = array<i32>} : memref<64x8192xbf16, #tpu.memory_space<vmem>>, vector<64x512xbf16>,
      %get3A_248 = arith.constant 9 : index
      %get3A_249 = arith.constant 0 : index
      %get3A_250 = arith.constant 0 : index
      %get3A_251 = vector.load %arg1[%get3A_248, %get3A_249, %get3A_250] : memref<16x1x512xi32, #tpu.memory_space<vmem>>, vector<1x1x512xi32>
      %get3A_252 = vector.shape_cast %get3A_251 : vector<1x1x512xi32> to vector<512xi32>
      %iota3A_253 = tpu.iota {dimensions = array<i32: 0>} : vector<64x512xi32>
      %add3A_254 = arith.constant 0 : i32
      %add3A_255 = vector.broadcast %add3A_254 : i32 to vector<64x512xi32>
      %add3A_256 = arith.addi %iota3A_253, %add3A_255 : vector<64x512xi32>
      %broadcast_in_dim3A_257 = vector.shape_cast %get3A_252 : vector<512xi32> to vector<1x512xi32>
      %eq3A_258 = vector.broadcast %broadcast_in_dim3A_257 : vector<1x512xi32> to vector<64x512xi32>
      %eq3A_259 = arith.cmpi eq, %add3A_256, %eq3A_258 : vector<64x512xi32>
      %convert_element_type3A_260 = arith.extui %eq3A_259 : vector<64x512xi1> to vector<64x512xi32>
      %convert_element_type3A_261 = arith.sitofp %convert_element_type3A_260 : vector<64x512xi32> to vector<64x512xf32>
      %convert_element_type3A_262 = arith.truncf %convert_element_type3A_261 : vector<64x512xf32> to vector<64x512xbf16>
      %swap3A_263 = arith.constant 0 : index
      %swap3A_264 = arith.constant 4608 : index
      %swap3A_265 = vector.load %arg4[%swap3A_263, %swap3A_264] : memref<64x8192xbf16, #tpu.memory_space<vmem>>, vector<64x512xbf16>
      tpu.vector_store %arg4[%swap3A_263, %swap3A_264], %convert_element_type3A_262 {strides = array<i32>} : memref<64x8192xbf16, #tpu.memory_space<vmem>>, vector<64x512xbf16>,
      %get3A_266 = arith.constant 10 : index
      %get3A_267 = arith.constant 0 : index
      %get3A_268 = arith.constant 0 : index
      %get3A_269 = vector.load %arg1[%get3A_266, %get3A_267, %get3A_268] : memref<16x1x512xi32, #tpu.memory_space<vmem>>, vector<1x1x512xi32>
      %get3A_270 = vector.shape_cast %get3A_269 : vector<1x1x512xi32> to vector<512xi32>
      %iota3A_271 = tpu.iota {dimensions = array<i32: 0>} : vector<64x512xi32>
      %add3A_272 = arith.constant 0 : i32
      %add3A_273 = vector.broadcast %add3A_272 : i32 to vector<64x512xi32>
      %add3A_274 = arith.addi %iota3A_271, %add3A_273 : vector<64x512xi32>
      %broadcast_in_dim3A_275 = vector.shape_cast %get3A_270 : vector<512xi32> to vector<1x512xi32>
      %eq3A_276 = vector.broadcast %broadcast_in_dim3A_275 : vector<1x512xi32> to vector<64x512xi32>
      %eq3A_277 = arith.cmpi eq, %add3A_274, %eq3A_276 : vector<64x512xi32>
      %convert_element_type3A_278 = arith.extui %eq3A_277 : vector<64x512xi1> to vector<64x512xi32>
      %convert_element_type3A_279 = arith.sitofp %convert_element_type3A_278 : vector<64x512xi32> to vector<64x512xf32>
      %convert_element_type3A_280 = arith.truncf %convert_element_type3A_279 : vector<64x512xf32> to vector<64x512xbf16>
      %swap3A_281 = arith.constant 0 : index
      %swap3A_282 = arith.constant 5120 : index
      %swap3A_283 = vector.load %arg4[%swap3A_281, %swap3A_282] : memref<64x8192xbf16, #tpu.memory_space<vmem>>, vector<64x512xbf16>
      tpu.vector_store %arg4[%swap3A_281, %swap3A_282], %convert_element_type3A_280 {strides = array<i32>} : memref<64x8192xbf16, #tpu.memory_space<vmem>>, vector<64x512xbf16>,
      %get3A_284 = arith.constant 11 : index
      %get3A_285 = arith.constant 0 : index
      %get3A_286 = arith.constant 0 : index
      %get3A_287 = vector.load %arg1[%get3A_284, %get3A_285, %get3A_286] : memref<16x1x512xi32, #tpu.memory_space<vmem>>, vector<1x1x512xi32>
      %get3A_288 = vector.shape_cast %get3A_287 : vector<1x1x512xi32> to vector<512xi32>
      %iota3A_289 = tpu.iota {dimensions = array<i32: 0>} : vector<64x512xi32>
      %add3A_290 = arith.constant 0 : i32
      %add3A_291 = vector.broadcast %add3A_290 : i32 to vector<64x512xi32>
      %add3A_292 = arith.addi %iota3A_289, %add3A_291 : vector<64x512xi32>
      %broadcast_in_dim3A_293 = vector.shape_cast %get3A_288 : vector<512xi32> to vector<1x512xi32>
      %eq3A_294 = vector.broadcast %broadcast_in_dim3A_293 : vector<1x512xi32> to vector<64x512xi32>
      %eq3A_295 = arith.cmpi eq, %add3A_292, %eq3A_294 : vector<64x512xi32>
      %convert_element_type3A_296 = arith.extui %eq3A_295 : vector<64x512xi1> to vector<64x512xi32>
      %convert_element_type3A_297 = arith.sitofp %convert_element_type3A_296 : vector<64x512xi32> to vector<64x512xf32>
      %convert_element_type3A_298 = arith.truncf %convert_element_type3A_297 : vector<64x512xf32> to vector<64x512xbf16>
      %swap3A_299 = arith.constant 0 : index
      %swap3A_300 = arith.constant 5632 : index
      %swap3A_301 = vector.load %arg4[%swap3A_299, %swap3A_300] : memref<64x8192xbf16, #tpu.memory_space<vmem>>, vector<64x512xbf16>
      tpu.vector_store %arg4[%swap3A_299, %swap3A_300], %convert_element_type3A_298 {strides = array<i32>} : memref<64x8192xbf16, #tpu.memory_space<vmem>>, vector<64x512xbf16>,
      %get3A_302 = arith.constant 12 : index
      %get3A_303 = arith.constant 0 : index
      %get3A_304 = arith.constant 0 : index
      %get3A_305 = vector.load %arg1[%get3A_302, %get3A_303, %get3A_304] : memref<16x1x512xi32, #tpu.memory_space<vmem>>, vector<1x1x512xi32>
      %get3A_306 = vector.shape_cast %get3A_305 : vector<1x1x512xi32> to vector<512xi32>
      %iota3A_307 = tpu.iota {dimensions = array<i32: 0>} : vector<64x512xi32>
      %add3A_308 = arith.constant 0 : i32
      %add3A_309 = vector.broadcast %add3A_308 : i32 to vector<64x512xi32>
      %add3A_310 = arith.addi %iota3A_307, %add3A_309 : vector<64x512xi32>
      %broadcast_in_dim3A_311 = vector.shape_cast %get3A_306 : vector<512xi32> to vector<1x512xi32>
      %eq3A_312 = vector.broadcast %broadcast_in_dim3A_311 : vector<1x512xi32> to vector<64x512xi32>
      %eq3A_313 = arith.cmpi eq, %add3A_310, %eq3A_312 : vector<64x512xi32>
      %convert_element_type3A_314 = arith.extui %eq3A_313 : vector<64x512xi1> to vector<64x512xi32>
      %convert_element_type3A_315 = arith.sitofp %convert_element_type3A_314 : vector<64x512xi32> to vector<64x512xf32>
      %convert_element_type3A_316 = arith.truncf %convert_element_type3A_315 : vector<64x512xf32> to vector<64x512xbf16>
      %swap3A_317 = arith.constant 0 : index
      %swap3A_318 = arith.constant 6144 : index
      %swap3A_319 = vector.load %arg4[%swap3A_317, %swap3A_318] : memref<64x8192xbf16, #tpu.memory_space<vmem>>, vector<64x512xbf16>
      tpu.vector_store %arg4[%swap3A_317, %swap3A_318], %convert_element_type3A_316 {strides = array<i32>} : memref<64x8192xbf16, #tpu.memory_space<vmem>>, vector<64x512xbf16>,
      %get3A_320 = arith.constant 13 : index
      %get3A_321 = arith.constant 0 : index
      %get3A_322 = arith.constant 0 : index
      %get3A_323 = vector.load %arg1[%get3A_320, %get3A_321, %get3A_322] : memref<16x1x512xi32, #tpu.memory_space<vmem>>, vector<1x1x512xi32>
      %get3A_324 = vector.shape_cast %get3A_323 : vector<1x1x512xi32> to vector<512xi32>
      %iota3A_325 = tpu.iota {dimensions = array<i32: 0>} : vector<64x512xi32>
      %add3A_326 = arith.constant 0 : i32
      %add3A_327 = vector.broadcast %add3A_326 : i32 to vector<64x512xi32>
      %add3A_328 = arith.addi %iota3A_325, %add3A_327 : vector<64x512xi32>
      %broadcast_in_dim3A_329 = vector.shape_cast %get3A_324 : vector<512xi32> to vector<1x512xi32>
      %eq3A_330 = vector.broadcast %broadcast_in_dim3A_329 : vector<1x512xi32> to vector<64x512xi32>
      %eq3A_331 = arith.cmpi eq, %add3A_328, %eq3A_330 : vector<64x512xi32>
      %convert_element_type3A_332 = arith.extui %eq3A_331 : vector<64x512xi1> to vector<64x512xi32>
      %convert_element_type3A_333 = arith.sitofp %convert_element_type3A_332 : vector<64x512xi32> to vector<64x512xf32>
      %convert_element_type3A_334 = arith.truncf %convert_element_type3A_333 : vector<64x512xf32> to vector<64x512xbf16>
      %swap3A_335 = arith.constant 0 : index
      %swap3A_336 = arith.constant 6656 : index
      %swap3A_337 = vector.load %arg4[%swap3A_335, %swap3A_336] : memref<64x8192xbf16, #tpu.memory_space<vmem>>, vector<64x512xbf16>
      tpu.vector_store %arg4[%swap3A_335, %swap3A_336], %convert_element_type3A_334 {strides = array<i32>} : memref<64x8192xbf16, #tpu.memory_space<vmem>>, vector<64x512xbf16>,
      %get3A_338 = arith.constant 14 : index
      %get3A_339 = arith.constant 0 : index
      %get3A_340 = arith.constant 0 : index
      %get3A_341 = vector.load %arg1[%get3A_338, %get3A_339, %get3A_340] : memref<16x1x512xi32, #tpu.memory_space<vmem>>, vector<1x1x512xi32>
      %get3A_342 = vector.shape_cast %get3A_341 : vector<1x1x512xi32> to vector<512xi32>
      %iota3A_343 = tpu.iota {dimensions = array<i32: 0>} : vector<64x512xi32>
      %add3A_344 = arith.constant 0 : i32
      %add3A_345 = vector.broadcast %add3A_344 : i32 to vector<64x512xi32>
      %add3A_346 = arith.addi %iota3A_343, %add3A_345 : vector<64x512xi32>
      %broadcast_in_dim3A_347 = vector.shape_cast %get3A_342 : vector<512xi32> to vector<1x512xi32>
      %eq3A_348 = vector.broadcast %broadcast_in_dim3A_347 : vector<1x512xi32> to vector<64x512xi32>
      %eq3A_349 = arith.cmpi eq, %add3A_346, %eq3A_348 : vector<64x512xi32>
      %convert_element_type3A_350 = arith.extui %eq3A_349 : vector<64x512xi1> to vector<64x512xi32>
      %convert_element_type3A_351 = arith.sitofp %convert_element_type3A_350 : vector<64x512xi32> to vector<64x512xf32>
      %convert_element_type3A_352 = arith.truncf %convert_element_type3A_351 : vector<64x512xf32> to vector<64x512xbf16>
      %swap3A_353 = arith.constant 0 : index
      %swap3A_354 = arith.constant 7168 : index
      %swap3A_355 = vector.load %arg4[%swap3A_353, %swap3A_354] : memref<64x8192xbf16, #tpu.memory_space<vmem>>, vector<64x512xbf16>
      tpu.vector_store %arg4[%swap3A_353, %swap3A_354], %convert_element_type3A_352 {strides = array<i32>} : memref<64x8192xbf16, #tpu.memory_space<vmem>>, vector<64x512xbf16>,
      %get3A_356 = arith.constant 15 : index
      %get3A_357 = arith.constant 0 : index
      %get3A_358 = arith.constant 0 : index
      %get3A_359 = vector.load %arg1[%get3A_356, %get3A_357, %get3A_358] : memref<16x1x512xi32, #tpu.memory_space<vmem>>, vector<1x1x512xi32>
      %get3A_360 = vector.shape_cast %get3A_359 : vector<1x1x512xi32> to vector<512xi32>
      %iota3A_361 = tpu.iota {dimensions = array<i32: 0>} : vector<64x512xi32>
      %add3A_362 = arith.constant 0 : i32
      %add3A_363 = vector.broadcast %add3A_362 : i32 to vector<64x512xi32>
      %add3A_364 = arith.addi %iota3A_361, %add3A_363 : vector<64x512xi32>
      %broadcast_in_dim3A_365 = vector.shape_cast %get3A_360 : vector<512xi32> to vector<1x512xi32>
      %eq3A_366 = vector.broadcast %broadcast_in_dim3A_365 : vector<1x512xi32> to vector<64x512xi32>
      %eq3A_367 = arith.cmpi eq, %add3A_364, %eq3A_366 : vector<64x512xi32>
      %convert_element_type3A_368 = arith.extui %eq3A_367 : vector<64x512xi1> to vector<64x512xi32>
      %convert_element_type3A_369 = arith.sitofp %convert_element_type3A_368 : vector<64x512xi32> to vector<64x512xf32>
      %convert_element_type3A_370 = arith.truncf %convert_element_type3A_369 : vector<64x512xf32> to vector<64x512xbf16>
      %swap3A_371 = arith.constant 0 : index
      %swap3A_372 = arith.constant 7680 : index
      %swap3A_373 = vector.load %arg4[%swap3A_371, %swap3A_372] : memref<64x8192xbf16, #tpu.memory_space<vmem>>, vector<64x512xbf16>
      tpu.vector_store %arg4[%swap3A_371, %swap3A_372], %convert_element_type3A_370 {strides = array<i32>} : memref<64x8192xbf16, #tpu.memory_space<vmem>>, vector<64x512xbf16>,
      %get3A_374 = arith.constant 0 : index
      %get3A_375 = arith.constant 0 : index
      %get3A_376 = vector.load %arg3[%get3A_374, %get3A_375] : memref<512x128xf32, #tpu.memory_space<vmem>>, vector<64x128xf32>
      %get3A_377 = arith.constant 0 : index
      %get3A_378 = arith.constant 0 : index
      %get3A_379 = vector.load %arg4[%get3A_377, %get3A_378] : memref<64x8192xbf16, #tpu.memory_space<vmem>>, vector<64x8192xbf16>
      %get3A_380 = arith.constant 0 : index
      %get3A_381 = arith.constant 0 : index
      %get3A_382 = vector.load %arg5[%get3A_380, %get3A_381] : memref<8192x128xbf16, #tpu.memory_space<vmem>>, vector<8192x128xbf16>
      %dot_general3A = arith.constant dense<0.000000e+00> : vector<64x128xf32>
      %dot_general3A_383 = tpu.matmul %get3A_379, %get3A_382, %dot_general3A {dimension_numbers = #tpu.dot_dimension_numbers<[1], [0], [0], [1], [0, 0, 1, 1], [], []>, transpose_lhs_hint = false} : vector<64x8192xbf16>, vector<8192x128xbf16>, vector<64x128xf32> -> vector<64x128xf32>
      %get3A_384 = arith.constant 0 : index
      %get3A_385 = arith.constant 0 : index
      %get3A_386 = vector.load %arg4[%get3A_384, %get3A_385] : memref<64x8192xbf16, #tpu.memory_space<vmem>>, vector<64x8192xbf16>
      %get3A_387 = arith.constant 0 : index
      %get3A_388 = arith.constant 0 : index
      %get3A_389 = vector.load %arg6[%get3A_387, %get3A_388] : memref<8192x128xbf16, #tpu.memory_space<vmem>>, vector<8192x128xbf16>
      %dot_general3A_390 = arith.constant dense<0.000000e+00> : vector<64x128xf32>
      %dot_general3A_391 = tpu.matmul %get3A_386, %get3A_389, %dot_general3A_390 {dimension_numbers = #tpu.dot_dimension_numbers<[1], [0], [0], [1], [0, 0, 1, 1], [], []>, transpose_lhs_hint = false} : vector<64x8192xbf16>, vector<8192x128xbf16>, vector<64x128xf32> -> vector<64x128xf32>
      %add3A_392 = arith.addf %dot_general3A_383, %dot_general3A_391 : vector<64x128xf32>
      %add3A_393 = arith.addf %get3A_376, %add3A_392 : vector<64x128xf32>
      %swap3A_394 = arith.constant 0 : index
      %swap3A_395 = arith.constant 0 : index
      %swap3A_396 = vector.load %arg3[%swap3A_394, %swap3A_395] : memref<512x128xf32, #tpu.memory_space<vmem>>, vector<64x128xf32>
      tpu.vector_store %arg3[%swap3A_394, %swap3A_395], %add3A_393 {strides = array<i32>} : memref<512x128xf32, #tpu.memory_space<vmem>>, vector<64x128xf32>,
    } else {
    }
    %ge3A_33 = arith.constant 64 : i32
    %ge3A_34 = arith.cmpi sge, %get3A_27, %ge3A_33 : i32
    %lt3A_35 = arith.constant 128 : i32
    %lt3A_36 = arith.cmpi slt, %get3A_22, %lt3A_35 : i32
    %and3A_37 = arith.andi %ge3A_34, %lt3A_36 : i1
    %convert_element_type3A_38 = arith.extui %and3A_37 : i1 to i32
    %cond3A_39 = arith.constant 0 : i32
    %cond3A_40 = arith.cmpi ne, %convert_element_type3A_38, %cond3A_39 : i32
    scf.if %cond3A_40 {
      %get3A_89 = arith.constant 0 : index
      %get3A_90 = arith.constant 0 : index
      %get3A_91 = arith.constant 0 : index
      %get3A_92 = vector.load %arg1[%get3A_89, %get3A_90, %get3A_91] : memref<16x1x512xi32, #tpu.memory_space<vmem>>, vector<1x1x512xi32>
      %get3A_93 = vector.shape_cast %get3A_92 : vector<1x1x512xi32> to vector<512xi32>
      %iota3A = tpu.iota {dimensions = array<i32: 0>} : vector<64x512xi32>
      %add3A = arith.constant 64 : i32
      %add3A_94 = vector.broadcast %add3A : i32 to vector<64x512xi32>
      %add3A_95 = arith.addi %iota3A, %add3A_94 : vector<64x512xi32>
      %broadcast_in_dim3A = vector.shape_cast %get3A_93 : vector<512xi32> to vector<1x512xi32>
      %eq3A_96 = vector.broadcast %broadcast_in_dim3A : vector<1x512xi32> to vector<64x512xi32>
      %eq3A_97 = arith.cmpi eq, %add3A_95, %eq3A_96 : vector<64x512xi32>
      %convert_element_type3A_98 = arith.extui %eq3A_97 : vector<64x512xi1> to vector<64x512xi32>
      %convert_element_type3A_99 = arith.sitofp %convert_element_type3A_98 : vector<64x512xi32> to vector<64x512xf32>
      %convert_element_type3A_100 = arith.truncf %convert_element_type3A_99 : vector<64x512xf32> to vector<64x512xbf16>
      %swap3A_101 = arith.constant 0 : index
      %swap3A_102 = arith.constant 0 : index
      %swap3A_103 = vector.load %arg4[%swap3A_101, %swap3A_102] : memref<64x8192xbf16, #tpu.memory_space<vmem>>, vector<64x512xbf16>
      tpu.vector_store %arg4[%swap3A_101, %swap3A_102], %convert_element_type3A_100 {strides = array<i32>} : memref<64x8192xbf16, #tpu.memory_space<vmem>>, vector<64x512xbf16>,
      %get3A_104 = arith.constant 1 : index
      %get3A_105 = arith.constant 0 : index
      %get3A_106 = arith.constant 0 : index
      %get3A_107 = vector.load %arg1[%get3A_104, %get3A_105, %get3A_106] : memref<16x1x512xi32, #tpu.memory_space<vmem>>, vector<1x1x512xi32>
      %get3A_108 = vector.shape_cast %get3A_107 : vector<1x1x512xi32> to vector<512xi32>
      %iota3A_109 = tpu.iota {dimensions = array<i32: 0>} : vector<64x512xi32>
      %add3A_110 = arith.constant 64 : i32
      %add3A_111 = vector.broadcast %add3A_110 : i32 to vector<64x512xi32>
      %add3A_112 = arith.addi %iota3A_109, %add3A_111 : vector<64x512xi32>
      %broadcast_in_dim3A_113 = vector.shape_cast %get3A_108 : vector<512xi32> to vector<1x512xi32>
      %eq3A_114 = vector.broadcast %broadcast_in_dim3A_113 : vector<1x512xi32> to vector<64x512xi32>
      %eq3A_115 = arith.cmpi eq, %add3A_112, %eq3A_114 : vector<64x512xi32>
      %convert_element_type3A_116 = arith.extui %eq3A_115 : vector<64x512xi1> to vector<64x512xi32>
      %convert_element_type3A_117 = arith.sitofp %convert_element_type3A_116 : vector<64x512xi32> to vector<64x512xf32>
      %convert_element_type3A_118 = arith.truncf %convert_element_type3A_117 : vector<64x512xf32> to vector<64x512xbf16>
      %swap3A_119 = arith.constant 0 : index
      %swap3A_120 = arith.constant 512 : index
      %swap3A_121 = vector.load %arg4[%swap3A_119, %swap3A_120] : memref<64x8192xbf16, #tpu.memory_space<vmem>>, vector<64x512xbf16>
      tpu.vector_store %arg4[%swap3A_119, %swap3A_120], %convert_element_type3A_118 {strides = array<i32>} : memref<64x8192xbf16, #tpu.memory_space<vmem>>, vector<64x512xbf16>,
      %get3A_122 = arith.constant 2 : index
      %get3A_123 = arith.constant 0 : index
      %get3A_124 = arith.constant 0 : index
      %get3A_125 = vector.load %arg1[%get3A_122, %get3A_123, %get3A_124] : memref<16x1x512xi32, #tpu.memory_space<vmem>>, vector<1x1x512xi32>
      %get3A_126 = vector.shape_cast %get3A_125 : vector<1x1x512xi32> to vector<512xi32>
      %iota3A_127 = tpu.iota {dimensions = array<i32: 0>} : vector<64x512xi32>
      %add3A_128 = arith.constant 64 : i32
      %add3A_129 = vector.broadcast %add3A_128 : i32 to vector<64x512xi32>
      %add3A_130 = arith.addi %iota3A_127, %add3A_129 : vector<64x512xi32>
      %broadcast_in_dim3A_131 = vector.shape_cast %get3A_126 : vector<512xi32> to vector<1x512xi32>
      %eq3A_132 = vector.broadcast %broadcast_in_dim3A_131 : vector<1x512xi32> to vector<64x512xi32>
      %eq3A_133 = arith.cmpi eq, %add3A_130, %eq3A_132 : vector<64x512xi32>
      %convert_element_type3A_134 = arith.extui %eq3A_133 : vector<64x512xi1> to vector<64x512xi32>
      %convert_element_type3A_135 = arith.sitofp %convert_element_type3A_134 : vector<64x512xi32> to vector<64x512xf32>
      %convert_element_type3A_136 = arith.truncf %convert_element_type3A_135 : vector<64x512xf32> to vector<64x512xbf16>
      %swap3A_137 = arith.constant 0 : index
      %swap3A_138 = arith.constant 1024 : index
      %swap3A_139 = vector.load %arg4[%swap3A_137, %swap3A_138] : memref<64x8192xbf16, #tpu.memory_space<vmem>>, vector<64x512xbf16>
      tpu.vector_store %arg4[%swap3A_137, %swap3A_138], %convert_element_type3A_136 {strides = array<i32>} : memref<64x8192xbf16, #tpu.memory_space<vmem>>, vector<64x512xbf16>,
      %get3A_140 = arith.constant 3 : index
      %get3A_141 = arith.constant 0 : index
      %get3A_142 = arith.constant 0 : index
      %get3A_143 = vector.load %arg1[%get3A_140, %get3A_141, %get3A_142] : memref<16x1x512xi32, #tpu.memory_space<vmem>>, vector<1x1x512xi32>
      %get3A_144 = vector.shape_cast %get3A_143 : vector<1x1x512xi32> to vector<512xi32>
      %iota3A_145 = tpu.iota {dimensions = array<i32: 0>} : vector<64x512xi32>
      %add3A_146 = arith.constant 64 : i32
      %add3A_147 = vector.broadcast %add3A_146 : i32 to vector<64x512xi32>
      %add3A_148 = arith.addi %iota3A_145, %add3A_147 : vector<64x512xi32>
      %broadcast_in_dim3A_149 = vector.shape_cast %get3A_144 : vector<512xi32> to vector<1x512xi32>
      %eq3A_150 = vector.broadcast %broadcast_in_dim3A_149 : vector<1x512xi32> to vector<64x512xi32>
      %eq3A_151 = arith.cmpi eq, %add3A_148, %eq3A_150 : vector<64x512xi32>
      %convert_element_type3A_152 = arith.extui %eq3A_151 : vector<64x512xi1> to vector<64x512xi32>
      %convert_element_type3A_153 = arith.sitofp %convert_element_type3A_152 : vector<64x512xi32> to vector<64x512xf32>
      %convert_element_type3A_154 = arith.truncf %convert_element_type3A_153 : vector<64x512xf32> to vector<64x512xbf16>
      %swap3A_155 = arith.constant 0 : index
      %swap3A_156 = arith.constant 1536 : index
      %swap3A_157 = vector.load %arg4[%swap3A_155, %swap3A_156] : memref<64x8192xbf16, #tpu.memory_space<vmem>>, vector<64x512xbf16>
      tpu.vector_store %arg4[%swap3A_155, %swap3A_156], %convert_element_type3A_154 {strides = array<i32>} : memref<64x8192xbf16, #tpu.memory_space<vmem>>, vector<64x512xbf16>,
      %get3A_158 = arith.constant 4 : index
      %get3A_159 = arith.constant 0 : index
      %get3A_160 = arith.constant 0 : index
      %get3A_161 = vector.load %arg1[%get3A_158, %get3A_159, %get3A_160] : memref<16x1x512xi32, #tpu.memory_space<vmem>>, vector<1x1x512xi32>
      %get3A_162 = vector.shape_cast %get3A_161 : vector<1x1x512xi32> to vector<512xi32>
      %iota3A_163 = tpu.iota {dimensions = array<i32: 0>} : vector<64x512xi32>
      %add3A_164 = arith.constant 64 : i32
      %add3A_165 = vector.broadcast %add3A_164 : i32 to vector<64x512xi32>
      %add3A_166 = arith.addi %iota3A_163, %add3A_165 : vector<64x512xi32>
      %broadcast_in_dim3A_167 = vector.shape_cast %get3A_162 : vector<512xi32> to vector<1x512xi32>
      %eq3A_168 = vector.broadcast %broadcast_in_dim3A_167 : vector<1x512xi32> to vector<64x512xi32>
      %eq3A_169 = arith.cmpi eq, %add3A_166, %eq3A_168 : vector<64x512xi32>
      %convert_element_type3A_170 = arith.extui %eq3A_169 : vector<64x512xi1> to vector<64x512xi32>
      %convert_element_type3A_171 = arith.sitofp %convert_element_type3A_170 : vector<64x512xi32> to vector<64x512xf32>
      %convert_element_type3A_172 = arith.truncf %convert_element_type3A_171 : vector<64x512xf32> to vector<64x512xbf16>
      %swap3A_173 = arith.constant 0 : index
      %swap3A_174 = arith.constant 2048 : index
      %swap3A_175 = vector.load %arg4[%swap3A_173, %swap3A_174] : memref<64x8192xbf16, #tpu.memory_space<vmem>>, vector<64x512xbf16>
      tpu.vector_store %arg4[%swap3A_173, %swap3A_174], %convert_element_type3A_172 {strides = array<i32>} : memref<64x8192xbf16, #tpu.memory_space<vmem>>, vector<64x512xbf16>,
      %get3A_176 = arith.constant 5 : index
      %get3A_177 = arith.constant 0 : index
      %get3A_178 = arith.constant 0 : index
      %get3A_179 = vector.load %arg1[%get3A_176, %get3A_177, %get3A_178] : memref<16x1x512xi32, #tpu.memory_space<vmem>>, vector<1x1x512xi32>
      %get3A_180 = vector.shape_cast %get3A_179 : vector<1x1x512xi32> to vector<512xi32>
      %iota3A_181 = tpu.iota {dimensions = array<i32: 0>} : vector<64x512xi32>
      %add3A_182 = arith.constant 64 : i32
      %add3A_183 = vector.broadcast %add3A_182 : i32 to vector<64x512xi32>
      %add3A_184 = arith.addi %iota3A_181, %add3A_183 : vector<64x512xi32>
      %broadcast_in_dim3A_185 = vector.shape_cast %get3A_180 : vector<512xi32> to vector<1x512xi32>
      %eq3A_186 = vector.broadcast %broadcast_in_dim3A_185 : vector<1x512xi32> to vector<64x512xi32>
      %eq3A_187 = arith.cmpi eq, %add3A_184, %eq3A_186 : vector<64x512xi32>
      %convert_element_type3A_188 = arith.extui %eq3A_187 : vector<64x512xi1> to vector<64x512xi32>
      %convert_element_type3A_189 = arith.sitofp %convert_element_type3A_188 : vector<64x512xi32> to vector<64x512xf32>
      %convert_element_type3A_190 = arith.truncf %convert_element_type3A_189 : vector<64x512xf32> to vector<64x512xbf16>
      %swap3A_191 = arith.constant 0 : index
      %swap3A_192 = arith.constant 2560 : index
      %swap3A_193 = vector.load %arg4[%swap3A_191, %swap3A_192] : memref<64x8192xbf16, #tpu.memory_space<vmem>>, vector<64x512xbf16>
      tpu.vector_store %arg4[%swap3A_191, %swap3A_192], %convert_element_type3A_190 {strides = array<i32>} : memref<64x8192xbf16, #tpu.memory_space<vmem>>, vector<64x512xbf16>,
      %get3A_194 = arith.constant 6 : index
      %get3A_195 = arith.constant 0 : index
      %get3A_196 = arith.constant 0 : index
      %get3A_197 = vector.load %arg1[%get3A_194, %get3A_195, %get3A_196] : memref<16x1x512xi32, #tpu.memory_space<vmem>>, vector<1x1x512xi32>
      %get3A_198 = vector.shape_cast %get3A_197 : vector<1x1x512xi32> to vector<512xi32>
      %iota3A_199 = tpu.iota {dimensions = array<i32: 0>} : vector<64x512xi32>
      %add3A_200 = arith.constant 64 : i32
      %add3A_201 = vector.broadcast %add3A_200 : i32 to vector<64x512xi32>
      %add3A_202 = arith.addi %iota3A_199, %add3A_201 : vector<64x512xi32>
      %broadcast_in_dim3A_203 = vector.shape_cast %get3A_198 : vector<512xi32> to vector<1x512xi32>
      %eq3A_204 = vector.broadcast %broadcast_in_dim3A_203 : vector<1x512xi32> to vector<64x512xi32>
      %eq3A_205 = arith.cmpi eq, %add3A_202, %eq3A_204 : vector<64x512xi32>
      %convert_element_type3A_206 = arith.extui %eq3A_205 : vector<64x512xi1> to vector<64x512xi32>
      %convert_element_type3A_207 = arith.sitofp %convert_element_type3A_206 : vector<64x512xi32> to vector<64x512xf32>
      %convert_element_type3A_208 = arith.truncf %convert_element_type3A_207 : vector<64x512xf32> to vector<64x512xbf16>
      %swap3A_209 = arith.constant 0 : index
      %swap3A_210 = arith.constant 3072 : index
      %swap3A_211 = vector.load %arg4[%swap3A_209, %swap3A_210] : memref<64x8192xbf16, #tpu.memory_space<vmem>>, vector<64x512xbf16>
      tpu.vector_store %arg4[%swap3A_209, %swap3A_210], %convert_element_type3A_208 {strides = array<i32>} : memref<64x8192xbf16, #tpu.memory_space<vmem>>, vector<64x512xbf16>,
      %get3A_212 = arith.constant 7 : index
      %get3A_213 = arith.constant 0 : index
      %get3A_214 = arith.constant 0 : index
      %get3A_215 = vector.load %arg1[%get3A_212, %get3A_213, %get3A_214] : memref<16x1x512xi32, #tpu.memory_space<vmem>>, vector<1x1x512xi32>
      %get3A_216 = vector.shape_cast %get3A_215 : vector<1x1x512xi32> to vector<512xi32>
      %iota3A_217 = tpu.iota {dimensions = array<i32: 0>} : vector<64x512xi32>
      %add3A_218 = arith.constant 64 : i32
      %add3A_219 = vector.broadcast %add3A_218 : i32 to vector<64x512xi32>
      %add3A_220 = arith.addi %iota3A_217, %add3A_219 : vector<64x512xi32>
      %broadcast_in_dim3A_221 = vector.shape_cast %get3A_216 : vector<512xi32> to vector<1x512xi32>
      %eq3A_222 = vector.broadcast %broadcast_in_dim3A_221 : vector<1x512xi32> to vector<64x512xi32>
      %eq3A_223 = arith.cmpi eq, %add3A_220, %eq3A_222 : vector<64x512xi32>
      %convert_element_type3A_224 = arith.extui %eq3A_223 : vector<64x512xi1> to vector<64x512xi32>
      %convert_element_type3A_225 = arith.sitofp %convert_element_type3A_224 : vector<64x512xi32> to vector<64x512xf32>
      %convert_element_type3A_226 = arith.truncf %convert_element_type3A_225 : vector<64x512xf32> to vector<64x512xbf16>
      %swap3A_227 = arith.constant 0 : index
      %swap3A_228 = arith.constant 3584 : index
      %swap3A_229 = vector.load %arg4[%swap3A_227, %swap3A_228] : memref<64x8192xbf16, #tpu.memory_space<vmem>>, vector<64x512xbf16>
      tpu.vector_store %arg4[%swap3A_227, %swap3A_228], %convert_element_type3A_226 {strides = array<i32>} : memref<64x8192xbf16, #tpu.memory_space<vmem>>, vector<64x512xbf16>,
      %get3A_230 = arith.constant 8 : index
      %get3A_231 = arith.constant 0 : index
      %get3A_232 = arith.constant 0 : index
      %get3A_233 = vector.load %arg1[%get3A_230, %get3A_231, %get3A_232] : memref<16x1x512xi32, #tpu.memory_space<vmem>>, vector<1x1x512xi32>
      %get3A_234 = vector.shape_cast %get3A_233 : vector<1x1x512xi32> to vector<512xi32>
      %iota3A_235 = tpu.iota {dimensions = array<i32: 0>} : vector<64x512xi32>
      %add3A_236 = arith.constant 64 : i32
      %add3A_237 = vector.broadcast %add3A_236 : i32 to vector<64x512xi32>
      %add3A_238 = arith.addi %iota3A_235, %add3A_237 : vector<64x512xi32>
      %broadcast_in_dim3A_239 = vector.shape_cast %get3A_234 : vector<512xi32> to vector<1x512xi32>
      %eq3A_240 = vector.broadcast %broadcast_in_dim3A_239 : vector<1x512xi32> to vector<64x512xi32>
      %eq3A_241 = arith.cmpi eq, %add3A_238, %eq3A_240 : vector<64x512xi32>
      %convert_element_type3A_242 = arith.extui %eq3A_241 : vector<64x512xi1> to vector<64x512xi32>
      %convert_element_type3A_243 = arith.sitofp %convert_element_type3A_242 : vector<64x512xi32> to vector<64x512xf32>
      %convert_element_type3A_244 = arith.truncf %convert_element_type3A_243 : vector<64x512xf32> to vector<64x512xbf16>
      %swap3A_245 = arith.constant 0 : index
      %swap3A_246 = arith.constant 4096 : index
      %swap3A_247 = vector.load %arg4[%swap3A_245, %swap3A_246] : memref<64x8192xbf16, #tpu.memory_space<vmem>>, vector<64x512xbf16>
      tpu.vector_store %arg4[%swap3A_245, %swap3A_246], %convert_element_type3A_244 {strides = array<i32>} : memref<64x8192xbf16, #tpu.memory_space<vmem>>, vector<64x512xbf16>,
      %get3A_248 = arith.constant 9 : index
      %get3A_249 = arith.constant 0 : index
      %get3A_250 = arith.constant 0 : index
      %get3A_251 = vector.load %arg1[%get3A_248, %get3A_249, %get3A_250] : memref<16x1x512xi32, #tpu.memory_space<vmem>>, vector<1x1x512xi32>
      %get3A_252 = vector.shape_cast %get3A_251 : vector<1x1x512xi32> to vector<512xi32>
      %iota3A_253 = tpu.iota {dimensions = array<i32: 0>} : vector<64x512xi32>
      %add3A_254 = arith.constant 64 : i32
      %add3A_255 = vector.broadcast %add3A_254 : i32 to vector<64x512xi32>
      %add3A_256 = arith.addi %iota3A_253, %add3A_255 : vector<64x512xi32>
      %broadcast_in_dim3A_257 = vector.shape_cast %get3A_252 : vector<512xi32> to vector<1x512xi32>
      %eq3A_258 = vector.broadcast %broadcast_in_dim3A_257 : vector<1x512xi32> to vector<64x512xi32>
      %eq3A_259 = arith.cmpi eq, %add3A_256, %eq3A_258 : vector<64x512xi32>
      %convert_element_type3A_260 = arith.extui %eq3A_259 : vector<64x512xi1> to vector<64x512xi32>
      %convert_element_type3A_261 = arith.sitofp %convert_element_type3A_260 : vector<64x512xi32> to vector<64x512xf32>
      %convert_element_type3A_262 = arith.truncf %convert_element_type3A_261 : vector<64x512xf32> to vector<64x512xbf16>
      %swap3A_263 = arith.constant 0 : index
      %swap3A_264 = arith.constant 4608 : index
      %swap3A_265 = vector.load %arg4[%swap3A_263, %swap3A_264] : memref<64x8192xbf16, #tpu.memory_space<vmem>>, vector<64x512xbf16>
      tpu.vector_store %arg4[%swap3A_263, %swap3A_264], %convert_element_type3A_262 {strides = array<i32>} : memref<64x8192xbf16, #tpu.memory_space<vmem>>, vector<64x512xbf16>,
      %get3A_266 = arith.constant 10 : index
      %get3A_267 = arith.constant 0 : index
      %get3A_268 = arith.constant 0 : index
      %get3A_269 = vector.load %arg1[%get3A_266, %get3A_267, %get3A_268] : memref<16x1x512xi32, #tpu.memory_space<vmem>>, vector<1x1x512xi32>
      %get3A_270 = vector.shape_cast %get3A_269 : vector<1x1x512xi32> to vector<512xi32>
      %iota3A_271 = tpu.iota {dimensions = array<i32: 0>} : vector<64x512xi32>
      %add3A_272 = arith.constant 64 : i32
      %add3A_273 = vector.broadcast %add3A_272 : i32 to vector<64x512xi32>
      %add3A_274 = arith.addi %iota3A_271, %add3A_273 : vector<64x512xi32>
      %broadcast_in_dim3A_275 = vector.shape_cast %get3A_270 : vector<512xi32> to vector<1x512xi32>
      %eq3A_276 = vector.broadcast %broadcast_in_dim3A_275 : vector<1x512xi32> to vector<64x512xi32>
      %eq3A_277 = arith.cmpi eq, %add3A_274, %eq3A_276 : vector<64x512xi32>
      %convert_element_type3A_278 = arith.extui %eq3A_277 : vector<64x512xi1> to vector<64x512xi32>
      %convert_element_type3A_279 = arith.sitofp %convert_element_type3A_278 : vector<64x512xi32> to vector<64x512xf32>
      %convert_element_type3A_280 = arith.truncf %convert_element_type3A_279 : vector<64x512xf32> to vector<64x512xbf16>
      %swap3A_281 = arith.constant 0 : index
      %swap3A_282 = arith.constant 5120 : index
      %swap3A_283 = vector.load %arg4[%swap3A_281, %swap3A_282] : memref<64x8192xbf16, #tpu.memory_space<vmem>>, vector<64x512xbf16>
      tpu.vector_store %arg4[%swap3A_281, %swap3A_282], %convert_element_type3A_280 {strides = array<i32>} : memref<64x8192xbf16, #tpu.memory_space<vmem>>, vector<64x512xbf16>,
      %get3A_284 = arith.constant 11 : index
      %get3A_285 = arith.constant 0 : index
      %get3A_286 = arith.constant 0 : index
      %get3A_287 = vector.load %arg1[%get3A_284, %get3A_285, %get3A_286] : memref<16x1x512xi32, #tpu.memory_space<vmem>>, vector<1x1x512xi32>
      %get3A_288 = vector.shape_cast %get3A_287 : vector<1x1x512xi32> to vector<512xi32>
      %iota3A_289 = tpu.iota {dimensions = array<i32: 0>} : vector<64x512xi32>
      %add3A_290 = arith.constant 64 : i32
      %add3A_291 = vector.broadcast %add3A_290 : i32 to vector<64x512xi32>
      %add3A_292 = arith.addi %iota3A_289, %add3A_291 : vector<64x512xi32>
      %broadcast_in_dim3A_293 = vector.shape_cast %get3A_288 : vector<512xi32> to vector<1x512xi32>
      %eq3A_294 = vector.broadcast %broadcast_in_dim3A_293 : vector<1x512xi32> to vector<64x512xi32>
      %eq3A_295 = arith.cmpi eq, %add3A_292, %eq3A_294 : vector<64x512xi32>
      %convert_element_type3A_296 = arith.extui %eq3A_295 : vector<64x512xi1> to vector<64x512xi32>
      %convert_element_type3A_297 = arith.sitofp %convert_element_type3A_296 : vector<64x512xi32> to vector<64x512xf32>
      %convert_element_type3A_298 = arith.truncf %convert_element_type3A_297 : vector<64x512xf32> to vector<64x512xbf16>
      %swap3A_299 = arith.constant 0 : index
      %swap3A_300 = arith.constant 5632 : index
      %swap3A_301 = vector.load %arg4[%swap3A_299, %swap3A_300] : memref<64x8192xbf16, #tpu.memory_space<vmem>>, vector<64x512xbf16>
      tpu.vector_store %arg4[%swap3A_299, %swap3A_300], %convert_element_type3A_298 {strides = array<i32>} : memref<64x8192xbf16, #tpu.memory_space<vmem>>, vector<64x512xbf16>,
      %get3A_302 = arith.constant 12 : index
      %get3A_303 = arith.constant 0 : index
      %get3A_304 = arith.constant 0 : index
      %get3A_305 = vector.load %arg1[%get3A_302, %get3A_303, %get3A_304] : memref<16x1x512xi32, #tpu.memory_space<vmem>>, vector<1x1x512xi32>
      %get3A_306 = vector.shape_cast %get3A_305 : vector<1x1x512xi32> to vector<512xi32>
      %iota3A_307 = tpu.iota {dimensions = array<i32: 0>} : vector<64x512xi32>
      %add3A_308 = arith.constant 64 : i32
      %add3A_309 = vector.broadcast %add3A_308 : i32 to vector<64x512xi32>
      %add3A_310 = arith.addi %iota3A_307, %add3A_309 : vector<64x512xi32>
      %broadcast_in_dim3A_311 = vector.shape_cast %get3A_306 : vector<512xi32> to vector<1x512xi32>
      %eq3A_312 = vector.broadcast %broadcast_in_dim3A_311 : vector<1x512xi32> to vector<64x512xi32>
      %eq3A_313 = arith.cmpi eq, %add3A_310, %eq3A_312 : vector<64x512xi32>
      %convert_element_type3A_314 = arith.extui %eq3A_313 : vector<64x512xi1> to vector<64x512xi32>
      %convert_element_type3A_315 = arith.sitofp %convert_element_type3A_314 : vector<64x512xi32> to vector<64x512xf32>
      %convert_element_type3A_316 = arith.truncf %convert_element_type3A_315 : vector<64x512xf32> to vector<64x512xbf16>
      %swap3A_317 = arith.constant 0 : index
      %swap3A_318 = arith.constant 6144 : index
      %swap3A_319 = vector.load %arg4[%swap3A_317, %swap3A_318] : memref<64x8192xbf16, #tpu.memory_space<vmem>>, vector<64x512xbf16>
      tpu.vector_store %arg4[%swap3A_317, %swap3A_318], %convert_element_type3A_316 {strides = array<i32>} : memref<64x8192xbf16, #tpu.memory_space<vmem>>, vector<64x512xbf16>,
      %get3A_320 = arith.constant 13 : index
      %get3A_321 = arith.constant 0 : index
      %get3A_322 = arith.constant 0 : index
      %get3A_323 = vector.load %arg1[%get3A_320, %get3A_321, %get3A_322] : memref<16x1x512xi32, #tpu.memory_space<vmem>>, vector<1x1x512xi32>
      %get3A_324 = vector.shape_cast %get3A_323 : vector<1x1x512xi32> to vector<512xi32>
      %iota3A_325 = tpu.iota {dimensions = array<i32: 0>} : vector<64x512xi32>
      %add3A_326 = arith.constant 64 : i32
      %add3A_327 = vector.broadcast %add3A_326 : i32 to vector<64x512xi32>
      %add3A_328 = arith.addi %iota3A_325, %add3A_327 : vector<64x512xi32>
      %broadcast_in_dim3A_329 = vector.shape_cast %get3A_324 : vector<512xi32> to vector<1x512xi32>
      %eq3A_330 = vector.broadcast %broadcast_in_dim3A_329 : vector<1x512xi32> to vector<64x512xi32>
      %eq3A_331 = arith.cmpi eq, %add3A_328, %eq3A_330 : vector<64x512xi32>
      %convert_element_type3A_332 = arith.extui %eq3A_331 : vector<64x512xi1> to vector<64x512xi32>
      %convert_element_type3A_333 = arith.sitofp %convert_element_type3A_332 : vector<64x512xi32> to vector<64x512xf32>
      %convert_element_type3A_334 = arith.truncf %convert_element_type3A_333 : vector<64x512xf32> to vector<64x512xbf16>
      %swap3A_335 = arith.constant 0 : index
      %swap3A_336 = arith.constant 6656 : index
      %swap3A_337 = vector.load %arg4[%swap3A_335, %swap3A_336] : memref<64x8192xbf16, #tpu.memory_space<vmem>>, vector<64x512xbf16>
      tpu.vector_store %arg4[%swap3A_335, %swap3A_336], %convert_element_type3A_334 {strides = array<i32>} : memref<64x8192xbf16, #tpu.memory_space<vmem>>, vector<64x512xbf16>,
      %get3A_338 = arith.constant 14 : index
      %get3A_339 = arith.constant 0 : index
      %get3A_340 = arith.constant 0 : index
      %get3A_341 = vector.load %arg1[%get3A_338, %get3A_339, %get3A_340] : memref<16x1x512xi32, #tpu.memory_space<vmem>>, vector<1x1x512xi32>
      %get3A_342 = vector.shape_cast %get3A_341 : vector<1x1x512xi32> to vector<512xi32>
      %iota3A_343 = tpu.iota {dimensions = array<i32: 0>} : vector<64x512xi32>
      %add3A_344 = arith.constant 64 : i32
      %add3A_345 = vector.broadcast %add3A_344 : i32 to vector<64x512xi32>
      %add3A_346 = arith.addi %iota3A_343, %add3A_345 : vector<64x512xi32>
      %broadcast_in_dim3A_347 = vector.shape_cast %get3A_342 : vector<512xi32> to vector<1x512xi32>
      %eq3A_348 = vector.broadcast %broadcast_in_dim3A_347 : vector<1x512xi32> to vector<64x512xi32>
      %eq3A_349 = arith.cmpi eq, %add3A_346, %eq3A_348 : vector<64x512xi32>
      %convert_element_type3A_350 = arith.extui %eq3A_349 : vector<64x512xi1> to vector<64x512xi32>
      %convert_element_type3A_351 = arith.sitofp %convert_element_type3A_350 : vector<64x512xi32> to vector<64x512xf32>
      %convert_element_type3A_352 = arith.truncf %convert_element_type3A_351 : vector<64x512xf32> to vector<64x512xbf16>
      %swap3A_353 = arith.constant 0 : index
      %swap3A_354 = arith.constant 7168 : index
      %swap3A_355 = vector.load %arg4[%swap3A_353, %swap3A_354] : memref<64x8192xbf16, #tpu.memory_space<vmem>>, vector<64x512xbf16>
      tpu.vector_store %arg4[%swap3A_353, %swap3A_354], %convert_element_type3A_352 {strides = array<i32>} : memref<64x8192xbf16, #tpu.memory_space<vmem>>, vector<64x512xbf16>,
      %get3A_356 = arith.constant 15 : index
      %get3A_357 = arith.constant 0 : index
      %get3A_358 = arith.constant 0 : index
      %get3A_359 = vector.load %arg1[%get3A_356, %get3A_357, %get3A_358] : memref<16x1x512xi32, #tpu.memory_space<vmem>>, vector<1x1x512xi32>
      %get3A_360 = vector.shape_cast %get3A_359 : vector<1x1x512xi32> to vector<512xi32>
      %iota3A_361 = tpu.iota {dimensions = array<i32: 0>} : vector<64x512xi32>
      %add3A_362 = arith.constant 64 : i32
      %add3A_363 = vector.broadcast %add3A_362 : i32 to vector<64x512xi32>
      %add3A_364 = arith.addi %iota3A_361, %add3A_363 : vector<64x512xi32>
      %broadcast_in_dim3A_365 = vector.shape_cast %get3A_360 : vector<512xi32> to vector<1x512xi32>
      %eq3A_366 = vector.broadcast %broadcast_in_dim3A_365 : vector<1x512xi32> to vector<64x512xi32>
      %eq3A_367 = arith.cmpi eq, %add3A_364, %eq3A_366 : vector<64x512xi32>
      %convert_element_type3A_368 = arith.extui %eq3A_367 : vector<64x512xi1> to vector<64x512xi32>
      %convert_element_type3A_369 = arith.sitofp %convert_element_type3A_368 : vector<64x512xi32> to vector<64x512xf32>
      %convert_element_type3A_370 = arith.truncf %convert_element_type3A_369 : vector<64x512xf32> to vector<64x512xbf16>
      %swap3A_371 = arith.constant 0 : index
      %swap3A_372 = arith.constant 7680 : index
      %swap3A_373 = vector.load %arg4[%swap3A_371, %swap3A_372] : memref<64x8192xbf16, #tpu.memory_space<vmem>>, vector<64x512xbf16>
      tpu.vector_store %arg4[%swap3A_371, %swap3A_372], %convert_element_type3A_370 {strides = array<i32>} : memref<64x8192xbf16, #tpu.memory_space<vmem>>, vector<64x512xbf16>,
      %get3A_374 = arith.constant 64 : index
      %get3A_375 = arith.constant 0 : index
      %get3A_376 = vector.load %arg3[%get3A_374, %get3A_375] : memref<512x128xf32, #tpu.memory_space<vmem>>, vector<64x128xf32>
      %get3A_377 = arith.constant 0 : index
      %get3A_378 = arith.constant 0 : index
      %get3A_379 = vector.load %arg4[%get3A_377, %get3A_378] : memref<64x8192xbf16, #tpu.memory_space<vmem>>, vector<64x8192xbf16>
      %get3A_380 = arith.constant 0 : index
      %get3A_381 = arith.constant 0 : index
      %get3A_382 = vector.load %arg5[%get3A_380, %get3A_381] : memref<8192x128xbf16, #tpu.memory_space<vmem>>, vector<8192x128xbf16>
      %dot_general3A = arith.constant dense<0.000000e+00> : vector<64x128xf32>
      %dot_general3A_383 = tpu.matmul %get3A_379, %get3A_382, %dot_general3A {dimension_numbers = #tpu.dot_dimension_numbers<[1], [0], [0], [1], [0, 0, 1, 1], [], []>, transpose_lhs_hint = false} : vector<64x8192xbf16>, vector<8192x128xbf16>, vector<64x128xf32> -> vector<64x128xf32>
      %get3A_384 = arith.constant 0 : index
      %get3A_385 = arith.constant 0 : index
      %get3A_386 = vector.load %arg4[%get3A_384, %get3A_385] : memref<64x8192xbf16, #tpu.memory_space<vmem>>, vector<64x8192xbf16>
      %get3A_387 = arith.constant 0 : index
      %get3A_388 = arith.constant 0 : index
      %get3A_389 = vector.load %arg6[%get3A_387, %get3A_388] : memref<8192x128xbf16, #tpu.memory_space<vmem>>, vector<8192x128xbf16>
      %dot_general3A_390 = arith.constant dense<0.000000e+00> : vector<64x128xf32>
      %dot_general3A_391 = tpu.matmul %get3A_386, %get3A_389, %dot_general3A_390 {dimension_numbers = #tpu.dot_dimension_numbers<[1], [0], [0], [1], [0, 0, 1, 1], [], []>, transpose_lhs_hint = false} : vector<64x8192xbf16>, vector<8192x128xbf16>, vector<64x128xf32> -> vector<64x128xf32>
      %add3A_392 = arith.addf %dot_general3A_383, %dot_general3A_391 : vector<64x128xf32>
      %add3A_393 = arith.addf %get3A_376, %add3A_392 : vector<64x128xf32>
      %swap3A_394 = arith.constant 64 : index
      %swap3A_395 = arith.constant 0 : index
      %swap3A_396 = vector.load %arg3[%swap3A_394, %swap3A_395] : memref<512x128xf32, #tpu.memory_space<vmem>>, vector<64x128xf32>
      tpu.vector_store %arg3[%swap3A_394, %swap3A_395], %add3A_393 {strides = array<i32>} : memref<512x128xf32, #tpu.memory_space<vmem>>, vector<64x128xf32>,
    } else {
    }
    %ge3A_41 = arith.constant 128 : i32
    %ge3A_42 = arith.cmpi sge, %get3A_27, %ge3A_41 : i32
    %lt3A_43 = arith.constant 192 : i32
    %lt3A_44 = arith.cmpi slt, %get3A_22, %lt3A_43 : i32
    %and3A_45 = arith.andi %ge3A_42, %lt3A_44 : i1
    %convert_element_type3A_46 = arith.extui %and3A_45 : i1 to i32
    %cond3A_47 = arith.constant 0 : i32
    %cond3A_48 = arith.cmpi ne, %convert_element_type3A_46, %cond3A_47 : i32
    scf.if %cond3A_48 {
      %get3A_89 = arith.constant 0 : index
      %get3A_90 = arith.constant 0 : index
      %get3A_91 = arith.constant 0 : index
      %get3A_92 = vector.load %arg1[%get3A_89, %get3A_90, %get3A_91] : memref<16x1x512xi32, #tpu.memory_space<vmem>>, vector<1x1x512xi32>
      %get3A_93 = vector.shape_cast %get3A_92 : vector<1x1x512xi32> to vector<512xi32>
      %iota3A = tpu.iota {dimensions = array<i32: 0>} : vector<64x512xi32>
      %add3A = arith.constant 128 : i32
      %add3A_94 = vector.broadcast %add3A : i32 to vector<64x512xi32>
      %add3A_95 = arith.addi %iota3A, %add3A_94 : vector<64x512xi32>
      %broadcast_in_dim3A = vector.shape_cast %get3A_93 : vector<512xi32> to vector<1x512xi32>
      %eq3A_96 = vector.broadcast %broadcast_in_dim3A : vector<1x512xi32> to vector<64x512xi32>
      %eq3A_97 = arith.cmpi eq, %add3A_95, %eq3A_96 : vector<64x512xi32>
      %convert_element_type3A_98 = arith.extui %eq3A_97 : vector<64x512xi1> to vector<64x512xi32>
      %convert_element_type3A_99 = arith.sitofp %convert_element_type3A_98 : vector<64x512xi32> to vector<64x512xf32>
      %convert_element_type3A_100 = arith.truncf %convert_element_type3A_99 : vector<64x512xf32> to vector<64x512xbf16>
      %swap3A_101 = arith.constant 0 : index
      %swap3A_102 = arith.constant 0 : index
      %swap3A_103 = vector.load %arg4[%swap3A_101, %swap3A_102] : memref<64x8192xbf16, #tpu.memory_space<vmem>>, vector<64x512xbf16>
      tpu.vector_store %arg4[%swap3A_101, %swap3A_102], %convert_element_type3A_100 {strides = array<i32>} : memref<64x8192xbf16, #tpu.memory_space<vmem>>, vector<64x512xbf16>,
      %get3A_104 = arith.constant 1 : index
      %get3A_105 = arith.constant 0 : index
      %get3A_106 = arith.constant 0 : index
      %get3A_107 = vector.load %arg1[%get3A_104, %get3A_105, %get3A_106] : memref<16x1x512xi32, #tpu.memory_space<vmem>>, vector<1x1x512xi32>
      %get3A_108 = vector.shape_cast %get3A_107 : vector<1x1x512xi32> to vector<512xi32>
      %iota3A_109 = tpu.iota {dimensions = array<i32: 0>} : vector<64x512xi32>
      %add3A_110 = arith.constant 128 : i32
      %add3A_111 = vector.broadcast %add3A_110 : i32 to vector<64x512xi32>
      %add3A_112 = arith.addi %iota3A_109, %add3A_111 : vector<64x512xi32>
      %broadcast_in_dim3A_113 = vector.shape_cast %get3A_108 : vector<512xi32> to vector<1x512xi32>
      %eq3A_114 = vector.broadcast %broadcast_in_dim3A_113 : vector<1x512xi32> to vector<64x512xi32>
      %eq3A_115 = arith.cmpi eq, %add3A_112, %eq3A_114 : vector<64x512xi32>
      %convert_element_type3A_116 = arith.extui %eq3A_115 : vector<64x512xi1> to vector<64x512xi32>
      %convert_element_type3A_117 = arith.sitofp %convert_element_type3A_116 : vector<64x512xi32> to vector<64x512xf32>
      %convert_element_type3A_118 = arith.truncf %convert_element_type3A_117 : vector<64x512xf32> to vector<64x512xbf16>
      %swap3A_119 = arith.constant 0 : index
      %swap3A_120 = arith.constant 512 : index
      %swap3A_121 = vector.load %arg4[%swap3A_119, %swap3A_120] : memref<64x8192xbf16, #tpu.memory_space<vmem>>, vector<64x512xbf16>
      tpu.vector_store %arg4[%swap3A_119, %swap3A_120], %convert_element_type3A_118 {strides = array<i32>} : memref<64x8192xbf16, #tpu.memory_space<vmem>>, vector<64x512xbf16>,
      %get3A_122 = arith.constant 2 : index
      %get3A_123 = arith.constant 0 : index
      %get3A_124 = arith.constant 0 : index
      %get3A_125 = vector.load %arg1[%get3A_122, %get3A_123, %get3A_124] : memref<16x1x512xi32, #tpu.memory_space<vmem>>, vector<1x1x512xi32>
      %get3A_126 = vector.shape_cast %get3A_125 : vector<1x1x512xi32> to vector<512xi32>
      %iota3A_127 = tpu.iota {dimensions = array<i32: 0>} : vector<64x512xi32>
      %add3A_128 = arith.constant 128 : i32
      %add3A_129 = vector.broadcast %add3A_128 : i32 to vector<64x512xi32>
      %add3A_130 = arith.addi %iota3A_127, %add3A_129 : vector<64x512xi32>
      %broadcast_in_dim3A_131 = vector.shape_cast %get3A_126 : vector<512xi32> to vector<1x512xi32>
      %eq3A_132 = vector.broadcast %broadcast_in_dim3A_131 : vector<1x512xi32> to vector<64x512xi32>
      %eq3A_133 = arith.cmpi eq, %add3A_130, %eq3A_132 : vector<64x512xi32>
      %convert_element_type3A_134 = arith.extui %eq3A_133 : vector<64x512xi1> to vector<64x512xi32>
      %convert_element_type3A_135 = arith.sitofp %convert_element_type3A_134 : vector<64x512xi32> to vector<64x512xf32>
      %convert_element_type3A_136 = arith.truncf %convert_element_type3A_135 : vector<64x512xf32> to vector<64x512xbf16>
      %swap3A_137 = arith.constant 0 : index
      %swap3A_138 = arith.constant 1024 : index
      %swap3A_139 = vector.load %arg4[%swap3A_137, %swap3A_138] : memref<64x8192xbf16, #tpu.memory_space<vmem>>, vector<64x512xbf16>
      tpu.vector_store %arg4[%swap3A_137, %swap3A_138], %convert_element_type3A_136 {strides = array<i32>} : memref<64x8192xbf16, #tpu.memory_space<vmem>>, vector<64x512xbf16>,
      %get3A_140 = arith.constant 3 : index
      %get3A_141 = arith.constant 0 : index
      %get3A_142 = arith.constant 0 : index
      %get3A_143 = vector.load %arg1[%get3A_140, %get3A_141, %get3A_142] : memref<16x1x512xi32, #tpu.memory_space<vmem>>, vector<1x1x512xi32>
      %get3A_144 = vector.shape_cast %get3A_143 : vector<1x1x512xi32> to vector<512xi32>
      %iota3A_145 = tpu.iota {dimensions = array<i32: 0>} : vector<64x512xi32>
      %add3A_146 = arith.constant 128 : i32
      %add3A_147 = vector.broadcast %add3A_146 : i32 to vector<64x512xi32>
      %add3A_148 = arith.addi %iota3A_145, %add3A_147 : vector<64x512xi32>
      %broadcast_in_dim3A_149 = vector.shape_cast %get3A_144 : vector<512xi32> to vector<1x512xi32>
      %eq3A_150 = vector.broadcast %broadcast_in_dim3A_149 : vector<1x512xi32> to vector<64x512xi32>
      %eq3A_151 = arith.cmpi eq, %add3A_148, %eq3A_150 : vector<64x512xi32>
      %convert_element_type3A_152 = arith.extui %eq3A_151 : vector<64x512xi1> to vector<64x512xi32>
      %convert_element_type3A_153 = arith.sitofp %convert_element_type3A_152 : vector<64x512xi32> to vector<64x512xf32>
      %convert_element_type3A_154 = arith.truncf %convert_element_type3A_153 : vector<64x512xf32> to vector<64x512xbf16>
      %swap3A_155 = arith.constant 0 : index
      %swap3A_156 = arith.constant 1536 : index
      %swap3A_157 = vector.load %arg4[%swap3A_155, %swap3A_156] : memref<64x8192xbf16, #tpu.memory_space<vmem>>, vector<64x512xbf16>
      tpu.vector_store %arg4[%swap3A_155, %swap3A_156], %convert_element_type3A_154 {strides = array<i32>} : memref<64x8192xbf16, #tpu.memory_space<vmem>>, vector<64x512xbf16>,
      %get3A_158 = arith.constant 4 : index
      %get3A_159 = arith.constant 0 : index
      %get3A_160 = arith.constant 0 : index
      %get3A_161 = vector.load %arg1[%get3A_158, %get3A_159, %get3A_160] : memref<16x1x512xi32, #tpu.memory_space<vmem>>, vector<1x1x512xi32>
      %get3A_162 = vector.shape_cast %get3A_161 : vector<1x1x512xi32> to vector<512xi32>
      %iota3A_163 = tpu.iota {dimensions = array<i32: 0>} : vector<64x512xi32>
      %add3A_164 = arith.constant 128 : i32
      %add3A_165 = vector.broadcast %add3A_164 : i32 to vector<64x512xi32>
      %add3A_166 = arith.addi %iota3A_163, %add3A_165 : vector<64x512xi32>
      %broadcast_in_dim3A_167 = vector.shape_cast %get3A_162 : vector<512xi32> to vector<1x512xi32>
      %eq3A_168 = vector.broadcast %broadcast_in_dim3A_167 : vector<1x512xi32> to vector<64x512xi32>
      %eq3A_169 = arith.cmpi eq, %add3A_166, %eq3A_168 : vector<64x512xi32>
      %convert_element_type3A_170 = arith.extui %eq3A_169 : vector<64x512xi1> to vector<64x512xi32>
      %convert_element_type3A_171 = arith.sitofp %convert_element_type3A_170 : vector<64x512xi32> to vector<64x512xf32>
      %convert_element_type3A_172 = arith.truncf %convert_element_type3A_171 : vector<64x512xf32> to vector<64x512xbf16>
      %swap3A_173 = arith.constant 0 : index
      %swap3A_174 = arith.constant 2048 : index
      %swap3A_175 = vector.load %arg4[%swap3A_173, %swap3A_174] : memref<64x8192xbf16, #tpu.memory_space<vmem>>, vector<64x512xbf16>
      tpu.vector_store %arg4[%swap3A_173, %swap3A_174], %convert_element_type3A_172 {strides = array<i32>} : memref<64x8192xbf16, #tpu.memory_space<vmem>>, vector<64x512xbf16>,
      %get3A_176 = arith.constant 5 : index
      %get3A_177 = arith.constant 0 : index
      %get3A_178 = arith.constant 0 : index
      %get3A_179 = vector.load %arg1[%get3A_176, %get3A_177, %get3A_178] : memref<16x1x512xi32, #tpu.memory_space<vmem>>, vector<1x1x512xi32>
      %get3A_180 = vector.shape_cast %get3A_179 : vector<1x1x512xi32> to vector<512xi32>
      %iota3A_181 = tpu.iota {dimensions = array<i32: 0>} : vector<64x512xi32>
      %add3A_182 = arith.constant 128 : i32
      %add3A_183 = vector.broadcast %add3A_182 : i32 to vector<64x512xi32>
      %add3A_184 = arith.addi %iota3A_181, %add3A_183 : vector<64x512xi32>
      %broadcast_in_dim3A_185 = vector.shape_cast %get3A_180 : vector<512xi32> to vector<1x512xi32>
      %eq3A_186 = vector.broadcast %broadcast_in_dim3A_185 : vector<1x512xi32> to vector<64x512xi32>
      %eq3A_187 = arith.cmpi eq, %add3A_184, %eq3A_186 : vector<64x512xi32>
      %convert_element_type3A_188 = arith.extui %eq3A_187 : vector<64x512xi1> to vector<64x512xi32>
      %convert_element_type3A_189 = arith.sitofp %convert_element_type3A_188 : vector<64x512xi32> to vector<64x512xf32>
      %convert_element_type3A_190 = arith.truncf %convert_element_type3A_189 : vector<64x512xf32> to vector<64x512xbf16>
      %swap3A_191 = arith.constant 0 : index
      %swap3A_192 = arith.constant 2560 : index
      %swap3A_193 = vector.load %arg4[%swap3A_191, %swap3A_192] : memref<64x8192xbf16, #tpu.memory_space<vmem>>, vector<64x512xbf16>
      tpu.vector_store %arg4[%swap3A_191, %swap3A_192], %convert_element_type3A_190 {strides = array<i32>} : memref<64x8192xbf16, #tpu.memory_space<vmem>>, vector<64x512xbf16>,
      %get3A_194 = arith.constant 6 : index
      %get3A_195 = arith.constant 0 : index
      %get3A_196 = arith.constant 0 : index
      %get3A_197 = vector.load %arg1[%get3A_194, %get3A_195, %get3A_196] : memref<16x1x512xi32, #tpu.memory_space<vmem>>, vector<1x1x512xi32>
      %get3A_198 = vector.shape_cast %get3A_197 : vector<1x1x512xi32> to vector<512xi32>
      %iota3A_199 = tpu.iota {dimensions = array<i32: 0>} : vector<64x512xi32>
      %add3A_200 = arith.constant 128 : i32
      %add3A_201 = vector.broadcast %add3A_200 : i32 to vector<64x512xi32>
      %add3A_202 = arith.addi %iota3A_199, %add3A_201 : vector<64x512xi32>
      %broadcast_in_dim3A_203 = vector.shape_cast %get3A_198 : vector<512xi32> to vector<1x512xi32>
      %eq3A_204 = vector.broadcast %broadcast_in_dim3A_203 : vector<1x512xi32> to vector<64x512xi32>
      %eq3A_205 = arith.cmpi eq, %add3A_202, %eq3A_204 : vector<64x512xi32>
      %convert_element_type3A_206 = arith.extui %eq3A_205 : vector<64x512xi1> to vector<64x512xi32>
      %convert_element_type3A_207 = arith.sitofp %convert_element_type3A_206 : vector<64x512xi32> to vector<64x512xf32>
      %convert_element_type3A_208 = arith.truncf %convert_element_type3A_207 : vector<64x512xf32> to vector<64x512xbf16>
      %swap3A_209 = arith.constant 0 : index
      %swap3A_210 = arith.constant 3072 : index
      %swap3A_211 = vector.load %arg4[%swap3A_209, %swap3A_210] : memref<64x8192xbf16, #tpu.memory_space<vmem>>, vector<64x512xbf16>
      tpu.vector_store %arg4[%swap3A_209, %swap3A_210], %convert_element_type3A_208 {strides = array<i32>} : memref<64x8192xbf16, #tpu.memory_space<vmem>>, vector<64x512xbf16>,
      %get3A_212 = arith.constant 7 : index
      %get3A_213 = arith.constant 0 : index
      %get3A_214 = arith.constant 0 : index
      %get3A_215 = vector.load %arg1[%get3A_212, %get3A_213, %get3A_214] : memref<16x1x512xi32, #tpu.memory_space<vmem>>, vector<1x1x512xi32>
      %get3A_216 = vector.shape_cast %get3A_215 : vector<1x1x512xi32> to vector<512xi32>
      %iota3A_217 = tpu.iota {dimensions = array<i32: 0>} : vector<64x512xi32>
      %add3A_218 = arith.constant 128 : i32
      %add3A_219 = vector.broadcast %add3A_218 : i32 to vector<64x512xi32>
      %add3A_220 = arith.addi %iota3A_217, %add3A_219 : vector<64x512xi32>
      %broadcast_in_dim3A_221 = vector.shape_cast %get3A_216 : vector<512xi32> to vector<1x512xi32>
      %eq3A_222 = vector.broadcast %broadcast_in_dim3A_221 : vector<1x512xi32> to vector<64x512xi32>
      %eq3A_223 = arith.cmpi eq, %add3A_220, %eq3A_222 : vector<64x512xi32>
      %convert_element_type3A_224 = arith.extui %eq3A_223 : vector<64x512xi1> to vector<64x512xi32>
      %convert_element_type3A_225 = arith.sitofp %convert_element_type3A_224 : vector<64x512xi32> to vector<64x512xf32>
      %convert_element_type3A_226 = arith.truncf %convert_element_type3A_225 : vector<64x512xf32> to vector<64x512xbf16>
      %swap3A_227 = arith.constant 0 : index
      %swap3A_228 = arith.constant 3584 : index
      %swap3A_229 = vector.load %arg4[%swap3A_227, %swap3A_228] : memref<64x8192xbf16, #tpu.memory_space<vmem>>, vector<64x512xbf16>
      tpu.vector_store %arg4[%swap3A_227, %swap3A_228], %convert_element_type3A_226 {strides = array<i32>} : memref<64x8192xbf16, #tpu.memory_space<vmem>>, vector<64x512xbf16>,
      %get3A_230 = arith.constant 8 : index
      %get3A_231 = arith.constant 0 : index
      %get3A_232 = arith.constant 0 : index
      %get3A_233 = vector.load %arg1[%get3A_230, %get3A_231, %get3A_232] : memref<16x1x512xi32, #tpu.memory_space<vmem>>, vector<1x1x512xi32>
      %get3A_234 = vector.shape_cast %get3A_233 : vector<1x1x512xi32> to vector<512xi32>
      %iota3A_235 = tpu.iota {dimensions = array<i32: 0>} : vector<64x512xi32>
      %add3A_236 = arith.constant 128 : i32
      %add3A_237 = vector.broadcast %add3A_236 : i32 to vector<64x512xi32>
      %add3A_238 = arith.addi %iota3A_235, %add3A_237 : vector<64x512xi32>
      %broadcast_in_dim3A_239 = vector.shape_cast %get3A_234 : vector<512xi32> to vector<1x512xi32>
      %eq3A_240 = vector.broadcast %broadcast_in_dim3A_239 : vector<1x512xi32> to vector<64x512xi32>
      %eq3A_241 = arith.cmpi eq, %add3A_238, %eq3A_240 : vector<64x512xi32>
      %convert_element_type3A_242 = arith.extui %eq3A_241 : vector<64x512xi1> to vector<64x512xi32>
      %convert_element_type3A_243 = arith.sitofp %convert_element_type3A_242 : vector<64x512xi32> to vector<64x512xf32>
      %convert_element_type3A_244 = arith.truncf %convert_element_type3A_243 : vector<64x512xf32> to vector<64x512xbf16>
      %swap3A_245 = arith.constant 0 : index
      %swap3A_246 = arith.constant 4096 : index
      %swap3A_247 = vector.load %arg4[%swap3A_245, %swap3A_246] : memref<64x8192xbf16, #tpu.memory_space<vmem>>, vector<64x512xbf16>
      tpu.vector_store %arg4[%swap3A_245, %swap3A_246], %convert_element_type3A_244 {strides = array<i32>} : memref<64x8192xbf16, #tpu.memory_space<vmem>>, vector<64x512xbf16>,
      %get3A_248 = arith.constant 9 : index
      %get3A_249 = arith.constant 0 : index
      %get3A_250 = arith.constant 0 : index
      %get3A_251 = vector.load %arg1[%get3A_248, %get3A_249, %get3A_250] : memref<16x1x512xi32, #tpu.memory_space<vmem>>, vector<1x1x512xi32>
      %get3A_252 = vector.shape_cast %get3A_251 : vector<1x1x512xi32> to vector<512xi32>
      %iota3A_253 = tpu.iota {dimensions = array<i32: 0>} : vector<64x512xi32>
      %add3A_254 = arith.constant 128 : i32
      %add3A_255 = vector.broadcast %add3A_254 : i32 to vector<64x512xi32>
      %add3A_256 = arith.addi %iota3A_253, %add3A_255 : vector<64x512xi32>
      %broadcast_in_dim3A_257 = vector.shape_cast %get3A_252 : vector<512xi32> to vector<1x512xi32>
      %eq3A_258 = vector.broadcast %broadcast_in_dim3A_257 : vector<1x512xi32> to vector<64x512xi32>
      %eq3A_259 = arith.cmpi eq, %add3A_256, %eq3A_258 : vector<64x512xi32>
      %convert_element_type3A_260 = arith.extui %eq3A_259 : vector<64x512xi1> to vector<64x512xi32>
      %convert_element_type3A_261 = arith.sitofp %convert_element_type3A_260 : vector<64x512xi32> to vector<64x512xf32>
      %convert_element_type3A_262 = arith.truncf %convert_element_type3A_261 : vector<64x512xf32> to vector<64x512xbf16>
      %swap3A_263 = arith.constant 0 : index
      %swap3A_264 = arith.constant 4608 : index
      %swap3A_265 = vector.load %arg4[%swap3A_263, %swap3A_264] : memref<64x8192xbf16, #tpu.memory_space<vmem>>, vector<64x512xbf16>
      tpu.vector_store %arg4[%swap3A_263, %swap3A_264], %convert_element_type3A_262 {strides = array<i32>} : memref<64x8192xbf16, #tpu.memory_space<vmem>>, vector<64x512xbf16>,
      %get3A_266 = arith.constant 10 : index
      %get3A_267 = arith.constant 0 : index
      %get3A_268 = arith.constant 0 : index
      %get3A_269 = vector.load %arg1[%get3A_266, %get3A_267, %get3A_268] : memref<16x1x512xi32, #tpu.memory_space<vmem>>, vector<1x1x512xi32>
      %get3A_270 = vector.shape_cast %get3A_269 : vector<1x1x512xi32> to vector<512xi32>
      %iota3A_271 = tpu.iota {dimensions = array<i32: 0>} : vector<64x512xi32>
      %add3A_272 = arith.constant 128 : i32
      %add3A_273 = vector.broadcast %add3A_272 : i32 to vector<64x512xi32>
      %add3A_274 = arith.addi %iota3A_271, %add3A_273 : vector<64x512xi32>
      %broadcast_in_dim3A_275 = vector.shape_cast %get3A_270 : vector<512xi32> to vector<1x512xi32>
      %eq3A_276 = vector.broadcast %broadcast_in_dim3A_275 : vector<1x512xi32> to vector<64x512xi32>
      %eq3A_277 = arith.cmpi eq, %add3A_274, %eq3A_276 : vector<64x512xi32>
      %convert_element_type3A_278 = arith.extui %eq3A_277 : vector<64x512xi1> to vector<64x512xi32>
      %convert_element_type3A_279 = arith.sitofp %convert_element_type3A_278 : vector<64x512xi32> to vector<64x512xf32>
      %convert_element_type3A_280 = arith.truncf %convert_element_type3A_279 : vector<64x512xf32> to vector<64x512xbf16>
      %swap3A_281 = arith.constant 0 : index
      %swap3A_282 = arith.constant 5120 : index
      %swap3A_283 = vector.load %arg4[%swap3A_281, %swap3A_282] : memref<64x8192xbf16, #tpu.memory_space<vmem>>, vector<64x512xbf16>
      tpu.vector_store %arg4[%swap3A_281, %swap3A_282], %convert_element_type3A_280 {strides = array<i32>} : memref<64x8192xbf16, #tpu.memory_space<vmem>>, vector<64x512xbf16>,
      %get3A_284 = arith.constant 11 : index
      %get3A_285 = arith.constant 0 : index
      %get3A_286 = arith.constant 0 : index
      %get3A_287 = vector.load %arg1[%get3A_284, %get3A_285, %get3A_286] : memref<16x1x512xi32, #tpu.memory_space<vmem>>, vector<1x1x512xi32>
      %get3A_288 = vector.shape_cast %get3A_287 : vector<1x1x512xi32> to vector<512xi32>
      %iota3A_289 = tpu.iota {dimensions = array<i32: 0>} : vector<64x512xi32>
      %add3A_290 = arith.constant 128 : i32
      %add3A_291 = vector.broadcast %add3A_290 : i32 to vector<64x512xi32>
      %add3A_292 = arith.addi %iota3A_289, %add3A_291 : vector<64x512xi32>
      %broadcast_in_dim3A_293 = vector.shape_cast %get3A_288 : vector<512xi32> to vector<1x512xi32>
      %eq3A_294 = vector.broadcast %broadcast_in_dim3A_293 : vector<1x512xi32> to vector<64x512xi32>
      %eq3A_295 = arith.cmpi eq, %add3A_292, %eq3A_294 : vector<64x512xi32>
      %convert_element_type3A_296 = arith.extui %eq3A_295 : vector<64x512xi1> to vector<64x512xi32>
      %convert_element_type3A_297 = arith.sitofp %convert_element_type3A_296 : vector<64x512xi32> to vector<64x512xf32>
      %convert_element_type3A_298 = arith.truncf %convert_element_type3A_297 : vector<64x512xf32> to vector<64x512xbf16>
      %swap3A_299 = arith.constant 0 : index
      %swap3A_300 = arith.constant 5632 : index
      %swap3A_301 = vector.load %arg4[%swap3A_299, %swap3A_300] : memref<64x8192xbf16, #tpu.memory_space<vmem>>, vector<64x512xbf16>
      tpu.vector_store %arg4[%swap3A_299, %swap3A_300], %convert_element_type3A_298 {strides = array<i32>} : memref<64x8192xbf16, #tpu.memory_space<vmem>>, vector<64x512xbf16>,
      %get3A_302 = arith.constant 12 : index
      %get3A_303 = arith.constant 0 : index
      %get3A_304 = arith.constant 0 : index
      %get3A_305 = vector.load %arg1[%get3A_302, %get3A_303, %get3A_304] : memref<16x1x512xi32, #tpu.memory_space<vmem>>, vector<1x1x512xi32>
      %get3A_306 = vector.shape_cast %get3A_305 : vector<1x1x512xi32> to vector<512xi32>
      %iota3A_307 = tpu.iota {dimensions = array<i32: 0>} : vector<64x512xi32>
      %add3A_308 = arith.constant 128 : i32
      %add3A_309 = vector.broadcast %add3A_308 : i32 to vector<64x512xi32>
      %add3A_310 = arith.addi %iota3A_307, %add3A_309 : vector<64x512xi32>
      %broadcast_in_dim3A_311 = vector.shape_cast %get3A_306 : vector<512xi32> to vector<1x512xi32>
      %eq3A_312 = vector.broadcast %broadcast_in_dim3A_311 : vector<1x512xi32> to vector<64x512xi32>
      %eq3A_313 = arith.cmpi eq, %add3A_310, %eq3A_312 : vector<64x512xi32>
      %convert_element_type3A_314 = arith.extui %eq3A_313 : vector<64x512xi1> to vector<64x512xi32>
      %convert_element_type3A_315 = arith.sitofp %convert_element_type3A_314 : vector<64x512xi32> to vector<64x512xf32>
      %convert_element_type3A_316 = arith.truncf %convert_element_type3A_315 : vector<64x512xf32> to vector<64x512xbf16>
      %swap3A_317 = arith.constant 0 : index
      %swap3A_318 = arith.constant 6144 : index
      %swap3A_319 = vector.load %arg4[%swap3A_317, %swap3A_318] : memref<64x8192xbf16, #tpu.memory_space<vmem>>, vector<64x512xbf16>
      tpu.vector_store %arg4[%swap3A_317, %swap3A_318], %convert_element_type3A_316 {strides = array<i32>} : memref<64x8192xbf16, #tpu.memory_space<vmem>>, vector<64x512xbf16>,
      %get3A_320 = arith.constant 13 : index
      %get3A_321 = arith.constant 0 : index
      %get3A_322 = arith.constant 0 : index
      %get3A_323 = vector.load %arg1[%get3A_320, %get3A_321, %get3A_322] : memref<16x1x512xi32, #tpu.memory_space<vmem>>, vector<1x1x512xi32>
      %get3A_324 = vector.shape_cast %get3A_323 : vector<1x1x512xi32> to vector<512xi32>
      %iota3A_325 = tpu.iota {dimensions = array<i32: 0>} : vector<64x512xi32>
      %add3A_326 = arith.constant 128 : i32
      %add3A_327 = vector.broadcast %add3A_326 : i32 to vector<64x512xi32>
      %add3A_328 = arith.addi %iota3A_325, %add3A_327 : vector<64x512xi32>
      %broadcast_in_dim3A_329 = vector.shape_cast %get3A_324 : vector<512xi32> to vector<1x512xi32>
      %eq3A_330 = vector.broadcast %broadcast_in_dim3A_329 : vector<1x512xi32> to vector<64x512xi32>
      %eq3A_331 = arith.cmpi eq, %add3A_328, %eq3A_330 : vector<64x512xi32>
      %convert_element_type3A_332 = arith.extui %eq3A_331 : vector<64x512xi1> to vector<64x512xi32>
      %convert_element_type3A_333 = arith.sitofp %convert_element_type3A_332 : vector<64x512xi32> to vector<64x512xf32>
      %convert_element_type3A_334 = arith.truncf %convert_element_type3A_333 : vector<64x512xf32> to vector<64x512xbf16>
      %swap3A_335 = arith.constant 0 : index
      %swap3A_336 = arith.constant 6656 : index
      %swap3A_337 = vector.load %arg4[%swap3A_335, %swap3A_336] : memref<64x8192xbf16, #tpu.memory_space<vmem>>, vector<64x512xbf16>
      tpu.vector_store %arg4[%swap3A_335, %swap3A_336], %convert_element_type3A_334 {strides = array<i32>} : memref<64x8192xbf16, #tpu.memory_space<vmem>>, vector<64x512xbf16>,
      %get3A_338 = arith.constant 14 : index
      %get3A_339 = arith.constant 0 : index
      %get3A_340 = arith.constant 0 : index
      %get3A_341 = vector.load %arg1[%get3A_338, %get3A_339, %get3A_340] : memref<16x1x512xi32, #tpu.memory_space<vmem>>, vector<1x1x512xi32>
      %get3A_342 = vector.shape_cast %get3A_341 : vector<1x1x512xi32> to vector<512xi32>
      %iota3A_343 = tpu.iota {dimensions = array<i32: 0>} : vector<64x512xi32>
      %add3A_344 = arith.constant 128 : i32
      %add3A_345 = vector.broadcast %add3A_344 : i32 to vector<64x512xi32>
      %add3A_346 = arith.addi %iota3A_343, %add3A_345 : vector<64x512xi32>
      %broadcast_in_dim3A_347 = vector.shape_cast %get3A_342 : vector<512xi32> to vector<1x512xi32>
      %eq3A_348 = vector.broadcast %broadcast_in_dim3A_347 : vector<1x512xi32> to vector<64x512xi32>
      %eq3A_349 = arith.cmpi eq, %add3A_346, %eq3A_348 : vector<64x512xi32>
      %convert_element_type3A_350 = arith.extui %eq3A_349 : vector<64x512xi1> to vector<64x512xi32>
      %convert_element_type3A_351 = arith.sitofp %convert_element_type3A_350 : vector<64x512xi32> to vector<64x512xf32>
      %convert_element_type3A_352 = arith.truncf %convert_element_type3A_351 : vector<64x512xf32> to vector<64x512xbf16>
      %swap3A_353 = arith.constant 0 : index
      %swap3A_354 = arith.constant 7168 : index
      %swap3A_355 = vector.load %arg4[%swap3A_353, %swap3A_354] : memref<64x8192xbf16, #tpu.memory_space<vmem>>, vector<64x512xbf16>
      tpu.vector_store %arg4[%swap3A_353, %swap3A_354], %convert_element_type3A_352 {strides = array<i32>} : memref<64x8192xbf16, #tpu.memory_space<vmem>>, vector<64x512xbf16>,
      %get3A_356 = arith.constant 15 : index
      %get3A_357 = arith.constant 0 : index
      %get3A_358 = arith.constant 0 : index
      %get3A_359 = vector.load %arg1[%get3A_356, %get3A_357, %get3A_358] : memref<16x1x512xi32, #tpu.memory_space<vmem>>, vector<1x1x512xi32>
      %get3A_360 = vector.shape_cast %get3A_359 : vector<1x1x512xi32> to vector<512xi32>
      %iota3A_361 = tpu.iota {dimensions = array<i32: 0>} : vector<64x512xi32>
      %add3A_362 = arith.constant 128 : i32
      %add3A_363 = vector.broadcast %add3A_362 : i32 to vector<64x512xi32>
      %add3A_364 = arith.addi %iota3A_361, %add3A_363 : vector<64x512xi32>
      %broadcast_in_dim3A_365 = vector.shape_cast %get3A_360 : vector<512xi32> to vector<1x512xi32>
      %eq3A_366 = vector.broadcast %broadcast_in_dim3A_365 : vector<1x512xi32> to vector<64x512xi32>
      %eq3A_367 = arith.cmpi eq, %add3A_364, %eq3A_366 : vector<64x512xi32>
      %convert_element_type3A_368 = arith.extui %eq3A_367 : vector<64x512xi1> to vector<64x512xi32>
      %convert_element_type3A_369 = arith.sitofp %convert_element_type3A_368 : vector<64x512xi32> to vector<64x512xf32>
      %convert_element_type3A_370 = arith.truncf %convert_element_type3A_369 : vector<64x512xf32> to vector<64x512xbf16>
      %swap3A_371 = arith.constant 0 : index
      %swap3A_372 = arith.constant 7680 : index
      %swap3A_373 = vector.load %arg4[%swap3A_371, %swap3A_372] : memref<64x8192xbf16, #tpu.memory_space<vmem>>, vector<64x512xbf16>
      tpu.vector_store %arg4[%swap3A_371, %swap3A_372], %convert_element_type3A_370 {strides = array<i32>} : memref<64x8192xbf16, #tpu.memory_space<vmem>>, vector<64x512xbf16>,
      %get3A_374 = arith.constant 128 : index
      %get3A_375 = arith.constant 0 : index
      %get3A_376 = vector.load %arg3[%get3A_374, %get3A_375] : memref<512x128xf32, #tpu.memory_space<vmem>>, vector<64x128xf32>
      %get3A_377 = arith.constant 0 : index
      %get3A_378 = arith.constant 0 : index
      %get3A_379 = vector.load %arg4[%get3A_377, %get3A_378] : memref<64x8192xbf16, #tpu.memory_space<vmem>>, vector<64x8192xbf16>
      %get3A_380 = arith.constant 0 : index
      %get3A_381 = arith.constant 0 : index
      %get3A_382 = vector.load %arg5[%get3A_380, %get3A_381] : memref<8192x128xbf16, #tpu.memory_space<vmem>>, vector<8192x128xbf16>
      %dot_general3A = arith.constant dense<0.000000e+00> : vector<64x128xf32>
      %dot_general3A_383 = tpu.matmul %get3A_379, %get3A_382, %dot_general3A {dimension_numbers = #tpu.dot_dimension_numbers<[1], [0], [0], [1], [0, 0, 1, 1], [], []>, transpose_lhs_hint = false} : vector<64x8192xbf16>, vector<8192x128xbf16>, vector<64x128xf32> -> vector<64x128xf32>
      %get3A_384 = arith.constant 0 : index
      %get3A_385 = arith.constant 0 : index
      %get3A_386 = vector.load %arg4[%get3A_384, %get3A_385] : memref<64x8192xbf16, #tpu.memory_space<vmem>>, vector<64x8192xbf16>
      %get3A_387 = arith.constant 0 : index
      %get3A_388 = arith.constant 0 : index
      %get3A_389 = vector.load %arg6[%get3A_387, %get3A_388] : memref<8192x128xbf16, #tpu.memory_space<vmem>>, vector<8192x128xbf16>
      %dot_general3A_390 = arith.constant dense<0.000000e+00> : vector<64x128xf32>
      %dot_general3A_391 = tpu.matmul %get3A_386, %get3A_389, %dot_general3A_390 {dimension_numbers = #tpu.dot_dimension_numbers<[1], [0], [0], [1], [0, 0, 1, 1], [], []>, transpose_lhs_hint = false} : vector<64x8192xbf16>, vector<8192x128xbf16>, vector<64x128xf32> -> vector<64x128xf32>
      %add3A_392 = arith.addf %dot_general3A_383, %dot_general3A_391 : vector<64x128xf32>
      %add3A_393 = arith.addf %get3A_376, %add3A_392 : vector<64x128xf32>
      %swap3A_394 = arith.constant 128 : index
      %swap3A_395 = arith.constant 0 : index
      %swap3A_396 = vector.load %arg3[%swap3A_394, %swap3A_395] : memref<512x128xf32, #tpu.memory_space<vmem>>, vector<64x128xf32>
      tpu.vector_store %arg3[%swap3A_394, %swap3A_395], %add3A_393 {strides = array<i32>} : memref<512x128xf32, #tpu.memory_space<vmem>>, vector<64x128xf32>,
    } else {
    }
    %ge3A_49 = arith.constant 192 : i32
    %ge3A_50 = arith.cmpi sge, %get3A_27, %ge3A_49 : i32
    %lt3A_51 = arith.constant 256 : i32
    %lt3A_52 = arith.cmpi slt, %get3A_22, %lt3A_51 : i32
    %and3A_53 = arith.andi %ge3A_50, %lt3A_52 : i1
    %convert_element_type3A_54 = arith.extui %and3A_53 : i1 to i32
    %cond3A_55 = arith.constant 0 : i32
    %cond3A_56 = arith.cmpi ne, %convert_element_type3A_54, %cond3A_55 : i32
    scf.if %cond3A_56 {
      %get3A_89 = arith.constant 0 : index
      %get3A_90 = arith.constant 0 : index
      %get3A_91 = arith.constant 0 : index
      %get3A_92 = vector.load %arg1[%get3A_89, %get3A_90, %get3A_91] : memref<16x1x512xi32, #tpu.memory_space<vmem>>, vector<1x1x512xi32>
      %get3A_93 = vector.shape_cast %get3A_92 : vector<1x1x512xi32> to vector<512xi32>
      %iota3A = tpu.iota {dimensions = array<i32: 0>} : vector<64x512xi32>
      %add3A = arith.constant 192 : i32
      %add3A_94 = vector.broadcast %add3A : i32 to vector<64x512xi32>
      %add3A_95 = arith.addi %iota3A, %add3A_94 : vector<64x512xi32>
      %broadcast_in_dim3A = vector.shape_cast %get3A_93 : vector<512xi32> to vector<1x512xi32>
      %eq3A_96 = vector.broadcast %broadcast_in_dim3A : vector<1x512xi32> to vector<64x512xi32>
      %eq3A_97 = arith.cmpi eq, %add3A_95, %eq3A_96 : vector<64x512xi32>
      %convert_element_type3A_98 = arith.extui %eq3A_97 : vector<64x512xi1> to vector<64x512xi32>
      %convert_element_type3A_99 = arith.sitofp %convert_element_type3A_98 : vector<64x512xi32> to vector<64x512xf32>
      %convert_element_type3A_100 = arith.truncf %convert_element_type3A_99 : vector<64x512xf32> to vector<64x512xbf16>
      %swap3A_101 = arith.constant 0 : index
      %swap3A_102 = arith.constant 0 : index
      %swap3A_103 = vector.load %arg4[%swap3A_101, %swap3A_102] : memref<64x8192xbf16, #tpu.memory_space<vmem>>, vector<64x512xbf16>
      tpu.vector_store %arg4[%swap3A_101, %swap3A_102], %convert_element_type3A_100 {strides = array<i32>} : memref<64x8192xbf16, #tpu.memory_space<vmem>>, vector<64x512xbf16>,
      %get3A_104 = arith.constant 1 : index
      %get3A_105 = arith.constant 0 : index
      %get3A_106 = arith.constant 0 : index
      %get3A_107 = vector.load %arg1[%get3A_104, %get3A_105, %get3A_106] : memref<16x1x512xi32, #tpu.memory_space<vmem>>, vector<1x1x512xi32>
      %get3A_108 = vector.shape_cast %get3A_107 : vector<1x1x512xi32> to vector<512xi32>
      %iota3A_109 = tpu.iota {dimensions = array<i32: 0>} : vector<64x512xi32>
      %add3A_110 = arith.constant 192 : i32
      %add3A_111 = vector.broadcast %add3A_110 : i32 to vector<64x512xi32>
      %add3A_112 = arith.addi %iota3A_109, %add3A_111 : vector<64x512xi32>
      %broadcast_in_dim3A_113 = vector.shape_cast %get3A_108 : vector<512xi32> to vector<1x512xi32>
      %eq3A_114 = vector.broadcast %broadcast_in_dim3A_113 : vector<1x512xi32> to vector<64x512xi32>
      %eq3A_115 = arith.cmpi eq, %add3A_112, %eq3A_114 : vector<64x512xi32>
      %convert_element_type3A_116 = arith.extui %eq3A_115 : vector<64x512xi1> to vector<64x512xi32>
      %convert_element_type3A_117 = arith.sitofp %convert_element_type3A_116 : vector<64x512xi32> to vector<64x512xf32>
      %convert_element_type3A_118 = arith.truncf %convert_element_type3A_117 : vector<64x512xf32> to vector<64x512xbf16>
      %swap3A_119 = arith.constant 0 : index
      %swap3A_120 = arith.constant 512 : index
      %swap3A_121 = vector.load %arg4[%swap3A_119, %swap3A_120] : memref<64x8192xbf16, #tpu.memory_space<vmem>>, vector<64x512xbf16>
      tpu.vector_store %arg4[%swap3A_119, %swap3A_120], %convert_element_type3A_118 {strides = array<i32>} : memref<64x8192xbf16, #tpu.memory_space<vmem>>, vector<64x512xbf16>,
      %get3A_122 = arith.constant 2 : index
      %get3A_123 = arith.constant 0 : index
      %get3A_124 = arith.constant 0 : index
      %get3A_125 = vector.load %arg1[%get3A_122, %get3A_123, %get3A_124] : memref<16x1x512xi32, #tpu.memory_space<vmem>>, vector<1x1x512xi32>
      %get3A_126 = vector.shape_cast %get3A_125 : vector<1x1x512xi32> to vector<512xi32>
      %iota3A_127 = tpu.iota {dimensions = array<i32: 0>} : vector<64x512xi32>
      %add3A_128 = arith.constant 192 : i32
      %add3A_129 = vector.broadcast %add3A_128 : i32 to vector<64x512xi32>
      %add3A_130 = arith.addi %iota3A_127, %add3A_129 : vector<64x512xi32>
      %broadcast_in_dim3A_131 = vector.shape_cast %get3A_126 : vector<512xi32> to vector<1x512xi32>
      %eq3A_132 = vector.broadcast %broadcast_in_dim3A_131 : vector<1x512xi32> to vector<64x512xi32>
      %eq3A_133 = arith.cmpi eq, %add3A_130, %eq3A_132 : vector<64x512xi32>
      %convert_element_type3A_134 = arith.extui %eq3A_133 : vector<64x512xi1> to vector<64x512xi32>
      %convert_element_type3A_135 = arith.sitofp %convert_element_type3A_134 : vector<64x512xi32> to vector<64x512xf32>
      %convert_element_type3A_136 = arith.truncf %convert_element_type3A_135 : vector<64x512xf32> to vector<64x512xbf16>
      %swap3A_137 = arith.constant 0 : index
      %swap3A_138 = arith.constant 1024 : index
      %swap3A_139 = vector.load %arg4[%swap3A_137, %swap3A_138] : memref<64x8192xbf16, #tpu.memory_space<vmem>>, vector<64x512xbf16>
      tpu.vector_store %arg4[%swap3A_137, %swap3A_138], %convert_element_type3A_136 {strides = array<i32>} : memref<64x8192xbf16, #tpu.memory_space<vmem>>, vector<64x512xbf16>,
      %get3A_140 = arith.constant 3 : index
      %get3A_141 = arith.constant 0 : index
      %get3A_142 = arith.constant 0 : index
      %get3A_143 = vector.load %arg1[%get3A_140, %get3A_141, %get3A_142] : memref<16x1x512xi32, #tpu.memory_space<vmem>>, vector<1x1x512xi32>
      %get3A_144 = vector.shape_cast %get3A_143 : vector<1x1x512xi32> to vector<512xi32>
      %iota3A_145 = tpu.iota {dimensions = array<i32: 0>} : vector<64x512xi32>
      %add3A_146 = arith.constant 192 : i32
      %add3A_147 = vector.broadcast %add3A_146 : i32 to vector<64x512xi32>
      %add3A_148 = arith.addi %iota3A_145, %add3A_147 : vector<64x512xi32>
      %broadcast_in_dim3A_149 = vector.shape_cast %get3A_144 : vector<512xi32> to vector<1x512xi32>
      %eq3A_150 = vector.broadcast %broadcast_in_dim3A_149 : vector<1x512xi32> to vector<64x512xi32>
      %eq3A_151 = arith.cmpi eq, %add3A_148, %eq3A_150 : vector<64x512xi32>
      %convert_element_type3A_152 = arith.extui %eq3A_151 : vector<64x512xi1> to vector<64x512xi32>
      %convert_element_type3A_153 = arith.sitofp %convert_element_type3A_152 : vector<64x512xi32> to vector<64x512xf32>
      %convert_element_type3A_154 = arith.truncf %convert_element_type3A_153 : vector<64x512xf32> to vector<64x512xbf16>
      %swap3A_155 = arith.constant 0 : index
      %swap3A_156 = arith.constant 1536 : index
      %swap3A_157 = vector.load %arg4[%swap3A_155, %swap3A_156] : memref<64x8192xbf16, #tpu.memory_space<vmem>>, vector<64x512xbf16>
      tpu.vector_store %arg4[%swap3A_155, %swap3A_156], %convert_element_type3A_154 {strides = array<i32>} : memref<64x8192xbf16, #tpu.memory_space<vmem>>, vector<64x512xbf16>,
      %get3A_158 = arith.constant 4 : index
      %get3A_159 = arith.constant 0 : index
      %get3A_160 = arith.constant 0 : index
      %get3A_161 = vector.load %arg1[%get3A_158, %get3A_159, %get3A_160] : memref<16x1x512xi32, #tpu.memory_space<vmem>>, vector<1x1x512xi32>
      %get3A_162 = vector.shape_cast %get3A_161 : vector<1x1x512xi32> to vector<512xi32>
      %iota3A_163 = tpu.iota {dimensions = array<i32: 0>} : vector<64x512xi32>
      %add3A_164 = arith.constant 192 : i32
      %add3A_165 = vector.broadcast %add3A_164 : i32 to vector<64x512xi32>
      %add3A_166 = arith.addi %iota3A_163, %add3A_165 : vector<64x512xi32>
      %broadcast_in_dim3A_167 = vector.shape_cast %get3A_162 : vector<512xi32> to vector<1x512xi32>
      %eq3A_168 = vector.broadcast %broadcast_in_dim3A_167 : vector<1x512xi32> to vector<64x512xi32>
      %eq3A_169 = arith.cmpi eq, %add3A_166, %eq3A_168 : vector<64x512xi32>
      %convert_element_type3A_170 = arith.extui %eq3A_169 : vector<64x512xi1> to vector<64x512xi32>
      %convert_element_type3A_171 = arith.sitofp %convert_element_type3A_170 : vector<64x512xi32> to vector<64x512xf32>
      %convert_element_type3A_172 = arith.truncf %convert_element_type3A_171 : vector<64x512xf32> to vector<64x512xbf16>
      %swap3A_173 = arith.constant 0 : index
      %swap3A_174 = arith.constant 2048 : index
      %swap3A_175 = vector.load %arg4[%swap3A_173, %swap3A_174] : memref<64x8192xbf16, #tpu.memory_space<vmem>>, vector<64x512xbf16>
      tpu.vector_store %arg4[%swap3A_173, %swap3A_174], %convert_element_type3A_172 {strides = array<i32>} : memref<64x8192xbf16, #tpu.memory_space<vmem>>, vector<64x512xbf16>,
      %get3A_176 = arith.constant 5 : index
      %get3A_177 = arith.constant 0 : index
      %get3A_178 = arith.constant 0 : index
      %get3A_179 = vector.load %arg1[%get3A_176, %get3A_177, %get3A_178] : memref<16x1x512xi32, #tpu.memory_space<vmem>>, vector<1x1x512xi32>
      %get3A_180 = vector.shape_cast %get3A_179 : vector<1x1x512xi32> to vector<512xi32>
      %iota3A_181 = tpu.iota {dimensions = array<i32: 0>} : vector<64x512xi32>
      %add3A_182 = arith.constant 192 : i32
      %add3A_183 = vector.broadcast %add3A_182 : i32 to vector<64x512xi32>
      %add3A_184 = arith.addi %iota3A_181, %add3A_183 : vector<64x512xi32>
      %broadcast_in_dim3A_185 = vector.shape_cast %get3A_180 : vector<512xi32> to vector<1x512xi32>
      %eq3A_186 = vector.broadcast %broadcast_in_dim3A_185 : vector<1x512xi32> to vector<64x512xi32>
      %eq3A_187 = arith.cmpi eq, %add3A_184, %eq3A_186 : vector<64x512xi32>
      %convert_element_type3A_188 = arith.extui %eq3A_187 : vector<64x512xi1> to vector<64x512xi32>
      %convert_element_type3A_189 = arith.sitofp %convert_element_type3A_188 : vector<64x512xi32> to vector<64x512xf32>
      %convert_element_type3A_190 = arith.truncf %convert_element_type3A_189 : vector<64x512xf32> to vector<64x512xbf16>
      %swap3A_191 = arith.constant 0 : index
      %swap3A_192 = arith.constant 2560 : index
      %swap3A_193 = vector.load %arg4[%swap3A_191, %swap3A_192] : memref<64x8192xbf16, #tpu.memory_space<vmem>>, vector<64x512xbf16>
      tpu.vector_store %arg4[%swap3A_191, %swap3A_192], %convert_element_type3A_190 {strides = array<i32>} : memref<64x8192xbf16, #tpu.memory_space<vmem>>, vector<64x512xbf16>,
      %get3A_194 = arith.constant 6 : index
      %get3A_195 = arith.constant 0 : index
      %get3A_196 = arith.constant 0 : index
      %get3A_197 = vector.load %arg1[%get3A_194, %get3A_195, %get3A_196] : memref<16x1x512xi32, #tpu.memory_space<vmem>>, vector<1x1x512xi32>
      %get3A_198 = vector.shape_cast %get3A_197 : vector<1x1x512xi32> to vector<512xi32>
      %iota3A_199 = tpu.iota {dimensions = array<i32: 0>} : vector<64x512xi32>
      %add3A_200 = arith.constant 192 : i32
      %add3A_201 = vector.broadcast %add3A_200 : i32 to vector<64x512xi32>
      %add3A_202 = arith.addi %iota3A_199, %add3A_201 : vector<64x512xi32>
      %broadcast_in_dim3A_203 = vector.shape_cast %get3A_198 : vector<512xi32> to vector<1x512xi32>
      %eq3A_204 = vector.broadcast %broadcast_in_dim3A_203 : vector<1x512xi32> to vector<64x512xi32>
      %eq3A_205 = arith.cmpi eq, %add3A_202, %eq3A_204 : vector<64x512xi32>
      %convert_element_type3A_206 = arith.extui %eq3A_205 : vector<64x512xi1> to vector<64x512xi32>
      %convert_element_type3A_207 = arith.sitofp %convert_element_type3A_206 : vector<64x512xi32> to vector<64x512xf32>
      %convert_element_type3A_208 = arith.truncf %convert_element_type3A_207 : vector<64x512xf32> to vector<64x512xbf16>
      %swap3A_209 = arith.constant 0 : index
      %swap3A_210 = arith.constant 3072 : index
      %swap3A_211 = vector.load %arg4[%swap3A_209, %swap3A_210] : memref<64x8192xbf16, #tpu.memory_space<vmem>>, vector<64x512xbf16>
      tpu.vector_store %arg4[%swap3A_209, %swap3A_210], %convert_element_type3A_208 {strides = array<i32>} : memref<64x8192xbf16, #tpu.memory_space<vmem>>, vector<64x512xbf16>,
      %get3A_212 = arith.constant 7 : index
      %get3A_213 = arith.constant 0 : index
      %get3A_214 = arith.constant 0 : index
      %get3A_215 = vector.load %arg1[%get3A_212, %get3A_213, %get3A_214] : memref<16x1x512xi32, #tpu.memory_space<vmem>>, vector<1x1x512xi32>
      %get3A_216 = vector.shape_cast %get3A_215 : vector<1x1x512xi32> to vector<512xi32>
      %iota3A_217 = tpu.iota {dimensions = array<i32: 0>} : vector<64x512xi32>
      %add3A_218 = arith.constant 192 : i32
      %add3A_219 = vector.broadcast %add3A_218 : i32 to vector<64x512xi32>
      %add3A_220 = arith.addi %iota3A_217, %add3A_219 : vector<64x512xi32>
      %broadcast_in_dim3A_221 = vector.shape_cast %get3A_216 : vector<512xi32> to vector<1x512xi32>
      %eq3A_222 = vector.broadcast %broadcast_in_dim3A_221 : vector<1x512xi32> to vector<64x512xi32>
      %eq3A_223 = arith.cmpi eq, %add3A_220, %eq3A_222 : vector<64x512xi32>
      %convert_element_type3A_224 = arith.extui %eq3A_223 : vector<64x512xi1> to vector<64x512xi32>
      %convert_element_type3A_225 = arith.sitofp %convert_element_type3A_224 : vector<64x512xi32> to vector<64x512xf32>
      %convert_element_type3A_226 = arith.truncf %convert_element_type3A_225 : vector<64x512xf32> to vector<64x512xbf16>
      %swap3A_227 = arith.constant 0 : index
      %swap3A_228 = arith.constant 3584 : index
      %swap3A_229 = vector.load %arg4[%swap3A_227, %swap3A_228] : memref<64x8192xbf16, #tpu.memory_space<vmem>>, vector<64x512xbf16>
      tpu.vector_store %arg4[%swap3A_227, %swap3A_228], %convert_element_type3A_226 {strides = array<i32>} : memref<64x8192xbf16, #tpu.memory_space<vmem>>, vector<64x512xbf16>,
      %get3A_230 = arith.constant 8 : index
      %get3A_231 = arith.constant 0 : index
      %get3A_232 = arith.constant 0 : index
      %get3A_233 = vector.load %arg1[%get3A_230, %get3A_231, %get3A_232] : memref<16x1x512xi32, #tpu.memory_space<vmem>>, vector<1x1x512xi32>
      %get3A_234 = vector.shape_cast %get3A_233 : vector<1x1x512xi32> to vector<512xi32>
      %iota3A_235 = tpu.iota {dimensions = array<i32: 0>} : vector<64x512xi32>
      %add3A_236 = arith.constant 192 : i32
      %add3A_237 = vector.broadcast %add3A_236 : i32 to vector<64x512xi32>
      %add3A_238 = arith.addi %iota3A_235, %add3A_237 : vector<64x512xi32>
      %broadcast_in_dim3A_239 = vector.shape_cast %get3A_234 : vector<512xi32> to vector<1x512xi32>
      %eq3A_240 = vector.broadcast %broadcast_in_dim3A_239 : vector<1x512xi32> to vector<64x512xi32>
      %eq3A_241 = arith.cmpi eq, %add3A_238, %eq3A_240 : vector<64x512xi32>
      %convert_element_type3A_242 = arith.extui %eq3A_241 : vector<64x512xi1> to vector<64x512xi32>
      %convert_element_type3A_243 = arith.sitofp %convert_element_type3A_242 : vector<64x512xi32> to vector<64x512xf32>
      %convert_element_type3A_244 = arith.truncf %convert_element_type3A_243 : vector<64x512xf32> to vector<64x512xbf16>
      %swap3A_245 = arith.constant 0 : index
      %swap3A_246 = arith.constant 4096 : index
      %swap3A_247 = vector.load %arg4[%swap3A_245, %swap3A_246] : memref<64x8192xbf16, #tpu.memory_space<vmem>>, vector<64x512xbf16>
      tpu.vector_store %arg4[%swap3A_245, %swap3A_246], %convert_element_type3A_244 {strides = array<i32>} : memref<64x8192xbf16, #tpu.memory_space<vmem>>, vector<64x512xbf16>,
      %get3A_248 = arith.constant 9 : index
      %get3A_249 = arith.constant 0 : index
      %get3A_250 = arith.constant 0 : index
      %get3A_251 = vector.load %arg1[%get3A_248, %get3A_249, %get3A_250] : memref<16x1x512xi32, #tpu.memory_space<vmem>>, vector<1x1x512xi32>
      %get3A_252 = vector.shape_cast %get3A_251 : vector<1x1x512xi32> to vector<512xi32>
      %iota3A_253 = tpu.iota {dimensions = array<i32: 0>} : vector<64x512xi32>
      %add3A_254 = arith.constant 192 : i32
      %add3A_255 = vector.broadcast %add3A_254 : i32 to vector<64x512xi32>
      %add3A_256 = arith.addi %iota3A_253, %add3A_255 : vector<64x512xi32>
      %broadcast_in_dim3A_257 = vector.shape_cast %get3A_252 : vector<512xi32> to vector<1x512xi32>
      %eq3A_258 = vector.broadcast %broadcast_in_dim3A_257 : vector<1x512xi32> to vector<64x512xi32>
      %eq3A_259 = arith.cmpi eq, %add3A_256, %eq3A_258 : vector<64x512xi32>
      %convert_element_type3A_260 = arith.extui %eq3A_259 : vector<64x512xi1> to vector<64x512xi32>
      %convert_element_type3A_261 = arith.sitofp %convert_element_type3A_260 : vector<64x512xi32> to vector<64x512xf32>
      %convert_element_type3A_262 = arith.truncf %convert_element_type3A_261 : vector<64x512xf32> to vector<64x512xbf16>
      %swap3A_263 = arith.constant 0 : index
      %swap3A_264 = arith.constant 4608 : index
      %swap3A_265 = vector.load %arg4[%swap3A_263, %swap3A_264] : memref<64x8192xbf16, #tpu.memory_space<vmem>>, vector<64x512xbf16>
      tpu.vector_store %arg4[%swap3A_263, %swap3A_264], %convert_element_type3A_262 {strides = array<i32>} : memref<64x8192xbf16, #tpu.memory_space<vmem>>, vector<64x512xbf16>,
      %get3A_266 = arith.constant 10 : index
      %get3A_267 = arith.constant 0 : index
      %get3A_268 = arith.constant 0 : index
      %get3A_269 = vector.load %arg1[%get3A_266, %get3A_267, %get3A_268] : memref<16x1x512xi32, #tpu.memory_space<vmem>>, vector<1x1x512xi32>
      %get3A_270 = vector.shape_cast %get3A_269 : vector<1x1x512xi32> to vector<512xi32>
      %iota3A_271 = tpu.iota {dimensions = array<i32: 0>} : vector<64x512xi32>
      %add3A_272 = arith.constant 192 : i32
      %add3A_273 = vector.broadcast %add3A_272 : i32 to vector<64x512xi32>
      %add3A_274 = arith.addi %iota3A_271, %add3A_273 : vector<64x512xi32>
      %broadcast_in_dim3A_275 = vector.shape_cast %get3A_270 : vector<512xi32> to vector<1x512xi32>
      %eq3A_276 = vector.broadcast %broadcast_in_dim3A_275 : vector<1x512xi32> to vector<64x512xi32>
      %eq3A_277 = arith.cmpi eq, %add3A_274, %eq3A_276 : vector<64x512xi32>
      %convert_element_type3A_278 = arith.extui %eq3A_277 : vector<64x512xi1> to vector<64x512xi32>
      %convert_element_type3A_279 = arith.sitofp %convert_element_type3A_278 : vector<64x512xi32> to vector<64x512xf32>
      %convert_element_type3A_280 = arith.truncf %convert_element_type3A_279 : vector<64x512xf32> to vector<64x512xbf16>
      %swap3A_281 = arith.constant 0 : index
      %swap3A_282 = arith.constant 5120 : index
      %swap3A_283 = vector.load %arg4[%swap3A_281, %swap3A_282] : memref<64x8192xbf16, #tpu.memory_space<vmem>>, vector<64x512xbf16>
      tpu.vector_store %arg4[%swap3A_281, %swap3A_282], %convert_element_type3A_280 {strides = array<i32>} : memref<64x8192xbf16, #tpu.memory_space<vmem>>, vector<64x512xbf16>,
      %get3A_284 = arith.constant 11 : index
      %get3A_285 = arith.constant 0 : index
      %get3A_286 = arith.constant 0 : index
      %get3A_287 = vector.load %arg1[%get3A_284, %get3A_285, %get3A_286] : memref<16x1x512xi32, #tpu.memory_space<vmem>>, vector<1x1x512xi32>
      %get3A_288 = vector.shape_cast %get3A_287 : vector<1x1x512xi32> to vector<512xi32>
      %iota3A_289 = tpu.iota {dimensions = array<i32: 0>} : vector<64x512xi32>
      %add3A_290 = arith.constant 192 : i32
      %add3A_291 = vector.broadcast %add3A_290 : i32 to vector<64x512xi32>
      %add3A_292 = arith.addi %iota3A_289, %add3A_291 : vector<64x512xi32>
      %broadcast_in_dim3A_293 = vector.shape_cast %get3A_288 : vector<512xi32> to vector<1x512xi32>
      %eq3A_294 = vector.broadcast %broadcast_in_dim3A_293 : vector<1x512xi32> to vector<64x512xi32>
      %eq3A_295 = arith.cmpi eq, %add3A_292, %eq3A_294 : vector<64x512xi32>
      %convert_element_type3A_296 = arith.extui %eq3A_295 : vector<64x512xi1> to vector<64x512xi32>
      %convert_element_type3A_297 = arith.sitofp %convert_element_type3A_296 : vector<64x512xi32> to vector<64x512xf32>
      %convert_element_type3A_298 = arith.truncf %convert_element_type3A_297 : vector<64x512xf32> to vector<64x512xbf16>
      %swap3A_299 = arith.constant 0 : index
      %swap3A_300 = arith.constant 5632 : index
      %swap3A_301 = vector.load %arg4[%swap3A_299, %swap3A_300] : memref<64x8192xbf16, #tpu.memory_space<vmem>>, vector<64x512xbf16>
      tpu.vector_store %arg4[%swap3A_299, %swap3A_300], %convert_element_type3A_298 {strides = array<i32>} : memref<64x8192xbf16, #tpu.memory_space<vmem>>, vector<64x512xbf16>,
      %get3A_302 = arith.constant 12 : index
      %get3A_303 = arith.constant 0 : index
      %get3A_304 = arith.constant 0 : index
      %get3A_305 = vector.load %arg1[%get3A_302, %get3A_303, %get3A_304] : memref<16x1x512xi32, #tpu.memory_space<vmem>>, vector<1x1x512xi32>
      %get3A_306 = vector.shape_cast %get3A_305 : vector<1x1x512xi32> to vector<512xi32>
      %iota3A_307 = tpu.iota {dimensions = array<i32: 0>} : vector<64x512xi32>
      %add3A_308 = arith.constant 192 : i32
      %add3A_309 = vector.broadcast %add3A_308 : i32 to vector<64x512xi32>
      %add3A_310 = arith.addi %iota3A_307, %add3A_309 : vector<64x512xi32>
      %broadcast_in_dim3A_311 = vector.shape_cast %get3A_306 : vector<512xi32> to vector<1x512xi32>
      %eq3A_312 = vector.broadcast %broadcast_in_dim3A_311 : vector<1x512xi32> to vector<64x512xi32>
      %eq3A_313 = arith.cmpi eq, %add3A_310, %eq3A_312 : vector<64x512xi32>
      %convert_element_type3A_314 = arith.extui %eq3A_313 : vector<64x512xi1> to vector<64x512xi32>
      %convert_element_type3A_315 = arith.sitofp %convert_element_type3A_314 : vector<64x512xi32> to vector<64x512xf32>
      %convert_element_type3A_316 = arith.truncf %convert_element_type3A_315 : vector<64x512xf32> to vector<64x512xbf16>
      %swap3A_317 = arith.constant 0 : index
      %swap3A_318 = arith.constant 6144 : index
      %swap3A_319 = vector.load %arg4[%swap3A_317, %swap3A_318] : memref<64x8192xbf16, #tpu.memory_space<vmem>>, vector<64x512xbf16>
      tpu.vector_store %arg4[%swap3A_317, %swap3A_318], %convert_element_type3A_316 {strides = array<i32>} : memref<64x8192xbf16, #tpu.memory_space<vmem>>, vector<64x512xbf16>,
      %get3A_320 = arith.constant 13 : index
      %get3A_321 = arith.constant 0 : index
      %get3A_322 = arith.constant 0 : index
      %get3A_323 = vector.load %arg1[%get3A_320, %get3A_321, %get3A_322] : memref<16x1x512xi32, #tpu.memory_space<vmem>>, vector<1x1x512xi32>
      %get3A_324 = vector.shape_cast %get3A_323 : vector<1x1x512xi32> to vector<512xi32>
      %iota3A_325 = tpu.iota {dimensions = array<i32: 0>} : vector<64x512xi32>
      %add3A_326 = arith.constant 192 : i32
      %add3A_327 = vector.broadcast %add3A_326 : i32 to vector<64x512xi32>
      %add3A_328 = arith.addi %iota3A_325, %add3A_327 : vector<64x512xi32>
      %broadcast_in_dim3A_329 = vector.shape_cast %get3A_324 : vector<512xi32> to vector<1x512xi32>
      %eq3A_330 = vector.broadcast %broadcast_in_dim3A_329 : vector<1x512xi32> to vector<64x512xi32>
      %eq3A_331 = arith.cmpi eq, %add3A_328, %eq3A_330 : vector<64x512xi32>
      %convert_element_type3A_332 = arith.extui %eq3A_331 : vector<64x512xi1> to vector<64x512xi32>
      %convert_element_type3A_333 = arith.sitofp %convert_element_type3A_332 : vector<64x512xi32> to vector<64x512xf32>
      %convert_element_type3A_334 = arith.truncf %convert_element_type3A_333 : vector<64x512xf32> to vector<64x512xbf16>
      %swap3A_335 = arith.constant 0 : index
      %swap3A_336 = arith.constant 6656 : index
      %swap3A_337 = vector.load %arg4[%swap3A_335, %swap3A_336] : memref<64x8192xbf16, #tpu.memory_space<vmem>>, vector<64x512xbf16>
      tpu.vector_store %arg4[%swap3A_335, %swap3A_336], %convert_element_type3A_334 {strides = array<i32>} : memref<64x8192xbf16, #tpu.memory_space<vmem>>, vector<64x512xbf16>,
      %get3A_338 = arith.constant 14 : index
      %get3A_339 = arith.constant 0 : index
      %get3A_340 = arith.constant 0 : index
      %get3A_341 = vector.load %arg1[%get3A_338, %get3A_339, %get3A_340] : memref<16x1x512xi32, #tpu.memory_space<vmem>>, vector<1x1x512xi32>
      %get3A_342 = vector.shape_cast %get3A_341 : vector<1x1x512xi32> to vector<512xi32>
      %iota3A_343 = tpu.iota {dimensions = array<i32: 0>} : vector<64x512xi32>
      %add3A_344 = arith.constant 192 : i32
      %add3A_345 = vector.broadcast %add3A_344 : i32 to vector<64x512xi32>
      %add3A_346 = arith.addi %iota3A_343, %add3A_345 : vector<64x512xi32>
      %broadcast_in_dim3A_347 = vector.shape_cast %get3A_342 : vector<512xi32> to vector<1x512xi32>
      %eq3A_348 = vector.broadcast %broadcast_in_dim3A_347 : vector<1x512xi32> to vector<64x512xi32>
      %eq3A_349 = arith.cmpi eq, %add3A_346, %eq3A_348 : vector<64x512xi32>
      %convert_element_type3A_350 = arith.extui %eq3A_349 : vector<64x512xi1> to vector<64x512xi32>
      %convert_element_type3A_351 = arith.sitofp %convert_element_type3A_350 : vector<64x512xi32> to vector<64x512xf32>
      %convert_element_type3A_352 = arith.truncf %convert_element_type3A_351 : vector<64x512xf32> to vector<64x512xbf16>
      %swap3A_353 = arith.constant 0 : index
      %swap3A_354 = arith.constant 7168 : index
      %swap3A_355 = vector.load %arg4[%swap3A_353, %swap3A_354] : memref<64x8192xbf16, #tpu.memory_space<vmem>>, vector<64x512xbf16>
      tpu.vector_store %arg4[%swap3A_353, %swap3A_354], %convert_element_type3A_352 {strides = array<i32>} : memref<64x8192xbf16, #tpu.memory_space<vmem>>, vector<64x512xbf16>,
      %get3A_356 = arith.constant 15 : index
      %get3A_357 = arith.constant 0 : index
      %get3A_358 = arith.constant 0 : index
      %get3A_359 = vector.load %arg1[%get3A_356, %get3A_357, %get3A_358] : memref<16x1x512xi32, #tpu.memory_space<vmem>>, vector<1x1x512xi32>
      %get3A_360 = vector.shape_cast %get3A_359 : vector<1x1x512xi32> to vector<512xi32>
      %iota3A_361 = tpu.iota {dimensions = array<i32: 0>} : vector<64x512xi32>
      %add3A_362 = arith.constant 192 : i32
      %add3A_363 = vector.broadcast %add3A_362 : i32 to vector<64x512xi32>
      %add3A_364 = arith.addi %iota3A_361, %add3A_363 : vector<64x512xi32>
      %broadcast_in_dim3A_365 = vector.shape_cast %get3A_360 : vector<512xi32> to vector<1x512xi32>
      %eq3A_366 = vector.broadcast %broadcast_in_dim3A_365 : vector<1x512xi32> to vector<64x512xi32>
      %eq3A_367 = arith.cmpi eq, %add3A_364, %eq3A_366 : vector<64x512xi32>
      %convert_element_type3A_368 = arith.extui %eq3A_367 : vector<64x512xi1> to vector<64x512xi32>
      %convert_element_type3A_369 = arith.sitofp %convert_element_type3A_368 : vector<64x512xi32> to vector<64x512xf32>
      %convert_element_type3A_370 = arith.truncf %convert_element_type3A_369 : vector<64x512xf32> to vector<64x512xbf16>
      %swap3A_371 = arith.constant 0 : index
      %swap3A_372 = arith.constant 7680 : index
      %swap3A_373 = vector.load %arg4[%swap3A_371, %swap3A_372] : memref<64x8192xbf16, #tpu.memory_space<vmem>>, vector<64x512xbf16>
      tpu.vector_store %arg4[%swap3A_371, %swap3A_372], %convert_element_type3A_370 {strides = array<i32>} : memref<64x8192xbf16, #tpu.memory_space<vmem>>, vector<64x512xbf16>,
      %get3A_374 = arith.constant 192 : index
      %get3A_375 = arith.constant 0 : index
      %get3A_376 = vector.load %arg3[%get3A_374, %get3A_375] : memref<512x128xf32, #tpu.memory_space<vmem>>, vector<64x128xf32>
      %get3A_377 = arith.constant 0 : index
      %get3A_378 = arith.constant 0 : index
      %get3A_379 = vector.load %arg4[%get3A_377, %get3A_378] : memref<64x8192xbf16, #tpu.memory_space<vmem>>, vector<64x8192xbf16>
      %get3A_380 = arith.constant 0 : index
      %get3A_381 = arith.constant 0 : index
      %get3A_382 = vector.load %arg5[%get3A_380, %get3A_381] : memref<8192x128xbf16, #tpu.memory_space<vmem>>, vector<8192x128xbf16>
      %dot_general3A = arith.constant dense<0.000000e+00> : vector<64x128xf32>
      %dot_general3A_383 = tpu.matmul %get3A_379, %get3A_382, %dot_general3A {dimension_numbers = #tpu.dot_dimension_numbers<[1], [0], [0], [1], [0, 0, 1, 1], [], []>, transpose_lhs_hint = false} : vector<64x8192xbf16>, vector<8192x128xbf16>, vector<64x128xf32> -> vector<64x128xf32>
      %get3A_384 = arith.constant 0 : index
      %get3A_385 = arith.constant 0 : index
      %get3A_386 = vector.load %arg4[%get3A_384, %get3A_385] : memref<64x8192xbf16, #tpu.memory_space<vmem>>, vector<64x8192xbf16>
      %get3A_387 = arith.constant 0 : index
      %get3A_388 = arith.constant 0 : index
      %get3A_389 = vector.load %arg6[%get3A_387, %get3A_388] : memref<8192x128xbf16, #tpu.memory_space<vmem>>, vector<8192x128xbf16>
      %dot_general3A_390 = arith.constant dense<0.000000e+00> : vector<64x128xf32>
      %dot_general3A_391 = tpu.matmul %get3A_386, %get3A_389, %dot_general3A_390 {dimension_numbers = #tpu.dot_dimension_numbers<[1], [0], [0], [1], [0, 0, 1, 1], [], []>, transpose_lhs_hint = false} : vector<64x8192xbf16>, vector<8192x128xbf16>, vector<64x128xf32> -> vector<64x128xf32>
      %add3A_392 = arith.addf %dot_general3A_383, %dot_general3A_391 : vector<64x128xf32>
      %add3A_393 = arith.addf %get3A_376, %add3A_392 : vector<64x128xf32>
      %swap3A_394 = arith.constant 192 : index
      %swap3A_395 = arith.constant 0 : index
      %swap3A_396 = vector.load %arg3[%swap3A_394, %swap3A_395] : memref<512x128xf32, #tpu.memory_space<vmem>>, vector<64x128xf32>
      tpu.vector_store %arg3[%swap3A_394, %swap3A_395], %add3A_393 {strides = array<i32>} : memref<512x128xf32, #tpu.memory_space<vmem>>, vector<64x128xf32>,
    } else {
    }
    %ge3A_57 = arith.constant 256 : i32
    %ge3A_58 = arith.cmpi sge, %get3A_27, %ge3A_57 : i32
    %lt3A_59 = arith.constant 320 : i32
    %lt3A_60 = arith.cmpi slt, %get3A_22, %lt3A_59 : i32
    %and3A_61 = arith.andi %ge3A_58, %lt3A_60 : i1
    %convert_element_type3A_62 = arith.extui %and3A_61 : i1 to i32
    %cond3A_63 = arith.constant 0 : i32
    %cond3A_64 = arith.cmpi ne, %convert_element_type3A_62, %cond3A_63 : i32
    scf.if %cond3A_64 {
      %get3A_89 = arith.constant 0 : index
      %get3A_90 = arith.constant 0 : index
      %get3A_91 = arith.constant 0 : index
      %get3A_92 = vector.load %arg1[%get3A_89, %get3A_90, %get3A_91] : memref<16x1x512xi32, #tpu.memory_space<vmem>>, vector<1x1x512xi32>
      %get3A_93 = vector.shape_cast %get3A_92 : vector<1x1x512xi32> to vector<512xi32>
      %iota3A = tpu.iota {dimensions = array<i32: 0>} : vector<64x512xi32>
      %add3A = arith.constant 256 : i32
      %add3A_94 = vector.broadcast %add3A : i32 to vector<64x512xi32>
      %add3A_95 = arith.addi %iota3A, %add3A_94 : vector<64x512xi32>
      %broadcast_in_dim3A = vector.shape_cast %get3A_93 : vector<512xi32> to vector<1x512xi32>
      %eq3A_96 = vector.broadcast %broadcast_in_dim3A : vector<1x512xi32> to vector<64x512xi32>
      %eq3A_97 = arith.cmpi eq, %add3A_95, %eq3A_96 : vector<64x512xi32>
      %convert_element_type3A_98 = arith.extui %eq3A_97 : vector<64x512xi1> to vector<64x512xi32>
      %convert_element_type3A_99 = arith.sitofp %convert_element_type3A_98 : vector<64x512xi32> to vector<64x512xf32>
      %convert_element_type3A_100 = arith.truncf %convert_element_type3A_99 : vector<64x512xf32> to vector<64x512xbf16>
      %swap3A_101 = arith.constant 0 : index
      %swap3A_102 = arith.constant 0 : index
      %swap3A_103 = vector.load %arg4[%swap3A_101, %swap3A_102] : memref<64x8192xbf16, #tpu.memory_space<vmem>>, vector<64x512xbf16>
      tpu.vector_store %arg4[%swap3A_101, %swap3A_102], %convert_element_type3A_100 {strides = array<i32>} : memref<64x8192xbf16, #tpu.memory_space<vmem>>, vector<64x512xbf16>,
      %get3A_104 = arith.constant 1 : index
      %get3A_105 = arith.constant 0 : index
      %get3A_106 = arith.constant 0 : index
      %get3A_107 = vector.load %arg1[%get3A_104, %get3A_105, %get3A_106] : memref<16x1x512xi32, #tpu.memory_space<vmem>>, vector<1x1x512xi32>
      %get3A_108 = vector.shape_cast %get3A_107 : vector<1x1x512xi32> to vector<512xi32>
      %iota3A_109 = tpu.iota {dimensions = array<i32: 0>} : vector<64x512xi32>
      %add3A_110 = arith.constant 256 : i32
      %add3A_111 = vector.broadcast %add3A_110 : i32 to vector<64x512xi32>
      %add3A_112 = arith.addi %iota3A_109, %add3A_111 : vector<64x512xi32>
      %broadcast_in_dim3A_113 = vector.shape_cast %get3A_108 : vector<512xi32> to vector<1x512xi32>
      %eq3A_114 = vector.broadcast %broadcast_in_dim3A_113 : vector<1x512xi32> to vector<64x512xi32>
      %eq3A_115 = arith.cmpi eq, %add3A_112, %eq3A_114 : vector<64x512xi32>
      %convert_element_type3A_116 = arith.extui %eq3A_115 : vector<64x512xi1> to vector<64x512xi32>
      %convert_element_type3A_117 = arith.sitofp %convert_element_type3A_116 : vector<64x512xi32> to vector<64x512xf32>
      %convert_element_type3A_118 = arith.truncf %convert_element_type3A_117 : vector<64x512xf32> to vector<64x512xbf16>
      %swap3A_119 = arith.constant 0 : index
      %swap3A_120 = arith.constant 512 : index
      %swap3A_121 = vector.load %arg4[%swap3A_119, %swap3A_120] : memref<64x8192xbf16, #tpu.memory_space<vmem>>, vector<64x512xbf16>
      tpu.vector_store %arg4[%swap3A_119, %swap3A_120], %convert_element_type3A_118 {strides = array<i32>} : memref<64x8192xbf16, #tpu.memory_space<vmem>>, vector<64x512xbf16>,
      %get3A_122 = arith.constant 2 : index
      %get3A_123 = arith.constant 0 : index
      %get3A_124 = arith.constant 0 : index
      %get3A_125 = vector.load %arg1[%get3A_122, %get3A_123, %get3A_124] : memref<16x1x512xi32, #tpu.memory_space<vmem>>, vector<1x1x512xi32>
      %get3A_126 = vector.shape_cast %get3A_125 : vector<1x1x512xi32> to vector<512xi32>
      %iota3A_127 = tpu.iota {dimensions = array<i32: 0>} : vector<64x512xi32>
      %add3A_128 = arith.constant 256 : i32
      %add3A_129 = vector.broadcast %add3A_128 : i32 to vector<64x512xi32>
      %add3A_130 = arith.addi %iota3A_127, %add3A_129 : vector<64x512xi32>
      %broadcast_in_dim3A_131 = vector.shape_cast %get3A_126 : vector<512xi32> to vector<1x512xi32>
      %eq3A_132 = vector.broadcast %broadcast_in_dim3A_131 : vector<1x512xi32> to vector<64x512xi32>
      %eq3A_133 = arith.cmpi eq, %add3A_130, %eq3A_132 : vector<64x512xi32>
      %convert_element_type3A_134 = arith.extui %eq3A_133 : vector<64x512xi1> to vector<64x512xi32>
      %convert_element_type3A_135 = arith.sitofp %convert_element_type3A_134 : vector<64x512xi32> to vector<64x512xf32>
      %convert_element_type3A_136 = arith.truncf %convert_element_type3A_135 : vector<64x512xf32> to vector<64x512xbf16>
      %swap3A_137 = arith.constant 0 : index
      %swap3A_138 = arith.constant 1024 : index
      %swap3A_139 = vector.load %arg4[%swap3A_137, %swap3A_138] : memref<64x8192xbf16, #tpu.memory_space<vmem>>, vector<64x512xbf16>
      tpu.vector_store %arg4[%swap3A_137, %swap3A_138], %convert_element_type3A_136 {strides = array<i32>} : memref<64x8192xbf16, #tpu.memory_space<vmem>>, vector<64x512xbf16>,
      %get3A_140 = arith.constant 3 : index
      %get3A_141 = arith.constant 0 : index
      %get3A_142 = arith.constant 0 : index
      %get3A_143 = vector.load %arg1[%get3A_140, %get3A_141, %get3A_142] : memref<16x1x512xi32, #tpu.memory_space<vmem>>, vector<1x1x512xi32>
      %get3A_144 = vector.shape_cast %get3A_143 : vector<1x1x512xi32> to vector<512xi32>
      %iota3A_145 = tpu.iota {dimensions = array<i32: 0>} : vector<64x512xi32>
      %add3A_146 = arith.constant 256 : i32
      %add3A_147 = vector.broadcast %add3A_146 : i32 to vector<64x512xi32>
      %add3A_148 = arith.addi %iota3A_145, %add3A_147 : vector<64x512xi32>
      %broadcast_in_dim3A_149 = vector.shape_cast %get3A_144 : vector<512xi32> to vector<1x512xi32>
      %eq3A_150 = vector.broadcast %broadcast_in_dim3A_149 : vector<1x512xi32> to vector<64x512xi32>
      %eq3A_151 = arith.cmpi eq, %add3A_148, %eq3A_150 : vector<64x512xi32>
      %convert_element_type3A_152 = arith.extui %eq3A_151 : vector<64x512xi1> to vector<64x512xi32>
      %convert_element_type3A_153 = arith.sitofp %convert_element_type3A_152 : vector<64x512xi32> to vector<64x512xf32>
      %convert_element_type3A_154 = arith.truncf %convert_element_type3A_153 : vector<64x512xf32> to vector<64x512xbf16>
      %swap3A_155 = arith.constant 0 : index
      %swap3A_156 = arith.constant 1536 : index
      %swap3A_157 = vector.load %arg4[%swap3A_155, %swap3A_156] : memref<64x8192xbf16, #tpu.memory_space<vmem>>, vector<64x512xbf16>
      tpu.vector_store %arg4[%swap3A_155, %swap3A_156], %convert_element_type3A_154 {strides = array<i32>} : memref<64x8192xbf16, #tpu.memory_space<vmem>>, vector<64x512xbf16>,
      %get3A_158 = arith.constant 4 : index
      %get3A_159 = arith.constant 0 : index
      %get3A_160 = arith.constant 0 : index
      %get3A_161 = vector.load %arg1[%get3A_158, %get3A_159, %get3A_160] : memref<16x1x512xi32, #tpu.memory_space<vmem>>, vector<1x1x512xi32>
      %get3A_162 = vector.shape_cast %get3A_161 : vector<1x1x512xi32> to vector<512xi32>
      %iota3A_163 = tpu.iota {dimensions = array<i32: 0>} : vector<64x512xi32>
      %add3A_164 = arith.constant 256 : i32
      %add3A_165 = vector.broadcast %add3A_164 : i32 to vector<64x512xi32>
      %add3A_166 = arith.addi %iota3A_163, %add3A_165 : vector<64x512xi32>
      %broadcast_in_dim3A_167 = vector.shape_cast %get3A_162 : vector<512xi32> to vector<1x512xi32>
      %eq3A_168 = vector.broadcast %broadcast_in_dim3A_167 : vector<1x512xi32> to vector<64x512xi32>
      %eq3A_169 = arith.cmpi eq, %add3A_166, %eq3A_168 : vector<64x512xi32>
      %convert_element_type3A_170 = arith.extui %eq3A_169 : vector<64x512xi1> to vector<64x512xi32>
      %convert_element_type3A_171 = arith.sitofp %convert_element_type3A_170 : vector<64x512xi32> to vector<64x512xf32>
      %convert_element_type3A_172 = arith.truncf %convert_element_type3A_171 : vector<64x512xf32> to vector<64x512xbf16>
      %swap3A_173 = arith.constant 0 : index
      %swap3A_174 = arith.constant 2048 : index
      %swap3A_175 = vector.load %arg4[%swap3A_173, %swap3A_174] : memref<64x8192xbf16, #tpu.memory_space<vmem>>, vector<64x512xbf16>
      tpu.vector_store %arg4[%swap3A_173, %swap3A_174], %convert_element_type3A_172 {strides = array<i32>} : memref<64x8192xbf16, #tpu.memory_space<vmem>>, vector<64x512xbf16>,
      %get3A_176 = arith.constant 5 : index
      %get3A_177 = arith.constant 0 : index
      %get3A_178 = arith.constant 0 : index
      %get3A_179 = vector.load %arg1[%get3A_176, %get3A_177, %get3A_178] : memref<16x1x512xi32, #tpu.memory_space<vmem>>, vector<1x1x512xi32>
      %get3A_180 = vector.shape_cast %get3A_179 : vector<1x1x512xi32> to vector<512xi32>
      %iota3A_181 = tpu.iota {dimensions = array<i32: 0>} : vector<64x512xi32>
      %add3A_182 = arith.constant 256 : i32
      %add3A_183 = vector.broadcast %add3A_182 : i32 to vector<64x512xi32>
      %add3A_184 = arith.addi %iota3A_181, %add3A_183 : vector<64x512xi32>
      %broadcast_in_dim3A_185 = vector.shape_cast %get3A_180 : vector<512xi32> to vector<1x512xi32>
      %eq3A_186 = vector.broadcast %broadcast_in_dim3A_185 : vector<1x512xi32> to vector<64x512xi32>
      %eq3A_187 = arith.cmpi eq, %add3A_184, %eq3A_186 : vector<64x512xi32>
      %convert_element_type3A_188 = arith.extui %eq3A_187 : vector<64x512xi1> to vector<64x512xi32>
      %convert_element_type3A_189 = arith.sitofp %convert_element_type3A_188 : vector<64x512xi32> to vector<64x512xf32>
      %convert_element_type3A_190 = arith.truncf %convert_element_type3A_189 : vector<64x512xf32> to vector<64x512xbf16>
      %swap3A_191 = arith.constant 0 : index
      %swap3A_192 = arith.constant 2560 : index
      %swap3A_193 = vector.load %arg4[%swap3A_191, %swap3A_192] : memref<64x8192xbf16, #tpu.memory_space<vmem>>, vector<64x512xbf16>
      tpu.vector_store %arg4[%swap3A_191, %swap3A_192], %convert_element_type3A_190 {strides = array<i32>} : memref<64x8192xbf16, #tpu.memory_space<vmem>>, vector<64x512xbf16>,
      %get3A_194 = arith.constant 6 : index
      %get3A_195 = arith.constant 0 : index
      %get3A_196 = arith.constant 0 : index
      %get3A_197 = vector.load %arg1[%get3A_194, %get3A_195, %get3A_196] : memref<16x1x512xi32, #tpu.memory_space<vmem>>, vector<1x1x512xi32>
      %get3A_198 = vector.shape_cast %get3A_197 : vector<1x1x512xi32> to vector<512xi32>
      %iota3A_199 = tpu.iota {dimensions = array<i32: 0>} : vector<64x512xi32>
      %add3A_200 = arith.constant 256 : i32
      %add3A_201 = vector.broadcast %add3A_200 : i32 to vector<64x512xi32>
      %add3A_202 = arith.addi %iota3A_199, %add3A_201 : vector<64x512xi32>
      %broadcast_in_dim3A_203 = vector.shape_cast %get3A_198 : vector<512xi32> to vector<1x512xi32>
      %eq3A_204 = vector.broadcast %broadcast_in_dim3A_203 : vector<1x512xi32> to vector<64x512xi32>
      %eq3A_205 = arith.cmpi eq, %add3A_202, %eq3A_204 : vector<64x512xi32>
      %convert_element_type3A_206 = arith.extui %eq3A_205 : vector<64x512xi1> to vector<64x512xi32>
      %convert_element_type3A_207 = arith.sitofp %convert_element_type3A_206 : vector<64x512xi32> to vector<64x512xf32>
      %convert_element_type3A_208 = arith.truncf %convert_element_type3A_207 : vector<64x512xf32> to vector<64x512xbf16>
      %swap3A_209 = arith.constant 0 : index
      %swap3A_210 = arith.constant 3072 : index
      %swap3A_211 = vector.load %arg4[%swap3A_209, %swap3A_210] : memref<64x8192xbf16, #tpu.memory_space<vmem>>, vector<64x512xbf16>
      tpu.vector_store %arg4[%swap3A_209, %swap3A_210], %convert_element_type3A_208 {strides = array<i32>} : memref<64x8192xbf16, #tpu.memory_space<vmem>>, vector<64x512xbf16>,
      %get3A_212 = arith.constant 7 : index
      %get3A_213 = arith.constant 0 : index
      %get3A_214 = arith.constant 0 : index
      %get3A_215 = vector.load %arg1[%get3A_212, %get3A_213, %get3A_214] : memref<16x1x512xi32, #tpu.memory_space<vmem>>, vector<1x1x512xi32>
      %get3A_216 = vector.shape_cast %get3A_215 : vector<1x1x512xi32> to vector<512xi32>
      %iota3A_217 = tpu.iota {dimensions = array<i32: 0>} : vector<64x512xi32>
      %add3A_218 = arith.constant 256 : i32
      %add3A_219 = vector.broadcast %add3A_218 : i32 to vector<64x512xi32>
      %add3A_220 = arith.addi %iota3A_217, %add3A_219 : vector<64x512xi32>
      %broadcast_in_dim3A_221 = vector.shape_cast %get3A_216 : vector<512xi32> to vector<1x512xi32>
      %eq3A_222 = vector.broadcast %broadcast_in_dim3A_221 : vector<1x512xi32> to vector<64x512xi32>
      %eq3A_223 = arith.cmpi eq, %add3A_220, %eq3A_222 : vector<64x512xi32>
      %convert_element_type3A_224 = arith.extui %eq3A_223 : vector<64x512xi1> to vector<64x512xi32>
      %convert_element_type3A_225 = arith.sitofp %convert_element_type3A_224 : vector<64x512xi32> to vector<64x512xf32>
      %convert_element_type3A_226 = arith.truncf %convert_element_type3A_225 : vector<64x512xf32> to vector<64x512xbf16>
      %swap3A_227 = arith.constant 0 : index
      %swap3A_228 = arith.constant 3584 : index
      %swap3A_229 = vector.load %arg4[%swap3A_227, %swap3A_228] : memref<64x8192xbf16, #tpu.memory_space<vmem>>, vector<64x512xbf16>
      tpu.vector_store %arg4[%swap3A_227, %swap3A_228], %convert_element_type3A_226 {strides = array<i32>} : memref<64x8192xbf16, #tpu.memory_space<vmem>>, vector<64x512xbf16>,
      %get3A_230 = arith.constant 8 : index
      %get3A_231 = arith.constant 0 : index
      %get3A_232 = arith.constant 0 : index
      %get3A_233 = vector.load %arg1[%get3A_230, %get3A_231, %get3A_232] : memref<16x1x512xi32, #tpu.memory_space<vmem>>, vector<1x1x512xi32>
      %get3A_234 = vector.shape_cast %get3A_233 : vector<1x1x512xi32> to vector<512xi32>
      %iota3A_235 = tpu.iota {dimensions = array<i32: 0>} : vector<64x512xi32>
      %add3A_236 = arith.constant 256 : i32
      %add3A_237 = vector.broadcast %add3A_236 : i32 to vector<64x512xi32>
      %add3A_238 = arith.addi %iota3A_235, %add3A_237 : vector<64x512xi32>
      %broadcast_in_dim3A_239 = vector.shape_cast %get3A_234 : vector<512xi32> to vector<1x512xi32>
      %eq3A_240 = vector.broadcast %broadcast_in_dim3A_239 : vector<1x512xi32> to vector<64x512xi32>
      %eq3A_241 = arith.cmpi eq, %add3A_238, %eq3A_240 : vector<64x512xi32>
      %convert_element_type3A_242 = arith.extui %eq3A_241 : vector<64x512xi1> to vector<64x512xi32>
      %convert_element_type3A_243 = arith.sitofp %convert_element_type3A_242 : vector<64x512xi32> to vector<64x512xf32>
      %convert_element_type3A_244 = arith.truncf %convert_element_type3A_243 : vector<64x512xf32> to vector<64x512xbf16>
      %swap3A_245 = arith.constant 0 : index
      %swap3A_246 = arith.constant 4096 : index
      %swap3A_247 = vector.load %arg4[%swap3A_245, %swap3A_246] : memref<64x8192xbf16, #tpu.memory_space<vmem>>, vector<64x512xbf16>
      tpu.vector_store %arg4[%swap3A_245, %swap3A_246], %convert_element_type3A_244 {strides = array<i32>} : memref<64x8192xbf16, #tpu.memory_space<vmem>>, vector<64x512xbf16>,
      %get3A_248 = arith.constant 9 : index
      %get3A_249 = arith.constant 0 : index
      %get3A_250 = arith.constant 0 : index
      %get3A_251 = vector.load %arg1[%get3A_248, %get3A_249, %get3A_250] : memref<16x1x512xi32, #tpu.memory_space<vmem>>, vector<1x1x512xi32>
      %get3A_252 = vector.shape_cast %get3A_251 : vector<1x1x512xi32> to vector<512xi32>
      %iota3A_253 = tpu.iota {dimensions = array<i32: 0>} : vector<64x512xi32>
      %add3A_254 = arith.constant 256 : i32
      %add3A_255 = vector.broadcast %add3A_254 : i32 to vector<64x512xi32>
      %add3A_256 = arith.addi %iota3A_253, %add3A_255 : vector<64x512xi32>
      %broadcast_in_dim3A_257 = vector.shape_cast %get3A_252 : vector<512xi32> to vector<1x512xi32>
      %eq3A_258 = vector.broadcast %broadcast_in_dim3A_257 : vector<1x512xi32> to vector<64x512xi32>
      %eq3A_259 = arith.cmpi eq, %add3A_256, %eq3A_258 : vector<64x512xi32>
      %convert_element_type3A_260 = arith.extui %eq3A_259 : vector<64x512xi1> to vector<64x512xi32>
      %convert_element_type3A_261 = arith.sitofp %convert_element_type3A_260 : vector<64x512xi32> to vector<64x512xf32>
      %convert_element_type3A_262 = arith.truncf %convert_element_type3A_261 : vector<64x512xf32> to vector<64x512xbf16>
      %swap3A_263 = arith.constant 0 : index
      %swap3A_264 = arith.constant 4608 : index
      %swap3A_265 = vector.load %arg4[%swap3A_263, %swap3A_264] : memref<64x8192xbf16, #tpu.memory_space<vmem>>, vector<64x512xbf16>
      tpu.vector_store %arg4[%swap3A_263, %swap3A_264], %convert_element_type3A_262 {strides = array<i32>} : memref<64x8192xbf16, #tpu.memory_space<vmem>>, vector<64x512xbf16>,
      %get3A_266 = arith.constant 10 : index
      %get3A_267 = arith.constant 0 : index
      %get3A_268 = arith.constant 0 : index
      %get3A_269 = vector.load %arg1[%get3A_266, %get3A_267, %get3A_268] : memref<16x1x512xi32, #tpu.memory_space<vmem>>, vector<1x1x512xi32>
      %get3A_270 = vector.shape_cast %get3A_269 : vector<1x1x512xi32> to vector<512xi32>
      %iota3A_271 = tpu.iota {dimensions = array<i32: 0>} : vector<64x512xi32>
      %add3A_272 = arith.constant 256 : i32
      %add3A_273 = vector.broadcast %add3A_272 : i32 to vector<64x512xi32>
      %add3A_274 = arith.addi %iota3A_271, %add3A_273 : vector<64x512xi32>
      %broadcast_in_dim3A_275 = vector.shape_cast %get3A_270 : vector<512xi32> to vector<1x512xi32>
      %eq3A_276 = vector.broadcast %broadcast_in_dim3A_275 : vector<1x512xi32> to vector<64x512xi32>
      %eq3A_277 = arith.cmpi eq, %add3A_274, %eq3A_276 : vector<64x512xi32>
      %convert_element_type3A_278 = arith.extui %eq3A_277 : vector<64x512xi1> to vector<64x512xi32>
      %convert_element_type3A_279 = arith.sitofp %convert_element_type3A_278 : vector<64x512xi32> to vector<64x512xf32>
      %convert_element_type3A_280 = arith.truncf %convert_element_type3A_279 : vector<64x512xf32> to vector<64x512xbf16>
      %swap3A_281 = arith.constant 0 : index
      %swap3A_282 = arith.constant 5120 : index
      %swap3A_283 = vector.load %arg4[%swap3A_281, %swap3A_282] : memref<64x8192xbf16, #tpu.memory_space<vmem>>, vector<64x512xbf16>
      tpu.vector_store %arg4[%swap3A_281, %swap3A_282], %convert_element_type3A_280 {strides = array<i32>} : memref<64x8192xbf16, #tpu.memory_space<vmem>>, vector<64x512xbf16>,
      %get3A_284 = arith.constant 11 : index
      %get3A_285 = arith.constant 0 : index
      %get3A_286 = arith.constant 0 : index
      %get3A_287 = vector.load %arg1[%get3A_284, %get3A_285, %get3A_286] : memref<16x1x512xi32, #tpu.memory_space<vmem>>, vector<1x1x512xi32>
      %get3A_288 = vector.shape_cast %get3A_287 : vector<1x1x512xi32> to vector<512xi32>
      %iota3A_289 = tpu.iota {dimensions = array<i32: 0>} : vector<64x512xi32>
      %add3A_290 = arith.constant 256 : i32
      %add3A_291 = vector.broadcast %add3A_290 : i32 to vector<64x512xi32>
      %add3A_292 = arith.addi %iota3A_289, %add3A_291 : vector<64x512xi32>
      %broadcast_in_dim3A_293 = vector.shape_cast %get3A_288 : vector<512xi32> to vector<1x512xi32>
      %eq3A_294 = vector.broadcast %broadcast_in_dim3A_293 : vector<1x512xi32> to vector<64x512xi32>
      %eq3A_295 = arith.cmpi eq, %add3A_292, %eq3A_294 : vector<64x512xi32>
      %convert_element_type3A_296 = arith.extui %eq3A_295 : vector<64x512xi1> to vector<64x512xi32>
      %convert_element_type3A_297 = arith.sitofp %convert_element_type3A_296 : vector<64x512xi32> to vector<64x512xf32>
      %convert_element_type3A_298 = arith.truncf %convert_element_type3A_297 : vector<64x512xf32> to vector<64x512xbf16>
      %swap3A_299 = arith.constant 0 : index
      %swap3A_300 = arith.constant 5632 : index
      %swap3A_301 = vector.load %arg4[%swap3A_299, %swap3A_300] : memref<64x8192xbf16, #tpu.memory_space<vmem>>, vector<64x512xbf16>
      tpu.vector_store %arg4[%swap3A_299, %swap3A_300], %convert_element_type3A_298 {strides = array<i32>} : memref<64x8192xbf16, #tpu.memory_space<vmem>>, vector<64x512xbf16>,
      %get3A_302 = arith.constant 12 : index
      %get3A_303 = arith.constant 0 : index
      %get3A_304 = arith.constant 0 : index
      %get3A_305 = vector.load %arg1[%get3A_302, %get3A_303, %get3A_304] : memref<16x1x512xi32, #tpu.memory_space<vmem>>, vector<1x1x512xi32>
      %get3A_306 = vector.shape_cast %get3A_305 : vector<1x1x512xi32> to vector<512xi32>
      %iota3A_307 = tpu.iota {dimensions = array<i32: 0>} : vector<64x512xi32>
      %add3A_308 = arith.constant 256 : i32
      %add3A_309 = vector.broadcast %add3A_308 : i32 to vector<64x512xi32>
      %add3A_310 = arith.addi %iota3A_307, %add3A_309 : vector<64x512xi32>
      %broadcast_in_dim3A_311 = vector.shape_cast %get3A_306 : vector<512xi32> to vector<1x512xi32>
      %eq3A_312 = vector.broadcast %broadcast_in_dim3A_311 : vector<1x512xi32> to vector<64x512xi32>
      %eq3A_313 = arith.cmpi eq, %add3A_310, %eq3A_312 : vector<64x512xi32>
      %convert_element_type3A_314 = arith.extui %eq3A_313 : vector<64x512xi1> to vector<64x512xi32>
      %convert_element_type3A_315 = arith.sitofp %convert_element_type3A_314 : vector<64x512xi32> to vector<64x512xf32>
      %convert_element_type3A_316 = arith.truncf %convert_element_type3A_315 : vector<64x512xf32> to vector<64x512xbf16>
      %swap3A_317 = arith.constant 0 : index
      %swap3A_318 = arith.constant 6144 : index
      %swap3A_319 = vector.load %arg4[%swap3A_317, %swap3A_318] : memref<64x8192xbf16, #tpu.memory_space<vmem>>, vector<64x512xbf16>
      tpu.vector_store %arg4[%swap3A_317, %swap3A_318], %convert_element_type3A_316 {strides = array<i32>} : memref<64x8192xbf16, #tpu.memory_space<vmem>>, vector<64x512xbf16>,
      %get3A_320 = arith.constant 13 : index
      %get3A_321 = arith.constant 0 : index
      %get3A_322 = arith.constant 0 : index
      %get3A_323 = vector.load %arg1[%get3A_320, %get3A_321, %get3A_322] : memref<16x1x512xi32, #tpu.memory_space<vmem>>, vector<1x1x512xi32>
      %get3A_324 = vector.shape_cast %get3A_323 : vector<1x1x512xi32> to vector<512xi32>
      %iota3A_325 = tpu.iota {dimensions = array<i32: 0>} : vector<64x512xi32>
      %add3A_326 = arith.constant 256 : i32
      %add3A_327 = vector.broadcast %add3A_326 : i32 to vector<64x512xi32>
      %add3A_328 = arith.addi %iota3A_325, %add3A_327 : vector<64x512xi32>
      %broadcast_in_dim3A_329 = vector.shape_cast %get3A_324 : vector<512xi32> to vector<1x512xi32>
      %eq3A_330 = vector.broadcast %broadcast_in_dim3A_329 : vector<1x512xi32> to vector<64x512xi32>
      %eq3A_331 = arith.cmpi eq, %add3A_328, %eq3A_330 : vector<64x512xi32>
      %convert_element_type3A_332 = arith.extui %eq3A_331 : vector<64x512xi1> to vector<64x512xi32>
      %convert_element_type3A_333 = arith.sitofp %convert_element_type3A_332 : vector<64x512xi32> to vector<64x512xf32>
      %convert_element_type3A_334 = arith.truncf %convert_element_type3A_333 : vector<64x512xf32> to vector<64x512xbf16>
      %swap3A_335 = arith.constant 0 : index
      %swap3A_336 = arith.constant 6656 : index
      %swap3A_337 = vector.load %arg4[%swap3A_335, %swap3A_336] : memref<64x8192xbf16, #tpu.memory_space<vmem>>, vector<64x512xbf16>
      tpu.vector_store %arg4[%swap3A_335, %swap3A_336], %convert_element_type3A_334 {strides = array<i32>} : memref<64x8192xbf16, #tpu.memory_space<vmem>>, vector<64x512xbf16>,
      %get3A_338 = arith.constant 14 : index
      %get3A_339 = arith.constant 0 : index
      %get3A_340 = arith.constant 0 : index
      %get3A_341 = vector.load %arg1[%get3A_338, %get3A_339, %get3A_340] : memref<16x1x512xi32, #tpu.memory_space<vmem>>, vector<1x1x512xi32>
      %get3A_342 = vector.shape_cast %get3A_341 : vector<1x1x512xi32> to vector<512xi32>
      %iota3A_343 = tpu.iota {dimensions = array<i32: 0>} : vector<64x512xi32>
      %add3A_344 = arith.constant 256 : i32
      %add3A_345 = vector.broadcast %add3A_344 : i32 to vector<64x512xi32>
      %add3A_346 = arith.addi %iota3A_343, %add3A_345 : vector<64x512xi32>
      %broadcast_in_dim3A_347 = vector.shape_cast %get3A_342 : vector<512xi32> to vector<1x512xi32>
      %eq3A_348 = vector.broadcast %broadcast_in_dim3A_347 : vector<1x512xi32> to vector<64x512xi32>
      %eq3A_349 = arith.cmpi eq, %add3A_346, %eq3A_348 : vector<64x512xi32>
      %convert_element_type3A_350 = arith.extui %eq3A_349 : vector<64x512xi1> to vector<64x512xi32>
      %convert_element_type3A_351 = arith.sitofp %convert_element_type3A_350 : vector<64x512xi32> to vector<64x512xf32>
      %convert_element_type3A_352 = arith.truncf %convert_element_type3A_351 : vector<64x512xf32> to vector<64x512xbf16>
      %swap3A_353 = arith.constant 0 : index
      %swap3A_354 = arith.constant 7168 : index
      %swap3A_355 = vector.load %arg4[%swap3A_353, %swap3A_354] : memref<64x8192xbf16, #tpu.memory_space<vmem>>, vector<64x512xbf16>
      tpu.vector_store %arg4[%swap3A_353, %swap3A_354], %convert_element_type3A_352 {strides = array<i32>} : memref<64x8192xbf16, #tpu.memory_space<vmem>>, vector<64x512xbf16>,
      %get3A_356 = arith.constant 15 : index
      %get3A_357 = arith.constant 0 : index
      %get3A_358 = arith.constant 0 : index
      %get3A_359 = vector.load %arg1[%get3A_356, %get3A_357, %get3A_358] : memref<16x1x512xi32, #tpu.memory_space<vmem>>, vector<1x1x512xi32>
      %get3A_360 = vector.shape_cast %get3A_359 : vector<1x1x512xi32> to vector<512xi32>
      %iota3A_361 = tpu.iota {dimensions = array<i32: 0>} : vector<64x512xi32>
      %add3A_362 = arith.constant 256 : i32
      %add3A_363 = vector.broadcast %add3A_362 : i32 to vector<64x512xi32>
      %add3A_364 = arith.addi %iota3A_361, %add3A_363 : vector<64x512xi32>
      %broadcast_in_dim3A_365 = vector.shape_cast %get3A_360 : vector<512xi32> to vector<1x512xi32>
      %eq3A_366 = vector.broadcast %broadcast_in_dim3A_365 : vector<1x512xi32> to vector<64x512xi32>
      %eq3A_367 = arith.cmpi eq, %add3A_364, %eq3A_366 : vector<64x512xi32>
      %convert_element_type3A_368 = arith.extui %eq3A_367 : vector<64x512xi1> to vector<64x512xi32>
      %convert_element_type3A_369 = arith.sitofp %convert_element_type3A_368 : vector<64x512xi32> to vector<64x512xf32>
      %convert_element_type3A_370 = arith.truncf %convert_element_type3A_369 : vector<64x512xf32> to vector<64x512xbf16>
      %swap3A_371 = arith.constant 0 : index
      %swap3A_372 = arith.constant 7680 : index
      %swap3A_373 = vector.load %arg4[%swap3A_371, %swap3A_372] : memref<64x8192xbf16, #tpu.memory_space<vmem>>, vector<64x512xbf16>
      tpu.vector_store %arg4[%swap3A_371, %swap3A_372], %convert_element_type3A_370 {strides = array<i32>} : memref<64x8192xbf16, #tpu.memory_space<vmem>>, vector<64x512xbf16>,
      %get3A_374 = arith.constant 256 : index
      %get3A_375 = arith.constant 0 : index
      %get3A_376 = vector.load %arg3[%get3A_374, %get3A_375] : memref<512x128xf32, #tpu.memory_space<vmem>>, vector<64x128xf32>
      %get3A_377 = arith.constant 0 : index
      %get3A_378 = arith.constant 0 : index
      %get3A_379 = vector.load %arg4[%get3A_377, %get3A_378] : memref<64x8192xbf16, #tpu.memory_space<vmem>>, vector<64x8192xbf16>
      %get3A_380 = arith.constant 0 : index
      %get3A_381 = arith.constant 0 : index
      %get3A_382 = vector.load %arg5[%get3A_380, %get3A_381] : memref<8192x128xbf16, #tpu.memory_space<vmem>>, vector<8192x128xbf16>
      %dot_general3A = arith.constant dense<0.000000e+00> : vector<64x128xf32>
      %dot_general3A_383 = tpu.matmul %get3A_379, %get3A_382, %dot_general3A {dimension_numbers = #tpu.dot_dimension_numbers<[1], [0], [0], [1], [0, 0, 1, 1], [], []>, transpose_lhs_hint = false} : vector<64x8192xbf16>, vector<8192x128xbf16>, vector<64x128xf32> -> vector<64x128xf32>
      %get3A_384 = arith.constant 0 : index
      %get3A_385 = arith.constant 0 : index
      %get3A_386 = vector.load %arg4[%get3A_384, %get3A_385] : memref<64x8192xbf16, #tpu.memory_space<vmem>>, vector<64x8192xbf16>
      %get3A_387 = arith.constant 0 : index
      %get3A_388 = arith.constant 0 : index
      %get3A_389 = vector.load %arg6[%get3A_387, %get3A_388] : memref<8192x128xbf16, #tpu.memory_space<vmem>>, vector<8192x128xbf16>
      %dot_general3A_390 = arith.constant dense<0.000000e+00> : vector<64x128xf32>
      %dot_general3A_391 = tpu.matmul %get3A_386, %get3A_389, %dot_general3A_390 {dimension_numbers = #tpu.dot_dimension_numbers<[1], [0], [0], [1], [0, 0, 1, 1], [], []>, transpose_lhs_hint = false} : vector<64x8192xbf16>, vector<8192x128xbf16>, vector<64x128xf32> -> vector<64x128xf32>
      %add3A_392 = arith.addf %dot_general3A_383, %dot_general3A_391 : vector<64x128xf32>
      %add3A_393 = arith.addf %get3A_376, %add3A_392 : vector<64x128xf32>
      %swap3A_394 = arith.constant 256 : index
      %swap3A_395 = arith.constant 0 : index
      %swap3A_396 = vector.load %arg3[%swap3A_394, %swap3A_395] : memref<512x128xf32, #tpu.memory_space<vmem>>, vector<64x128xf32>
      tpu.vector_store %arg3[%swap3A_394, %swap3A_395], %add3A_393 {strides = array<i32>} : memref<512x128xf32, #tpu.memory_space<vmem>>, vector<64x128xf32>,
    } else {
    }
    %ge3A_65 = arith.constant 320 : i32
    %ge3A_66 = arith.cmpi sge, %get3A_27, %ge3A_65 : i32
    %lt3A_67 = arith.constant 384 : i32
    %lt3A_68 = arith.cmpi slt, %get3A_22, %lt3A_67 : i32
    %and3A_69 = arith.andi %ge3A_66, %lt3A_68 : i1
    %convert_element_type3A_70 = arith.extui %and3A_69 : i1 to i32
    %cond3A_71 = arith.constant 0 : i32
    %cond3A_72 = arith.cmpi ne, %convert_element_type3A_70, %cond3A_71 : i32
    scf.if %cond3A_72 {
      %get3A_89 = arith.constant 0 : index
      %get3A_90 = arith.constant 0 : index
      %get3A_91 = arith.constant 0 : index
      %get3A_92 = vector.load %arg1[%get3A_89, %get3A_90, %get3A_91] : memref<16x1x512xi32, #tpu.memory_space<vmem>>, vector<1x1x512xi32>
      %get3A_93 = vector.shape_cast %get3A_92 : vector<1x1x512xi32> to vector<512xi32>
      %iota3A = tpu.iota {dimensions = array<i32: 0>} : vector<64x512xi32>
      %add3A = arith.constant 320 : i32
      %add3A_94 = vector.broadcast %add3A : i32 to vector<64x512xi32>
      %add3A_95 = arith.addi %iota3A, %add3A_94 : vector<64x512xi32>
      %broadcast_in_dim3A = vector.shape_cast %get3A_93 : vector<512xi32> to vector<1x512xi32>
      %eq3A_96 = vector.broadcast %broadcast_in_dim3A : vector<1x512xi32> to vector<64x512xi32>
      %eq3A_97 = arith.cmpi eq, %add3A_95, %eq3A_96 : vector<64x512xi32>
      %convert_element_type3A_98 = arith.extui %eq3A_97 : vector<64x512xi1> to vector<64x512xi32>
      %convert_element_type3A_99 = arith.sitofp %convert_element_type3A_98 : vector<64x512xi32> to vector<64x512xf32>
      %convert_element_type3A_100 = arith.truncf %convert_element_type3A_99 : vector<64x512xf32> to vector<64x512xbf16>
      %swap3A_101 = arith.constant 0 : index
      %swap3A_102 = arith.constant 0 : index
      %swap3A_103 = vector.load %arg4[%swap3A_101, %swap3A_102] : memref<64x8192xbf16, #tpu.memory_space<vmem>>, vector<64x512xbf16>
      tpu.vector_store %arg4[%swap3A_101, %swap3A_102], %convert_element_type3A_100 {strides = array<i32>} : memref<64x8192xbf16, #tpu.memory_space<vmem>>, vector<64x512xbf16>,
      %get3A_104 = arith.constant 1 : index
      %get3A_105 = arith.constant 0 : index
      %get3A_106 = arith.constant 0 : index
      %get3A_107 = vector.load %arg1[%get3A_104, %get3A_105, %get3A_106] : memref<16x1x512xi32, #tpu.memory_space<vmem>>, vector<1x1x512xi32>
      %get3A_108 = vector.shape_cast %get3A_107 : vector<1x1x512xi32> to vector<512xi32>
      %iota3A_109 = tpu.iota {dimensions = array<i32: 0>} : vector<64x512xi32>
      %add3A_110 = arith.constant 320 : i32
      %add3A_111 = vector.broadcast %add3A_110 : i32 to vector<64x512xi32>
      %add3A_112 = arith.addi %iota3A_109, %add3A_111 : vector<64x512xi32>
      %broadcast_in_dim3A_113 = vector.shape_cast %get3A_108 : vector<512xi32> to vector<1x512xi32>
      %eq3A_114 = vector.broadcast %broadcast_in_dim3A_113 : vector<1x512xi32> to vector<64x512xi32>
      %eq3A_115 = arith.cmpi eq, %add3A_112, %eq3A_114 : vector<64x512xi32>
      %convert_element_type3A_116 = arith.extui %eq3A_115 : vector<64x512xi1> to vector<64x512xi32>
      %convert_element_type3A_117 = arith.sitofp %convert_element_type3A_116 : vector<64x512xi32> to vector<64x512xf32>
      %convert_element_type3A_118 = arith.truncf %convert_element_type3A_117 : vector<64x512xf32> to vector<64x512xbf16>
      %swap3A_119 = arith.constant 0 : index
      %swap3A_120 = arith.constant 512 : index
      %swap3A_121 = vector.load %arg4[%swap3A_119, %swap3A_120] : memref<64x8192xbf16, #tpu.memory_space<vmem>>, vector<64x512xbf16>
      tpu.vector_store %arg4[%swap3A_119, %swap3A_120], %convert_element_type3A_118 {strides = array<i32>} : memref<64x8192xbf16, #tpu.memory_space<vmem>>, vector<64x512xbf16>,
      %get3A_122 = arith.constant 2 : index
      %get3A_123 = arith.constant 0 : index
      %get3A_124 = arith.constant 0 : index
      %get3A_125 = vector.load %arg1[%get3A_122, %get3A_123, %get3A_124] : memref<16x1x512xi32, #tpu.memory_space<vmem>>, vector<1x1x512xi32>
      %get3A_126 = vector.shape_cast %get3A_125 : vector<1x1x512xi32> to vector<512xi32>
      %iota3A_127 = tpu.iota {dimensions = array<i32: 0>} : vector<64x512xi32>
      %add3A_128 = arith.constant 320 : i32
      %add3A_129 = vector.broadcast %add3A_128 : i32 to vector<64x512xi32>
      %add3A_130 = arith.addi %iota3A_127, %add3A_129 : vector<64x512xi32>
      %broadcast_in_dim3A_131 = vector.shape_cast %get3A_126 : vector<512xi32> to vector<1x512xi32>
      %eq3A_132 = vector.broadcast %broadcast_in_dim3A_131 : vector<1x512xi32> to vector<64x512xi32>
      %eq3A_133 = arith.cmpi eq, %add3A_130, %eq3A_132 : vector<64x512xi32>
      %convert_element_type3A_134 = arith.extui %eq3A_133 : vector<64x512xi1> to vector<64x512xi32>
      %convert_element_type3A_135 = arith.sitofp %convert_element_type3A_134 : vector<64x512xi32> to vector<64x512xf32>
      %convert_element_type3A_136 = arith.truncf %convert_element_type3A_135 : vector<64x512xf32> to vector<64x512xbf16>
      %swap3A_137 = arith.constant 0 : index
      %swap3A_138 = arith.constant 1024 : index
      %swap3A_139 = vector.load %arg4[%swap3A_137, %swap3A_138] : memref<64x8192xbf16, #tpu.memory_space<vmem>>, vector<64x512xbf16>
      tpu.vector_store %arg4[%swap3A_137, %swap3A_138], %convert_element_type3A_136 {strides = array<i32>} : memref<64x8192xbf16, #tpu.memory_space<vmem>>, vector<64x512xbf16>,
      %get3A_140 = arith.constant 3 : index
      %get3A_141 = arith.constant 0 : index
      %get3A_142 = arith.constant 0 : index
      %get3A_143 = vector.load %arg1[%get3A_140, %get3A_141, %get3A_142] : memref<16x1x512xi32, #tpu.memory_space<vmem>>, vector<1x1x512xi32>
      %get3A_144 = vector.shape_cast %get3A_143 : vector<1x1x512xi32> to vector<512xi32>
      %iota3A_145 = tpu.iota {dimensions = array<i32: 0>} : vector<64x512xi32>
      %add3A_146 = arith.constant 320 : i32
      %add3A_147 = vector.broadcast %add3A_146 : i32 to vector<64x512xi32>
      %add3A_148 = arith.addi %iota3A_145, %add3A_147 : vector<64x512xi32>
      %broadcast_in_dim3A_149 = vector.shape_cast %get3A_144 : vector<512xi32> to vector<1x512xi32>
      %eq3A_150 = vector.broadcast %broadcast_in_dim3A_149 : vector<1x512xi32> to vector<64x512xi32>
      %eq3A_151 = arith.cmpi eq, %add3A_148, %eq3A_150 : vector<64x512xi32>
      %convert_element_type3A_152 = arith.extui %eq3A_151 : vector<64x512xi1> to vector<64x512xi32>
      %convert_element_type3A_153 = arith.sitofp %convert_element_type3A_152 : vector<64x512xi32> to vector<64x512xf32>
      %convert_element_type3A_154 = arith.truncf %convert_element_type3A_153 : vector<64x512xf32> to vector<64x512xbf16>
      %swap3A_155 = arith.constant 0 : index
      %swap3A_156 = arith.constant 1536 : index
      %swap3A_157 = vector.load %arg4[%swap3A_155, %swap3A_156] : memref<64x8192xbf16, #tpu.memory_space<vmem>>, vector<64x512xbf16>
      tpu.vector_store %arg4[%swap3A_155, %swap3A_156], %convert_element_type3A_154 {strides = array<i32>} : memref<64x8192xbf16, #tpu.memory_space<vmem>>, vector<64x512xbf16>,
      %get3A_158 = arith.constant 4 : index
      %get3A_159 = arith.constant 0 : index
      %get3A_160 = arith.constant 0 : index
      %get3A_161 = vector.load %arg1[%get3A_158, %get3A_159, %get3A_160] : memref<16x1x512xi32, #tpu.memory_space<vmem>>, vector<1x1x512xi32>
      %get3A_162 = vector.shape_cast %get3A_161 : vector<1x1x512xi32> to vector<512xi32>
      %iota3A_163 = tpu.iota {dimensions = array<i32: 0>} : vector<64x512xi32>
      %add3A_164 = arith.constant 320 : i32
      %add3A_165 = vector.broadcast %add3A_164 : i32 to vector<64x512xi32>
      %add3A_166 = arith.addi %iota3A_163, %add3A_165 : vector<64x512xi32>
      %broadcast_in_dim3A_167 = vector.shape_cast %get3A_162 : vector<512xi32> to vector<1x512xi32>
      %eq3A_168 = vector.broadcast %broadcast_in_dim3A_167 : vector<1x512xi32> to vector<64x512xi32>
      %eq3A_169 = arith.cmpi eq, %add3A_166, %eq3A_168 : vector<64x512xi32>
      %convert_element_type3A_170 = arith.extui %eq3A_169 : vector<64x512xi1> to vector<64x512xi32>
      %convert_element_type3A_171 = arith.sitofp %convert_element_type3A_170 : vector<64x512xi32> to vector<64x512xf32>
      %convert_element_type3A_172 = arith.truncf %convert_element_type3A_171 : vector<64x512xf32> to vector<64x512xbf16>
      %swap3A_173 = arith.constant 0 : index
      %swap3A_174 = arith.constant 2048 : index
      %swap3A_175 = vector.load %arg4[%swap3A_173, %swap3A_174] : memref<64x8192xbf16, #tpu.memory_space<vmem>>, vector<64x512xbf16>
      tpu.vector_store %arg4[%swap3A_173, %swap3A_174], %convert_element_type3A_172 {strides = array<i32>} : memref<64x8192xbf16, #tpu.memory_space<vmem>>, vector<64x512xbf16>,
      %get3A_176 = arith.constant 5 : index
      %get3A_177 = arith.constant 0 : index
      %get3A_178 = arith.constant 0 : index
      %get3A_179 = vector.load %arg1[%get3A_176, %get3A_177, %get3A_178] : memref<16x1x512xi32, #tpu.memory_space<vmem>>, vector<1x1x512xi32>
      %get3A_180 = vector.shape_cast %get3A_179 : vector<1x1x512xi32> to vector<512xi32>
      %iota3A_181 = tpu.iota {dimensions = array<i32: 0>} : vector<64x512xi32>
      %add3A_182 = arith.constant 320 : i32
      %add3A_183 = vector.broadcast %add3A_182 : i32 to vector<64x512xi32>
      %add3A_184 = arith.addi %iota3A_181, %add3A_183 : vector<64x512xi32>
      %broadcast_in_dim3A_185 = vector.shape_cast %get3A_180 : vector<512xi32> to vector<1x512xi32>
      %eq3A_186 = vector.broadcast %broadcast_in_dim3A_185 : vector<1x512xi32> to vector<64x512xi32>
      %eq3A_187 = arith.cmpi eq, %add3A_184, %eq3A_186 : vector<64x512xi32>
      %convert_element_type3A_188 = arith.extui %eq3A_187 : vector<64x512xi1> to vector<64x512xi32>
      %convert_element_type3A_189 = arith.sitofp %convert_element_type3A_188 : vector<64x512xi32> to vector<64x512xf32>
      %convert_element_type3A_190 = arith.truncf %convert_element_type3A_189 : vector<64x512xf32> to vector<64x512xbf16>
      %swap3A_191 = arith.constant 0 : index
      %swap3A_192 = arith.constant 2560 : index
      %swap3A_193 = vector.load %arg4[%swap3A_191, %swap3A_192] : memref<64x8192xbf16, #tpu.memory_space<vmem>>, vector<64x512xbf16>
      tpu.vector_store %arg4[%swap3A_191, %swap3A_192], %convert_element_type3A_190 {strides = array<i32>} : memref<64x8192xbf16, #tpu.memory_space<vmem>>, vector<64x512xbf16>,
      %get3A_194 = arith.constant 6 : index
      %get3A_195 = arith.constant 0 : index
      %get3A_196 = arith.constant 0 : index
      %get3A_197 = vector.load %arg1[%get3A_194, %get3A_195, %get3A_196] : memref<16x1x512xi32, #tpu.memory_space<vmem>>, vector<1x1x512xi32>
      %get3A_198 = vector.shape_cast %get3A_197 : vector<1x1x512xi32> to vector<512xi32>
      %iota3A_199 = tpu.iota {dimensions = array<i32: 0>} : vector<64x512xi32>
      %add3A_200 = arith.constant 320 : i32
      %add3A_201 = vector.broadcast %add3A_200 : i32 to vector<64x512xi32>
      %add3A_202 = arith.addi %iota3A_199, %add3A_201 : vector<64x512xi32>
      %broadcast_in_dim3A_203 = vector.shape_cast %get3A_198 : vector<512xi32> to vector<1x512xi32>
      %eq3A_204 = vector.broadcast %broadcast_in_dim3A_203 : vector<1x512xi32> to vector<64x512xi32>
      %eq3A_205 = arith.cmpi eq, %add3A_202, %eq3A_204 : vector<64x512xi32>
      %convert_element_type3A_206 = arith.extui %eq3A_205 : vector<64x512xi1> to vector<64x512xi32>
      %convert_element_type3A_207 = arith.sitofp %convert_element_type3A_206 : vector<64x512xi32> to vector<64x512xf32>
      %convert_element_type3A_208 = arith.truncf %convert_element_type3A_207 : vector<64x512xf32> to vector<64x512xbf16>
      %swap3A_209 = arith.constant 0 : index
      %swap3A_210 = arith.constant 3072 : index
      %swap3A_211 = vector.load %arg4[%swap3A_209, %swap3A_210] : memref<64x8192xbf16, #tpu.memory_space<vmem>>, vector<64x512xbf16>
      tpu.vector_store %arg4[%swap3A_209, %swap3A_210], %convert_element_type3A_208 {strides = array<i32>} : memref<64x8192xbf16, #tpu.memory_space<vmem>>, vector<64x512xbf16>,
      %get3A_212 = arith.constant 7 : index
      %get3A_213 = arith.constant 0 : index
      %get3A_214 = arith.constant 0 : index
      %get3A_215 = vector.load %arg1[%get3A_212, %get3A_213, %get3A_214] : memref<16x1x512xi32, #tpu.memory_space<vmem>>, vector<1x1x512xi32>
      %get3A_216 = vector.shape_cast %get3A_215 : vector<1x1x512xi32> to vector<512xi32>
      %iota3A_217 = tpu.iota {dimensions = array<i32: 0>} : vector<64x512xi32>
      %add3A_218 = arith.constant 320 : i32
      %add3A_219 = vector.broadcast %add3A_218 : i32 to vector<64x512xi32>
      %add3A_220 = arith.addi %iota3A_217, %add3A_219 : vector<64x512xi32>
      %broadcast_in_dim3A_221 = vector.shape_cast %get3A_216 : vector<512xi32> to vector<1x512xi32>
      %eq3A_222 = vector.broadcast %broadcast_in_dim3A_221 : vector<1x512xi32> to vector<64x512xi32>
      %eq3A_223 = arith.cmpi eq, %add3A_220, %eq3A_222 : vector<64x512xi32>
      %convert_element_type3A_224 = arith.extui %eq3A_223 : vector<64x512xi1> to vector<64x512xi32>
      %convert_element_type3A_225 = arith.sitofp %convert_element_type3A_224 : vector<64x512xi32> to vector<64x512xf32>
      %convert_element_type3A_226 = arith.truncf %convert_element_type3A_225 : vector<64x512xf32> to vector<64x512xbf16>
      %swap3A_227 = arith.constant 0 : index
      %swap3A_228 = arith.constant 3584 : index
      %swap3A_229 = vector.load %arg4[%swap3A_227, %swap3A_228] : memref<64x8192xbf16, #tpu.memory_space<vmem>>, vector<64x512xbf16>
      tpu.vector_store %arg4[%swap3A_227, %swap3A_228], %convert_element_type3A_226 {strides = array<i32>} : memref<64x8192xbf16, #tpu.memory_space<vmem>>, vector<64x512xbf16>,
      %get3A_230 = arith.constant 8 : index
      %get3A_231 = arith.constant 0 : index
      %get3A_232 = arith.constant 0 : index
      %get3A_233 = vector.load %arg1[%get3A_230, %get3A_231, %get3A_232] : memref<16x1x512xi32, #tpu.memory_space<vmem>>, vector<1x1x512xi32>
      %get3A_234 = vector.shape_cast %get3A_233 : vector<1x1x512xi32> to vector<512xi32>
      %iota3A_235 = tpu.iota {dimensions = array<i32: 0>} : vector<64x512xi32>
      %add3A_236 = arith.constant 320 : i32
      %add3A_237 = vector.broadcast %add3A_236 : i32 to vector<64x512xi32>
      %add3A_238 = arith.addi %iota3A_235, %add3A_237 : vector<64x512xi32>
      %broadcast_in_dim3A_239 = vector.shape_cast %get3A_234 : vector<512xi32> to vector<1x512xi32>
      %eq3A_240 = vector.broadcast %broadcast_in_dim3A_239 : vector<1x512xi32> to vector<64x512xi32>
      %eq3A_241 = arith.cmpi eq, %add3A_238, %eq3A_240 : vector<64x512xi32>
      %convert_element_type3A_242 = arith.extui %eq3A_241 : vector<64x512xi1> to vector<64x512xi32>
      %convert_element_type3A_243 = arith.sitofp %convert_element_type3A_242 : vector<64x512xi32> to vector<64x512xf32>
      %convert_element_type3A_244 = arith.truncf %convert_element_type3A_243 : vector<64x512xf32> to vector<64x512xbf16>
      %swap3A_245 = arith.constant 0 : index
      %swap3A_246 = arith.constant 4096 : index
      %swap3A_247 = vector.load %arg4[%swap3A_245, %swap3A_246] : memref<64x8192xbf16, #tpu.memory_space<vmem>>, vector<64x512xbf16>
      tpu.vector_store %arg4[%swap3A_245, %swap3A_246], %convert_element_type3A_244 {strides = array<i32>} : memref<64x8192xbf16, #tpu.memory_space<vmem>>, vector<64x512xbf16>,
      %get3A_248 = arith.constant 9 : index
      %get3A_249 = arith.constant 0 : index
      %get3A_250 = arith.constant 0 : index
      %get3A_251 = vector.load %arg1[%get3A_248, %get3A_249, %get3A_250] : memref<16x1x512xi32, #tpu.memory_space<vmem>>, vector<1x1x512xi32>
      %get3A_252 = vector.shape_cast %get3A_251 : vector<1x1x512xi32> to vector<512xi32>
      %iota3A_253 = tpu.iota {dimensions = array<i32: 0>} : vector<64x512xi32>
      %add3A_254 = arith.constant 320 : i32
      %add3A_255 = vector.broadcast %add3A_254 : i32 to vector<64x512xi32>
      %add3A_256 = arith.addi %iota3A_253, %add3A_255 : vector<64x512xi32>
      %broadcast_in_dim3A_257 = vector.shape_cast %get3A_252 : vector<512xi32> to vector<1x512xi32>
      %eq3A_258 = vector.broadcast %broadcast_in_dim3A_257 : vector<1x512xi32> to vector<64x512xi32>
      %eq3A_259 = arith.cmpi eq, %add3A_256, %eq3A_258 : vector<64x512xi32>
      %convert_element_type3A_260 = arith.extui %eq3A_259 : vector<64x512xi1> to vector<64x512xi32>
      %convert_element_type3A_261 = arith.sitofp %convert_element_type3A_260 : vector<64x512xi32> to vector<64x512xf32>
      %convert_element_type3A_262 = arith.truncf %convert_element_type3A_261 : vector<64x512xf32> to vector<64x512xbf16>
      %swap3A_263 = arith.constant 0 : index
      %swap3A_264 = arith.constant 4608 : index
      %swap3A_265 = vector.load %arg4[%swap3A_263, %swap3A_264] : memref<64x8192xbf16, #tpu.memory_space<vmem>>, vector<64x512xbf16>
      tpu.vector_store %arg4[%swap3A_263, %swap3A_264], %convert_element_type3A_262 {strides = array<i32>} : memref<64x8192xbf16, #tpu.memory_space<vmem>>, vector<64x512xbf16>,
      %get3A_266 = arith.constant 10 : index
      %get3A_267 = arith.constant 0 : index
      %get3A_268 = arith.constant 0 : index
      %get3A_269 = vector.load %arg1[%get3A_266, %get3A_267, %get3A_268] : memref<16x1x512xi32, #tpu.memory_space<vmem>>, vector<1x1x512xi32>
      %get3A_270 = vector.shape_cast %get3A_269 : vector<1x1x512xi32> to vector<512xi32>
      %iota3A_271 = tpu.iota {dimensions = array<i32: 0>} : vector<64x512xi32>
      %add3A_272 = arith.constant 320 : i32
      %add3A_273 = vector.broadcast %add3A_272 : i32 to vector<64x512xi32>
      %add3A_274 = arith.addi %iota3A_271, %add3A_273 : vector<64x512xi32>
      %broadcast_in_dim3A_275 = vector.shape_cast %get3A_270 : vector<512xi32> to vector<1x512xi32>
      %eq3A_276 = vector.broadcast %broadcast_in_dim3A_275 : vector<1x512xi32> to vector<64x512xi32>
      %eq3A_277 = arith.cmpi eq, %add3A_274, %eq3A_276 : vector<64x512xi32>
      %convert_element_type3A_278 = arith.extui %eq3A_277 : vector<64x512xi1> to vector<64x512xi32>
      %convert_element_type3A_279 = arith.sitofp %convert_element_type3A_278 : vector<64x512xi32> to vector<64x512xf32>
      %convert_element_type3A_280 = arith.truncf %convert_element_type3A_279 : vector<64x512xf32> to vector<64x512xbf16>
      %swap3A_281 = arith.constant 0 : index
      %swap3A_282 = arith.constant 5120 : index
      %swap3A_283 = vector.load %arg4[%swap3A_281, %swap3A_282] : memref<64x8192xbf16, #tpu.memory_space<vmem>>, vector<64x512xbf16>
      tpu.vector_store %arg4[%swap3A_281, %swap3A_282], %convert_element_type3A_280 {strides = array<i32>} : memref<64x8192xbf16, #tpu.memory_space<vmem>>, vector<64x512xbf16>,
      %get3A_284 = arith.constant 11 : index
      %get3A_285 = arith.constant 0 : index
      %get3A_286 = arith.constant 0 : index
      %get3A_287 = vector.load %arg1[%get3A_284, %get3A_285, %get3A_286] : memref<16x1x512xi32, #tpu.memory_space<vmem>>, vector<1x1x512xi32>
      %get3A_288 = vector.shape_cast %get3A_287 : vector<1x1x512xi32> to vector<512xi32>
      %iota3A_289 = tpu.iota {dimensions = array<i32: 0>} : vector<64x512xi32>
      %add3A_290 = arith.constant 320 : i32
      %add3A_291 = vector.broadcast %add3A_290 : i32 to vector<64x512xi32>
      %add3A_292 = arith.addi %iota3A_289, %add3A_291 : vector<64x512xi32>
      %broadcast_in_dim3A_293 = vector.shape_cast %get3A_288 : vector<512xi32> to vector<1x512xi32>
      %eq3A_294 = vector.broadcast %broadcast_in_dim3A_293 : vector<1x512xi32> to vector<64x512xi32>
      %eq3A_295 = arith.cmpi eq, %add3A_292, %eq3A_294 : vector<64x512xi32>
      %convert_element_type3A_296 = arith.extui %eq3A_295 : vector<64x512xi1> to vector<64x512xi32>
      %convert_element_type3A_297 = arith.sitofp %convert_element_type3A_296 : vector<64x512xi32> to vector<64x512xf32>
      %convert_element_type3A_298 = arith.truncf %convert_element_type3A_297 : vector<64x512xf32> to vector<64x512xbf16>
      %swap3A_299 = arith.constant 0 : index
      %swap3A_300 = arith.constant 5632 : index
      %swap3A_301 = vector.load %arg4[%swap3A_299, %swap3A_300] : memref<64x8192xbf16, #tpu.memory_space<vmem>>, vector<64x512xbf16>
      tpu.vector_store %arg4[%swap3A_299, %swap3A_300], %convert_element_type3A_298 {strides = array<i32>} : memref<64x8192xbf16, #tpu.memory_space<vmem>>, vector<64x512xbf16>,
      %get3A_302 = arith.constant 12 : index
      %get3A_303 = arith.constant 0 : index
      %get3A_304 = arith.constant 0 : index
      %get3A_305 = vector.load %arg1[%get3A_302, %get3A_303, %get3A_304] : memref<16x1x512xi32, #tpu.memory_space<vmem>>, vector<1x1x512xi32>
      %get3A_306 = vector.shape_cast %get3A_305 : vector<1x1x512xi32> to vector<512xi32>
      %iota3A_307 = tpu.iota {dimensions = array<i32: 0>} : vector<64x512xi32>
      %add3A_308 = arith.constant 320 : i32
      %add3A_309 = vector.broadcast %add3A_308 : i32 to vector<64x512xi32>
      %add3A_310 = arith.addi %iota3A_307, %add3A_309 : vector<64x512xi32>
      %broadcast_in_dim3A_311 = vector.shape_cast %get3A_306 : vector<512xi32> to vector<1x512xi32>
      %eq3A_312 = vector.broadcast %broadcast_in_dim3A_311 : vector<1x512xi32> to vector<64x512xi32>
      %eq3A_313 = arith.cmpi eq, %add3A_310, %eq3A_312 : vector<64x512xi32>
      %convert_element_type3A_314 = arith.extui %eq3A_313 : vector<64x512xi1> to vector<64x512xi32>
      %convert_element_type3A_315 = arith.sitofp %convert_element_type3A_314 : vector<64x512xi32> to vector<64x512xf32>
      %convert_element_type3A_316 = arith.truncf %convert_element_type3A_315 : vector<64x512xf32> to vector<64x512xbf16>
      %swap3A_317 = arith.constant 0 : index
      %swap3A_318 = arith.constant 6144 : index
      %swap3A_319 = vector.load %arg4[%swap3A_317, %swap3A_318] : memref<64x8192xbf16, #tpu.memory_space<vmem>>, vector<64x512xbf16>
      tpu.vector_store %arg4[%swap3A_317, %swap3A_318], %convert_element_type3A_316 {strides = array<i32>} : memref<64x8192xbf16, #tpu.memory_space<vmem>>, vector<64x512xbf16>,
      %get3A_320 = arith.constant 13 : index
      %get3A_321 = arith.constant 0 : index
      %get3A_322 = arith.constant 0 : index
      %get3A_323 = vector.load %arg1[%get3A_320, %get3A_321, %get3A_322] : memref<16x1x512xi32, #tpu.memory_space<vmem>>, vector<1x1x512xi32>
      %get3A_324 = vector.shape_cast %get3A_323 : vector<1x1x512xi32> to vector<512xi32>
      %iota3A_325 = tpu.iota {dimensions = array<i32: 0>} : vector<64x512xi32>
      %add3A_326 = arith.constant 320 : i32
      %add3A_327 = vector.broadcast %add3A_326 : i32 to vector<64x512xi32>
      %add3A_328 = arith.addi %iota3A_325, %add3A_327 : vector<64x512xi32>
      %broadcast_in_dim3A_329 = vector.shape_cast %get3A_324 : vector<512xi32> to vector<1x512xi32>
      %eq3A_330 = vector.broadcast %broadcast_in_dim3A_329 : vector<1x512xi32> to vector<64x512xi32>
      %eq3A_331 = arith.cmpi eq, %add3A_328, %eq3A_330 : vector<64x512xi32>
      %convert_element_type3A_332 = arith.extui %eq3A_331 : vector<64x512xi1> to vector<64x512xi32>
      %convert_element_type3A_333 = arith.sitofp %convert_element_type3A_332 : vector<64x512xi32> to vector<64x512xf32>
      %convert_element_type3A_334 = arith.truncf %convert_element_type3A_333 : vector<64x512xf32> to vector<64x512xbf16>
      %swap3A_335 = arith.constant 0 : index
      %swap3A_336 = arith.constant 6656 : index
      %swap3A_337 = vector.load %arg4[%swap3A_335, %swap3A_336] : memref<64x8192xbf16, #tpu.memory_space<vmem>>, vector<64x512xbf16>
      tpu.vector_store %arg4[%swap3A_335, %swap3A_336], %convert_element_type3A_334 {strides = array<i32>} : memref<64x8192xbf16, #tpu.memory_space<vmem>>, vector<64x512xbf16>,
      %get3A_338 = arith.constant 14 : index
      %get3A_339 = arith.constant 0 : index
      %get3A_340 = arith.constant 0 : index
      %get3A_341 = vector.load %arg1[%get3A_338, %get3A_339, %get3A_340] : memref<16x1x512xi32, #tpu.memory_space<vmem>>, vector<1x1x512xi32>
      %get3A_342 = vector.shape_cast %get3A_341 : vector<1x1x512xi32> to vector<512xi32>
      %iota3A_343 = tpu.iota {dimensions = array<i32: 0>} : vector<64x512xi32>
      %add3A_344 = arith.constant 320 : i32
      %add3A_345 = vector.broadcast %add3A_344 : i32 to vector<64x512xi32>
      %add3A_346 = arith.addi %iota3A_343, %add3A_345 : vector<64x512xi32>
      %broadcast_in_dim3A_347 = vector.shape_cast %get3A_342 : vector<512xi32> to vector<1x512xi32>
      %eq3A_348 = vector.broadcast %broadcast_in_dim3A_347 : vector<1x512xi32> to vector<64x512xi32>
      %eq3A_349 = arith.cmpi eq, %add3A_346, %eq3A_348 : vector<64x512xi32>
      %convert_element_type3A_350 = arith.extui %eq3A_349 : vector<64x512xi1> to vector<64x512xi32>
      %convert_element_type3A_351 = arith.sitofp %convert_element_type3A_350 : vector<64x512xi32> to vector<64x512xf32>
      %convert_element_type3A_352 = arith.truncf %convert_element_type3A_351 : vector<64x512xf32> to vector<64x512xbf16>
      %swap3A_353 = arith.constant 0 : index
      %swap3A_354 = arith.constant 7168 : index
      %swap3A_355 = vector.load %arg4[%swap3A_353, %swap3A_354] : memref<64x8192xbf16, #tpu.memory_space<vmem>>, vector<64x512xbf16>
      tpu.vector_store %arg4[%swap3A_353, %swap3A_354], %convert_element_type3A_352 {strides = array<i32>} : memref<64x8192xbf16, #tpu.memory_space<vmem>>, vector<64x512xbf16>,
      %get3A_356 = arith.constant 15 : index
      %get3A_357 = arith.constant 0 : index
      %get3A_358 = arith.constant 0 : index
      %get3A_359 = vector.load %arg1[%get3A_356, %get3A_357, %get3A_358] : memref<16x1x512xi32, #tpu.memory_space<vmem>>, vector<1x1x512xi32>
      %get3A_360 = vector.shape_cast %get3A_359 : vector<1x1x512xi32> to vector<512xi32>
      %iota3A_361 = tpu.iota {dimensions = array<i32: 0>} : vector<64x512xi32>
      %add3A_362 = arith.constant 320 : i32
      %add3A_363 = vector.broadcast %add3A_362 : i32 to vector<64x512xi32>
      %add3A_364 = arith.addi %iota3A_361, %add3A_363 : vector<64x512xi32>
      %broadcast_in_dim3A_365 = vector.shape_cast %get3A_360 : vector<512xi32> to vector<1x512xi32>
      %eq3A_366 = vector.broadcast %broadcast_in_dim3A_365 : vector<1x512xi32> to vector<64x512xi32>
      %eq3A_367 = arith.cmpi eq, %add3A_364, %eq3A_366 : vector<64x512xi32>
      %convert_element_type3A_368 = arith.extui %eq3A_367 : vector<64x512xi1> to vector<64x512xi32>
      %convert_element_type3A_369 = arith.sitofp %convert_element_type3A_368 : vector<64x512xi32> to vector<64x512xf32>
      %convert_element_type3A_370 = arith.truncf %convert_element_type3A_369 : vector<64x512xf32> to vector<64x512xbf16>
      %swap3A_371 = arith.constant 0 : index
      %swap3A_372 = arith.constant 7680 : index
      %swap3A_373 = vector.load %arg4[%swap3A_371, %swap3A_372] : memref<64x8192xbf16, #tpu.memory_space<vmem>>, vector<64x512xbf16>
      tpu.vector_store %arg4[%swap3A_371, %swap3A_372], %convert_element_type3A_370 {strides = array<i32>} : memref<64x8192xbf16, #tpu.memory_space<vmem>>, vector<64x512xbf16>,
      %get3A_374 = arith.constant 320 : index
      %get3A_375 = arith.constant 0 : index
      %get3A_376 = vector.load %arg3[%get3A_374, %get3A_375] : memref<512x128xf32, #tpu.memory_space<vmem>>, vector<64x128xf32>
      %get3A_377 = arith.constant 0 : index
      %get3A_378 = arith.constant 0 : index
      %get3A_379 = vector.load %arg4[%get3A_377, %get3A_378] : memref<64x8192xbf16, #tpu.memory_space<vmem>>, vector<64x8192xbf16>
      %get3A_380 = arith.constant 0 : index
      %get3A_381 = arith.constant 0 : index
      %get3A_382 = vector.load %arg5[%get3A_380, %get3A_381] : memref<8192x128xbf16, #tpu.memory_space<vmem>>, vector<8192x128xbf16>
      %dot_general3A = arith.constant dense<0.000000e+00> : vector<64x128xf32>
      %dot_general3A_383 = tpu.matmul %get3A_379, %get3A_382, %dot_general3A {dimension_numbers = #tpu.dot_dimension_numbers<[1], [0], [0], [1], [0, 0, 1, 1], [], []>, transpose_lhs_hint = false} : vector<64x8192xbf16>, vector<8192x128xbf16>, vector<64x128xf32> -> vector<64x128xf32>
      %get3A_384 = arith.constant 0 : index
      %get3A_385 = arith.constant 0 : index
      %get3A_386 = vector.load %arg4[%get3A_384, %get3A_385] : memref<64x8192xbf16, #tpu.memory_space<vmem>>, vector<64x8192xbf16>
      %get3A_387 = arith.constant 0 : index
      %get3A_388 = arith.constant 0 : index
      %get3A_389 = vector.load %arg6[%get3A_387, %get3A_388] : memref<8192x128xbf16, #tpu.memory_space<vmem>>, vector<8192x128xbf16>
      %dot_general3A_390 = arith.constant dense<0.000000e+00> : vector<64x128xf32>
      %dot_general3A_391 = tpu.matmul %get3A_386, %get3A_389, %dot_general3A_390 {dimension_numbers = #tpu.dot_dimension_numbers<[1], [0], [0], [1], [0, 0, 1, 1], [], []>, transpose_lhs_hint = false} : vector<64x8192xbf16>, vector<8192x128xbf16>, vector<64x128xf32> -> vector<64x128xf32>
      %add3A_392 = arith.addf %dot_general3A_383, %dot_general3A_391 : vector<64x128xf32>
      %add3A_393 = arith.addf %get3A_376, %add3A_392 : vector<64x128xf32>
      %swap3A_394 = arith.constant 320 : index
      %swap3A_395 = arith.constant 0 : index
      %swap3A_396 = vector.load %arg3[%swap3A_394, %swap3A_395] : memref<512x128xf32, #tpu.memory_space<vmem>>, vector<64x128xf32>
      tpu.vector_store %arg3[%swap3A_394, %swap3A_395], %add3A_393 {strides = array<i32>} : memref<512x128xf32, #tpu.memory_space<vmem>>, vector<64x128xf32>,
    } else {
    }
    %ge3A_73 = arith.constant 384 : i32
    %ge3A_74 = arith.cmpi sge, %get3A_27, %ge3A_73 : i32
    %lt3A_75 = arith.constant 448 : i32
    %lt3A_76 = arith.cmpi slt, %get3A_22, %lt3A_75 : i32
    %and3A_77 = arith.andi %ge3A_74, %lt3A_76 : i1
    %convert_element_type3A_78 = arith.extui %and3A_77 : i1 to i32
    %cond3A_79 = arith.constant 0 : i32
    %cond3A_80 = arith.cmpi ne, %convert_element_type3A_78, %cond3A_79 : i32
    scf.if %cond3A_80 {
      %get3A_89 = arith.constant 0 : index
      %get3A_90 = arith.constant 0 : index
      %get3A_91 = arith.constant 0 : index
      %get3A_92 = vector.load %arg1[%get3A_89, %get3A_90, %get3A_91] : memref<16x1x512xi32, #tpu.memory_space<vmem>>, vector<1x1x512xi32>
      %get3A_93 = vector.shape_cast %get3A_92 : vector<1x1x512xi32> to vector<512xi32>
      %iota3A = tpu.iota {dimensions = array<i32: 0>} : vector<64x512xi32>
      %add3A = arith.constant 384 : i32
      %add3A_94 = vector.broadcast %add3A : i32 to vector<64x512xi32>
      %add3A_95 = arith.addi %iota3A, %add3A_94 : vector<64x512xi32>
      %broadcast_in_dim3A = vector.shape_cast %get3A_93 : vector<512xi32> to vector<1x512xi32>
      %eq3A_96 = vector.broadcast %broadcast_in_dim3A : vector<1x512xi32> to vector<64x512xi32>
      %eq3A_97 = arith.cmpi eq, %add3A_95, %eq3A_96 : vector<64x512xi32>
      %convert_element_type3A_98 = arith.extui %eq3A_97 : vector<64x512xi1> to vector<64x512xi32>
      %convert_element_type3A_99 = arith.sitofp %convert_element_type3A_98 : vector<64x512xi32> to vector<64x512xf32>
      %convert_element_type3A_100 = arith.truncf %convert_element_type3A_99 : vector<64x512xf32> to vector<64x512xbf16>
      %swap3A_101 = arith.constant 0 : index
      %swap3A_102 = arith.constant 0 : index
      %swap3A_103 = vector.load %arg4[%swap3A_101, %swap3A_102] : memref<64x8192xbf16, #tpu.memory_space<vmem>>, vector<64x512xbf16>
      tpu.vector_store %arg4[%swap3A_101, %swap3A_102], %convert_element_type3A_100 {strides = array<i32>} : memref<64x8192xbf16, #tpu.memory_space<vmem>>, vector<64x512xbf16>,
      %get3A_104 = arith.constant 1 : index
      %get3A_105 = arith.constant 0 : index
      %get3A_106 = arith.constant 0 : index
      %get3A_107 = vector.load %arg1[%get3A_104, %get3A_105, %get3A_106] : memref<16x1x512xi32, #tpu.memory_space<vmem>>, vector<1x1x512xi32>
      %get3A_108 = vector.shape_cast %get3A_107 : vector<1x1x512xi32> to vector<512xi32>
      %iota3A_109 = tpu.iota {dimensions = array<i32: 0>} : vector<64x512xi32>
      %add3A_110 = arith.constant 384 : i32
      %add3A_111 = vector.broadcast %add3A_110 : i32 to vector<64x512xi32>
      %add3A_112 = arith.addi %iota3A_109, %add3A_111 : vector<64x512xi32>
      %broadcast_in_dim3A_113 = vector.shape_cast %get3A_108 : vector<512xi32> to vector<1x512xi32>
      %eq3A_114 = vector.broadcast %broadcast_in_dim3A_113 : vector<1x512xi32> to vector<64x512xi32>
      %eq3A_115 = arith.cmpi eq, %add3A_112, %eq3A_114 : vector<64x512xi32>
      %convert_element_type3A_116 = arith.extui %eq3A_115 : vector<64x512xi1> to vector<64x512xi32>
      %convert_element_type3A_117 = arith.sitofp %convert_element_type3A_116 : vector<64x512xi32> to vector<64x512xf32>
      %convert_element_type3A_118 = arith.truncf %convert_element_type3A_117 : vector<64x512xf32> to vector<64x512xbf16>
      %swap3A_119 = arith.constant 0 : index
      %swap3A_120 = arith.constant 512 : index
      %swap3A_121 = vector.load %arg4[%swap3A_119, %swap3A_120] : memref<64x8192xbf16, #tpu.memory_space<vmem>>, vector<64x512xbf16>
      tpu.vector_store %arg4[%swap3A_119, %swap3A_120], %convert_element_type3A_118 {strides = array<i32>} : memref<64x8192xbf16, #tpu.memory_space<vmem>>, vector<64x512xbf16>,
      %get3A_122 = arith.constant 2 : index
      %get3A_123 = arith.constant 0 : index
      %get3A_124 = arith.constant 0 : index
      %get3A_125 = vector.load %arg1[%get3A_122, %get3A_123, %get3A_124] : memref<16x1x512xi32, #tpu.memory_space<vmem>>, vector<1x1x512xi32>
      %get3A_126 = vector.shape_cast %get3A_125 : vector<1x1x512xi32> to vector<512xi32>
      %iota3A_127 = tpu.iota {dimensions = array<i32: 0>} : vector<64x512xi32>
      %add3A_128 = arith.constant 384 : i32
      %add3A_129 = vector.broadcast %add3A_128 : i32 to vector<64x512xi32>
      %add3A_130 = arith.addi %iota3A_127, %add3A_129 : vector<64x512xi32>
      %broadcast_in_dim3A_131 = vector.shape_cast %get3A_126 : vector<512xi32> to vector<1x512xi32>
      %eq3A_132 = vector.broadcast %broadcast_in_dim3A_131 : vector<1x512xi32> to vector<64x512xi32>
      %eq3A_133 = arith.cmpi eq, %add3A_130, %eq3A_132 : vector<64x512xi32>
      %convert_element_type3A_134 = arith.extui %eq3A_133 : vector<64x512xi1> to vector<64x512xi32>
      %convert_element_type3A_135 = arith.sitofp %convert_element_type3A_134 : vector<64x512xi32> to vector<64x512xf32>
      %convert_element_type3A_136 = arith.truncf %convert_element_type3A_135 : vector<64x512xf32> to vector<64x512xbf16>
      %swap3A_137 = arith.constant 0 : index
      %swap3A_138 = arith.constant 1024 : index
      %swap3A_139 = vector.load %arg4[%swap3A_137, %swap3A_138] : memref<64x8192xbf16, #tpu.memory_space<vmem>>, vector<64x512xbf16>
      tpu.vector_store %arg4[%swap3A_137, %swap3A_138], %convert_element_type3A_136 {strides = array<i32>} : memref<64x8192xbf16, #tpu.memory_space<vmem>>, vector<64x512xbf16>,
      %get3A_140 = arith.constant 3 : index
      %get3A_141 = arith.constant 0 : index
      %get3A_142 = arith.constant 0 : index
      %get3A_143 = vector.load %arg1[%get3A_140, %get3A_141, %get3A_142] : memref<16x1x512xi32, #tpu.memory_space<vmem>>, vector<1x1x512xi32>
      %get3A_144 = vector.shape_cast %get3A_143 : vector<1x1x512xi32> to vector<512xi32>
      %iota3A_145 = tpu.iota {dimensions = array<i32: 0>} : vector<64x512xi32>
      %add3A_146 = arith.constant 384 : i32
      %add3A_147 = vector.broadcast %add3A_146 : i32 to vector<64x512xi32>
      %add3A_148 = arith.addi %iota3A_145, %add3A_147 : vector<64x512xi32>
      %broadcast_in_dim3A_149 = vector.shape_cast %get3A_144 : vector<512xi32> to vector<1x512xi32>
      %eq3A_150 = vector.broadcast %broadcast_in_dim3A_149 : vector<1x512xi32> to vector<64x512xi32>
      %eq3A_151 = arith.cmpi eq, %add3A_148, %eq3A_150 : vector<64x512xi32>
      %convert_element_type3A_152 = arith.extui %eq3A_151 : vector<64x512xi1> to vector<64x512xi32>
      %convert_element_type3A_153 = arith.sitofp %convert_element_type3A_152 : vector<64x512xi32> to vector<64x512xf32>
      %convert_element_type3A_154 = arith.truncf %convert_element_type3A_153 : vector<64x512xf32> to vector<64x512xbf16>
      %swap3A_155 = arith.constant 0 : index
      %swap3A_156 = arith.constant 1536 : index
      %swap3A_157 = vector.load %arg4[%swap3A_155, %swap3A_156] : memref<64x8192xbf16, #tpu.memory_space<vmem>>, vector<64x512xbf16>
      tpu.vector_store %arg4[%swap3A_155, %swap3A_156], %convert_element_type3A_154 {strides = array<i32>} : memref<64x8192xbf16, #tpu.memory_space<vmem>>, vector<64x512xbf16>,
      %get3A_158 = arith.constant 4 : index
      %get3A_159 = arith.constant 0 : index
      %get3A_160 = arith.constant 0 : index
      %get3A_161 = vector.load %arg1[%get3A_158, %get3A_159, %get3A_160] : memref<16x1x512xi32, #tpu.memory_space<vmem>>, vector<1x1x512xi32>
      %get3A_162 = vector.shape_cast %get3A_161 : vector<1x1x512xi32> to vector<512xi32>
      %iota3A_163 = tpu.iota {dimensions = array<i32: 0>} : vector<64x512xi32>
      %add3A_164 = arith.constant 384 : i32
      %add3A_165 = vector.broadcast %add3A_164 : i32 to vector<64x512xi32>
      %add3A_166 = arith.addi %iota3A_163, %add3A_165 : vector<64x512xi32>
      %broadcast_in_dim3A_167 = vector.shape_cast %get3A_162 : vector<512xi32> to vector<1x512xi32>
      %eq3A_168 = vector.broadcast %broadcast_in_dim3A_167 : vector<1x512xi32> to vector<64x512xi32>
      %eq3A_169 = arith.cmpi eq, %add3A_166, %eq3A_168 : vector<64x512xi32>
      %convert_element_type3A_170 = arith.extui %eq3A_169 : vector<64x512xi1> to vector<64x512xi32>
      %convert_element_type3A_171 = arith.sitofp %convert_element_type3A_170 : vector<64x512xi32> to vector<64x512xf32>
      %convert_element_type3A_172 = arith.truncf %convert_element_type3A_171 : vector<64x512xf32> to vector<64x512xbf16>
      %swap3A_173 = arith.constant 0 : index
      %swap3A_174 = arith.constant 2048 : index
      %swap3A_175 = vector.load %arg4[%swap3A_173, %swap3A_174] : memref<64x8192xbf16, #tpu.memory_space<vmem>>, vector<64x512xbf16>
      tpu.vector_store %arg4[%swap3A_173, %swap3A_174], %convert_element_type3A_172 {strides = array<i32>} : memref<64x8192xbf16, #tpu.memory_space<vmem>>, vector<64x512xbf16>,
      %get3A_176 = arith.constant 5 : index
      %get3A_177 = arith.constant 0 : index
      %get3A_178 = arith.constant 0 : index
      %get3A_179 = vector.load %arg1[%get3A_176, %get3A_177, %get3A_178] : memref<16x1x512xi32, #tpu.memory_space<vmem>>, vector<1x1x512xi32>
      %get3A_180 = vector.shape_cast %get3A_179 : vector<1x1x512xi32> to vector<512xi32>
      %iota3A_181 = tpu.iota {dimensions = array<i32: 0>} : vector<64x512xi32>
      %add3A_182 = arith.constant 384 : i32
      %add3A_183 = vector.broadcast %add3A_182 : i32 to vector<64x512xi32>
      %add3A_184 = arith.addi %iota3A_181, %add3A_183 : vector<64x512xi32>
      %broadcast_in_dim3A_185 = vector.shape_cast %get3A_180 : vector<512xi32> to vector<1x512xi32>
      %eq3A_186 = vector.broadcast %broadcast_in_dim3A_185 : vector<1x512xi32> to vector<64x512xi32>
      %eq3A_187 = arith.cmpi eq, %add3A_184, %eq3A_186 : vector<64x512xi32>
      %convert_element_type3A_188 = arith.extui %eq3A_187 : vector<64x512xi1> to vector<64x512xi32>
      %convert_element_type3A_189 = arith.sitofp %convert_element_type3A_188 : vector<64x512xi32> to vector<64x512xf32>
      %convert_element_type3A_190 = arith.truncf %convert_element_type3A_189 : vector<64x512xf32> to vector<64x512xbf16>
      %swap3A_191 = arith.constant 0 : index
      %swap3A_192 = arith.constant 2560 : index
      %swap3A_193 = vector.load %arg4[%swap3A_191, %swap3A_192] : memref<64x8192xbf16, #tpu.memory_space<vmem>>, vector<64x512xbf16>
      tpu.vector_store %arg4[%swap3A_191, %swap3A_192], %convert_element_type3A_190 {strides = array<i32>} : memref<64x8192xbf16, #tpu.memory_space<vmem>>, vector<64x512xbf16>,
      %get3A_194 = arith.constant 6 : index
      %get3A_195 = arith.constant 0 : index
      %get3A_196 = arith.constant 0 : index
      %get3A_197 = vector.load %arg1[%get3A_194, %get3A_195, %get3A_196] : memref<16x1x512xi32, #tpu.memory_space<vmem>>, vector<1x1x512xi32>
      %get3A_198 = vector.shape_cast %get3A_197 : vector<1x1x512xi32> to vector<512xi32>
      %iota3A_199 = tpu.iota {dimensions = array<i32: 0>} : vector<64x512xi32>
      %add3A_200 = arith.constant 384 : i32
      %add3A_201 = vector.broadcast %add3A_200 : i32 to vector<64x512xi32>
      %add3A_202 = arith.addi %iota3A_199, %add3A_201 : vector<64x512xi32>
      %broadcast_in_dim3A_203 = vector.shape_cast %get3A_198 : vector<512xi32> to vector<1x512xi32>
      %eq3A_204 = vector.broadcast %broadcast_in_dim3A_203 : vector<1x512xi32> to vector<64x512xi32>
      %eq3A_205 = arith.cmpi eq, %add3A_202, %eq3A_204 : vector<64x512xi32>
      %convert_element_type3A_206 = arith.extui %eq3A_205 : vector<64x512xi1> to vector<64x512xi32>
      %convert_element_type3A_207 = arith.sitofp %convert_element_type3A_206 : vector<64x512xi32> to vector<64x512xf32>
      %convert_element_type3A_208 = arith.truncf %convert_element_type3A_207 : vector<64x512xf32> to vector<64x512xbf16>
      %swap3A_209 = arith.constant 0 : index
      %swap3A_210 = arith.constant 3072 : index
      %swap3A_211 = vector.load %arg4[%swap3A_209, %swap3A_210] : memref<64x8192xbf16, #tpu.memory_space<vmem>>, vector<64x512xbf16>
      tpu.vector_store %arg4[%swap3A_209, %swap3A_210], %convert_element_type3A_208 {strides = array<i32>} : memref<64x8192xbf16, #tpu.memory_space<vmem>>, vector<64x512xbf16>,
      %get3A_212 = arith.constant 7 : index
      %get3A_213 = arith.constant 0 : index
      %get3A_214 = arith.constant 0 : index
      %get3A_215 = vector.load %arg1[%get3A_212, %get3A_213, %get3A_214] : memref<16x1x512xi32, #tpu.memory_space<vmem>>, vector<1x1x512xi32>
      %get3A_216 = vector.shape_cast %get3A_215 : vector<1x1x512xi32> to vector<512xi32>
      %iota3A_217 = tpu.iota {dimensions = array<i32: 0>} : vector<64x512xi32>
      %add3A_218 = arith.constant 384 : i32
      %add3A_219 = vector.broadcast %add3A_218 : i32 to vector<64x512xi32>
      %add3A_220 = arith.addi %iota3A_217, %add3A_219 : vector<64x512xi32>
      %broadcast_in_dim3A_221 = vector.shape_cast %get3A_216 : vector<512xi32> to vector<1x512xi32>
      %eq3A_222 = vector.broadcast %broadcast_in_dim3A_221 : vector<1x512xi32> to vector<64x512xi32>
      %eq3A_223 = arith.cmpi eq, %add3A_220, %eq3A_222 : vector<64x512xi32>
      %convert_element_type3A_224 = arith.extui %eq3A_223 : vector<64x512xi1> to vector<64x512xi32>
      %convert_element_type3A_225 = arith.sitofp %convert_element_type3A_224 : vector<64x512xi32> to vector<64x512xf32>
      %convert_element_type3A_226 = arith.truncf %convert_element_type3A_225 : vector<64x512xf32> to vector<64x512xbf16>
      %swap3A_227 = arith.constant 0 : index
      %swap3A_228 = arith.constant 3584 : index
      %swap3A_229 = vector.load %arg4[%swap3A_227, %swap3A_228] : memref<64x8192xbf16, #tpu.memory_space<vmem>>, vector<64x512xbf16>
      tpu.vector_store %arg4[%swap3A_227, %swap3A_228], %convert_element_type3A_226 {strides = array<i32>} : memref<64x8192xbf16, #tpu.memory_space<vmem>>, vector<64x512xbf16>,
      %get3A_230 = arith.constant 8 : index
      %get3A_231 = arith.constant 0 : index
      %get3A_232 = arith.constant 0 : index
      %get3A_233 = vector.load %arg1[%get3A_230, %get3A_231, %get3A_232] : memref<16x1x512xi32, #tpu.memory_space<vmem>>, vector<1x1x512xi32>
      %get3A_234 = vector.shape_cast %get3A_233 : vector<1x1x512xi32> to vector<512xi32>
      %iota3A_235 = tpu.iota {dimensions = array<i32: 0>} : vector<64x512xi32>
      %add3A_236 = arith.constant 384 : i32
      %add3A_237 = vector.broadcast %add3A_236 : i32 to vector<64x512xi32>
      %add3A_238 = arith.addi %iota3A_235, %add3A_237 : vector<64x512xi32>
      %broadcast_in_dim3A_239 = vector.shape_cast %get3A_234 : vector<512xi32> to vector<1x512xi32>
      %eq3A_240 = vector.broadcast %broadcast_in_dim3A_239 : vector<1x512xi32> to vector<64x512xi32>
      %eq3A_241 = arith.cmpi eq, %add3A_238, %eq3A_240 : vector<64x512xi32>
      %convert_element_type3A_242 = arith.extui %eq3A_241 : vector<64x512xi1> to vector<64x512xi32>
      %convert_element_type3A_243 = arith.sitofp %convert_element_type3A_242 : vector<64x512xi32> to vector<64x512xf32>
      %convert_element_type3A_244 = arith.truncf %convert_element_type3A_243 : vector<64x512xf32> to vector<64x512xbf16>
      %swap3A_245 = arith.constant 0 : index
      %swap3A_246 = arith.constant 4096 : index
      %swap3A_247 = vector.load %arg4[%swap3A_245, %swap3A_246] : memref<64x8192xbf16, #tpu.memory_space<vmem>>, vector<64x512xbf16>
      tpu.vector_store %arg4[%swap3A_245, %swap3A_246], %convert_element_type3A_244 {strides = array<i32>} : memref<64x8192xbf16, #tpu.memory_space<vmem>>, vector<64x512xbf16>,
      %get3A_248 = arith.constant 9 : index
      %get3A_249 = arith.constant 0 : index
      %get3A_250 = arith.constant 0 : index
      %get3A_251 = vector.load %arg1[%get3A_248, %get3A_249, %get3A_250] : memref<16x1x512xi32, #tpu.memory_space<vmem>>, vector<1x1x512xi32>
      %get3A_252 = vector.shape_cast %get3A_251 : vector<1x1x512xi32> to vector<512xi32>
      %iota3A_253 = tpu.iota {dimensions = array<i32: 0>} : vector<64x512xi32>
      %add3A_254 = arith.constant 384 : i32
      %add3A_255 = vector.broadcast %add3A_254 : i32 to vector<64x512xi32>
      %add3A_256 = arith.addi %iota3A_253, %add3A_255 : vector<64x512xi32>
      %broadcast_in_dim3A_257 = vector.shape_cast %get3A_252 : vector<512xi32> to vector<1x512xi32>
      %eq3A_258 = vector.broadcast %broadcast_in_dim3A_257 : vector<1x512xi32> to vector<64x512xi32>
      %eq3A_259 = arith.cmpi eq, %add3A_256, %eq3A_258 : vector<64x512xi32>
      %convert_element_type3A_260 = arith.extui %eq3A_259 : vector<64x512xi1> to vector<64x512xi32>
      %convert_element_type3A_261 = arith.sitofp %convert_element_type3A_260 : vector<64x512xi32> to vector<64x512xf32>
      %convert_element_type3A_262 = arith.truncf %convert_element_type3A_261 : vector<64x512xf32> to vector<64x512xbf16>
      %swap3A_263 = arith.constant 0 : index
      %swap3A_264 = arith.constant 4608 : index
      %swap3A_265 = vector.load %arg4[%swap3A_263, %swap3A_264] : memref<64x8192xbf16, #tpu.memory_space<vmem>>, vector<64x512xbf16>
      tpu.vector_store %arg4[%swap3A_263, %swap3A_264], %convert_element_type3A_262 {strides = array<i32>} : memref<64x8192xbf16, #tpu.memory_space<vmem>>, vector<64x512xbf16>,
      %get3A_266 = arith.constant 10 : index
      %get3A_267 = arith.constant 0 : index
      %get3A_268 = arith.constant 0 : index
      %get3A_269 = vector.load %arg1[%get3A_266, %get3A_267, %get3A_268] : memref<16x1x512xi32, #tpu.memory_space<vmem>>, vector<1x1x512xi32>
      %get3A_270 = vector.shape_cast %get3A_269 : vector<1x1x512xi32> to vector<512xi32>
      %iota3A_271 = tpu.iota {dimensions = array<i32: 0>} : vector<64x512xi32>
      %add3A_272 = arith.constant 384 : i32
      %add3A_273 = vector.broadcast %add3A_272 : i32 to vector<64x512xi32>
      %add3A_274 = arith.addi %iota3A_271, %add3A_273 : vector<64x512xi32>
      %broadcast_in_dim3A_275 = vector.shape_cast %get3A_270 : vector<512xi32> to vector<1x512xi32>
      %eq3A_276 = vector.broadcast %broadcast_in_dim3A_275 : vector<1x512xi32> to vector<64x512xi32>
      %eq3A_277 = arith.cmpi eq, %add3A_274, %eq3A_276 : vector<64x512xi32>
      %convert_element_type3A_278 = arith.extui %eq3A_277 : vector<64x512xi1> to vector<64x512xi32>
      %convert_element_type3A_279 = arith.sitofp %convert_element_type3A_278 : vector<64x512xi32> to vector<64x512xf32>
      %convert_element_type3A_280 = arith.truncf %convert_element_type3A_279 : vector<64x512xf32> to vector<64x512xbf16>
      %swap3A_281 = arith.constant 0 : index
      %swap3A_282 = arith.constant 5120 : index
      %swap3A_283 = vector.load %arg4[%swap3A_281, %swap3A_282] : memref<64x8192xbf16, #tpu.memory_space<vmem>>, vector<64x512xbf16>
      tpu.vector_store %arg4[%swap3A_281, %swap3A_282], %convert_element_type3A_280 {strides = array<i32>} : memref<64x8192xbf16, #tpu.memory_space<vmem>>, vector<64x512xbf16>,
      %get3A_284 = arith.constant 11 : index
      %get3A_285 = arith.constant 0 : index
      %get3A_286 = arith.constant 0 : index
      %get3A_287 = vector.load %arg1[%get3A_284, %get3A_285, %get3A_286] : memref<16x1x512xi32, #tpu.memory_space<vmem>>, vector<1x1x512xi32>
      %get3A_288 = vector.shape_cast %get3A_287 : vector<1x1x512xi32> to vector<512xi32>
      %iota3A_289 = tpu.iota {dimensions = array<i32: 0>} : vector<64x512xi32>
      %add3A_290 = arith.constant 384 : i32
      %add3A_291 = vector.broadcast %add3A_290 : i32 to vector<64x512xi32>
      %add3A_292 = arith.addi %iota3A_289, %add3A_291 : vector<64x512xi32>
      %broadcast_in_dim3A_293 = vector.shape_cast %get3A_288 : vector<512xi32> to vector<1x512xi32>
      %eq3A_294 = vector.broadcast %broadcast_in_dim3A_293 : vector<1x512xi32> to vector<64x512xi32>
      %eq3A_295 = arith.cmpi eq, %add3A_292, %eq3A_294 : vector<64x512xi32>
      %convert_element_type3A_296 = arith.extui %eq3A_295 : vector<64x512xi1> to vector<64x512xi32>
      %convert_element_type3A_297 = arith.sitofp %convert_element_type3A_296 : vector<64x512xi32> to vector<64x512xf32>
      %convert_element_type3A_298 = arith.truncf %convert_element_type3A_297 : vector<64x512xf32> to vector<64x512xbf16>
      %swap3A_299 = arith.constant 0 : index
      %swap3A_300 = arith.constant 5632 : index
      %swap3A_301 = vector.load %arg4[%swap3A_299, %swap3A_300] : memref<64x8192xbf16, #tpu.memory_space<vmem>>, vector<64x512xbf16>
      tpu.vector_store %arg4[%swap3A_299, %swap3A_300], %convert_element_type3A_298 {strides = array<i32>} : memref<64x8192xbf16, #tpu.memory_space<vmem>>, vector<64x512xbf16>,
      %get3A_302 = arith.constant 12 : index
      %get3A_303 = arith.constant 0 : index
      %get3A_304 = arith.constant 0 : index
      %get3A_305 = vector.load %arg1[%get3A_302, %get3A_303, %get3A_304] : memref<16x1x512xi32, #tpu.memory_space<vmem>>, vector<1x1x512xi32>
      %get3A_306 = vector.shape_cast %get3A_305 : vector<1x1x512xi32> to vector<512xi32>
      %iota3A_307 = tpu.iota {dimensions = array<i32: 0>} : vector<64x512xi32>
      %add3A_308 = arith.constant 384 : i32
      %add3A_309 = vector.broadcast %add3A_308 : i32 to vector<64x512xi32>
      %add3A_310 = arith.addi %iota3A_307, %add3A_309 : vector<64x512xi32>
      %broadcast_in_dim3A_311 = vector.shape_cast %get3A_306 : vector<512xi32> to vector<1x512xi32>
      %eq3A_312 = vector.broadcast %broadcast_in_dim3A_311 : vector<1x512xi32> to vector<64x512xi32>
      %eq3A_313 = arith.cmpi eq, %add3A_310, %eq3A_312 : vector<64x512xi32>
      %convert_element_type3A_314 = arith.extui %eq3A_313 : vector<64x512xi1> to vector<64x512xi32>
      %convert_element_type3A_315 = arith.sitofp %convert_element_type3A_314 : vector<64x512xi32> to vector<64x512xf32>
      %convert_element_type3A_316 = arith.truncf %convert_element_type3A_315 : vector<64x512xf32> to vector<64x512xbf16>
      %swap3A_317 = arith.constant 0 : index
      %swap3A_318 = arith.constant 6144 : index
      %swap3A_319 = vector.load %arg4[%swap3A_317, %swap3A_318] : memref<64x8192xbf16, #tpu.memory_space<vmem>>, vector<64x512xbf16>
      tpu.vector_store %arg4[%swap3A_317, %swap3A_318], %convert_element_type3A_316 {strides = array<i32>} : memref<64x8192xbf16, #tpu.memory_space<vmem>>, vector<64x512xbf16>,
      %get3A_320 = arith.constant 13 : index
      %get3A_321 = arith.constant 0 : index
      %get3A_322 = arith.constant 0 : index
      %get3A_323 = vector.load %arg1[%get3A_320, %get3A_321, %get3A_322] : memref<16x1x512xi32, #tpu.memory_space<vmem>>, vector<1x1x512xi32>
      %get3A_324 = vector.shape_cast %get3A_323 : vector<1x1x512xi32> to vector<512xi32>
      %iota3A_325 = tpu.iota {dimensions = array<i32: 0>} : vector<64x512xi32>
      %add3A_326 = arith.constant 384 : i32
      %add3A_327 = vector.broadcast %add3A_326 : i32 to vector<64x512xi32>
      %add3A_328 = arith.addi %iota3A_325, %add3A_327 : vector<64x512xi32>
      %broadcast_in_dim3A_329 = vector.shape_cast %get3A_324 : vector<512xi32> to vector<1x512xi32>
      %eq3A_330 = vector.broadcast %broadcast_in_dim3A_329 : vector<1x512xi32> to vector<64x512xi32>
      %eq3A_331 = arith.cmpi eq, %add3A_328, %eq3A_330 : vector<64x512xi32>
      %convert_element_type3A_332 = arith.extui %eq3A_331 : vector<64x512xi1> to vector<64x512xi32>
      %convert_element_type3A_333 = arith.sitofp %convert_element_type3A_332 : vector<64x512xi32> to vector<64x512xf32>
      %convert_element_type3A_334 = arith.truncf %convert_element_type3A_333 : vector<64x512xf32> to vector<64x512xbf16>
      %swap3A_335 = arith.constant 0 : index
      %swap3A_336 = arith.constant 6656 : index
      %swap3A_337 = vector.load %arg4[%swap3A_335, %swap3A_336] : memref<64x8192xbf16, #tpu.memory_space<vmem>>, vector<64x512xbf16>
      tpu.vector_store %arg4[%swap3A_335, %swap3A_336], %convert_element_type3A_334 {strides = array<i32>} : memref<64x8192xbf16, #tpu.memory_space<vmem>>, vector<64x512xbf16>,
      %get3A_338 = arith.constant 14 : index
      %get3A_339 = arith.constant 0 : index
      %get3A_340 = arith.constant 0 : index
      %get3A_341 = vector.load %arg1[%get3A_338, %get3A_339, %get3A_340] : memref<16x1x512xi32, #tpu.memory_space<vmem>>, vector<1x1x512xi32>
      %get3A_342 = vector.shape_cast %get3A_341 : vector<1x1x512xi32> to vector<512xi32>
      %iota3A_343 = tpu.iota {dimensions = array<i32: 0>} : vector<64x512xi32>
      %add3A_344 = arith.constant 384 : i32
      %add3A_345 = vector.broadcast %add3A_344 : i32 to vector<64x512xi32>
      %add3A_346 = arith.addi %iota3A_343, %add3A_345 : vector<64x512xi32>
      %broadcast_in_dim3A_347 = vector.shape_cast %get3A_342 : vector<512xi32> to vector<1x512xi32>
      %eq3A_348 = vector.broadcast %broadcast_in_dim3A_347 : vector<1x512xi32> to vector<64x512xi32>
      %eq3A_349 = arith.cmpi eq, %add3A_346, %eq3A_348 : vector<64x512xi32>
      %convert_element_type3A_350 = arith.extui %eq3A_349 : vector<64x512xi1> to vector<64x512xi32>
      %convert_element_type3A_351 = arith.sitofp %convert_element_type3A_350 : vector<64x512xi32> to vector<64x512xf32>
      %convert_element_type3A_352 = arith.truncf %convert_element_type3A_351 : vector<64x512xf32> to vector<64x512xbf16>
      %swap3A_353 = arith.constant 0 : index
      %swap3A_354 = arith.constant 7168 : index
      %swap3A_355 = vector.load %arg4[%swap3A_353, %swap3A_354] : memref<64x8192xbf16, #tpu.memory_space<vmem>>, vector<64x512xbf16>
      tpu.vector_store %arg4[%swap3A_353, %swap3A_354], %convert_element_type3A_352 {strides = array<i32>} : memref<64x8192xbf16, #tpu.memory_space<vmem>>, vector<64x512xbf16>,
      %get3A_356 = arith.constant 15 : index
      %get3A_357 = arith.constant 0 : index
      %get3A_358 = arith.constant 0 : index
      %get3A_359 = vector.load %arg1[%get3A_356, %get3A_357, %get3A_358] : memref<16x1x512xi32, #tpu.memory_space<vmem>>, vector<1x1x512xi32>
      %get3A_360 = vector.shape_cast %get3A_359 : vector<1x1x512xi32> to vector<512xi32>
      %iota3A_361 = tpu.iota {dimensions = array<i32: 0>} : vector<64x512xi32>
      %add3A_362 = arith.constant 384 : i32
      %add3A_363 = vector.broadcast %add3A_362 : i32 to vector<64x512xi32>
      %add3A_364 = arith.addi %iota3A_361, %add3A_363 : vector<64x512xi32>
      %broadcast_in_dim3A_365 = vector.shape_cast %get3A_360 : vector<512xi32> to vector<1x512xi32>
      %eq3A_366 = vector.broadcast %broadcast_in_dim3A_365 : vector<1x512xi32> to vector<64x512xi32>
      %eq3A_367 = arith.cmpi eq, %add3A_364, %eq3A_366 : vector<64x512xi32>
      %convert_element_type3A_368 = arith.extui %eq3A_367 : vector<64x512xi1> to vector<64x512xi32>
      %convert_element_type3A_369 = arith.sitofp %convert_element_type3A_368 : vector<64x512xi32> to vector<64x512xf32>
      %convert_element_type3A_370 = arith.truncf %convert_element_type3A_369 : vector<64x512xf32> to vector<64x512xbf16>
      %swap3A_371 = arith.constant 0 : index
      %swap3A_372 = arith.constant 7680 : index
      %swap3A_373 = vector.load %arg4[%swap3A_371, %swap3A_372] : memref<64x8192xbf16, #tpu.memory_space<vmem>>, vector<64x512xbf16>
      tpu.vector_store %arg4[%swap3A_371, %swap3A_372], %convert_element_type3A_370 {strides = array<i32>} : memref<64x8192xbf16, #tpu.memory_space<vmem>>, vector<64x512xbf16>,
      %get3A_374 = arith.constant 384 : index
      %get3A_375 = arith.constant 0 : index
      %get3A_376 = vector.load %arg3[%get3A_374, %get3A_375] : memref<512x128xf32, #tpu.memory_space<vmem>>, vector<64x128xf32>
      %get3A_377 = arith.constant 0 : index
      %get3A_378 = arith.constant 0 : index
      %get3A_379 = vector.load %arg4[%get3A_377, %get3A_378] : memref<64x8192xbf16, #tpu.memory_space<vmem>>, vector<64x8192xbf16>
      %get3A_380 = arith.constant 0 : index
      %get3A_381 = arith.constant 0 : index
      %get3A_382 = vector.load %arg5[%get3A_380, %get3A_381] : memref<8192x128xbf16, #tpu.memory_space<vmem>>, vector<8192x128xbf16>
      %dot_general3A = arith.constant dense<0.000000e+00> : vector<64x128xf32>
      %dot_general3A_383 = tpu.matmul %get3A_379, %get3A_382, %dot_general3A {dimension_numbers = #tpu.dot_dimension_numbers<[1], [0], [0], [1], [0, 0, 1, 1], [], []>, transpose_lhs_hint = false} : vector<64x8192xbf16>, vector<8192x128xbf16>, vector<64x128xf32> -> vector<64x128xf32>
      %get3A_384 = arith.constant 0 : index
      %get3A_385 = arith.constant 0 : index
      %get3A_386 = vector.load %arg4[%get3A_384, %get3A_385] : memref<64x8192xbf16, #tpu.memory_space<vmem>>, vector<64x8192xbf16>
      %get3A_387 = arith.constant 0 : index
      %get3A_388 = arith.constant 0 : index
      %get3A_389 = vector.load %arg6[%get3A_387, %get3A_388] : memref<8192x128xbf16, #tpu.memory_space<vmem>>, vector<8192x128xbf16>
      %dot_general3A_390 = arith.constant dense<0.000000e+00> : vector<64x128xf32>
      %dot_general3A_391 = tpu.matmul %get3A_386, %get3A_389, %dot_general3A_390 {dimension_numbers = #tpu.dot_dimension_numbers<[1], [0], [0], [1], [0, 0, 1, 1], [], []>, transpose_lhs_hint = false} : vector<64x8192xbf16>, vector<8192x128xbf16>, vector<64x128xf32> -> vector<64x128xf32>
      %add3A_392 = arith.addf %dot_general3A_383, %dot_general3A_391 : vector<64x128xf32>
      %add3A_393 = arith.addf %get3A_376, %add3A_392 : vector<64x128xf32>
      %swap3A_394 = arith.constant 384 : index
      %swap3A_395 = arith.constant 0 : index
      %swap3A_396 = vector.load %arg3[%swap3A_394, %swap3A_395] : memref<512x128xf32, #tpu.memory_space<vmem>>, vector<64x128xf32>
      tpu.vector_store %arg3[%swap3A_394, %swap3A_395], %add3A_393 {strides = array<i32>} : memref<512x128xf32, #tpu.memory_space<vmem>>, vector<64x128xf32>,
    } else {
    }
    %ge3A_81 = arith.constant 448 : i32
    %ge3A_82 = arith.cmpi sge, %get3A_27, %ge3A_81 : i32
    %lt3A_83 = arith.constant 512 : i32
    %lt3A_84 = arith.cmpi slt, %get3A_22, %lt3A_83 : i32
    %and3A_85 = arith.andi %ge3A_82, %lt3A_84 : i1
    %convert_element_type3A_86 = arith.extui %and3A_85 : i1 to i32
    %cond3A_87 = arith.constant 0 : i32
    %cond3A_88 = arith.cmpi ne, %convert_element_type3A_86, %cond3A_87 : i32
    scf.if %cond3A_88 {
      %get3A_89 = arith.constant 0 : index
      %get3A_90 = arith.constant 0 : index
      %get3A_91 = arith.constant 0 : index
      %get3A_92 = vector.load %arg1[%get3A_89, %get3A_90, %get3A_91] : memref<16x1x512xi32, #tpu.memory_space<vmem>>, vector<1x1x512xi32>
      %get3A_93 = vector.shape_cast %get3A_92 : vector<1x1x512xi32> to vector<512xi32>
      %iota3A = tpu.iota {dimensions = array<i32: 0>} : vector<64x512xi32>
      %add3A = arith.constant 448 : i32
      %add3A_94 = vector.broadcast %add3A : i32 to vector<64x512xi32>
      %add3A_95 = arith.addi %iota3A, %add3A_94 : vector<64x512xi32>
      %broadcast_in_dim3A = vector.shape_cast %get3A_93 : vector<512xi32> to vector<1x512xi32>
      %eq3A_96 = vector.broadcast %broadcast_in_dim3A : vector<1x512xi32> to vector<64x512xi32>
      %eq3A_97 = arith.cmpi eq, %add3A_95, %eq3A_96 : vector<64x512xi32>
      %convert_element_type3A_98 = arith.extui %eq3A_97 : vector<64x512xi1> to vector<64x512xi32>
      %convert_element_type3A_99 = arith.sitofp %convert_element_type3A_98 : vector<64x512xi32> to vector<64x512xf32>
      %convert_element_type3A_100 = arith.truncf %convert_element_type3A_99 : vector<64x512xf32> to vector<64x512xbf16>
      %swap3A_101 = arith.constant 0 : index
      %swap3A_102 = arith.constant 0 : index
      %swap3A_103 = vector.load %arg4[%swap3A_101, %swap3A_102] : memref<64x8192xbf16, #tpu.memory_space<vmem>>, vector<64x512xbf16>
      tpu.vector_store %arg4[%swap3A_101, %swap3A_102], %convert_element_type3A_100 {strides = array<i32>} : memref<64x8192xbf16, #tpu.memory_space<vmem>>, vector<64x512xbf16>,
      %get3A_104 = arith.constant 1 : index
      %get3A_105 = arith.constant 0 : index
      %get3A_106 = arith.constant 0 : index
      %get3A_107 = vector.load %arg1[%get3A_104, %get3A_105, %get3A_106] : memref<16x1x512xi32, #tpu.memory_space<vmem>>, vector<1x1x512xi32>
      %get3A_108 = vector.shape_cast %get3A_107 : vector<1x1x512xi32> to vector<512xi32>
      %iota3A_109 = tpu.iota {dimensions = array<i32: 0>} : vector<64x512xi32>
      %add3A_110 = arith.constant 448 : i32
      %add3A_111 = vector.broadcast %add3A_110 : i32 to vector<64x512xi32>
      %add3A_112 = arith.addi %iota3A_109, %add3A_111 : vector<64x512xi32>
      %broadcast_in_dim3A_113 = vector.shape_cast %get3A_108 : vector<512xi32> to vector<1x512xi32>
      %eq3A_114 = vector.broadcast %broadcast_in_dim3A_113 : vector<1x512xi32> to vector<64x512xi32>
      %eq3A_115 = arith.cmpi eq, %add3A_112, %eq3A_114 : vector<64x512xi32>
      %convert_element_type3A_116 = arith.extui %eq3A_115 : vector<64x512xi1> to vector<64x512xi32>
      %convert_element_type3A_117 = arith.sitofp %convert_element_type3A_116 : vector<64x512xi32> to vector<64x512xf32>
      %convert_element_type3A_118 = arith.truncf %convert_element_type3A_117 : vector<64x512xf32> to vector<64x512xbf16>
      %swap3A_119 = arith.constant 0 : index
      %swap3A_120 = arith.constant 512 : index
      %swap3A_121 = vector.load %arg4[%swap3A_119, %swap3A_120] : memref<64x8192xbf16, #tpu.memory_space<vmem>>, vector<64x512xbf16>
      tpu.vector_store %arg4[%swap3A_119, %swap3A_120], %convert_element_type3A_118 {strides = array<i32>} : memref<64x8192xbf16, #tpu.memory_space<vmem>>, vector<64x512xbf16>,
      %get3A_122 = arith.constant 2 : index
      %get3A_123 = arith.constant 0 : index
      %get3A_124 = arith.constant 0 : index
      %get3A_125 = vector.load %arg1[%get3A_122, %get3A_123, %get3A_124] : memref<16x1x512xi32, #tpu.memory_space<vmem>>, vector<1x1x512xi32>
      %get3A_126 = vector.shape_cast %get3A_125 : vector<1x1x512xi32> to vector<512xi32>
      %iota3A_127 = tpu.iota {dimensions = array<i32: 0>} : vector<64x512xi32>
      %add3A_128 = arith.constant 448 : i32
      %add3A_129 = vector.broadcast %add3A_128 : i32 to vector<64x512xi32>
      %add3A_130 = arith.addi %iota3A_127, %add3A_129 : vector<64x512xi32>
      %broadcast_in_dim3A_131 = vector.shape_cast %get3A_126 : vector<512xi32> to vector<1x512xi32>
      %eq3A_132 = vector.broadcast %broadcast_in_dim3A_131 : vector<1x512xi32> to vector<64x512xi32>
      %eq3A_133 = arith.cmpi eq, %add3A_130, %eq3A_132 : vector<64x512xi32>
      %convert_element_type3A_134 = arith.extui %eq3A_133 : vector<64x512xi1> to vector<64x512xi32>
      %convert_element_type3A_135 = arith.sitofp %convert_element_type3A_134 : vector<64x512xi32> to vector<64x512xf32>
      %convert_element_type3A_136 = arith.truncf %convert_element_type3A_135 : vector<64x512xf32> to vector<64x512xbf16>
      %swap3A_137 = arith.constant 0 : index
      %swap3A_138 = arith.constant 1024 : index
      %swap3A_139 = vector.load %arg4[%swap3A_137, %swap3A_138] : memref<64x8192xbf16, #tpu.memory_space<vmem>>, vector<64x512xbf16>
      tpu.vector_store %arg4[%swap3A_137, %swap3A_138], %convert_element_type3A_136 {strides = array<i32>} : memref<64x8192xbf16, #tpu.memory_space<vmem>>, vector<64x512xbf16>,
      %get3A_140 = arith.constant 3 : index
      %get3A_141 = arith.constant 0 : index
      %get3A_142 = arith.constant 0 : index
      %get3A_143 = vector.load %arg1[%get3A_140, %get3A_141, %get3A_142] : memref<16x1x512xi32, #tpu.memory_space<vmem>>, vector<1x1x512xi32>
      %get3A_144 = vector.shape_cast %get3A_143 : vector<1x1x512xi32> to vector<512xi32>
      %iota3A_145 = tpu.iota {dimensions = array<i32: 0>} : vector<64x512xi32>
      %add3A_146 = arith.constant 448 : i32
      %add3A_147 = vector.broadcast %add3A_146 : i32 to vector<64x512xi32>
      %add3A_148 = arith.addi %iota3A_145, %add3A_147 : vector<64x512xi32>
      %broadcast_in_dim3A_149 = vector.shape_cast %get3A_144 : vector<512xi32> to vector<1x512xi32>
      %eq3A_150 = vector.broadcast %broadcast_in_dim3A_149 : vector<1x512xi32> to vector<64x512xi32>
      %eq3A_151 = arith.cmpi eq, %add3A_148, %eq3A_150 : vector<64x512xi32>
      %convert_element_type3A_152 = arith.extui %eq3A_151 : vector<64x512xi1> to vector<64x512xi32>
      %convert_element_type3A_153 = arith.sitofp %convert_element_type3A_152 : vector<64x512xi32> to vector<64x512xf32>
      %convert_element_type3A_154 = arith.truncf %convert_element_type3A_153 : vector<64x512xf32> to vector<64x512xbf16>
      %swap3A_155 = arith.constant 0 : index
      %swap3A_156 = arith.constant 1536 : index
      %swap3A_157 = vector.load %arg4[%swap3A_155, %swap3A_156] : memref<64x8192xbf16, #tpu.memory_space<vmem>>, vector<64x512xbf16>
      tpu.vector_store %arg4[%swap3A_155, %swap3A_156], %convert_element_type3A_154 {strides = array<i32>} : memref<64x8192xbf16, #tpu.memory_space<vmem>>, vector<64x512xbf16>,
      %get3A_158 = arith.constant 4 : index
      %get3A_159 = arith.constant 0 : index
      %get3A_160 = arith.constant 0 : index
      %get3A_161 = vector.load %arg1[%get3A_158, %get3A_159, %get3A_160] : memref<16x1x512xi32, #tpu.memory_space<vmem>>, vector<1x1x512xi32>
      %get3A_162 = vector.shape_cast %get3A_161 : vector<1x1x512xi32> to vector<512xi32>
      %iota3A_163 = tpu.iota {dimensions = array<i32: 0>} : vector<64x512xi32>
      %add3A_164 = arith.constant 448 : i32
      %add3A_165 = vector.broadcast %add3A_164 : i32 to vector<64x512xi32>
      %add3A_166 = arith.addi %iota3A_163, %add3A_165 : vector<64x512xi32>
      %broadcast_in_dim3A_167 = vector.shape_cast %get3A_162 : vector<512xi32> to vector<1x512xi32>
      %eq3A_168 = vector.broadcast %broadcast_in_dim3A_167 : vector<1x512xi32> to vector<64x512xi32>
      %eq3A_169 = arith.cmpi eq, %add3A_166, %eq3A_168 : vector<64x512xi32>
      %convert_element_type3A_170 = arith.extui %eq3A_169 : vector<64x512xi1> to vector<64x512xi32>
      %convert_element_type3A_171 = arith.sitofp %convert_element_type3A_170 : vector<64x512xi32> to vector<64x512xf32>
      %convert_element_type3A_172 = arith.truncf %convert_element_type3A_171 : vector<64x512xf32> to vector<64x512xbf16>
      %swap3A_173 = arith.constant 0 : index
      %swap3A_174 = arith.constant 2048 : index
      %swap3A_175 = vector.load %arg4[%swap3A_173, %swap3A_174] : memref<64x8192xbf16, #tpu.memory_space<vmem>>, vector<64x512xbf16>
      tpu.vector_store %arg4[%swap3A_173, %swap3A_174], %convert_element_type3A_172 {strides = array<i32>} : memref<64x8192xbf16, #tpu.memory_space<vmem>>, vector<64x512xbf16>,
      %get3A_176 = arith.constant 5 : index
      %get3A_177 = arith.constant 0 : index
      %get3A_178 = arith.constant 0 : index
      %get3A_179 = vector.load %arg1[%get3A_176, %get3A_177, %get3A_178] : memref<16x1x512xi32, #tpu.memory_space<vmem>>, vector<1x1x512xi32>
      %get3A_180 = vector.shape_cast %get3A_179 : vector<1x1x512xi32> to vector<512xi32>
      %iota3A_181 = tpu.iota {dimensions = array<i32: 0>} : vector<64x512xi32>
      %add3A_182 = arith.constant 448 : i32
      %add3A_183 = vector.broadcast %add3A_182 : i32 to vector<64x512xi32>
      %add3A_184 = arith.addi %iota3A_181, %add3A_183 : vector<64x512xi32>
      %broadcast_in_dim3A_185 = vector.shape_cast %get3A_180 : vector<512xi32> to vector<1x512xi32>
      %eq3A_186 = vector.broadcast %broadcast_in_dim3A_185 : vector<1x512xi32> to vector<64x512xi32>
      %eq3A_187 = arith.cmpi eq, %add3A_184, %eq3A_186 : vector<64x512xi32>
      %convert_element_type3A_188 = arith.extui %eq3A_187 : vector<64x512xi1> to vector<64x512xi32>
      %convert_element_type3A_189 = arith.sitofp %convert_element_type3A_188 : vector<64x512xi32> to vector<64x512xf32>
      %convert_element_type3A_190 = arith.truncf %convert_element_type3A_189 : vector<64x512xf32> to vector<64x512xbf16>
      %swap3A_191 = arith.constant 0 : index
      %swap3A_192 = arith.constant 2560 : index
      %swap3A_193 = vector.load %arg4[%swap3A_191, %swap3A_192] : memref<64x8192xbf16, #tpu.memory_space<vmem>>, vector<64x512xbf16>
      tpu.vector_store %arg4[%swap3A_191, %swap3A_192], %convert_element_type3A_190 {strides = array<i32>} : memref<64x8192xbf16, #tpu.memory_space<vmem>>, vector<64x512xbf16>,
      %get3A_194 = arith.constant 6 : index
      %get3A_195 = arith.constant 0 : index
      %get3A_196 = arith.constant 0 : index
      %get3A_197 = vector.load %arg1[%get3A_194, %get3A_195, %get3A_196] : memref<16x1x512xi32, #tpu.memory_space<vmem>>, vector<1x1x512xi32>
      %get3A_198 = vector.shape_cast %get3A_197 : vector<1x1x512xi32> to vector<512xi32>
      %iota3A_199 = tpu.iota {dimensions = array<i32: 0>} : vector<64x512xi32>
      %add3A_200 = arith.constant 448 : i32
      %add3A_201 = vector.broadcast %add3A_200 : i32 to vector<64x512xi32>
      %add3A_202 = arith.addi %iota3A_199, %add3A_201 : vector<64x512xi32>
      %broadcast_in_dim3A_203 = vector.shape_cast %get3A_198 : vector<512xi32> to vector<1x512xi32>
      %eq3A_204 = vector.broadcast %broadcast_in_dim3A_203 : vector<1x512xi32> to vector<64x512xi32>
      %eq3A_205 = arith.cmpi eq, %add3A_202, %eq3A_204 : vector<64x512xi32>
      %convert_element_type3A_206 = arith.extui %eq3A_205 : vector<64x512xi1> to vector<64x512xi32>
      %convert_element_type3A_207 = arith.sitofp %convert_element_type3A_206 : vector<64x512xi32> to vector<64x512xf32>
      %convert_element_type3A_208 = arith.truncf %convert_element_type3A_207 : vector<64x512xf32> to vector<64x512xbf16>
      %swap3A_209 = arith.constant 0 : index
      %swap3A_210 = arith.constant 3072 : index
      %swap3A_211 = vector.load %arg4[%swap3A_209, %swap3A_210] : memref<64x8192xbf16, #tpu.memory_space<vmem>>, vector<64x512xbf16>
      tpu.vector_store %arg4[%swap3A_209, %swap3A_210], %convert_element_type3A_208 {strides = array<i32>} : memref<64x8192xbf16, #tpu.memory_space<vmem>>, vector<64x512xbf16>,
      %get3A_212 = arith.constant 7 : index
      %get3A_213 = arith.constant 0 : index
      %get3A_214 = arith.constant 0 : index
      %get3A_215 = vector.load %arg1[%get3A_212, %get3A_213, %get3A_214] : memref<16x1x512xi32, #tpu.memory_space<vmem>>, vector<1x1x512xi32>
      %get3A_216 = vector.shape_cast %get3A_215 : vector<1x1x512xi32> to vector<512xi32>
      %iota3A_217 = tpu.iota {dimensions = array<i32: 0>} : vector<64x512xi32>
      %add3A_218 = arith.constant 448 : i32
      %add3A_219 = vector.broadcast %add3A_218 : i32 to vector<64x512xi32>
      %add3A_220 = arith.addi %iota3A_217, %add3A_219 : vector<64x512xi32>
      %broadcast_in_dim3A_221 = vector.shape_cast %get3A_216 : vector<512xi32> to vector<1x512xi32>
      %eq3A_222 = vector.broadcast %broadcast_in_dim3A_221 : vector<1x512xi32> to vector<64x512xi32>
      %eq3A_223 = arith.cmpi eq, %add3A_220, %eq3A_222 : vector<64x512xi32>
      %convert_element_type3A_224 = arith.extui %eq3A_223 : vector<64x512xi1> to vector<64x512xi32>
      %convert_element_type3A_225 = arith.sitofp %convert_element_type3A_224 : vector<64x512xi32> to vector<64x512xf32>
      %convert_element_type3A_226 = arith.truncf %convert_element_type3A_225 : vector<64x512xf32> to vector<64x512xbf16>
      %swap3A_227 = arith.constant 0 : index
      %swap3A_228 = arith.constant 3584 : index
      %swap3A_229 = vector.load %arg4[%swap3A_227, %swap3A_228] : memref<64x8192xbf16, #tpu.memory_space<vmem>>, vector<64x512xbf16>
      tpu.vector_store %arg4[%swap3A_227, %swap3A_228], %convert_element_type3A_226 {strides = array<i32>} : memref<64x8192xbf16, #tpu.memory_space<vmem>>, vector<64x512xbf16>,
      %get3A_230 = arith.constant 8 : index
      %get3A_231 = arith.constant 0 : index
      %get3A_232 = arith.constant 0 : index
      %get3A_233 = vector.load %arg1[%get3A_230, %get3A_231, %get3A_232] : memref<16x1x512xi32, #tpu.memory_space<vmem>>, vector<1x1x512xi32>
      %get3A_234 = vector.shape_cast %get3A_233 : vector<1x1x512xi32> to vector<512xi32>
      %iota3A_235 = tpu.iota {dimensions = array<i32: 0>} : vector<64x512xi32>
      %add3A_236 = arith.constant 448 : i32
      %add3A_237 = vector.broadcast %add3A_236 : i32 to vector<64x512xi32>
      %add3A_238 = arith.addi %iota3A_235, %add3A_237 : vector<64x512xi32>
      %broadcast_in_dim3A_239 = vector.shape_cast %get3A_234 : vector<512xi32> to vector<1x512xi32>
      %eq3A_240 = vector.broadcast %broadcast_in_dim3A_239 : vector<1x512xi32> to vector<64x512xi32>
      %eq3A_241 = arith.cmpi eq, %add3A_238, %eq3A_240 : vector<64x512xi32>
      %convert_element_type3A_242 = arith.extui %eq3A_241 : vector<64x512xi1> to vector<64x512xi32>
      %convert_element_type3A_243 = arith.sitofp %convert_element_type3A_242 : vector<64x512xi32> to vector<64x512xf32>
      %convert_element_type3A_244 = arith.truncf %convert_element_type3A_243 : vector<64x512xf32> to vector<64x512xbf16>
      %swap3A_245 = arith.constant 0 : index
      %swap3A_246 = arith.constant 4096 : index
      %swap3A_247 = vector.load %arg4[%swap3A_245, %swap3A_246] : memref<64x8192xbf16, #tpu.memory_space<vmem>>, vector<64x512xbf16>
      tpu.vector_store %arg4[%swap3A_245, %swap3A_246], %convert_element_type3A_244 {strides = array<i32>} : memref<64x8192xbf16, #tpu.memory_space<vmem>>, vector<64x512xbf16>,
      %get3A_248 = arith.constant 9 : index
      %get3A_249 = arith.constant 0 : index
      %get3A_250 = arith.constant 0 : index
      %get3A_251 = vector.load %arg1[%get3A_248, %get3A_249, %get3A_250] : memref<16x1x512xi32, #tpu.memory_space<vmem>>, vector<1x1x512xi32>
      %get3A_252 = vector.shape_cast %get3A_251 : vector<1x1x512xi32> to vector<512xi32>
      %iota3A_253 = tpu.iota {dimensions = array<i32: 0>} : vector<64x512xi32>
      %add3A_254 = arith.constant 448 : i32
      %add3A_255 = vector.broadcast %add3A_254 : i32 to vector<64x512xi32>
      %add3A_256 = arith.addi %iota3A_253, %add3A_255 : vector<64x512xi32>
      %broadcast_in_dim3A_257 = vector.shape_cast %get3A_252 : vector<512xi32> to vector<1x512xi32>
      %eq3A_258 = vector.broadcast %broadcast_in_dim3A_257 : vector<1x512xi32> to vector<64x512xi32>
      %eq3A_259 = arith.cmpi eq, %add3A_256, %eq3A_258 : vector<64x512xi32>
      %convert_element_type3A_260 = arith.extui %eq3A_259 : vector<64x512xi1> to vector<64x512xi32>
      %convert_element_type3A_261 = arith.sitofp %convert_element_type3A_260 : vector<64x512xi32> to vector<64x512xf32>
      %convert_element_type3A_262 = arith.truncf %convert_element_type3A_261 : vector<64x512xf32> to vector<64x512xbf16>
      %swap3A_263 = arith.constant 0 : index
      %swap3A_264 = arith.constant 4608 : index
      %swap3A_265 = vector.load %arg4[%swap3A_263, %swap3A_264] : memref<64x8192xbf16, #tpu.memory_space<vmem>>, vector<64x512xbf16>
      tpu.vector_store %arg4[%swap3A_263, %swap3A_264], %convert_element_type3A_262 {strides = array<i32>} : memref<64x8192xbf16, #tpu.memory_space<vmem>>, vector<64x512xbf16>,
      %get3A_266 = arith.constant 10 : index
      %get3A_267 = arith.constant 0 : index
      %get3A_268 = arith.constant 0 : index
      %get3A_269 = vector.load %arg1[%get3A_266, %get3A_267, %get3A_268] : memref<16x1x512xi32, #tpu.memory_space<vmem>>, vector<1x1x512xi32>
      %get3A_270 = vector.shape_cast %get3A_269 : vector<1x1x512xi32> to vector<512xi32>
      %iota3A_271 = tpu.iota {dimensions = array<i32: 0>} : vector<64x512xi32>
      %add3A_272 = arith.constant 448 : i32
      %add3A_273 = vector.broadcast %add3A_272 : i32 to vector<64x512xi32>
      %add3A_274 = arith.addi %iota3A_271, %add3A_273 : vector<64x512xi32>
      %broadcast_in_dim3A_275 = vector.shape_cast %get3A_270 : vector<512xi32> to vector<1x512xi32>
      %eq3A_276 = vector.broadcast %broadcast_in_dim3A_275 : vector<1x512xi32> to vector<64x512xi32>
      %eq3A_277 = arith.cmpi eq, %add3A_274, %eq3A_276 : vector<64x512xi32>
      %convert_element_type3A_278 = arith.extui %eq3A_277 : vector<64x512xi1> to vector<64x512xi32>
      %convert_element_type3A_279 = arith.sitofp %convert_element_type3A_278 : vector<64x512xi32> to vector<64x512xf32>
      %convert_element_type3A_280 = arith.truncf %convert_element_type3A_279 : vector<64x512xf32> to vector<64x512xbf16>
      %swap3A_281 = arith.constant 0 : index
      %swap3A_282 = arith.constant 5120 : index
      %swap3A_283 = vector.load %arg4[%swap3A_281, %swap3A_282] : memref<64x8192xbf16, #tpu.memory_space<vmem>>, vector<64x512xbf16>
      tpu.vector_store %arg4[%swap3A_281, %swap3A_282], %convert_element_type3A_280 {strides = array<i32>} : memref<64x8192xbf16, #tpu.memory_space<vmem>>, vector<64x512xbf16>,
      %get3A_284 = arith.constant 11 : index
      %get3A_285 = arith.constant 0 : index
      %get3A_286 = arith.constant 0 : index
      %get3A_287 = vector.load %arg1[%get3A_284, %get3A_285, %get3A_286] : memref<16x1x512xi32, #tpu.memory_space<vmem>>, vector<1x1x512xi32>
      %get3A_288 = vector.shape_cast %get3A_287 : vector<1x1x512xi32> to vector<512xi32>
      %iota3A_289 = tpu.iota {dimensions = array<i32: 0>} : vector<64x512xi32>
      %add3A_290 = arith.constant 448 : i32
      %add3A_291 = vector.broadcast %add3A_290 : i32 to vector<64x512xi32>
      %add3A_292 = arith.addi %iota3A_289, %add3A_291 : vector<64x512xi32>
      %broadcast_in_dim3A_293 = vector.shape_cast %get3A_288 : vector<512xi32> to vector<1x512xi32>
      %eq3A_294 = vector.broadcast %broadcast_in_dim3A_293 : vector<1x512xi32> to vector<64x512xi32>
      %eq3A_295 = arith.cmpi eq, %add3A_292, %eq3A_294 : vector<64x512xi32>
      %convert_element_type3A_296 = arith.extui %eq3A_295 : vector<64x512xi1> to vector<64x512xi32>
      %convert_element_type3A_297 = arith.sitofp %convert_element_type3A_296 : vector<64x512xi32> to vector<64x512xf32>
      %convert_element_type3A_298 = arith.truncf %convert_element_type3A_297 : vector<64x512xf32> to vector<64x512xbf16>
      %swap3A_299 = arith.constant 0 : index
      %swap3A_300 = arith.constant 5632 : index
      %swap3A_301 = vector.load %arg4[%swap3A_299, %swap3A_300] : memref<64x8192xbf16, #tpu.memory_space<vmem>>, vector<64x512xbf16>
      tpu.vector_store %arg4[%swap3A_299, %swap3A_300], %convert_element_type3A_298 {strides = array<i32>} : memref<64x8192xbf16, #tpu.memory_space<vmem>>, vector<64x512xbf16>,
      %get3A_302 = arith.constant 12 : index
      %get3A_303 = arith.constant 0 : index
      %get3A_304 = arith.constant 0 : index
      %get3A_305 = vector.load %arg1[%get3A_302, %get3A_303, %get3A_304] : memref<16x1x512xi32, #tpu.memory_space<vmem>>, vector<1x1x512xi32>
      %get3A_306 = vector.shape_cast %get3A_305 : vector<1x1x512xi32> to vector<512xi32>
      %iota3A_307 = tpu.iota {dimensions = array<i32: 0>} : vector<64x512xi32>
      %add3A_308 = arith.constant 448 : i32
      %add3A_309 = vector.broadcast %add3A_308 : i32 to vector<64x512xi32>
      %add3A_310 = arith.addi %iota3A_307, %add3A_309 : vector<64x512xi32>
      %broadcast_in_dim3A_311 = vector.shape_cast %get3A_306 : vector<512xi32> to vector<1x512xi32>
      %eq3A_312 = vector.broadcast %broadcast_in_dim3A_311 : vector<1x512xi32> to vector<64x512xi32>
      %eq3A_313 = arith.cmpi eq, %add3A_310, %eq3A_312 : vector<64x512xi32>
      %convert_element_type3A_314 = arith.extui %eq3A_313 : vector<64x512xi1> to vector<64x512xi32>
      %convert_element_type3A_315 = arith.sitofp %convert_element_type3A_314 : vector<64x512xi32> to vector<64x512xf32>
      %convert_element_type3A_316 = arith.truncf %convert_element_type3A_315 : vector<64x512xf32> to vector<64x512xbf16>
      %swap3A_317 = arith.constant 0 : index
      %swap3A_318 = arith.constant 6144 : index
      %swap3A_319 = vector.load %arg4[%swap3A_317, %swap3A_318] : memref<64x8192xbf16, #tpu.memory_space<vmem>>, vector<64x512xbf16>
      tpu.vector_store %arg4[%swap3A_317, %swap3A_318], %convert_element_type3A_316 {strides = array<i32>} : memref<64x8192xbf16, #tpu.memory_space<vmem>>, vector<64x512xbf16>,
      %get3A_320 = arith.constant 13 : index
      %get3A_321 = arith.constant 0 : index
      %get3A_322 = arith.constant 0 : index
      %get3A_323 = vector.load %arg1[%get3A_320, %get3A_321, %get3A_322] : memref<16x1x512xi32, #tpu.memory_space<vmem>>, vector<1x1x512xi32>
      %get3A_324 = vector.shape_cast %get3A_323 : vector<1x1x512xi32> to vector<512xi32>
      %iota3A_325 = tpu.iota {dimensions = array<i32: 0>} : vector<64x512xi32>
      %add3A_326 = arith.constant 448 : i32
      %add3A_327 = vector.broadcast %add3A_326 : i32 to vector<64x512xi32>
      %add3A_328 = arith.addi %iota3A_325, %add3A_327 : vector<64x512xi32>
      %broadcast_in_dim3A_329 = vector.shape_cast %get3A_324 : vector<512xi32> to vector<1x512xi32>
      %eq3A_330 = vector.broadcast %broadcast_in_dim3A_329 : vector<1x512xi32> to vector<64x512xi32>
      %eq3A_331 = arith.cmpi eq, %add3A_328, %eq3A_330 : vector<64x512xi32>
      %convert_element_type3A_332 = arith.extui %eq3A_331 : vector<64x512xi1> to vector<64x512xi32>
      %convert_element_type3A_333 = arith.sitofp %convert_element_type3A_332 : vector<64x512xi32> to vector<64x512xf32>
      %convert_element_type3A_334 = arith.truncf %convert_element_type3A_333 : vector<64x512xf32> to vector<64x512xbf16>
      %swap3A_335 = arith.constant 0 : index
      %swap3A_336 = arith.constant 6656 : index
      %swap3A_337 = vector.load %arg4[%swap3A_335, %swap3A_336] : memref<64x8192xbf16, #tpu.memory_space<vmem>>, vector<64x512xbf16>
      tpu.vector_store %arg4[%swap3A_335, %swap3A_336], %convert_element_type3A_334 {strides = array<i32>} : memref<64x8192xbf16, #tpu.memory_space<vmem>>, vector<64x512xbf16>,
      %get3A_338 = arith.constant 14 : index
      %get3A_339 = arith.constant 0 : index
      %get3A_340 = arith.constant 0 : index
      %get3A_341 = vector.load %arg1[%get3A_338, %get3A_339, %get3A_340] : memref<16x1x512xi32, #tpu.memory_space<vmem>>, vector<1x1x512xi32>
      %get3A_342 = vector.shape_cast %get3A_341 : vector<1x1x512xi32> to vector<512xi32>
      %iota3A_343 = tpu.iota {dimensions = array<i32: 0>} : vector<64x512xi32>
      %add3A_344 = arith.constant 448 : i32
      %add3A_345 = vector.broadcast %add3A_344 : i32 to vector<64x512xi32>
      %add3A_346 = arith.addi %iota3A_343, %add3A_345 : vector<64x512xi32>
      %broadcast_in_dim3A_347 = vector.shape_cast %get3A_342 : vector<512xi32> to vector<1x512xi32>
      %eq3A_348 = vector.broadcast %broadcast_in_dim3A_347 : vector<1x512xi32> to vector<64x512xi32>
      %eq3A_349 = arith.cmpi eq, %add3A_346, %eq3A_348 : vector<64x512xi32>
      %convert_element_type3A_350 = arith.extui %eq3A_349 : vector<64x512xi1> to vector<64x512xi32>
      %convert_element_type3A_351 = arith.sitofp %convert_element_type3A_350 : vector<64x512xi32> to vector<64x512xf32>
      %convert_element_type3A_352 = arith.truncf %convert_element_type3A_351 : vector<64x512xf32> to vector<64x512xbf16>
      %swap3A_353 = arith.constant 0 : index
      %swap3A_354 = arith.constant 7168 : index
      %swap3A_355 = vector.load %arg4[%swap3A_353, %swap3A_354] : memref<64x8192xbf16, #tpu.memory_space<vmem>>, vector<64x512xbf16>
      tpu.vector_store %arg4[%swap3A_353, %swap3A_354], %convert_element_type3A_352 {strides = array<i32>} : memref<64x8192xbf16, #tpu.memory_space<vmem>>, vector<64x512xbf16>,
      %get3A_356 = arith.constant 15 : index
      %get3A_357 = arith.constant 0 : index
      %get3A_358 = arith.constant 0 : index
      %get3A_359 = vector.load %arg1[%get3A_356, %get3A_357, %get3A_358] : memref<16x1x512xi32, #tpu.memory_space<vmem>>, vector<1x1x512xi32>
      %get3A_360 = vector.shape_cast %get3A_359 : vector<1x1x512xi32> to vector<512xi32>
      %iota3A_361 = tpu.iota {dimensions = array<i32: 0>} : vector<64x512xi32>
      %add3A_362 = arith.constant 448 : i32
      %add3A_363 = vector.broadcast %add3A_362 : i32 to vector<64x512xi32>
      %add3A_364 = arith.addi %iota3A_361, %add3A_363 : vector<64x512xi32>
      %broadcast_in_dim3A_365 = vector.shape_cast %get3A_360 : vector<512xi32> to vector<1x512xi32>
      %eq3A_366 = vector.broadcast %broadcast_in_dim3A_365 : vector<1x512xi32> to vector<64x512xi32>
      %eq3A_367 = arith.cmpi eq, %add3A_364, %eq3A_366 : vector<64x512xi32>
      %convert_element_type3A_368 = arith.extui %eq3A_367 : vector<64x512xi1> to vector<64x512xi32>
      %convert_element_type3A_369 = arith.sitofp %convert_element_type3A_368 : vector<64x512xi32> to vector<64x512xf32>
      %convert_element_type3A_370 = arith.truncf %convert_element_type3A_369 : vector<64x512xf32> to vector<64x512xbf16>
      %swap3A_371 = arith.constant 0 : index
      %swap3A_372 = arith.constant 7680 : index
      %swap3A_373 = vector.load %arg4[%swap3A_371, %swap3A_372] : memref<64x8192xbf16, #tpu.memory_space<vmem>>, vector<64x512xbf16>
      tpu.vector_store %arg4[%swap3A_371, %swap3A_372], %convert_element_type3A_370 {strides = array<i32>} : memref<64x8192xbf16, #tpu.memory_space<vmem>>, vector<64x512xbf16>,
      %get3A_374 = arith.constant 448 : index
      %get3A_375 = arith.constant 0 : index
      %get3A_376 = vector.load %arg3[%get3A_374, %get3A_375] : memref<512x128xf32, #tpu.memory_space<vmem>>, vector<64x128xf32>
      %get3A_377 = arith.constant 0 : index
      %get3A_378 = arith.constant 0 : index
      %get3A_379 = vector.load %arg4[%get3A_377, %get3A_378] : memref<64x8192xbf16, #tpu.memory_space<vmem>>, vector<64x8192xbf16>
      %get3A_380 = arith.constant 0 : index
      %get3A_381 = arith.constant 0 : index
      %get3A_382 = vector.load %arg5[%get3A_380, %get3A_381] : memref<8192x128xbf16, #tpu.memory_space<vmem>>, vector<8192x128xbf16>
      %dot_general3A = arith.constant dense<0.000000e+00> : vector<64x128xf32>
      %dot_general3A_383 = tpu.matmul %get3A_379, %get3A_382, %dot_general3A {dimension_numbers = #tpu.dot_dimension_numbers<[1], [0], [0], [1], [0, 0, 1, 1], [], []>, transpose_lhs_hint = false} : vector<64x8192xbf16>, vector<8192x128xbf16>, vector<64x128xf32> -> vector<64x128xf32>
      %get3A_384 = arith.constant 0 : index
      %get3A_385 = arith.constant 0 : index
      %get3A_386 = vector.load %arg4[%get3A_384, %get3A_385] : memref<64x8192xbf16, #tpu.memory_space<vmem>>, vector<64x8192xbf16>
      %get3A_387 = arith.constant 0 : index
      %get3A_388 = arith.constant 0 : index
      %get3A_389 = vector.load %arg6[%get3A_387, %get3A_388] : memref<8192x128xbf16, #tpu.memory_space<vmem>>, vector<8192x128xbf16>
      %dot_general3A_390 = arith.constant dense<0.000000e+00> : vector<64x128xf32>
      %dot_general3A_391 = tpu.matmul %get3A_386, %get3A_389, %dot_general3A_390 {dimension_numbers = #tpu.dot_dimension_numbers<[1], [0], [0], [1], [0, 0, 1, 1], [], []>, transpose_lhs_hint = false} : vector<64x8192xbf16>, vector<8192x128xbf16>, vector<64x128xf32> -> vector<64x128xf32>
      %add3A_392 = arith.addf %dot_general3A_383, %dot_general3A_391 : vector<64x128xf32>
      %add3A_393 = arith.addf %get3A_376, %add3A_392 : vector<64x128xf32>
      %swap3A_394 = arith.constant 448 : index
      %swap3A_395 = arith.constant 0 : index
      %swap3A_396 = vector.load %arg3[%swap3A_394, %swap3A_395] : memref<512x128xf32, #tpu.memory_space<vmem>>, vector<64x128xf32>
      tpu.vector_store %arg3[%swap3A_394, %swap3A_395], %add3A_393 {strides = array<i32>} : memref<512x128xf32, #tpu.memory_space<vmem>>, vector<64x128xf32>,
    } else {
    }
    return
  }
  func.func @transform_0(%arg0: i32) -> (i32, i32, i32) {
    %c0_i32 = arith.constant 0 : i32
    %c0_i32_0 = arith.constant 0 : i32
    %c0_i32_1 = arith.constant 0 : i32
    return %arg0, %c0_i32, %c0_i32_0 : i32, i32, i32
  }
  func.func @transform_1(%arg0: i32) -> (i32, i32) {
    %c0_i32 = arith.constant 0 : i32
    %c0_i32_0 = arith.constant 0 : i32
    return %arg0, %c0_i32 : i32, i32
  }
  func.func @transform_2(%arg0: i32) -> (i32, i32) {
    %c0_i32 = arith.constant 0 : i32
    %c0_i32_0 = arith.constant 0 : i32
    %c0_i32_1 = arith.constant 0 : i32
    return %c0_i32, %c0_i32_0 : i32, i32
  }
}

</mosaic_0001>

<sc_bundles>
// kernel: kernel.5.cloned.1.call-start
scs
__scs_entry_jumppad:
0x0: {  	(pc) =	sbr.rel $0x88, $3  }
0x1: {  	(tag) =	ssettag $0x0;
	lr =	simm.s32 $0x1  }
0x2: {  	[smem:$0x3F9F] =	sst lr;
	_ =	strace $0xD0000000  }
0x3: {  	_ = 	snop  }
0x4: {  	_ = 	snop  }
0x5: {  	_ = 	snop  }
0x6: {  	_ = 	snop  }
0x7: {  	_ = 	snop  }
__scs_overlays_trampoline_lowered:
0x8: {  	[smem:$0x3FAE] =	sst s0  }
0x9: {  	[smem:$0x3FAF] =	sst s1  }
0xa: {  	[smem:$0x3FB0] =	sst s2  }
0xb: {  	[smem:$0x3FB1] =	sst s3  }
0xc: {  	[smem:$0x3FB2] =	sst s4  }
0xd: {  	[smem:$0x3FB3] =	sst s5  }
0xe: {  	[smem:$0x3FB4] =	sst s6  }
0xf: {  	[smem:$0x3FB5] =	sst s7  }
0x10: {  	[smem:$0x3FB6] =	sst s8  }
0x11: {  	[smem:$0x3FB7] =	sst s9;
	s0 =	simm.s32 @!p0 $0x0  }
0x12: {  	s1 =	sld [smem:$0x3F9D];
	s0 =	simm.s32 @p0 $0x1  }
0x13: {  	[smem:$0x3FB8] =	sst s0;
	s0 =	simm.s32 @!p1 $0x0  }
0x14: {  	s2 =	sld [smem:$0x3F9C];
	s0 =	simm.s32 @p1 $0x1  }
0x15: {  	[smem:$0x3FB9] =	sst s0;
	s0 =	simm.s32 @!p2 $0x0  }
0x16: {  	s3 =	sld [smem:$0x3FDB];
	s0 =	simm.s32 @p2 $0x1  }
0x17: {  	s4 =	simm.s32 $0x1BF5;
	[smem:$0x3FBB] =	sst s0  }
0x18: {  	s0 =	sld [smem:$0x3F9E];
	_ =	swait.ge [sflag:s4], $0x0  }
0x19: {  	s7 =	sld [smem:$0x3F9F]  }
0x1a: {  	s8 =	sadd.s32 $0xFFFFE003, lr  }
0x1b: {  	s9 =	sadd.s32 $0xFFFFFEF7, lr;
	s5 =	simm.s32 $0xFFFFFFFF;
	p2 =	slt.u32 s8, $0xFFFFF086  }
0x1c: {  	p1 =	slt.u32 s9, $0xF7A;
	s5 =	simm.s32 @!p2 $0x0  }
0x1d: {  	s5 =	simm.s32 @p1 $0x1;
	p0 =	seq.s32 s7, s2  }
0x1e: {  	s7 =	smul.u32 @!p0 $0xF7A, s2;
	p2 =	seq.s32 @!p0 s5, $0x0  }
0x1f: {  	s9 =	smul.u32 $0xF7A, s1;
	s8 =	simm.s32 @!p0 $0x1BF5;
	p2 =	por !p2, p0  }
0x20: {  	[sflag:s8] =	ssyncset.s32 @!p0 $0xFFFFF086;
	s6 =	sadd.s32 @!p0 s3, s7;
	s7 =	simm.s32 @!p0 $0x108  }
0x21: {  	s3 =	sadd.s32 s3, s9;
	s6 =	sadd.s32 @!p0 $0x88, s6;
	s7 =	simm.s32 @p2 $0x1082  }
0x22: {  	[simem:s7], [sflag:s8] =	dma.local @!p0 [hbm:s6], $0xF7A  }
0x23: {  	s9 =	sor.u32 $0xD0000000, s2;
	s6 =	simm.s32 $0x108;
	_ =	swait.ge @!p0 [sflag:s8], $0x0  }
0x24: {  	s3 =	sadd.s32 $0x88, s3;
	s6 =	simm.s32 @!p1 $0x1082;
	[sflag:s4] =	ssyncset.s32 $0xFFFFF086  }
0x25: {  	[simem:s6], [sflag:s4] =	dma.local [hbm:s3], $0xF7A  }
0x26: {  	[smem:$0x3F9F] =	sst s1;
	(tag) =	ssettag s2;
	_ =	strace s9  }
0x27: {  	s1 =	sld [smem:$0x3FAF]  }
0x28: {  	s2 =	sld [smem:$0x3FB0]  }
0x29: {  	s4 =	sld [smem:$0x3FB2]  }
0x2a: {  	p0 =	seq.s32 s5, $0x0;
	s5 =	sld [smem:$0x3FB3]  }
0x2b: {  	s6 =	sld [smem:$0x3FB4]  }
0x2c: {  	s7 =	sld [smem:$0x3FB5]  }
0x2d: {  	s3 =	simm.s32 $0x108;
	s8 =	sld [smem:$0x3FB6]  }
0x2e: {  	s3 =	simm.s32 @!p0 $0x1082;
	s9 =	sld [smem:$0x3FB7]  }
0x2f: {  	lr =	sadd.s32 s0, s3;
	s0 =	sld [smem:$0x3FAE]  }
0x30: {  	s3 =	sld [smem:$0x3FB1]  }
0x31: {  	[smem:$0x3FBA] =	sst s10  }
0x32: {  	s10 =	sld [smem:$0x3FB8];
	_ =	sdelay $0x3  }
0x33: {  	p0 =	seq.s32 s10, $0x1;
	s10 =	sld [smem:$0x3FBA];
	_ =	sdelay $0x3  }
0x34: {  	[smem:$0x3FBA] =	sst s10  }
0x35: {  	s10 =	sld [smem:$0x3FB9];
	_ =	sdelay $0x3  }
0x36: {  	p1 =	seq.s32 s10, $0x1;
	s10 =	sld [smem:$0x3FBA];
	_ =	sdelay $0x3  }
0x37: {  	[smem:$0x3FBA] =	sst s10  }
0x38: {  	s10 =	sld [smem:$0x3FBB]  }
0x39: {  	_ = 	snop;
	(pc) =	sbr.ind lr, $3  }
0x3a: {  	_ = 	snop  }
0x3b: {  	_ = 	snop  }
0x3c: {  	p2 =	seq.s32 s10, $0x1;
	s10 =	sld [smem:$0x3FBA]  }
0x3d: {  	_ =	shalt  }
0x3e: {  	_ =	shalt  }
0x3f: {  	_ =	shalt  }
0x40: {  	_ =	shalt  }
0x41: {  	_ =	shalt  }
0x42: {  	_ =	shalt  }
0x43: {  	_ =	shalt  }
0x44: {  	_ =	shalt  }
0x45: {  	_ =	shalt  }
0x46: {  	_ =	shalt  }
0x47: {  	_ =	shalt  }
0x48: {  	_ =	shalt  }
0x49: {  	_ =	shalt  }
0x4a: {  	_ =	shalt  }
0x4b: {  	_ =	shalt  }
0x4c: {  	_ =	shalt  }
0x4d: {  	_ =	shalt  }
0x4e: {  	_ =	shalt  }
0x4f: {  	_ =	shalt  }
0x50: {  	_ =	shalt  }
0x51: {  	_ =	shalt  }
0x52: {  	_ =	shalt  }
0x53: {  	_ =	shalt  }
0x54: {  	_ =	shalt  }
0x55: {  	_ =	shalt  }
0x56: {  	_ =	shalt  }
0x57: {  	_ =	shalt  }
0x58: {  	_ =	shalt  }
0x59: {  	_ =	shalt  }
0x5a: {  	_ =	shalt  }
0x5b: {  	_ =	shalt  }
0x5c: {  	_ =	shalt  }
0x5d: {  	_ =	shalt  }
0x5e: {  	_ =	shalt  }
0x5f: {  	_ =	shalt  }
0x60: {  	_ =	shalt  }
0x61: {  	_ =	shalt  }
0x62: {  	_ =	shalt  }
0x63: {  	_ =	shalt  }
0x64: {  	_ =	shalt  }
0x65: {  	_ =	shalt  }
0x66: {  	_ =	shalt  }
0x67: {  	_ =	shalt  }
0x68: {  	_ =	shalt  }
0x69: {  	_ =	shalt  }
0x6a: {  	_ =	shalt  }
0x6b: {  	_ =	shalt  }
0x6c: {  	_ =	shalt  }
0x6d: {  	_ =	shalt  }
0x6e: {  	_ =	shalt  }
0x6f: {  	_ =	shalt  }
0x70: {  	_ =	shalt  }
0x71: {  	_ =	shalt  }
0x72: {  	_ =	shalt  }
0x73: {  	_ =	shalt  }
0x74: {  	_ =	shalt  }
0x75: {  	_ =	shalt  }
0x76: {  	_ =	shalt  }
0x77: {  	_ =	shalt  }
0x78: {  	_ =	shalt  }
0x79: {  	_ =	shalt  }
0x7a: {  	_ =	shalt  }
0x7b: {  	_ =	shalt  }
0x7c: {  	_ =	shalt  }
0x7d: {  	_ =	shalt  }
0x7e: {  	_ =	shalt  }
0x7f: {  	_ =	shalt  }
0x80: {  	_ =	shalt  }
0x81: {  	_ =	shalt  }
0x82: {  	_ =	shalt  }
0x83: {  	_ =	shalt  }
0x84: {  	_ =	shalt  }
0x85: {  	_ =	shalt  }
0x86: {  	_ =	shalt  }
0x87: {  	_ =	shalt  }
.Lfunc_end0:
.L_simem_size_0:
called_computation_lowered:
.L_overlay_start_0:
0x88: {  	s2 =	sld [smem:$0x3FD9]  }
0x89: {  	s3 =	sld [smem:$0x3FFE];
	_ =	sdelay $0x1  }
0x8a: {  	s1 =	srdreg.scid  }
0x8b: {  	s0 =	sand.u32 $0x1, s1  }
0x8c: {  	s17 =	sshll.u32 s0, $0xA;
	s2 =	sadd.s32 s3, s2  }
0x8d: {  	s2 =	sadd.s32 s2, s17  }
0x8e: {  	[smem:$0x3FC6] =	sst s2  }
0x8f: {  	_ = 	snop  }
0x90: {  	s2 =	sld [smem:$0x3FC9]  }
0x91: {  	s18 =	sld [smem:$0x3FC8];
	(tm) =	ssettm $0x1  }
0x92: {  	s4 =	sld [smem:$0x3FFB];
	_ =	sdelay $0x3  }
0x93: {  	_ =	strace s4  }
0x94: {  	s4 =	sld [smem:$0x3FFC];
	_ =	sdelay $0x3  }
0x95: {  	_ =	strace s4  }
0x96: {  	s4 =	sld [smem:$0x3FFD];
	_ =	sdelay $0x3  }
0x97: {  	_ =	strace s4  }
0x98: {  	_ =	strace $0x8FFFFFFF  }
0x99: {  	s19 =	sld [smem:$0x3FDB];
	_ =	sdelay $0x1  }
0x9a: {  	s5 =	simm.s32 $_scs_section_size  }
0x9b: {  	s6 =	simm.s32 $_size__tile_overlayer_lowered;
	s7 =	simm.s32 $_tile_overlayer_lowered  }
0x9c: {  	s22 =	simm.s32 $0x1BFF;
	s21 =	sshll.u32 s7, $0x1;
	s4 =	sadd.s32 s5, s19  }
0x9d: {  	s8 =	simm.s32 $0x0;
	s20 =	sshll.u32 s6, $0x1;
	s6 =	sadd.s32 s21, s4  }
0x9e: {  	[timem:s8], [sflag:s22] =	dma.local [hbm:s6], s20  }
0x9f: {  	_ =	swait.ge [sflag:s22], s20  }
0xa0: {  	s5 =	ssub.s32 $0x0, s20;
	[sflag:s22] =	ssyncset.done $0x0  }
0xa1: {  	[sflag:s22] =	ssyncadd.s32 s5;
	_ =	sdelay $0x1  }
0xa2: {  	s23 =	simm.s32 $0x1B8B  }
0xa3: {  	_ =	swait.ge [sflag:s23], $0x1  }
0xa4: {  	[sflag:s23] =	ssyncset.done $0x0  }
0xa5: {  	s25 =	simm.s32 $0x1B8E;
	s24 =	sld [smem:$0x3FFE];
	[sflag:s23] =	ssyncadd.s32 $0xFFFFFFFF  }
0xa6: {  	s26 =	simm.s32 $execute0_lowered;
	[smem:$0x3FD2] =	sst s25  }
0xa7: {  	s6 =	sshll.u32 s26, $0x1;
	_ =	strace $0x80000046;
	[dreg:$0x1] =	wrdreg $0xFFFFFFFF  }
0xa8: {  	s28 =	simm.s32 $_size_execute0_lowered;
	s4 =	sadd.s32 s4, s6;
	[dreg:$0x0] =	wrdreg $0x0  }
0xa9: {  	s6 =	sshll.u32 s28, $0x1;
	[dreg:$0x2] =	wrdreg s4  }
0xaa: {  	[dreg:$0x3] =	wrdreg s6  }
0xab: {  	[dreg:$0x4] =	wrdreg $0xC0  }
0xac: {  	_ =	task [dreg:s8], $0x5FFFF  }
0xad: {  	[dreg:$0x1] =	wrdreg $0xFFFFFFFF  }
0xae: {  	[dreg:$0x0] =	wrdreg $0x60  }
0xaf: {  	[dreg:$0x2] =	wrdreg s2  }
0xb0: {  	[dreg:$0x3] =	wrdreg s18  }
0xb1: {  	[dreg:$0x4] =	wrdreg s24  }
0xb2: {  	[dreg:$0x5] =	wrdreg $0x13D000  }
0xb3: {  	[dreg:$0x6] =	wrdreg $0x9  }
0xb4: {  	_ =	task.clear_ibuf [dreg:s8], $0x7FFFF;
	_ =	strace $0x90000046  }
0xb5: {  	s29 =	simm.s32 $0x9;
	_ =	strace $0x80000048  }
0xb6: {  	_ =	swait.ge [sflag:s29], $0x1  }
0xb7: {  	[sflag:s29] =	ssyncadd.s32 $0xFFFFFFFF  }
0xb8: {  	_ =	strace $0x90000048  }
0xb9: {  	_ =	sfence  }
0xba: {  	s30 =	sld [smem:$0x0];
	_ =	sdelay $0x2  }
0xbb: {  	s31 =	sshll.u32 s1, $0xD;
	s1 =	sshrl.u32 s1, $0x2  }
0xbc: {  	s3 =	sand.u32 $0x4000, s31;
	s1 =	sadd.s32 s1, s30  }
0xbd: {  	s0 =	sor.u32 s3, s0;
	s1 =	sshll.u32 s1, $0x11  }
0xbe: {  	s0 =	sor.u32 s1, s0  }
0xbf: {  	s0 =	sadd.s32 $0x8F2B, s0  }
0xc0: {  	[sflag:s0] =	ssyncadd.remote.s32 $0x1  }
0xc1: {  	_ =	sfence.sel $0xFFFF  }
0xc2: {  	[dreg:$0x0] =	wrdreg $0xFFFFFFFF;
	(pc) =	sbr.abs _section_cstart, $3  }
0xc3: {  	[dreg:$0x1] =	wrdreg $0xFFFFFFFF  }
0xc4: {  	_ =	task.clear_ibuf [dreg:s8], $0x2FFFF;
	_ =	strace $0x9FFFFFFF  }
0xc5: {  	(tm) =	ssettm $0x7FFFFFFF  }
tec
execute0_lowered:
.L_overlay_start_1:
0x0: {  	(tag) =	ssettag $0x1  }
0x1: {  	s0 =	rddreg [dreg:$0x0];
	s1 =	srdreg.scid  }
0x2: {  	s12 =	stileid.u32;
	s4 =	rddreg [dreg:$0x1]  }
0x3: {  	s5 =	rddreg [dreg:$0x2];
	s3 =	simm.s32 $0x0;
	s1 =	sand.u32 $0x1, s1  }
0x4: {  	s2 =	sshll.u32 s12, $0x1;
	[smem:$0x7FF] =	sst s3;
	s8 =	sshll.u32 s12, $0x9  }
0x5: {  	s29 =	sshll.u32 s12, $0xC;
	s6 =	sor.u32 s1, s2;
	s2 =	rddreg [dreg:$0x3]  }
0x6: {  	_ =	strace $0x80000047;
	s9 =	ssub.s32 $0x2, s1;
	s17 =	sshll.u32 s1, $0xD  }
0x7: {  	s7 =	smul.u32 $0xC0, s6;
	s22 =	sshrl.u32 s9, $0x1;
	s10 =	sshll.u32 s6, $0x5  }
0x8: {  	s11 =	smul.u32 $0x30000, s6;
	s23 =	sor.u32 $0x18000, s10;
	s10 =	sor.u32 $0x18400, s10  }
0x9: {  	s7 =	sadd.s32 $0x1800, s7;
	s24 =	sshrl.u32 s23, $0x3;
	s25 =	sshrl.u32 s10, $0x3  }
0xa: {  	s26 =	sshrl.u32 s11, $0x3;
	s11 =	sshll.u32 s1, $0x9;
	s7 =	sand.u32 $0x3F80, s7  }
0xb: {  	s13 =	sor.u32 $0x10000, s11;
	s7 =	sadd.s32 s7, s5;
	s5 =	sadd.s32 s8, s5  }
0xc: {  	s8 =	ssub.s32 s9, s22;
	s9 =	sadd.s32 s4, s24;
	[dreg:$0xe] =	wrdreg s13  }
0xd: {  	p0 =	sgt.u32 s6, $0x14;
	s4 =	sadd.s32 s4, s25;
	[dreg:$0x6] =	wrdreg s9  }
0xe: {  	s28 =	sshll.u32 s10, $0x4;
	s24 =	sor.u32 $0x10100, s11;
	[dreg:$0x8] =	wrdreg s4  }
0xf: {  	s31 =	sor.u32 $0x10400, s11;
	s25 =	sor.u32 $0x10180, s11;
	[dreg:$0x18] =	wrdreg s24  }
0x10: {  	s1 =	sor.u32 $0x10480, s11;
	s7 =	sadd.s32 $0x600, s7;
	[dreg:$0x19] =	wrdreg s25  }
0x11: {  	s4 =	sadd.s32 s0, s26;
	s26 =	sadd.s32 $0x10200, s11;
	[dreg:$0x5] =	wrdreg s7  }
0x12: {  	s9 =	sadd.s32 s29, s2;
	s29 =	sadd.s32 $0x10300, s11;
	[dreg:$0x1a] =	wrdreg s26  }
0x13: {  	s13 =	simm.s32 $0x8000;
	s30 =	sadd.s32 $0xC0000, s4;
	[dreg:$0x1c] =	wrdreg s29  }
0x14: {  	s5 =	sadd.s32 s17, s5;
	s10 =	sadd.s32 $0xC1000, s4;
	[dreg:$0xa] =	wrdreg s30  }
0x15: {  	s6 =	smax.u32 s8, $0x1;
	s12 =	sadd.s32 $0xC1800, s4;
	[dreg:$0xc] =	wrdreg s10  }
0x16: {  	s8 =	simm.s32 $0x10C00;
	s14 =	sadd.s32 $0xC2000, s4;
	[dreg:$0xd] =	wrdreg s12  }
0x17: {  	s17 =	simm.s32 $0x5;
	s15 =	sadd.s32 $0xC2800, s4;
	[dreg:$0xf] =	wrdreg s14  }
0x18: {  	s24 =	simm.s32 $0xA;
	s16 =	sadd.s32 $0xC3000, s4;
	[dreg:$0x10] =	wrdreg s15  }
0x19: {  	s25 =	simm.s32 $0xB;
	s18 =	sadd.s32 $0xC3800, s4;
	[dreg:$0x11] =	wrdreg s16  }
0x1a: {  	s7 =	sshll.u32 s23, $0x4;
	s19 =	sadd.s32 $0xC4000, s4;
	[dreg:$0x12] =	wrdreg s18  }
0x1b: {  	s20 =	sadd.s32 $0xC4800, s4;
	s21 =	sadd.s32 $0xC5000, s4;
	[dreg:$0x13] =	wrdreg s19  }
0x1c: {  	s22 =	sadd.s32 $0xC5800, s4;
	s23 =	sor.u32 $0x10080, s11;
	[dreg:$0x14] =	wrdreg s20  }
0x1d: {  	s5 =	sadd.s32 $0x3800, s5;
	s26 =	simm.s32 $0x0;
	[dreg:$0x15] =	wrdreg s21  }
0x1e: {  	s7 =	sadd.s32 s0, s7;
	s0 =	sadd.s32 s0, s28;
	[dreg:$0x16] =	wrdreg s22  }
0x1f: {  	[dreg:$0x17] =	wrdreg s23;
	s28 =	sadd.s32 $0x10280, s11;
	s30 =	sadd.s32 $0x10380, s11  }
0x20: {  	s10 =	simm.s32 $0xC;
	s12 =	simm.s32 $0x4000;
	s14 =	simm.s32 $0xC000  }
0x21: {  	s15 =	simm.s32 $0x1;
	s16 =	simm.s32 $0x80;
	s18 =	simm.s32 $0x2  }
0x22: {  	s19 =	simm.s32 $0x6;
	s20 =	simm.s32 $0x3;
	[dreg:$0x7] =	wrdreg s7  }
0x23: {  	s21 =	simm.s32 $0x7;
	s22 =	simm.s32 $0x4;
	[dreg:$0x9] =	wrdreg s0  }
0x24: {  	s23 =	simm.s32 $0x8;
	s7 =	sadd.s32 $0xC0800, s4;
	[dreg:$0x1b] =	wrdreg s28  }
0x25: {  	[dreg:$0x1d] =	wrdreg s30;
	s0 =	sor.u32 $0x10500, s11;
	s4 =	sor.u32 $0x10580, s11  }
0x26: {  	v0 =	vimm.f32 $0.0e+00;
	s11 =	simm.s32 $0x9;
	[dreg:$0xb] =	wrdreg s7;
	s7 =	simm.s32 $0x12C00  }
.LBB2_1:
0x27: {  	s28 =	rddreg [dreg:$0x5];
	s29 =	simm.s32 $0x10000  }
0x28: {  	[tilespmem:s29], [sflag:$0x9] =	stream.linear.gather [hbm4b:s28+s3], $0xC00, $0x38;
	[tilespmem:$0x14D00] =	vst v63  }
0x29: {  	s28 =	rddreg [dreg:$0x6]  }
0x2a: {  	[tilespmem:s7], [sflag:$0xA] =	stream.linear.gather [hbm4b:s28+s3], $0x20, $0x38;
	[tilespmem:$0x14D00] =	vst v63  }
0x2b: {  	s28 =	rddreg [dreg:$0x7]  }
0x2c: {  	[tilespmem:s8], [sflag:$0xA] =	stream.linear.gather [hbm4b:s28+s3], $0x1000, $0x38;
	[tilespmem:$0x14D00] =	vst v63  }
0x2d: {  	s30 =	rddreg [dreg:$0x8];
	s29 =	simm.s32 @!p0 $0x12C80;
	s28 =	simm.s32 @!p0 $0x0  }
0x2e: {  	[tilespmem:s29], [sflag:$0xA] =	stream.linear.gather @!p0 [hbm4b:s30+s28], $0x20, $0x38;
	[tilespmem:$0x14D00] =	vst v63  }
0x2f: {  	s29 =	simm.s32 @!p0 $0x11C00;
	s30 =	rddreg [dreg:$0x9]  }
0x30: {  	[tilespmem:s29], [sflag:$0xA] =	stream.linear.gather @!p0 [hbm4b:s30+s28], $0x1000, $0x38;
	[tilespmem:$0x14D00] =	vst v63  }
0x31: {  	s28 =	simm.s32 $0x0;
	s29 =	simm.s32 $0x200  }
.LBB2_2:
0x32: {  	p1 =	sne.s32 s29, $0x3E00;
	[tilespmem:s28+$0x12D70] =	vst v0  }
0x33: {  	[tilespmem:s28+$0x12D00] =	vst v0  }
0x34: {  	[tilespmem:s28+$0x12D10] =	vst v0  }
.Ltmp0:
0x35: {  	[tilespmem:s28+$0x12D20] =	vst v0;
	(pc) =	sbr.rel @p1 .LBB2_2-.Ltmp0, $4  }
0x36: {  	[tilespmem:s28+$0x12D30] =	vst v0  }
0x37: {  	[tilespmem:s28+$0x12D40] =	vst v0  }
0x38: {  	[tilespmem:s28+$0x12D50] =	vst v0  }
0x39: {  	[tilespmem:s28+$0x12D60] =	vst v0;
	s28 =	sshra.s32 s29, $0x2;
	s29 =	sadd.s32 $0x200, s29  }
0x3a: {  	[tilespmem:s28+$0x12D70] =	vst v0  }
0x3b: {  	[tilespmem:s28+$0x12D00] =	vst v0  }
0x3c: {  	[tilespmem:s28+$0x12D10] =	vst v0  }
0x3d: {  	[tilespmem:s28+$0x12D20] =	vst v0  }
0x3e: {  	[tilespmem:s28+$0x12D30] =	vst v0  }
0x3f: {  	[tilespmem:s28+$0x12D40] =	vst v0  }
0x40: {  	[tilespmem:s28+$0x12D50] =	vst v0  }
0x41: {  	[tilespmem:s28+$0x12D60] =	vst v0;
	s29 =	simm.s32 $0x12D00  }
0x42: {  	[spmem:s9] =	stream.linear.scatter [tilespmem:s29], [sflag:$0xC], $0x1000, $0x38;
	[tilespmem:$0x14D00] =	vst v63  }
0x43: {  	_ =	swait.ge [sflag:s10], $0x1000  }
0x44: {  	[sflag:s10] =	ssyncset.done $0x0  }
0x45: {  	[sflag:s10] =	ssyncadd.s32 $0xFFFFF000  }
0x46: {  	_ =	swait.ge [sflag:s11], $0xC00  }
0x47: {  	[sflag:s11] =	ssyncset.done $0x0  }
0x48: {  	[sflag:s11] =	ssyncadd.s32 $0xFFFFF400  }
0x49: {  	[bflag:$0x0] =	sbarrier.arrive $0xFFFF  }
0x4a: {  	s30 =	rddreg [dreg:$0xa]  }
0x4b: {  	[tilespmem:s3], [sflag:$0x1] =	stream.linear.gather [hbm4b:s30+s3], $0x4000, $0x38;
	[tilespmem:$0x14D00] =	vst v63  }
0x4c: {  	s29 =	rddreg [dreg:$0xb]  }
0x4d: {  	[tilespmem:s12], [sflag:$0x2] =	stream.linear.gather [hbm4b:s29+s3], $0x4000, $0x38;
	[tilespmem:$0x14D00] =	vst v63  }
0x4e: {  	s30 =	rddreg [dreg:$0xc]  }
0x4f: {  	[tilespmem:s13], [sflag:$0x3] =	stream.linear.gather [hbm4b:s30+s3], $0x4000, $0x38;
	[tilespmem:$0x14D00] =	vst v63  }
0x50: {  	s29 =	rddreg [dreg:$0xd]  }
0x51: {  	[tilespmem:s14], [sflag:$0x4] =	stream.linear.gather [hbm4b:s29+s3], $0x4000, $0x38;
	[tilespmem:$0x14D00] =	vst v63  }
0x52: {  	_ =	swait.ge [sflag:s15], $0x4000  }
0x53: {  	[sflag:s15] =	ssyncset.done $0x0  }
0x54: {  	s30 =	rddreg [dreg:$0xe];
	[sflag:s15] =	ssyncadd.s32 $0xFFFFC000  }
0x55: {  	[spmem:s2] =	stream.indirect.scatter.add.f32 [tilespmem:s3], [sflag:$0x5], $0x80, s30, s16, $0xb8;
	[tilespmem:$0x14D00] =	vst v63  }
0x56: {  	_ =	swait.ge [sflag:s17], $0x4000  }
0x57: {  	[sflag:s17] =	ssyncset.done $0x0  }
0x58: {  	s29 =	rddreg [dreg:$0xf];
	[sflag:s17] =	ssyncadd.s32 $0xFFFFC000  }
0x59: {  	[tilespmem:s3], [sflag:$0x1] =	stream.linear.gather [hbm4b:s29+s3], $0x4000, $0x38;
	[tilespmem:$0x14D00] =	vst v63  }
0x5a: {  	_ =	swait.ge [sflag:s18], $0x4000  }
0x5b: {  	[sflag:s18] =	ssyncset.done $0x0  }
0x5c: {  	s30 =	rddreg [dreg:$0x17];
	[sflag:s18] =	ssyncadd.s32 $0xFFFFC000  }
0x5d: {  	[spmem:s2] =	stream.indirect.scatter.add.f32 [tilespmem:s12], [sflag:$0x6], $0x80, s30, s16, $0xb8;
	[tilespmem:$0x14D00] =	vst v63  }
0x5e: {  	_ =	swait.ge [sflag:s19], $0x4000  }
0x5f: {  	[sflag:s19] =	ssyncset.done $0x0  }
0x60: {  	s29 =	rddreg [dreg:$0x10];
	[sflag:s19] =	ssyncadd.s32 $0xFFFFC000  }
0x61: {  	[tilespmem:s12], [sflag:$0x2] =	stream.linear.gather [hbm4b:s29+s3], $0x4000, $0x38;
	[tilespmem:$0x14D00] =	vst v63  }
0x62: {  	_ =	swait.ge [sflag:s20], $0x4000  }
0x63: {  	[sflag:s20] =	ssyncset.done $0x0  }
0x64: {  	s30 =	rddreg [dreg:$0x18];
	[sflag:s20] =	ssyncadd.s32 $0xFFFFC000  }
0x65: {  	[spmem:s2] =	stream.indirect.scatter.add.f32 [tilespmem:s13], [sflag:$0x7], $0x80, s30, s16, $0xb8;
	[tilespmem:$0x14D00] =	vst v63  }
0x66: {  	_ =	swait.ge [sflag:s21], $0x4000  }
0x67: {  	[sflag:s21] =	ssyncset.done $0x0  }
0x68: {  	s29 =	rddreg [dreg:$0x11];
	[sflag:s21] =	ssyncadd.s32 $0xFFFFC000  }
0x69: {  	[tilespmem:s13], [sflag:$0x3] =	stream.linear.gather [hbm4b:s29+s3], $0x4000, $0x38;
	[tilespmem:$0x14D00] =	vst v63  }
0x6a: {  	_ =	swait.ge [sflag:s22], $0x4000  }
0x6b: {  	[sflag:s22] =	ssyncset.done $0x0  }
0x6c: {  	s30 =	rddreg [dreg:$0x19];
	[sflag:s22] =	ssyncadd.s32 $0xFFFFC000  }
0x6d: {  	[spmem:s2] =	stream.indirect.scatter.add.f32 [tilespmem:s14], [sflag:$0x8], $0x80, s30, s16, $0xb8;
	[tilespmem:$0x14D00] =	vst v63  }
0x6e: {  	_ =	swait.ge [sflag:s23], $0x4000  }
0x6f: {  	[sflag:s23] =	ssyncset.done $0x0  }
0x70: {  	s29 =	rddreg [dreg:$0x12];
	[sflag:s23] =	ssyncadd.s32 $0xFFFFC000  }
0x71: {  	[tilespmem:s14], [sflag:$0x4] =	stream.linear.gather [hbm4b:s29+s3], $0x4000, $0x38;
	[tilespmem:$0x14D00] =	vst v63  }
0x72: {  	_ =	swait.ge [sflag:s15], $0x4000  }
0x73: {  	[sflag:s15] =	ssyncset.done $0x0  }
0x74: {  	s30 =	rddreg [dreg:$0x1a];
	[sflag:s15] =	ssyncadd.s32 $0xFFFFC000  }
0x75: {  	[spmem:s2] =	stream.indirect.scatter.add.f32 [tilespmem:s3], [sflag:$0x5], $0x80, s30, s16, $0xb8;
	[tilespmem:$0x14D00] =	vst v63  }
0x76: {  	_ =	swait.ge [sflag:s17], $0x4000  }
0x77: {  	[sflag:s17] =	ssyncset.done $0x0  }
0x78: {  	s29 =	rddreg [dreg:$0x13];
	[sflag:s17] =	ssyncadd.s32 $0xFFFFC000  }
0x79: {  	[tilespmem:s3], [sflag:$0x1] =	stream.linear.gather [hbm4b:s29+s3], $0x4000, $0x38;
	[tilespmem:$0x14D00] =	vst v63  }
0x7a: {  	_ =	swait.ge [sflag:s18], $0x4000  }
0x7b: {  	[sflag:s18] =	ssyncset.done $0x0  }
0x7c: {  	s30 =	rddreg [dreg:$0x1b];
	[sflag:s18] =	ssyncadd.s32 $0xFFFFC000  }
0x7d: {  	[spmem:s2] =	stream.indirect.scatter.add.f32 [tilespmem:s12], [sflag:$0x6], $0x80, s30, s16, $0xb8;
	[tilespmem:$0x14D00] =	vst v63  }
0x7e: {  	_ =	swait.ge [sflag:s19], $0x4000  }
0x7f: {  	[sflag:s19] =	ssyncset.done $0x0  }
0x80: {  	s29 =	rddreg [dreg:$0x14];
	[sflag:s19] =	ssyncadd.s32 $0xFFFFC000  }
0x81: {  	[tilespmem:s12], [sflag:$0x2] =	stream.linear.gather [hbm4b:s29+s3], $0x4000, $0x38;
	[tilespmem:$0x14D00] =	vst v63  }
0x82: {  	_ =	swait.ge [sflag:s20], $0x4000  }
0x83: {  	[sflag:s20] =	ssyncset.done $0x0  }
0x84: {  	s30 =	rddreg [dreg:$0x1c];
	[sflag:s20] =	ssyncadd.s32 $0xFFFFC000  }
0x85: {  	[spmem:s2] =	stream.indirect.scatter.add.f32 [tilespmem:s13], [sflag:$0x7], $0x80, s30, s16, $0xb8;
	[tilespmem:$0x14D00] =	vst v63  }
0x86: {  	_ =	swait.ge [sflag:s21], $0x4000  }
0x87: {  	[sflag:s21] =	ssyncset.done $0x0  }
0x88: {  	s29 =	rddreg [dreg:$0x15];
	[sflag:s21] =	ssyncadd.s32 $0xFFFFC000  }
0x89: {  	[tilespmem:s13], [sflag:$0x3] =	stream.linear.gather [hbm4b:s29+s3], $0x4000, $0x38;
	[tilespmem:$0x14D00] =	vst v63  }
0x8a: {  	_ =	swait.ge [sflag:s22], $0x4000  }
0x8b: {  	[sflag:s22] =	ssyncset.done $0x0  }
0x8c: {  	s30 =	rddreg [dreg:$0x1d];
	[sflag:s22] =	ssyncadd.s32 $0xFFFFC000  }
0x8d: {  	[spmem:s2] =	stream.indirect.scatter.add.f32 [tilespmem:s14], [sflag:$0x8], $0x80, s30, s16, $0xb8;
	[tilespmem:$0x14D00] =	vst v63  }
0x8e: {  	_ =	swait.ge [sflag:s23], $0x4000  }
0x8f: {  	[sflag:s23] =	ssyncset.done $0x0  }
0x90: {  	s29 =	rddreg [dreg:$0x16];
	[sflag:s23] =	ssyncadd.s32 $0xFFFFC000  }
0x91: {  	[tilespmem:s14], [sflag:$0x4] =	stream.linear.gather [hbm4b:s29+s3], $0x4000, $0x38;
	[tilespmem:$0x14D00] =	vst v63  }
0x92: {  	_ =	swait.ge [sflag:s15], $0x4000  }
0x93: {  	[sflag:s15] =	ssyncset.done $0x0  }
0x94: {  	[sflag:s15] =	ssyncadd.s32 $0xFFFFC000  }
0x95: {  	[spmem:s2] =	stream.indirect.scatter.add.f32 [tilespmem:s3], [sflag:$0x5], $0x80, s31, s16, $0xb8;
	[tilespmem:$0x14D00] =	vst v63  }
0x96: {  	_ =	swait.ge [sflag:s18], $0x4000  }
0x97: {  	[sflag:s18] =	ssyncset.done $0x0  }
0x98: {  	[sflag:s18] =	ssyncadd.s32 $0xFFFFC000  }
0x99: {  	[spmem:s2] =	stream.indirect.scatter.add.f32 [tilespmem:s12], [sflag:$0x6], $0x80, s1, s16, $0xb8;
	[tilespmem:$0x14D00] =	vst v63  }
0x9a: {  	_ =	swait.ge [sflag:s20], $0x4000  }
0x9b: {  	[sflag:s20] =	ssyncset.done $0x0  }
0x9c: {  	[sflag:s20] =	ssyncadd.s32 $0xFFFFC000  }
0x9d: {  	[spmem:s2] =	stream.indirect.scatter.add.f32 [tilespmem:s13], [sflag:$0x7], $0x80, s0, s16, $0xb8;
	[tilespmem:$0x14D00] =	vst v63  }
0x9e: {  	_ =	swait.ge [sflag:s22], $0x4000  }
0x9f: {  	[sflag:s22] =	ssyncset.done $0x0  }
0xa0: {  	[sflag:s22] =	ssyncadd.s32 $0xFFFFC000  }
0xa1: {  	[spmem:s2] =	stream.indirect.scatter.add.f32 [tilespmem:s14], [sflag:$0x8], $0x80, s4, s16, $0xb8;
	[tilespmem:$0x14D00] =	vst v63  }
0xa2: {  	_ =	swait.ge [sflag:s17], $0x4000  }
0xa3: {  	[sflag:s17] =	ssyncset.done $0x0  }
0xa4: {  	[sflag:s17] =	ssyncadd.s32 $0xFFFFC000  }
0xa5: {  	_ =	swait.ge [sflag:s19], $0x4000  }
0xa6: {  	[sflag:s19] =	ssyncset.done $0x0  }
0xa7: {  	[sflag:s19] =	ssyncadd.s32 $0xFFFFC000  }
0xa8: {  	_ =	swait.ge [sflag:s21], $0x4000  }
0xa9: {  	[sflag:s21] =	ssyncset.done $0x0  }
0xaa: {  	[sflag:s21] =	ssyncadd.s32 $0xFFFFC000  }
0xab: {  	_ =	swait.ge [sflag:s23], $0x4000  }
0xac: {  	[sflag:s23] =	ssyncset.done $0x0  }
0xad: {  	[sflag:s23] =	ssyncadd.s32 $0xFFFFC000  }
0xae: {  	_ =	swait.ge [sflag:s24], $0x20  }
0xaf: {  	[sflag:s24] =	ssyncset.done $0x0  }
0xb0: {  	[sflag:s24] =	ssyncadd.s32 $0xFFFFFFE0  }
0xb1: {  	_ =	swait.ge [sflag:s24], $0x1000  }
0xb2: {  	[sflag:s24] =	ssyncset.done $0x0  }
0xb3: {  	s28 =	simm.s32 @!p0 $0xA;
	s30 =	simm.s32 $0x20;
	[sflag:s24] =	ssyncadd.s32 $0xFFFFF000  }
0xb4: {  	[spmem:s2] =	stream.indirect.scatter.add.f32 [tilespmem:s8], [sflag:$0xB], $0x80, s7, s30, $0xb8;
	[tilespmem:$0x14D00] =	vst v63  }
0xb5: {  	_ =	swait.ge @!p0 [sflag:s28], $0x20  }
0xb6: {  	[sflag:s28] =	ssyncset.done @!p0 $0x0  }
0xb7: {  	[sflag:s28] =	ssyncadd.s32 @!p0 $0xFFFFFFE0  }
0xb8: {  	_ =	swait.ge @!p0 [sflag:s28], $0x1000  }
0xb9: {  	s29 =	simm.s32 @!p0 $0x12C80;
	[sflag:s28] =	ssyncset.done @!p0 $0x0  }
0xba: {  	s30 =	simm.s32 @!p0 $0x11C00;
	[sflag:s28] =	ssyncadd.s32 @!p0 $0xFFFFF000;
	s28 =	simm.s32 @!p0 $0x20  }
0xbb: {  	[spmem:s2] =	stream.indirect.scatter.add.f32 @!p0 [tilespmem:s30], [sflag:$0xB], $0x80, s29, s28, $0xb8;
	[tilespmem:$0x14D00] =	vst v63  }
0xbc: {  	s28 =	simm.s32 @!p0 $0xB  }
0xbd: {  	_ =	swait.ge @!p0 [sflag:s28], $0x1000  }
0xbe: {  	[sflag:s28] =	ssyncset.done @!p0 $0x0  }
0xbf: {  	[sflag:s28] =	ssyncadd.s32 @!p0 $0xFFFFF000  }
0xc0: {  	s26 =	sadd.s32 $0x1, s26;
	_ =	swait.ge [sflag:s25], $0x1000  }
0xc1: {  	p1 =	sne.s32 s26, s6;
	s29 =	stileid.u32;
	[sflag:s25] =	ssyncset.done $0x0  }
0xc2: {  	s30 =	sshrl.u32 s9, $0x3;
	s28 =	sshll.u32 s29, $0x6;
	[sflag:s25] =	ssyncadd.s32 $0xFFFFF000  }
.Ltmp1:
0xc3: {  	s28 =	sor.u32 $0x1C0C, s28;
	[bflag:$0x0] =	sbarrier.arrive $0xFFFF;
	(pc) =	sbr.rel @p1 .LBB2_1-.Ltmp1, $4  }
0xc4: {  	[hbm:s5], [sflag:s28] =	dma.local [spmem:s30], $0x200  }
0xc5: {  	_ =	swait.ge [sflag:s10], $0x200  }
0xc6: {  	[sflag:s10] =	ssyncset.done $0x0  }
0xc7: {  	[sflag:s10] =	ssyncadd.s32 $0xFFFFFE00  }
0xc8: {  	_ =	sfence.sel $0x180000  }
0xc9: {  	[bflag:$0x0] =	sbarrier.arrive $0xFFFF  }
0xca: {  	_ =	strace $0x90000047  }
0xcb: {  	s0 =	stileid.u32;
	[bflag:$0x2] =	sbarrier.arrive $0xFFFF  }
0xcc: {  	p0 =	sne.s32 s0, $0x0;
	s0 =	rddreg [dreg:$0x4]  }
0xcd: {  	s0 =	sadd.s32 @!p0 $0x100000, s0  }
0xce: {  	[sflag:s0] =	ssyncadd.tile.s32 @!p0 $0x1;
	_ =	shalt  }
.Lfunc_end2:
_tile_overlayer_lowered:
.L_overlay_start_2:
0xcf: {  	(tag) =	ssettag $0x2  }
0xd0: {  	s0 =	rddreg [dreg:$0x0];
	s2 =	stileid.u32  }
0xd1: {  	s1 =	rddreg [dreg:$0x1];
	p0 =	sne.s32 s2, $0x0  }
0xd2: {  	s3 =	rddreg [dreg:$0x2];
	[bflag:$0x3] =	sbarrier.arrive $0xFFFF;
	s2 =	simm.s32 @!p0 $0x1C0C  }
0xd3: {  	[timem:s3], [sflag:s2] =	dma.local @!p0 [hbm:s0], s1  }
0xd4: {  	s0 =	simm.s32 @!p0 $0xC  }
0xd5: {  	_ =	swait.ge @!p0 [sflag:s0], s1  }
0xd6: {  	s1 =	ssub.s32 @!p0 $0x0, s1;
	[sflag:s0] =	ssyncset.done @!p0 $0x0  }
0xd7: {  	[sflag:s0] =	ssyncadd.s32 @!p0 s1  }
0xd8: {  	[bflag:$0x3] =	sbarrier.arrive $0xFFFF  }
0xd9: {  	_ =	shalt  }

</sc_bundles>
